<compile_context>
chip_gen: v7x
topology: tpu7x:2x2x1
jax: 0.10.2.dev20260603
libtpu: 0.0.44.dev20260713+nightly
codegen_flags: <defaults>
</compile_context>

<pallas_src>
import jax
import jax.numpy as jnp
from jax import lax
from jax.experimental import pallas as pl
from jax.experimental.pallas import tpu as pltpu
from jax.experimental.pallas import tpu_sc as plsc

_N = 10000
_T = 128
_DELAY = 100
_NC, _NS = 2, 16
_NW = _NC * _NS
_BLK = 64
_GRP = _BLK // 16
_NBLK = 84
_RING = 4
_EPS = _NBLK * _BLK
_E_PAD = _NW * _EPS
_N_PAD = 10112
_K_PAD = 10016
_RPS = _N_PAD // _NS


def _k_body(p_ref, k_ref):
    k_ref[...] = jax.nn.softplus(p_ref[...]) * 10.0 + 0.5


def _sc_body(xT_hbm, k_hbm, src_hbm, dst_hbm, zeros_hbm, out_hbm,
             acc_sh, k_v, srcv, didx0, didx1, didx2, didx3,
             xg0, xg1, xg2, xg3,
             gsem0, gsem1, gsem2, gsem3, ssem0, ssem1, ssem2, ssem3,
             isem0, isem1, isem2, isem3):
    cid = lax.axis_index("c")
    sid = lax.axis_index("s")
    wid = cid * _NS + sid

    xgs = (xg0, xg1, xg2, xg3)
    didxs = (didx0, didx1, didx2, didx3)
    gsems = (gsem0, gsem1, gsem2, gsem3)
    ssems = (ssem0, ssem1, ssem2, ssem3)
    isems = (isem0, isem1, isem2, isem3)

    lane = lax.iota(jnp.int32, 16)
    erows = [g * 16 + lane for g in range(_GRP)]

    nfull = _RPS // _BLK
    rem = _RPS % _BLK
    pltpu.async_copy(k_hbm, k_v, ssem0)
    pltpu.async_copy(src_hbm.at[wid], srcv, ssem1)
    for p in range(_RING):
        pltpu.async_copy(dst_hbm.at[wid, p], didxs[p], isems[p])
    zstage = xgs[_RING - 1]
    pltpu.sync_copy(zeros_hbm, zstage)
    for j in range(nfull):
        pltpu.async_copy(zstage,
                         acc_sh.at[pl.ds(sid * _RPS + j * _BLK, _BLK)],
                         gsems[_RING - 1])
    if rem:
        pltpu.async_copy(
            zstage.at[pl.ds(0, rem)],
            acc_sh.at[pl.ds(sid * _RPS + nfull * _BLK, rem)],
            gsems[_RING - 1])

    def src_idx(b):
        return srcv.at[lax.shift_right_logical(b, 1),
                       pl.ds((b & 1) * _BLK, _BLK)]

    pltpu.make_async_copy(src_hbm.at[wid], srcv, ssem1).wait()
    for p in range(_RING - 1):
        pltpu.async_copy(xT_hbm.at[src_idx(p)], xgs[p], gsems[p])
    pltpu.make_async_copy(k_hbm, k_v, ssem0).wait()
    for p in range(_RING):
        pltpu.make_async_copy(dst_hbm.at[wid, p], didxs[p], isems[p]).wait()
    for j in range(nfull):
        pltpu.make_async_copy(zstage, acc_sh.at[pl.ds(0, _BLK)],
                              gsems[_RING - 1]).wait()
    if rem:
        pltpu.make_async_copy(zstage.at[pl.ds(0, rem)],
                              acc_sh.at[pl.ds(0, rem)],
                              gsems[_RING - 1]).wait()
    plsc.subcore_barrier()

    def dummy_wait(sem, dst):
        pltpu.make_async_copy(zeros_hbm, dst, sem).wait()

    def step(b, p):
        xg_v = xgs[p]
        pn = (p + _RING - 1) % _RING
        dummy_wait(gsems[p], xg_v)

        @pl.when(b + (_RING - 1) < _NBLK)
        def _():
            @pl.when(b >= 1)
            def _():
                dummy_wait(ssems[pn], xgs[pn])
                pltpu.async_copy(dst_hbm.at[wid, b + (_RING - 1)],
                                 didxs[pn], isems[pn])
            pltpu.async_copy(xT_hbm.at[src_idx(b + (_RING - 1))],
                             xgs[pn], gsems[pn])

        @pl.when(b >= _RING)
        def _():
            pltpu.make_async_copy(dst_hbm.at[wid, b], didxs[p],
                                  isems[p]).wait()

        jrow = lax.shift_right_logical(b, 1)
        col0 = (b & 1) * _BLK
        rs, cs, r100s = [], [], []
        for g in range(_GRP):
            sg = srcv[jrow, pl.ds(col0 + g * 16, 16)]
            dg = didxs[p][pl.ds(g * 16, 16)]
            ks = plsc.load_gather(k_v, [sg])
            kd = plsc.load_gather(k_v, [dg])
            inv = 2.0 / (ks + kd)
            r = jnp.exp(-inv)
            r100 = jnp.exp(-100.0 * inv)
            s = inv * (1.0 - r100) / (1.0 - r)
            c = inv / (s + 1e-8)
            rs.append(r)
            cs.append(c)
            r100s.append(r100)

        zero16 = jnp.zeros((16,), jnp.float32)

        @plsc.parallel_loop(0, _T + 16, 1, unroll=2, carry=(zero16,) * _GRP)
        def _main(i, us):
            tv = jnp.full((16,), i, jnp.int32) - lane
            mask = (tv >= 0) & (tv < _T)
            tcl = jnp.minimum(jnp.maximum(tv, 0), _T - 1)
            xvs = [plsc.load_gather(xg_v, [erows[g], tcl])
                   for g in range(_GRP)]
            new_us = tuple(
                jnp.where(mask, xvs[g], 0.0) + rs[g] * us[g]
                for g in range(_GRP))
            for g in range(_GRP):
                plsc.store_scatter(xg_v, [erows[g], tcl],
                                   cs[g] * new_us[g], mask=mask)
            return new_us

        @plsc.parallel_loop(_DELAY, _T + 16, 1, unroll=2)
        def _tail(i):
            tv = jnp.full((16,), i, jnp.int32) - lane
            mask = (tv >= _DELAY) & (tv < _T)
            tcl = jnp.minimum(jnp.maximum(tv, _DELAY), _T - 1)
            told = tcl - _DELAY
            volds = [plsc.load_gather(xg_v, [erows[g], told])
                     for g in range(_GRP)]
            vcurs = [plsc.load_gather(xg_v, [erows[g], tcl])
                     for g in range(_GRP)]
            for g in range(_GRP):
                plsc.store_scatter(xg_v, [erows[g], tcl],
                                   vcurs[g] - r100s[g] * volds[g],
                                   mask=mask)

        pltpu.async_copy(xg_v, acc_sh.at[didxs[p]], ssems[p], add=True)

    def block_quad(j, carry):
        for s in range(_RING):
            step(_RING * j + s, s)
        return carry

    lax.fori_loop(0, _NBLK // _RING, block_quad, jnp.int32(0))
    for p in range(_RING):
        dummy_wait(ssems[p], xgs[p])
    plsc.subcore_barrier()

    for j in range(nfull):
        buf, sem = (xg0, gsem0) if j % 2 == 0 else (xg1, gsem1)
        row0 = sid * _RPS + j * _BLK
        if j >= 2:
            pltpu.make_async_copy(buf, out_hbm.at[cid, pl.ds(0, _BLK)],
                                  sem).wait()
        pltpu.sync_copy(acc_sh.at[pl.ds(row0, _BLK)], buf)
        pltpu.async_copy(buf, out_hbm.at[cid, pl.ds(row0, _BLK)], sem)
    if rem:
        buf, sem = (xg0, gsem0) if nfull % 2 == 0 else (xg1, gsem1)
        row0 = sid * _RPS + nfull * _BLK
        if nfull >= 2:
            pltpu.make_async_copy(buf, out_hbm.at[cid, pl.ds(0, _BLK)],
                                  sem).wait()
        pltpu.sync_copy(acc_sh.at[pl.ds(row0, rem)], buf.at[pl.ds(0, rem)])
        pltpu.async_copy(buf.at[pl.ds(0, rem)],
                         out_hbm.at[cid, pl.ds(row0, rem)], sem)
    if rem:
        other, osem = (xg1, gsem1) if nfull % 2 == 0 else (xg0, gsem0)
        pltpu.make_async_copy(other, out_hbm.at[cid, pl.ds(0, _BLK)],
                              osem).wait()
        buf, sem = (xg0, gsem0) if nfull % 2 == 0 else (xg1, gsem1)
        pltpu.make_async_copy(buf.at[pl.ds(0, rem)],
                              out_hbm.at[cid, pl.ds(0, rem)], sem).wait()
    else:
        for j in (nfull - 2, nfull - 1):
            buf, sem = (xg0, gsem0) if j % 2 == 0 else (xg1, gsem1)
            pltpu.make_async_copy(buf, out_hbm.at[cid, pl.ds(0, _BLK)],
                                  sem).wait()


@jax.jit
def kernel(x, params, edge_index):
    xT = x.T
    p_pad = jnp.zeros((10240,), jnp.float32).at[:_N].set(params)
    k_pad = pl.pallas_call(
        _k_body,
        out_shape=jax.ShapeDtypeStruct((80, 128), jnp.float32),
    )(p_pad.reshape(80, 128)).reshape(-1)[:_K_PAD]

    e = edge_index.shape[1]
    diag = jnp.arange(_N, dtype=jnp.int32)
    npad = _E_PAD - _N - e
    src = jnp.concatenate(
        [edge_index[0], diag, jnp.zeros((npad,), jnp.int32)])
    dst = jnp.concatenate(
        [edge_index[1], diag, jnp.full((npad,), _N, jnp.int32)])
    zeros = jnp.zeros((_BLK, _T), jnp.float32)

    sc = pl.kernel(
        _sc_body,
        out_type=jax.ShapeDtypeStruct((_NC, _N_PAD, _T), jnp.float32),
        mesh=plsc.VectorSubcoreMesh(core_axis_name="c", subcore_axis_name="s"),
        compiler_params=pltpu.CompilerParams(needs_layout_passes=False),
        scratch_types=(
            [
                pltpu.VMEM_SHARED((_N_PAD, _T), jnp.float32),
                pltpu.VMEM((_K_PAD,), jnp.float32),
                pltpu.VMEM((_NBLK // 2, 2 * _BLK), jnp.int32),
            ]
            + [pltpu.VMEM((_BLK,), jnp.int32) for _ in range(_RING)]
            + [pltpu.VMEM((_BLK, _T), jnp.float32) for _ in range(_RING)]
            + [pltpu.SemaphoreType.DMA for _ in range(3 * _RING)]
        ),
    )
    part = sc(xT, k_pad,
              src.reshape(_NW, _NBLK // 2, 2 * _BLK),
              dst.reshape(_NW, _NBLK, _BLK),
              zeros)
    routed = (part[0] + part[1])[:_N]
    return routed.T

# --- scband reference (transcript-rebuilt; emitter-appended) ---
"""Pipeline reference for scband-ltirouter-17497696763961 (READ-ONLY COPY).

The authoritative reference and input builder live on the scoring server;
editing this copy changes nothing except your own understanding.
"""

import jax, jax.numpy as jnp
import numpy as np

N_NODES = 10000
N_EDGES = 160000
T = 128
MAX_DELAY = 100
DT = 1.0


def setup_inputs(seed: int = 0) -> dict:
    key = jax.random.key(seed)
    k1, k2, k3 = jax.random.split(key, 3)
    x = jax.random.uniform(k1, (T, N_NODES), dtype=jnp.float32)
    params = jax.random.normal(k2, (N_NODES,), dtype=jnp.float32)
    edge_index = jax.random.randint(k3, (2, N_EDGES), 0, N_NODES, dtype=jnp.int32)
    return {"x": x, "params": params, "edge_index": edge_index}


def _lti_route(x, params, edge_index):
    # RoutingIRFAggregator + BlockSparseCausalConv (runoff_to_output=False -> diag included, no residual)
    N = x.shape[1]
    diag = jnp.arange(N, dtype=edge_index.dtype)
    src = jnp.concatenate([edge_index[0], diag])  # include_index_diag=True
    dst = jnp.concatenate([edge_index[1], diag])
    E = src.shape[0]
    # linear-storage IRF per (dst, src) routing pair; path storage aggregated from endpoints (cascade=1)
    k = jax.nn.softplus(params) * 10.0 + 0.5      # positive storage constants [N]
    k_e = 0.5 * (k[src] + k[dst])                 # gather + path aggregation [E]
    tau = jnp.arange(MAX_DELAY, dtype=jnp.float32) * DT
    kern = (DT / k_e)[:, None] * jnp.exp(-tau[None, :] / k_e[:, None])  # [E, L]
    kern = kern / (jnp.sum(kern, axis=1, keepdims=True) + 1e-8)         # sampling_mode='avg' mass normalization
    # block-sparse causal temporal convolution: gather src series, conv with per-edge IRF, scatter-add to dst
    x_src = x[:, src]                              # [T, E] gather
    Tn = x.shape[0]
    contrib = x_src * kern[:, 0][None, :]
    for d in range(1, MAX_DELAY):
        xs = jnp.concatenate([jnp.zeros((d, E), dtype=jnp.float32), x_src[: Tn - d]], axis=0)
        contrib = contrib + xs * kern[:, d][None, :]
    routed = jax.ops.segment_sum(contrib.T, dst, num_segments=N)  # [N, T] scatter-add over edges
    return routed.T                                # [T, N]


def reference(x, params, edge_index):
    return _lti_route(x, params, edge_index)

if __name__ == "__main__":
    import jax
    _d = setup_inputs()
    print(jax.jit(kernel)(*tuple(_d.values())))

</pallas_src>

<mosaic_0001>
#map = affine_map<(d0, d1) -> (0, 0)>
#map1 = affine_map<(d0, d1) -> (0)>
#map2 = affine_map<(d0, d1) -> (0, 0, 0)>
module attributes {stable_mosaic.version = 14 : i64} {
  func.func @_sc_body(%arg0: i32, %arg1: i32, %arg2: memref<10000x128xf32, #tpu.memory_space<hbm>>, %arg3: memref<10016xf32, #tpu.memory_space<hbm>>, %arg4: memref<32x42x128xi32, #tpu.memory_space<hbm>>, %arg5: memref<32x84x64xi32, #tpu.memory_space<hbm>>, %arg6: memref<64x128xf32, #tpu.memory_space<hbm>>, %arg7: memref<2x10112x128xf32, #tpu.memory_space<hbm>>, %arg8: memref<10112x128xf32, #tpu.memory_space<vmem_shared>>, %arg9: memref<10016xf32, #tpu.memory_space<vmem>>, %arg10: memref<42x128xi32, #tpu.memory_space<vmem>>, %arg11: memref<64xi32, #tpu.memory_space<vmem>>, %arg12: memref<64xi32, #tpu.memory_space<vmem>>, %arg13: memref<64xi32, #tpu.memory_space<vmem>>, %arg14: memref<64xi32, #tpu.memory_space<vmem>>, %arg15: memref<64x128xf32, #tpu.memory_space<vmem>>, %arg16: memref<64x128xf32, #tpu.memory_space<vmem>>, %arg17: memref<64x128xf32, #tpu.memory_space<vmem>>, %arg18: memref<64x128xf32, #tpu.memory_space<vmem>>, %arg19: memref<!tpu.dma_semaphore, #tpu.memory_space<semaphore_mem>>, %arg20: memref<!tpu.dma_semaphore, #tpu.memory_space<semaphore_mem>>, %arg21: memref<!tpu.dma_semaphore, #tpu.memory_space<semaphore_mem>>, %arg22: memref<!tpu.dma_semaphore, #tpu.memory_space<semaphore_mem>>, %arg23: memref<!tpu.dma_semaphore, #tpu.memory_space<semaphore_mem>>, %arg24: memref<!tpu.dma_semaphore, #tpu.memory_space<semaphore_mem>>, %arg25: memref<!tpu.dma_semaphore, #tpu.memory_space<semaphore_mem>>, %arg26: memref<!tpu.dma_semaphore, #tpu.memory_space<semaphore_mem>>, %arg27: memref<!tpu.dma_semaphore, #tpu.memory_space<semaphore_mem>>, %arg28: memref<!tpu.dma_semaphore, #tpu.memory_space<semaphore_mem>>, %arg29: memref<!tpu.dma_semaphore, #tpu.memory_space<semaphore_mem>>, %arg30: memref<!tpu.dma_semaphore, #tpu.memory_space<semaphore_mem>>) attributes {dimension_semantics = [#tpu.dimension_semantics<core_parallel>, #tpu.dimension_semantics<subcore_parallel>], iteration_bounds = array<i64: 2, 16>, scalar_prefetch = 0 : i64, scratch_operands = 23 : i64, tpu.core_type = #tpu.core_type<sc_vector_subcore>, window_params = [{transform_indices = #map}, {transform_indices = #map1}, {transform_indices = #map2}, {transform_indices = #map2}, {transform_indices = #map}, {transform_indices = #map2}]} {
    %mul3A = arith.constant 16 : i32
    %mul3A_0 = arith.muli %arg0, %mul3A : i32
    %add3A = arith.addi %mul3A_0, %arg1 : i32
    %iota3A = tpu.iota {dimensions = array<i32: 0>} : vector<16xi32>
    %add3A_1 = arith.constant 0 : i32
    %add3A_2 = vector.broadcast %add3A_1 : i32 to vector<16xi32>
    %add3A_3 = arith.addi %add3A_2, %iota3A : vector<16xi32>
    %add3A_4 = arith.constant 16 : i32
    %add3A_5 = vector.broadcast %add3A_4 : i32 to vector<16xi32>
    %add3A_6 = arith.addi %add3A_5, %iota3A : vector<16xi32>
    %add3A_7 = arith.constant 32 : i32
    %add3A_8 = vector.broadcast %add3A_7 : i32 to vector<16xi32>
    %add3A_9 = arith.addi %add3A_8, %iota3A : vector<16xi32>
    %add3A_10 = arith.constant 48 : i32
    %add3A_11 = vector.broadcast %add3A_10 : i32 to vector<16xi32>
    %add3A_12 = arith.addi %add3A_11, %iota3A : vector<16xi32>
    tpu.enqueue_dma source(%arg3 : memref<10016xf32, #tpu.memory_space<hbm>>) target(%arg9 : memref<10016xf32, #tpu.memory_space<vmem>>) target_semaphore(%arg23 : memref<!tpu.dma_semaphore, #tpu.memory_space<semaphore_mem>>)
    %dma_start3A = arith.constant 0 : i32
    %dma_start3A_13 = arith.constant 0 : i32
    %dma_start3A_14 = tpu.memref_slice %arg4[%add3A, %dma_start3A, %dma_start3A_13] : memref<32x42x128xi32, #tpu.memory_space<hbm>> -> memref<1x42x128xi32, #tpu.memory_space<hbm>>
    %dma_start3A_15 = tpu.memref_squeeze %dma_start3A_14 : memref<1x42x128xi32, #tpu.memory_space<hbm>> -> memref<42x128xi32, #tpu.memory_space<hbm>>
    %dma_start3A_16 = arith.constant 0 : i32
    %dma_start3A_17 = arith.constant 0 : i32
    %dma_start3A_18 = tpu.memref_slice %arg4[%add3A, %dma_start3A_16, %dma_start3A_17] : memref<32x42x128xi32, #tpu.memory_space<hbm>> -> memref<1x42x128xi32, #tpu.memory_space<hbm>>
    %dma_start3A_19 = tpu.memref_squeeze %dma_start3A_18 : memref<1x42x128xi32, #tpu.memory_space<hbm>> -> memref<42x128xi32, #tpu.memory_space<hbm>>
    tpu.enqueue_dma source(%dma_start3A_19 : memref<42x128xi32, #tpu.memory_space<hbm>>) target(%arg10 : memref<42x128xi32, #tpu.memory_space<vmem>>) target_semaphore(%arg24 : memref<!tpu.dma_semaphore, #tpu.memory_space<semaphore_mem>>)
    %dma_start3A_20 = arith.constant 0 : i32
    %dma_start3A_21 = arith.constant 0 : i32
    %dma_start3A_22 = tpu.memref_slice %arg5[%add3A, %dma_start3A_20, %dma_start3A_21] : memref<32x84x64xi32, #tpu.memory_space<hbm>> -> memref<1x1x64xi32, #tpu.memory_space<hbm>>
    %dma_start3A_23 = tpu.memref_squeeze %dma_start3A_22 : memref<1x1x64xi32, #tpu.memory_space<hbm>> -> memref<64xi32, #tpu.memory_space<hbm>>
    %dma_start3A_24 = arith.constant 0 : i32
    %dma_start3A_25 = tpu.memref_slice %arg5[%add3A, %dma_start3A_20, %dma_start3A_24] : memref<32x84x64xi32, #tpu.memory_space<hbm>> -> memref<1x1x64xi32, #tpu.memory_space<hbm>>
    %dma_start3A_26 = tpu.memref_squeeze %dma_start3A_25 : memref<1x1x64xi32, #tpu.memory_space<hbm>> -> memref<64xi32, #tpu.memory_space<hbm>>
    tpu.enqueue_dma source(%dma_start3A_26 : memref<64xi32, #tpu.memory_space<hbm>>) target(%arg11 : memref<64xi32, #tpu.memory_space<vmem>>) target_semaphore(%arg27 : memref<!tpu.dma_semaphore, #tpu.memory_space<semaphore_mem>>)
    %dma_start3A_27 = arith.constant 1 : i32
    %dma_start3A_28 = arith.constant 0 : i32
    %dma_start3A_29 = tpu.memref_slice %arg5[%add3A, %dma_start3A_27, %dma_start3A_28] : memref<32x84x64xi32, #tpu.memory_space<hbm>> -> memref<1x1x64xi32, #tpu.memory_space<hbm>>
    %dma_start3A_30 = tpu.memref_squeeze %dma_start3A_29 : memref<1x1x64xi32, #tpu.memory_space<hbm>> -> memref<64xi32, #tpu.memory_space<hbm>>
    %dma_start3A_31 = arith.constant 0 : i32
    %dma_start3A_32 = tpu.memref_slice %arg5[%add3A, %dma_start3A_27, %dma_start3A_31] : memref<32x84x64xi32, #tpu.memory_space<hbm>> -> memref<1x1x64xi32, #tpu.memory_space<hbm>>
    %dma_start3A_33 = tpu.memref_squeeze %dma_start3A_32 : memref<1x1x64xi32, #tpu.memory_space<hbm>> -> memref<64xi32, #tpu.memory_space<hbm>>
    tpu.enqueue_dma source(%dma_start3A_33 : memref<64xi32, #tpu.memory_space<hbm>>) target(%arg12 : memref<64xi32, #tpu.memory_space<vmem>>) target_semaphore(%arg28 : memref<!tpu.dma_semaphore, #tpu.memory_space<semaphore_mem>>)
    %dma_start3A_34 = arith.constant 2 : i32
    %dma_start3A_35 = arith.constant 0 : i32
    %dma_start3A_36 = tpu.memref_slice %arg5[%add3A, %dma_start3A_34, %dma_start3A_35] : memref<32x84x64xi32, #tpu.memory_space<hbm>> -> memref<1x1x64xi32, #tpu.memory_space<hbm>>
    %dma_start3A_37 = tpu.memref_squeeze %dma_start3A_36 : memref<1x1x64xi32, #tpu.memory_space<hbm>> -> memref<64xi32, #tpu.memory_space<hbm>>
    %dma_start3A_38 = arith.constant 0 : i32
    %dma_start3A_39 = tpu.memref_slice %arg5[%add3A, %dma_start3A_34, %dma_start3A_38] : memref<32x84x64xi32, #tpu.memory_space<hbm>> -> memref<1x1x64xi32, #tpu.memory_space<hbm>>
    %dma_start3A_40 = tpu.memref_squeeze %dma_start3A_39 : memref<1x1x64xi32, #tpu.memory_space<hbm>> -> memref<64xi32, #tpu.memory_space<hbm>>
    tpu.enqueue_dma source(%dma_start3A_40 : memref<64xi32, #tpu.memory_space<hbm>>) target(%arg13 : memref<64xi32, #tpu.memory_space<vmem>>) target_semaphore(%arg29 : memref<!tpu.dma_semaphore, #tpu.memory_space<semaphore_mem>>)
    %dma_start3A_41 = arith.constant 3 : i32
    %dma_start3A_42 = arith.constant 0 : i32
    %dma_start3A_43 = tpu.memref_slice %arg5[%add3A, %dma_start3A_41, %dma_start3A_42] : memref<32x84x64xi32, #tpu.memory_space<hbm>> -> memref<1x1x64xi32, #tpu.memory_space<hbm>>
    %dma_start3A_44 = tpu.memref_squeeze %dma_start3A_43 : memref<1x1x64xi32, #tpu.memory_space<hbm>> -> memref<64xi32, #tpu.memory_space<hbm>>
    %dma_start3A_45 = arith.constant 0 : i32
    %dma_start3A_46 = tpu.memref_slice %arg5[%add3A, %dma_start3A_41, %dma_start3A_45] : memref<32x84x64xi32, #tpu.memory_space<hbm>> -> memref<1x1x64xi32, #tpu.memory_space<hbm>>
    %dma_start3A_47 = tpu.memref_squeeze %dma_start3A_46 : memref<1x1x64xi32, #tpu.memory_space<hbm>> -> memref<64xi32, #tpu.memory_space<hbm>>
    tpu.enqueue_dma source(%dma_start3A_47 : memref<64xi32, #tpu.memory_space<hbm>>) target(%arg14 : memref<64xi32, #tpu.memory_space<vmem>>) target_semaphore(%arg30 : memref<!tpu.dma_semaphore, #tpu.memory_space<semaphore_mem>>)
    "tpu.region"() ({
      %run_scoped3A = tpu.sem_alloc : memref<!tpu.dma_semaphore, #tpu.memory_space<semaphore_mem>>
      tpu.enqueue_dma source(%arg6 : memref<64x128xf32, #tpu.memory_space<hbm>>) target(%arg18 : memref<64x128xf32, #tpu.memory_space<vmem>>) target_semaphore(%run_scoped3A : memref<!tpu.dma_semaphore, #tpu.memory_space<semaphore_mem>>)
      tpu.wait_dma2 semaphore(%run_scoped3A : memref<!tpu.dma_semaphore, #tpu.memory_space<semaphore_mem>>) src(%arg6 : memref<64x128xf32, #tpu.memory_space<hbm>>) dst(%arg18 : memref<64x128xf32, #tpu.memory_space<vmem>>)
      tpu.yield
    }) : () -> ()
    %mul3A_48 = arith.constant 632 : i32
    %mul3A_49 = arith.muli %arg1, %mul3A_48 : i32
    %add3A_50 = arith.constant 0 : i32
    %add3A_51 = arith.addi %mul3A_49, %add3A_50 : i32
    %dma_start3A_52 = arith.constant 0 : i32
    %dma_start3A_53 = tpu.memref_slice %arg8[%add3A_51, %dma_start3A_52] : memref<10112x128xf32, #tpu.memory_space<vmem_shared>> -> memref<64x128xf32, #tpu.memory_space<vmem_shared>>
    %dma_start3A_54 = arith.constant 0 : i32
    %dma_start3A_55 = tpu.memref_slice %arg8[%add3A_51, %dma_start3A_54] : memref<10112x128xf32, #tpu.memory_space<vmem_shared>> -> memref<64x128xf32, #tpu.memory_space<vmem_shared>>
    tpu.enqueue_dma source(%arg18 : memref<64x128xf32, #tpu.memory_space<vmem>>) target(%dma_start3A_55 : memref<64x128xf32, #tpu.memory_space<vmem_shared>>) target_semaphore(%arg22 : memref<!tpu.dma_semaphore, #tpu.memory_space<semaphore_mem>>)
    %mul3A_56 = arith.constant 632 : i32
    %mul3A_57 = arith.muli %arg1, %mul3A_56 : i32
    %add3A_58 = arith.constant 64 : i32
    %add3A_59 = arith.addi %mul3A_57, %add3A_58 : i32
    %dma_start3A_60 = arith.constant 0 : i32
    %dma_start3A_61 = tpu.memref_slice %arg8[%add3A_59, %dma_start3A_60] : memref<10112x128xf32, #tpu.memory_space<vmem_shared>> -> memref<64x128xf32, #tpu.memory_space<vmem_shared>>
    %dma_start3A_62 = arith.constant 0 : i32
    %dma_start3A_63 = tpu.memref_slice %arg8[%add3A_59, %dma_start3A_62] : memref<10112x128xf32, #tpu.memory_space<vmem_shared>> -> memref<64x128xf32, #tpu.memory_space<vmem_shared>>
    tpu.enqueue_dma source(%arg18 : memref<64x128xf32, #tpu.memory_space<vmem>>) target(%dma_start3A_63 : memref<64x128xf32, #tpu.memory_space<vmem_shared>>) target_semaphore(%arg22 : memref<!tpu.dma_semaphore, #tpu.memory_space<semaphore_mem>>)
    %mul3A_64 = arith.constant 632 : i32
    %mul3A_65 = arith.muli %arg1, %mul3A_64 : i32
    %add3A_66 = arith.constant 128 : i32
    %add3A_67 = arith.addi %mul3A_65, %add3A_66 : i32
    %dma_start3A_68 = arith.constant 0 : i32
    %dma_start3A_69 = tpu.memref_slice %arg8[%add3A_67, %dma_start3A_68] : memref<10112x128xf32, #tpu.memory_space<vmem_shared>> -> memref<64x128xf32, #tpu.memory_space<vmem_shared>>
    %dma_start3A_70 = arith.constant 0 : i32
    %dma_start3A_71 = tpu.memref_slice %arg8[%add3A_67, %dma_start3A_70] : memref<10112x128xf32, #tpu.memory_space<vmem_shared>> -> memref<64x128xf32, #tpu.memory_space<vmem_shared>>
    tpu.enqueue_dma source(%arg18 : memref<64x128xf32, #tpu.memory_space<vmem>>) target(%dma_start3A_71 : memref<64x128xf32, #tpu.memory_space<vmem_shared>>) target_semaphore(%arg22 : memref<!tpu.dma_semaphore, #tpu.memory_space<semaphore_mem>>)
    %mul3A_72 = arith.constant 632 : i32
    %mul3A_73 = arith.muli %arg1, %mul3A_72 : i32
    %add3A_74 = arith.constant 192 : i32
    %add3A_75 = arith.addi %mul3A_73, %add3A_74 : i32
    %dma_start3A_76 = arith.constant 0 : i32
    %dma_start3A_77 = tpu.memref_slice %arg8[%add3A_75, %dma_start3A_76] : memref<10112x128xf32, #tpu.memory_space<vmem_shared>> -> memref<64x128xf32, #tpu.memory_space<vmem_shared>>
    %dma_start3A_78 = arith.constant 0 : i32
    %dma_start3A_79 = tpu.memref_slice %arg8[%add3A_75, %dma_start3A_78] : memref<10112x128xf32, #tpu.memory_space<vmem_shared>> -> memref<64x128xf32, #tpu.memory_space<vmem_shared>>
    tpu.enqueue_dma source(%arg18 : memref<64x128xf32, #tpu.memory_space<vmem>>) target(%dma_start3A_79 : memref<64x128xf32, #tpu.memory_space<vmem_shared>>) target_semaphore(%arg22 : memref<!tpu.dma_semaphore, #tpu.memory_space<semaphore_mem>>)
    %mul3A_80 = arith.constant 632 : i32
    %mul3A_81 = arith.muli %arg1, %mul3A_80 : i32
    %add3A_82 = arith.constant 256 : i32
    %add3A_83 = arith.addi %mul3A_81, %add3A_82 : i32
    %dma_start3A_84 = arith.constant 0 : i32
    %dma_start3A_85 = tpu.memref_slice %arg8[%add3A_83, %dma_start3A_84] : memref<10112x128xf32, #tpu.memory_space<vmem_shared>> -> memref<64x128xf32, #tpu.memory_space<vmem_shared>>
    %dma_start3A_86 = arith.constant 0 : i32
    %dma_start3A_87 = tpu.memref_slice %arg8[%add3A_83, %dma_start3A_86] : memref<10112x128xf32, #tpu.memory_space<vmem_shared>> -> memref<64x128xf32, #tpu.memory_space<vmem_shared>>
    tpu.enqueue_dma source(%arg18 : memref<64x128xf32, #tpu.memory_space<vmem>>) target(%dma_start3A_87 : memref<64x128xf32, #tpu.memory_space<vmem_shared>>) target_semaphore(%arg22 : memref<!tpu.dma_semaphore, #tpu.memory_space<semaphore_mem>>)
    %mul3A_88 = arith.constant 632 : i32
    %mul3A_89 = arith.muli %arg1, %mul3A_88 : i32
    %add3A_90 = arith.constant 320 : i32
    %add3A_91 = arith.addi %mul3A_89, %add3A_90 : i32
    %dma_start3A_92 = arith.constant 0 : i32
    %dma_start3A_93 = tpu.memref_slice %arg8[%add3A_91, %dma_start3A_92] : memref<10112x128xf32, #tpu.memory_space<vmem_shared>> -> memref<64x128xf32, #tpu.memory_space<vmem_shared>>
    %dma_start3A_94 = arith.constant 0 : i32
    %dma_start3A_95 = tpu.memref_slice %arg8[%add3A_91, %dma_start3A_94] : memref<10112x128xf32, #tpu.memory_space<vmem_shared>> -> memref<64x128xf32, #tpu.memory_space<vmem_shared>>
    tpu.enqueue_dma source(%arg18 : memref<64x128xf32, #tpu.memory_space<vmem>>) target(%dma_start3A_95 : memref<64x128xf32, #tpu.memory_space<vmem_shared>>) target_semaphore(%arg22 : memref<!tpu.dma_semaphore, #tpu.memory_space<semaphore_mem>>)
    %mul3A_96 = arith.constant 632 : i32
    %mul3A_97 = arith.muli %arg1, %mul3A_96 : i32
    %add3A_98 = arith.constant 384 : i32
    %add3A_99 = arith.addi %mul3A_97, %add3A_98 : i32
    %dma_start3A_100 = arith.constant 0 : i32
    %dma_start3A_101 = tpu.memref_slice %arg8[%add3A_99, %dma_start3A_100] : memref<10112x128xf32, #tpu.memory_space<vmem_shared>> -> memref<64x128xf32, #tpu.memory_space<vmem_shared>>
    %dma_start3A_102 = arith.constant 0 : i32
    %dma_start3A_103 = tpu.memref_slice %arg8[%add3A_99, %dma_start3A_102] : memref<10112x128xf32, #tpu.memory_space<vmem_shared>> -> memref<64x128xf32, #tpu.memory_space<vmem_shared>>
    tpu.enqueue_dma source(%arg18 : memref<64x128xf32, #tpu.memory_space<vmem>>) target(%dma_start3A_103 : memref<64x128xf32, #tpu.memory_space<vmem_shared>>) target_semaphore(%arg22 : memref<!tpu.dma_semaphore, #tpu.memory_space<semaphore_mem>>)
    %mul3A_104 = arith.constant 632 : i32
    %mul3A_105 = arith.muli %arg1, %mul3A_104 : i32
    %add3A_106 = arith.constant 448 : i32
    %add3A_107 = arith.addi %mul3A_105, %add3A_106 : i32
    %dma_start3A_108 = arith.constant 0 : i32
    %dma_start3A_109 = tpu.memref_slice %arg8[%add3A_107, %dma_start3A_108] : memref<10112x128xf32, #tpu.memory_space<vmem_shared>> -> memref<64x128xf32, #tpu.memory_space<vmem_shared>>
    %dma_start3A_110 = arith.constant 0 : i32
    %dma_start3A_111 = tpu.memref_slice %arg8[%add3A_107, %dma_start3A_110] : memref<10112x128xf32, #tpu.memory_space<vmem_shared>> -> memref<64x128xf32, #tpu.memory_space<vmem_shared>>
    tpu.enqueue_dma source(%arg18 : memref<64x128xf32, #tpu.memory_space<vmem>>) target(%dma_start3A_111 : memref<64x128xf32, #tpu.memory_space<vmem_shared>>) target_semaphore(%arg22 : memref<!tpu.dma_semaphore, #tpu.memory_space<semaphore_mem>>)
    %mul3A_112 = arith.constant 632 : i32
    %mul3A_113 = arith.muli %arg1, %mul3A_112 : i32
    %add3A_114 = arith.constant 512 : i32
    %add3A_115 = arith.addi %mul3A_113, %add3A_114 : i32
    %dma_start3A_116 = arith.constant 0 : i32
    %dma_start3A_117 = tpu.memref_slice %arg8[%add3A_115, %dma_start3A_116] : memref<10112x128xf32, #tpu.memory_space<vmem_shared>> -> memref<64x128xf32, #tpu.memory_space<vmem_shared>>
    %dma_start3A_118 = arith.constant 0 : i32
    %dma_start3A_119 = tpu.memref_slice %arg8[%add3A_115, %dma_start3A_118] : memref<10112x128xf32, #tpu.memory_space<vmem_shared>> -> memref<64x128xf32, #tpu.memory_space<vmem_shared>>
    tpu.enqueue_dma source(%arg18 : memref<64x128xf32, #tpu.memory_space<vmem>>) target(%dma_start3A_119 : memref<64x128xf32, #tpu.memory_space<vmem_shared>>) target_semaphore(%arg22 : memref<!tpu.dma_semaphore, #tpu.memory_space<semaphore_mem>>)
    %mul3A_120 = arith.constant 632 : i32
    %mul3A_121 = arith.muli %arg1, %mul3A_120 : i32
    %add3A_122 = arith.constant 576 : i32
    %add3A_123 = arith.addi %mul3A_121, %add3A_122 : i32
    %dma_start3A_124 = arith.constant 0 : i32
    %dma_start3A_125 = arith.constant 0 : i32
    %dma_start3A_126 = tpu.memref_slice %arg18[%dma_start3A_124, %dma_start3A_125] : memref<64x128xf32, #tpu.memory_space<vmem>> -> memref<56x128xf32, #tpu.memory_space<vmem>>
    %dma_start3A_127 = arith.constant 0 : i32
    %dma_start3A_128 = tpu.memref_slice %arg8[%add3A_123, %dma_start3A_127] : memref<10112x128xf32, #tpu.memory_space<vmem_shared>> -> memref<56x128xf32, #tpu.memory_space<vmem_shared>>
    %dma_start3A_129 = arith.constant 0 : i32
    %dma_start3A_130 = tpu.memref_slice %arg8[%add3A_123, %dma_start3A_129] : memref<10112x128xf32, #tpu.memory_space<vmem_shared>> -> memref<56x128xf32, #tpu.memory_space<vmem_shared>>
    %dma_start3A_131 = arith.constant 0 : i32
    %dma_start3A_132 = arith.constant 0 : i32
    %dma_start3A_133 = tpu.memref_slice %arg18[%dma_start3A_131, %dma_start3A_132] : memref<64x128xf32, #tpu.memory_space<vmem>> -> memref<56x128xf32, #tpu.memory_space<vmem>>
    tpu.enqueue_dma source(%dma_start3A_133 : memref<56x128xf32, #tpu.memory_space<vmem>>) target(%dma_start3A_130 : memref<56x128xf32, #tpu.memory_space<vmem_shared>>) target_semaphore(%arg22 : memref<!tpu.dma_semaphore, #tpu.memory_space<semaphore_mem>>)
    %dma_wait3A = arith.constant 0 : i32
    %dma_wait3A_134 = arith.constant 0 : i32
    %dma_wait3A_135 = tpu.memref_slice %arg4[%add3A, %dma_wait3A, %dma_wait3A_134] : memref<32x42x128xi32, #tpu.memory_space<hbm>> -> memref<1x42x128xi32, #tpu.memory_space<hbm>>
    %dma_wait3A_136 = tpu.memref_squeeze %dma_wait3A_135 : memref<1x42x128xi32, #tpu.memory_space<hbm>> -> memref<42x128xi32, #tpu.memory_space<hbm>>
    %dma_wait3A_137 = arith.constant 0 : i32
    %dma_wait3A_138 = arith.constant 0 : i32
    %dma_wait3A_139 = tpu.memref_slice %arg4[%add3A, %dma_wait3A_137, %dma_wait3A_138] : memref<32x42x128xi32, #tpu.memory_space<hbm>> -> memref<1x42x128xi32, #tpu.memory_space<hbm>>
    %dma_wait3A_140 = tpu.memref_squeeze %dma_wait3A_139 : memref<1x42x128xi32, #tpu.memory_space<hbm>> -> memref<42x128xi32, #tpu.memory_space<hbm>>
    tpu.wait_dma2 semaphore(%arg24 : memref<!tpu.dma_semaphore, #tpu.memory_space<semaphore_mem>>) src(%dma_wait3A_140 : memref<42x128xi32, #tpu.memory_space<hbm>>) dst(%arg10 : memref<42x128xi32, #tpu.memory_space<vmem>>)
    %shift_right_logical3A = arith.constant 0 : i32
    %shift_right_logical3A_141 = arith.constant 1 : i32
    %shift_right_logical3A_142 = arith.shrui %shift_right_logical3A, %shift_right_logical3A_141 : i32
    %dma_start3A_143 = arith.constant 0 : i32
    %dma_start3A_144 = tpu.memref_slice %arg10[%shift_right_logical3A_142, %dma_start3A_143] : memref<42x128xi32, #tpu.memory_space<vmem>> -> memref<1x64xi32, #tpu.memory_space<vmem>>
    %dma_start3A_145 = tpu.memref_squeeze %dma_start3A_144 : memref<1x64xi32, #tpu.memory_space<vmem>> -> memref<64xi32, #tpu.memory_space<vmem>>
    %dma_start3A_146 = arith.constant 0 : i32
    %dma_start3A_147 = arith.constant 0 : i32
    %dma_start3A_148 = tpu.memref_slice %arg2[%dma_start3A_146, %dma_start3A_147] : memref<10000x128xf32, #tpu.memory_space<hbm>> -> memref<10000x128xf32, #tpu.memory_space<hbm>>
    tpu.enqueue_indirect_dma source(%dma_start3A_148 : memref<10000x128xf32, #tpu.memory_space<hbm>>) target(%arg15 : memref<64x128xf32, #tpu.memory_space<vmem>>) offsets(%dma_start3A_145 : memref<64xi32, #tpu.memory_space<vmem>>) semaphore(%arg19 : memref<!tpu.dma_semaphore, #tpu.memory_space<semaphore_mem>>)
    %shift_right_logical3A_149 = arith.constant 1 : i32
    %shift_right_logical3A_150 = arith.constant 1 : i32
    %shift_right_logical3A_151 = arith.shrui %shift_right_logical3A_149, %shift_right_logical3A_150 : i32
    %dma_start3A_152 = arith.constant 64 : i32
    %dma_start3A_153 = tpu.memref_slice %arg10[%shift_right_logical3A_151, %dma_start3A_152] : memref<42x128xi32, #tpu.memory_space<vmem>> -> memref<1x64xi32, #tpu.memory_space<vmem>>
    %dma_start3A_154 = tpu.memref_squeeze %dma_start3A_153 : memref<1x64xi32, #tpu.memory_space<vmem>> -> memref<64xi32, #tpu.memory_space<vmem>>
    %dma_start3A_155 = arith.constant 0 : i32
    %dma_start3A_156 = arith.constant 0 : i32
    %dma_start3A_157 = tpu.memref_slice %arg2[%dma_start3A_155, %dma_start3A_156] : memref<10000x128xf32, #tpu.memory_space<hbm>> -> memref<10000x128xf32, #tpu.memory_space<hbm>>
    tpu.enqueue_indirect_dma source(%dma_start3A_157 : memref<10000x128xf32, #tpu.memory_space<hbm>>) target(%arg16 : memref<64x128xf32, #tpu.memory_space<vmem>>) offsets(%dma_start3A_154 : memref<64xi32, #tpu.memory_space<vmem>>) semaphore(%arg20 : memref<!tpu.dma_semaphore, #tpu.memory_space<semaphore_mem>>)
    %shift_right_logical3A_158 = arith.constant 2 : i32
    %shift_right_logical3A_159 = arith.constant 1 : i32
    %shift_right_logical3A_160 = arith.shrui %shift_right_logical3A_158, %shift_right_logical3A_159 : i32
    %dma_start3A_161 = arith.constant 0 : i32
    %dma_start3A_162 = tpu.memref_slice %arg10[%shift_right_logical3A_160, %dma_start3A_161] : memref<42x128xi32, #tpu.memory_space<vmem>> -> memref<1x64xi32, #tpu.memory_space<vmem>>
    %dma_start3A_163 = tpu.memref_squeeze %dma_start3A_162 : memref<1x64xi32, #tpu.memory_space<vmem>> -> memref<64xi32, #tpu.memory_space<vmem>>
    %dma_start3A_164 = arith.constant 0 : i32
    %dma_start3A_165 = arith.constant 0 : i32
    %dma_start3A_166 = tpu.memref_slice %arg2[%dma_start3A_164, %dma_start3A_165] : memref<10000x128xf32, #tpu.memory_space<hbm>> -> memref<10000x128xf32, #tpu.memory_space<hbm>>
    tpu.enqueue_indirect_dma source(%dma_start3A_166 : memref<10000x128xf32, #tpu.memory_space<hbm>>) target(%arg17 : memref<64x128xf32, #tpu.memory_space<vmem>>) offsets(%dma_start3A_163 : memref<64xi32, #tpu.memory_space<vmem>>) semaphore(%arg21 : memref<!tpu.dma_semaphore, #tpu.memory_space<semaphore_mem>>)
    tpu.wait_dma2 semaphore(%arg23 : memref<!tpu.dma_semaphore, #tpu.memory_space<semaphore_mem>>) src(%arg3 : memref<10016xf32, #tpu.memory_space<hbm>>) dst(%arg9 : memref<10016xf32, #tpu.memory_space<vmem>>)
    %dma_wait3A_167 = arith.constant 0 : i32
    %dma_wait3A_168 = arith.constant 0 : i32
    %dma_wait3A_169 = tpu.memref_slice %arg5[%add3A, %dma_wait3A_167, %dma_wait3A_168] : memref<32x84x64xi32, #tpu.memory_space<hbm>> -> memref<1x1x64xi32, #tpu.memory_space<hbm>>
    %dma_wait3A_170 = tpu.memref_squeeze %dma_wait3A_169 : memref<1x1x64xi32, #tpu.memory_space<hbm>> -> memref<64xi32, #tpu.memory_space<hbm>>
    %dma_wait3A_171 = arith.constant 0 : i32
    %dma_wait3A_172 = tpu.memref_slice %arg5[%add3A, %dma_wait3A_167, %dma_wait3A_171] : memref<32x84x64xi32, #tpu.memory_space<hbm>> -> memref<1x1x64xi32, #tpu.memory_space<hbm>>
    %dma_wait3A_173 = tpu.memref_squeeze %dma_wait3A_172 : memref<1x1x64xi32, #tpu.memory_space<hbm>> -> memref<64xi32, #tpu.memory_space<hbm>>
    tpu.wait_dma2 semaphore(%arg27 : memref<!tpu.dma_semaphore, #tpu.memory_space<semaphore_mem>>) src(%dma_wait3A_173 : memref<64xi32, #tpu.memory_space<hbm>>) dst(%arg11 : memref<64xi32, #tpu.memory_space<vmem>>)
    %dma_wait3A_174 = arith.constant 1 : i32
    %dma_wait3A_175 = arith.constant 0 : i32
    %dma_wait3A_176 = tpu.memref_slice %arg5[%add3A, %dma_wait3A_174, %dma_wait3A_175] : memref<32x84x64xi32, #tpu.memory_space<hbm>> -> memref<1x1x64xi32, #tpu.memory_space<hbm>>
    %dma_wait3A_177 = tpu.memref_squeeze %dma_wait3A_176 : memref<1x1x64xi32, #tpu.memory_space<hbm>> -> memref<64xi32, #tpu.memory_space<hbm>>
    %dma_wait3A_178 = arith.constant 0 : i32
    %dma_wait3A_179 = tpu.memref_slice %arg5[%add3A, %dma_wait3A_174, %dma_wait3A_178] : memref<32x84x64xi32, #tpu.memory_space<hbm>> -> memref<1x1x64xi32, #tpu.memory_space<hbm>>
    %dma_wait3A_180 = tpu.memref_squeeze %dma_wait3A_179 : memref<1x1x64xi32, #tpu.memory_space<hbm>> -> memref<64xi32, #tpu.memory_space<hbm>>
    tpu.wait_dma2 semaphore(%arg28 : memref<!tpu.dma_semaphore, #tpu.memory_space<semaphore_mem>>) src(%dma_wait3A_180 : memref<64xi32, #tpu.memory_space<hbm>>) dst(%arg12 : memref<64xi32, #tpu.memory_space<vmem>>)
    %dma_wait3A_181 = arith.constant 2 : i32
    %dma_wait3A_182 = arith.constant 0 : i32
    %dma_wait3A_183 = tpu.memref_slice %arg5[%add3A, %dma_wait3A_181, %dma_wait3A_182] : memref<32x84x64xi32, #tpu.memory_space<hbm>> -> memref<1x1x64xi32, #tpu.memory_space<hbm>>
    %dma_wait3A_184 = tpu.memref_squeeze %dma_wait3A_183 : memref<1x1x64xi32, #tpu.memory_space<hbm>> -> memref<64xi32, #tpu.memory_space<hbm>>
    %dma_wait3A_185 = arith.constant 0 : i32
    %dma_wait3A_186 = tpu.memref_slice %arg5[%add3A, %dma_wait3A_181, %dma_wait3A_185] : memref<32x84x64xi32, #tpu.memory_space<hbm>> -> memref<1x1x64xi32, #tpu.memory_space<hbm>>
    %dma_wait3A_187 = tpu.memref_squeeze %dma_wait3A_186 : memref<1x1x64xi32, #tpu.memory_space<hbm>> -> memref<64xi32, #tpu.memory_space<hbm>>
    tpu.wait_dma2 semaphore(%arg29 : memref<!tpu.dma_semaphore, #tpu.memory_space<semaphore_mem>>) src(%dma_wait3A_187 : memref<64xi32, #tpu.memory_space<hbm>>) dst(%arg13 : memref<64xi32, #tpu.memory_space<vmem>>)
    %dma_wait3A_188 = arith.constant 3 : i32
    %dma_wait3A_189 = arith.constant 0 : i32
    %dma_wait3A_190 = tpu.memref_slice %arg5[%add3A, %dma_wait3A_188, %dma_wait3A_189] : memref<32x84x64xi32, #tpu.memory_space<hbm>> -> memref<1x1x64xi32, #tpu.memory_space<hbm>>
    %dma_wait3A_191 = tpu.memref_squeeze %dma_wait3A_190 : memref<1x1x64xi32, #tpu.memory_space<hbm>> -> memref<64xi32, #tpu.memory_space<hbm>>
    %dma_wait3A_192 = arith.constant 0 : i32
    %dma_wait3A_193 = tpu.memref_slice %arg5[%add3A, %dma_wait3A_188, %dma_wait3A_192] : memref<32x84x64xi32, #tpu.memory_space<hbm>> -> memref<1x1x64xi32, #tpu.memory_space<hbm>>
    %dma_wait3A_194 = tpu.memref_squeeze %dma_wait3A_193 : memref<1x1x64xi32, #tpu.memory_space<hbm>> -> memref<64xi32, #tpu.memory_space<hbm>>
    tpu.wait_dma2 semaphore(%arg30 : memref<!tpu.dma_semaphore, #tpu.memory_space<semaphore_mem>>) src(%dma_wait3A_194 : memref<64xi32, #tpu.memory_space<hbm>>) dst(%arg14 : memref<64xi32, #tpu.memory_space<vmem>>)
    %dma_wait3A_195 = arith.constant 0 : i32
    %dma_wait3A_196 = arith.constant 0 : i32
    %dma_wait3A_197 = tpu.memref_slice %arg8[%dma_wait3A_195, %dma_wait3A_196] : memref<10112x128xf32, #tpu.memory_space<vmem_shared>> -> memref<64x128xf32, #tpu.memory_space<vmem_shared>>
    %dma_wait3A_198 = arith.constant 0 : i32
    %dma_wait3A_199 = arith.constant 0 : i32
    %dma_wait3A_200 = tpu.memref_slice %arg8[%dma_wait3A_198, %dma_wait3A_199] : memref<10112x128xf32, #tpu.memory_space<vmem_shared>> -> memref<64x128xf32, #tpu.memory_space<vmem_shared>>
    tpu.wait_dma2 semaphore(%arg22 : memref<!tpu.dma_semaphore, #tpu.memory_space<semaphore_mem>>) src(%arg18 : memref<64x128xf32, #tpu.memory_space<vmem>>) dst(%dma_wait3A_200 : memref<64x128xf32, #tpu.memory_space<vmem_shared>>)
    %dma_wait3A_201 = arith.constant 0 : i32
    %dma_wait3A_202 = arith.constant 0 : i32
    %dma_wait3A_203 = tpu.memref_slice %arg8[%dma_wait3A_201, %dma_wait3A_202] : memref<10112x128xf32, #tpu.memory_space<vmem_shared>> -> memref<64x128xf32, #tpu.memory_space<vmem_shared>>
    %dma_wait3A_204 = arith.constant 0 : i32
    %dma_wait3A_205 = arith.constant 0 : i32
    %dma_wait3A_206 = tpu.memref_slice %arg8[%dma_wait3A_204, %dma_wait3A_205] : memref<10112x128xf32, #tpu.memory_space<vmem_shared>> -> memref<64x128xf32, #tpu.memory_space<vmem_shared>>
    tpu.wait_dma2 semaphore(%arg22 : memref<!tpu.dma_semaphore, #tpu.memory_space<semaphore_mem>>) src(%arg18 : memref<64x128xf32, #tpu.memory_space<vmem>>) dst(%dma_wait3A_206 : memref<64x128xf32, #tpu.memory_space<vmem_shared>>)
    %dma_wait3A_207 = arith.constant 0 : i32
    %dma_wait3A_208 = arith.constant 0 : i32
    %dma_wait3A_209 = tpu.memref_slice %arg8[%dma_wait3A_207, %dma_wait3A_208] : memref<10112x128xf32, #tpu.memory_space<vmem_shared>> -> memref<64x128xf32, #tpu.memory_space<vmem_shared>>
    %dma_wait3A_210 = arith.constant 0 : i32
    %dma_wait3A_211 = arith.constant 0 : i32
    %dma_wait3A_212 = tpu.memref_slice %arg8[%dma_wait3A_210, %dma_wait3A_211] : memref<10112x128xf32, #tpu.memory_space<vmem_shared>> -> memref<64x128xf32, #tpu.memory_space<vmem_shared>>
    tpu.wait_dma2 semaphore(%arg22 : memref<!tpu.dma_semaphore, #tpu.memory_space<semaphore_mem>>) src(%arg18 : memref<64x128xf32, #tpu.memory_space<vmem>>) dst(%dma_wait3A_212 : memref<64x128xf32, #tpu.memory_space<vmem_shared>>)
    %dma_wait3A_213 = arith.constant 0 : i32
    %dma_wait3A_214 = arith.constant 0 : i32
    %dma_wait3A_215 = tpu.memref_slice %arg8[%dma_wait3A_213, %dma_wait3A_214] : memref<10112x128xf32, #tpu.memory_space<vmem_shared>> -> memref<64x128xf32, #tpu.memory_space<vmem_shared>>
    %dma_wait3A_216 = arith.constant 0 : i32
    %dma_wait3A_217 = arith.constant 0 : i32
    %dma_wait3A_218 = tpu.memref_slice %arg8[%dma_wait3A_216, %dma_wait3A_217] : memref<10112x128xf32, #tpu.memory_space<vmem_shared>> -> memref<64x128xf32, #tpu.memory_space<vmem_shared>>
    tpu.wait_dma2 semaphore(%arg22 : memref<!tpu.dma_semaphore, #tpu.memory_space<semaphore_mem>>) src(%arg18 : memref<64x128xf32, #tpu.memory_space<vmem>>) dst(%dma_wait3A_218 : memref<64x128xf32, #tpu.memory_space<vmem_shared>>)
    %dma_wait3A_219 = arith.constant 0 : i32
    %dma_wait3A_220 = arith.constant 0 : i32
    %dma_wait3A_221 = tpu.memref_slice %arg8[%dma_wait3A_219, %dma_wait3A_220] : memref<10112x128xf32, #tpu.memory_space<vmem_shared>> -> memref<64x128xf32, #tpu.memory_space<vmem_shared>>
    %dma_wait3A_222 = arith.constant 0 : i32
    %dma_wait3A_223 = arith.constant 0 : i32
    %dma_wait3A_224 = tpu.memref_slice %arg8[%dma_wait3A_222, %dma_wait3A_223] : memref<10112x128xf32, #tpu.memory_space<vmem_shared>> -> memref<64x128xf32, #tpu.memory_space<vmem_shared>>
    tpu.wait_dma2 semaphore(%arg22 : memref<!tpu.dma_semaphore, #tpu.memory_space<semaphore_mem>>) src(%arg18 : memref<64x128xf32, #tpu.memory_space<vmem>>) dst(%dma_wait3A_224 : memref<64x128xf32, #tpu.memory_space<vmem_shared>>)
    %dma_wait3A_225 = arith.constant 0 : i32
    %dma_wait3A_226 = arith.constant 0 : i32
    %dma_wait3A_227 = tpu.memref_slice %arg8[%dma_wait3A_225, %dma_wait3A_226] : memref<10112x128xf32, #tpu.memory_space<vmem_shared>> -> memref<64x128xf32, #tpu.memory_space<vmem_shared>>
    %dma_wait3A_228 = arith.constant 0 : i32
    %dma_wait3A_229 = arith.constant 0 : i32
    %dma_wait3A_230 = tpu.memref_slice %arg8[%dma_wait3A_228, %dma_wait3A_229] : memref<10112x128xf32, #tpu.memory_space<vmem_shared>> -> memref<64x128xf32, #tpu.memory_space<vmem_shared>>
    tpu.wait_dma2 semaphore(%arg22 : memref<!tpu.dma_semaphore, #tpu.memory_space<semaphore_mem>>) src(%arg18 : memref<64x128xf32, #tpu.memory_space<vmem>>) dst(%dma_wait3A_230 : memref<64x128xf32, #tpu.memory_space<vmem_shared>>)
    %dma_wait3A_231 = arith.constant 0 : i32
    %dma_wait3A_232 = arith.constant 0 : i32
    %dma_wait3A_233 = tpu.memref_slice %arg8[%dma_wait3A_231, %dma_wait3A_232] : memref<10112x128xf32, #tpu.memory_space<vmem_shared>> -> memref<64x128xf32, #tpu.memory_space<vmem_shared>>
    %dma_wait3A_234 = arith.constant 0 : i32
    %dma_wait3A_235 = arith.constant 0 : i32
    %dma_wait3A_236 = tpu.memref_slice %arg8[%dma_wait3A_234, %dma_wait3A_235] : memref<10112x128xf32, #tpu.memory_space<vmem_shared>> -> memref<64x128xf32, #tpu.memory_space<vmem_shared>>
    tpu.wait_dma2 semaphore(%arg22 : memref<!tpu.dma_semaphore, #tpu.memory_space<semaphore_mem>>) src(%arg18 : memref<64x128xf32, #tpu.memory_space<vmem>>) dst(%dma_wait3A_236 : memref<64x128xf32, #tpu.memory_space<vmem_shared>>)
    %dma_wait3A_237 = arith.constant 0 : i32
    %dma_wait3A_238 = arith.constant 0 : i32
    %dma_wait3A_239 = tpu.memref_slice %arg8[%dma_wait3A_237, %dma_wait3A_238] : memref<10112x128xf32, #tpu.memory_space<vmem_shared>> -> memref<64x128xf32, #tpu.memory_space<vmem_shared>>
    %dma_wait3A_240 = arith.constant 0 : i32
    %dma_wait3A_241 = arith.constant 0 : i32
    %dma_wait3A_242 = tpu.memref_slice %arg8[%dma_wait3A_240, %dma_wait3A_241] : memref<10112x128xf32, #tpu.memory_space<vmem_shared>> -> memref<64x128xf32, #tpu.memory_space<vmem_shared>>
    tpu.wait_dma2 semaphore(%arg22 : memref<!tpu.dma_semaphore, #tpu.memory_space<semaphore_mem>>) src(%arg18 : memref<64x128xf32, #tpu.memory_space<vmem>>) dst(%dma_wait3A_242 : memref<64x128xf32, #tpu.memory_space<vmem_shared>>)
    %dma_wait3A_243 = arith.constant 0 : i32
    %dma_wait3A_244 = arith.constant 0 : i32
    %dma_wait3A_245 = tpu.memref_slice %arg8[%dma_wait3A_243, %dma_wait3A_244] : memref<10112x128xf32, #tpu.memory_space<vmem_shared>> -> memref<64x128xf32, #tpu.memory_space<vmem_shared>>
    %dma_wait3A_246 = arith.constant 0 : i32
    %dma_wait3A_247 = arith.constant 0 : i32
    %dma_wait3A_248 = tpu.memref_slice %arg8[%dma_wait3A_246, %dma_wait3A_247] : memref<10112x128xf32, #tpu.memory_space<vmem_shared>> -> memref<64x128xf32, #tpu.memory_space<vmem_shared>>
    tpu.wait_dma2 semaphore(%arg22 : memref<!tpu.dma_semaphore, #tpu.memory_space<semaphore_mem>>) src(%arg18 : memref<64x128xf32, #tpu.memory_space<vmem>>) dst(%dma_wait3A_248 : memref<64x128xf32, #tpu.memory_space<vmem_shared>>)
    %dma_wait3A_249 = arith.constant 0 : i32
    %dma_wait3A_250 = arith.constant 0 : i32
    %dma_wait3A_251 = tpu.memref_slice %arg18[%dma_wait3A_249, %dma_wait3A_250] : memref<64x128xf32, #tpu.memory_space<vmem>> -> memref<56x128xf32, #tpu.memory_space<vmem>>
    %dma_wait3A_252 = arith.constant 0 : i32
    %dma_wait3A_253 = arith.constant 0 : i32
    %dma_wait3A_254 = tpu.memref_slice %arg8[%dma_wait3A_252, %dma_wait3A_253] : memref<10112x128xf32, #tpu.memory_space<vmem_shared>> -> memref<56x128xf32, #tpu.memory_space<vmem_shared>>
    %dma_wait3A_255 = arith.constant 0 : i32
    %dma_wait3A_256 = arith.constant 0 : i32
    %dma_wait3A_257 = tpu.memref_slice %arg8[%dma_wait3A_255, %dma_wait3A_256] : memref<10112x128xf32, #tpu.memory_space<vmem_shared>> -> memref<56x128xf32, #tpu.memory_space<vmem_shared>>
    %dma_wait3A_258 = arith.constant 0 : i32
    %dma_wait3A_259 = arith.constant 0 : i32
    %dma_wait3A_260 = tpu.memref_slice %arg18[%dma_wait3A_258, %dma_wait3A_259] : memref<64x128xf32, #tpu.memory_space<vmem>> -> memref<56x128xf32, #tpu.memory_space<vmem>>
    tpu.wait_dma2 semaphore(%arg22 : memref<!tpu.dma_semaphore, #tpu.memory_space<semaphore_mem>>) src(%dma_wait3A_260 : memref<56x128xf32, #tpu.memory_space<vmem>>) dst(%dma_wait3A_257 : memref<56x128xf32, #tpu.memory_space<vmem_shared>>)
    %barrier3A = arith.constant 0 : index
    tpu.barrier barrier_id(%barrier3A)
    %scan3A = arith.constant 0 : i32
    %scan3A_261 = arith.constant 0 : i32
    %scan3A_262 = arith.constant 21 : i32
    %scan3A_263 = arith.addi %scan3A_261, %scan3A_262 : i32
    %scan3A_264 = arith.constant 1 : i32
    scf.for %scan3A_459 = %scan3A_261 to %scan3A_263 step %scan3A_264  : i32 {
      %mul3A_460 = arith.constant 4 : i32
      %mul3A_461 = arith.muli %mul3A_460, %scan3A_459 : i32
      %add3A_462 = arith.constant 0 : i32
      %add3A_463 = arith.addi %mul3A_461, %add3A_462 : i32
      tpu.wait_dma2 semaphore(%arg19 : memref<!tpu.dma_semaphore, #tpu.memory_space<semaphore_mem>>) src(%arg6 : memref<64x128xf32, #tpu.memory_space<hbm>>) dst(%arg15 : memref<64x128xf32, #tpu.memory_space<vmem>>)
      %add3A_464 = arith.constant 3 : i32
      %add3A_465 = arith.addi %add3A_463, %add3A_464 : i32
      %lt3A = arith.constant 84 : i32
      %lt3A_466 = arith.cmpi slt, %add3A_465, %lt3A : i32
      %convert_element_type3A = arith.extui %lt3A_466 : i1 to i32
      %cond3A = arith.constant 0 : i32
      %cond3A_467 = arith.cmpi ne, %convert_element_type3A, %cond3A : i32
      scf.if %cond3A_467 {
        %ge3A_1111 = arith.constant 1 : i32
        %ge3A_1112 = arith.cmpi sge, %add3A_463, %ge3A_1111 : i32
        %convert_element_type3A_1113 = arith.extui %ge3A_1112 : i1 to i32
        %cond3A_1114 = arith.constant 0 : i32
        %cond3A_1115 = arith.cmpi ne, %convert_element_type3A_1113, %cond3A_1114 : i32
        scf.if %cond3A_1115 {
          tpu.wait_dma2 semaphore(%arg26 : memref<!tpu.dma_semaphore, #tpu.memory_space<semaphore_mem>>) src(%arg6 : memref<64x128xf32, #tpu.memory_space<hbm>>) dst(%arg18 : memref<64x128xf32, #tpu.memory_space<vmem>>)
          %add3A_1129 = arith.constant 3 : i32
          %add3A_1130 = arith.addi %add3A_463, %add3A_1129 : i32
          %dma_start3A_1131 = arith.constant 0 : i32
          %dma_start3A_1132 = tpu.memref_slice %arg5[%add3A, %add3A_1130, %dma_start3A_1131] : memref<32x84x64xi32, #tpu.memory_space<hbm>> -> memref<1x1x64xi32, #tpu.memory_space<hbm>>
          %dma_start3A_1133 = tpu.memref_squeeze %dma_start3A_1132 : memref<1x1x64xi32, #tpu.memory_space<hbm>> -> memref<64xi32, #tpu.memory_space<hbm>>
          %dma_start3A_1134 = arith.constant 0 : i32
          %dma_start3A_1135 = tpu.memref_slice %arg5[%add3A, %add3A_1130, %dma_start3A_1134] : memref<32x84x64xi32, #tpu.memory_space<hbm>> -> memref<1x1x64xi32, #tpu.memory_space<hbm>>
          %dma_start3A_1136 = tpu.memref_squeeze %dma_start3A_1135 : memref<1x1x64xi32, #tpu.memory_space<hbm>> -> memref<64xi32, #tpu.memory_space<hbm>>
          tpu.enqueue_dma source(%dma_start3A_1136 : memref<64xi32, #tpu.memory_space<hbm>>) target(%arg14 : memref<64xi32, #tpu.memory_space<vmem>>) target_semaphore(%arg30 : memref<!tpu.dma_semaphore, #tpu.memory_space<semaphore_mem>>)
        } else {
        }
        %add3A_1116 = arith.constant 3 : i32
        %add3A_1117 = arith.addi %add3A_463, %add3A_1116 : i32
        %shift_right_logical3A_1118 = arith.constant 1 : i32
        %shift_right_logical3A_1119 = arith.shrui %add3A_1117, %shift_right_logical3A_1118 : i32
        %and3A_1120 = arith.constant 1 : i32
        %and3A_1121 = arith.andi %add3A_1117, %and3A_1120 : i32
        %mul3A_1122 = arith.constant 64 : i32
        %mul3A_1123 = arith.muli %and3A_1121, %mul3A_1122 : i32
        %dma_start3A_1124 = tpu.memref_slice %arg10[%shift_right_logical3A_1119, %mul3A_1123] : memref<42x128xi32, #tpu.memory_space<vmem>> -> memref<1x64xi32, #tpu.memory_space<vmem>>
        %dma_start3A_1125 = tpu.memref_squeeze %dma_start3A_1124 : memref<1x64xi32, #tpu.memory_space<vmem>> -> memref<64xi32, #tpu.memory_space<vmem>>
        %dma_start3A_1126 = arith.constant 0 : i32
        %dma_start3A_1127 = arith.constant 0 : i32
        %dma_start3A_1128 = tpu.memref_slice %arg2[%dma_start3A_1126, %dma_start3A_1127] : memref<10000x128xf32, #tpu.memory_space<hbm>> -> memref<10000x128xf32, #tpu.memory_space<hbm>>
        tpu.enqueue_indirect_dma source(%dma_start3A_1128 : memref<10000x128xf32, #tpu.memory_space<hbm>>) target(%arg18 : memref<64x128xf32, #tpu.memory_space<vmem>>) offsets(%dma_start3A_1125 : memref<64xi32, #tpu.memory_space<vmem>>) semaphore(%arg22 : memref<!tpu.dma_semaphore, #tpu.memory_space<semaphore_mem>>)
      } else {
      }
      %ge3A = arith.constant 4 : i32
      %ge3A_468 = arith.cmpi sge, %add3A_463, %ge3A : i32
      %convert_element_type3A_469 = arith.extui %ge3A_468 : i1 to i32
      %cond3A_470 = arith.constant 0 : i32
      %cond3A_471 = arith.cmpi ne, %convert_element_type3A_469, %cond3A_470 : i32
      scf.if %cond3A_471 {
        %dma_wait3A_1111 = arith.constant 0 : i32
        %dma_wait3A_1112 = tpu.memref_slice %arg5[%add3A, %add3A_463, %dma_wait3A_1111] : memref<32x84x64xi32, #tpu.memory_space<hbm>> -> memref<1x1x64xi32, #tpu.memory_space<hbm>>
        %dma_wait3A_1113 = tpu.memref_squeeze %dma_wait3A_1112 : memref<1x1x64xi32, #tpu.memory_space<hbm>> -> memref<64xi32, #tpu.memory_space<hbm>>
        %dma_wait3A_1114 = arith.constant 0 : i32
        %dma_wait3A_1115 = tpu.memref_slice %arg5[%add3A, %add3A_463, %dma_wait3A_1114] : memref<32x84x64xi32, #tpu.memory_space<hbm>> -> memref<1x1x64xi32, #tpu.memory_space<hbm>>
        %dma_wait3A_1116 = tpu.memref_squeeze %dma_wait3A_1115 : memref<1x1x64xi32, #tpu.memory_space<hbm>> -> memref<64xi32, #tpu.memory_space<hbm>>
        tpu.wait_dma2 semaphore(%arg27 : memref<!tpu.dma_semaphore, #tpu.memory_space<semaphore_mem>>) src(%dma_wait3A_1116 : memref<64xi32, #tpu.memory_space<hbm>>) dst(%arg11 : memref<64xi32, #tpu.memory_space<vmem>>)
      } else {
      }
      %shift_right_logical3A_472 = arith.constant 1 : i32
      %shift_right_logical3A_473 = arith.shrui %add3A_463, %shift_right_logical3A_472 : i32
      %and3A = arith.constant 1 : i32
      %and3A_474 = arith.andi %add3A_463, %and3A : i32
      %mul3A_475 = arith.constant 64 : i32
      %mul3A_476 = arith.muli %and3A_474, %mul3A_475 : i32
      %add3A_477 = arith.constant 0 : i32
      %add3A_478 = arith.addi %mul3A_476, %add3A_477 : i32
      %get3A = arith.index_cast %shift_right_logical3A_473 : i32 to index
      %get3A_479 = arith.index_cast %add3A_478 : i32 to index
      %get3A_480 = tpu.vector_load %arg10[%get3A, %get3A_479] {strides = array<i32>} : memref<42x128xi32, #tpu.memory_space<vmem>>, vector<16xi32>,
      %get3A_481 = arith.constant 0 : index
      %get3A_482 = tpu.vector_load %arg11[%get3A_481] {strides = array<i32>} : memref<64xi32, #tpu.memory_space<vmem>>, vector<16xi32>,
      %gather3A = tpu.vector_load_idx %arg9[%get3A_480] : memref<10016xf32, #tpu.memory_space<vmem>>[vector<16xi32>], vector<16xf32>,
      %gather3A_483 = tpu.vector_load_idx %arg9[%get3A_482] : memref<10016xf32, #tpu.memory_space<vmem>>[vector<16xi32>], vector<16xf32>,
      %add3A_484 = arith.addf %gather3A, %gather3A_483 : vector<16xf32>
      %div3A = arith.constant 2.000000e+00 : f32
      %div3A_485 = vector.broadcast %div3A : f32 to vector<16xf32>
      %div3A_486 = arith.divf %div3A_485, %add3A_484 : vector<16xf32>
      %neg3A = arith.constant 0.000000e+00 : f32
      %neg3A_487 = vector.broadcast %neg3A : f32 to vector<16xf32>
      %neg3A_488 = arith.subf %neg3A_487, %div3A_486 : vector<16xf32>
      %exp3A = math.exp %neg3A_488 : vector<16xf32>
      %mul3A_489 = arith.constant -1.000000e+02 : f32
      %mul3A_490 = vector.broadcast %mul3A_489 : f32 to vector<16xf32>
      %mul3A_491 = arith.mulf %mul3A_490, %div3A_486 : vector<16xf32>
      %exp3A_492 = math.exp %mul3A_491 : vector<16xf32>
      %sub3A = arith.constant 1.000000e+00 : f32
      %sub3A_493 = vector.broadcast %sub3A : f32 to vector<16xf32>
      %sub3A_494 = arith.subf %sub3A_493, %exp3A_492 : vector<16xf32>
      %mul3A_495 = arith.mulf %div3A_486, %sub3A_494 : vector<16xf32>
      %sub3A_496 = arith.constant 1.000000e+00 : f32
      %sub3A_497 = vector.broadcast %sub3A_496 : f32 to vector<16xf32>
      %sub3A_498 = arith.subf %sub3A_497, %exp3A : vector<16xf32>
      %div3A_499 = arith.divf %mul3A_495, %sub3A_498 : vector<16xf32>
      %add3A_500 = arith.constant 9.99999993E-9 : f32
      %add3A_501 = vector.broadcast %add3A_500 : f32 to vector<16xf32>
      %add3A_502 = arith.addf %div3A_499, %add3A_501 : vector<16xf32>
      %div3A_503 = arith.divf %div3A_486, %add3A_502 : vector<16xf32>
      %add3A_504 = arith.constant 16 : i32
      %add3A_505 = arith.addi %mul3A_476, %add3A_504 : i32
      %get3A_506 = arith.index_cast %shift_right_logical3A_473 : i32 to index
      %get3A_507 = arith.index_cast %add3A_505 : i32 to index
      %get3A_508 = tpu.vector_load %arg10[%get3A_506, %get3A_507] {strides = array<i32>} : memref<42x128xi32, #tpu.memory_space<vmem>>, vector<16xi32>,
      %get3A_509 = arith.constant 16 : index
      %get3A_510 = tpu.vector_load %arg11[%get3A_509] {strides = array<i32>} : memref<64xi32, #tpu.memory_space<vmem>>, vector<16xi32>,
      %gather3A_511 = tpu.vector_load_idx %arg9[%get3A_508] : memref<10016xf32, #tpu.memory_space<vmem>>[vector<16xi32>], vector<16xf32>,
      %gather3A_512 = tpu.vector_load_idx %arg9[%get3A_510] : memref<10016xf32, #tpu.memory_space<vmem>>[vector<16xi32>], vector<16xf32>,
      %add3A_513 = arith.addf %gather3A_511, %gather3A_512 : vector<16xf32>
      %div3A_514 = arith.constant 2.000000e+00 : f32
      %div3A_515 = vector.broadcast %div3A_514 : f32 to vector<16xf32>
      %div3A_516 = arith.divf %div3A_515, %add3A_513 : vector<16xf32>
      %neg3A_517 = arith.constant 0.000000e+00 : f32
      %neg3A_518 = vector.broadcast %neg3A_517 : f32 to vector<16xf32>
      %neg3A_519 = arith.subf %neg3A_518, %div3A_516 : vector<16xf32>
      %exp3A_520 = math.exp %neg3A_519 : vector<16xf32>
      %mul3A_521 = arith.constant -1.000000e+02 : f32
      %mul3A_522 = vector.broadcast %mul3A_521 : f32 to vector<16xf32>
      %mul3A_523 = arith.mulf %mul3A_522, %div3A_516 : vector<16xf32>
      %exp3A_524 = math.exp %mul3A_523 : vector<16xf32>
      %sub3A_525 = arith.constant 1.000000e+00 : f32
      %sub3A_526 = vector.broadcast %sub3A_525 : f32 to vector<16xf32>
      %sub3A_527 = arith.subf %sub3A_526, %exp3A_524 : vector<16xf32>
      %mul3A_528 = arith.mulf %div3A_516, %sub3A_527 : vector<16xf32>
      %sub3A_529 = arith.constant 1.000000e+00 : f32
      %sub3A_530 = vector.broadcast %sub3A_529 : f32 to vector<16xf32>
      %sub3A_531 = arith.subf %sub3A_530, %exp3A_520 : vector<16xf32>
      %div3A_532 = arith.divf %mul3A_528, %sub3A_531 : vector<16xf32>
      %add3A_533 = arith.constant 9.99999993E-9 : f32
      %add3A_534 = vector.broadcast %add3A_533 : f32 to vector<16xf32>
      %add3A_535 = arith.addf %div3A_532, %add3A_534 : vector<16xf32>
      %div3A_536 = arith.divf %div3A_516, %add3A_535 : vector<16xf32>
      %add3A_537 = arith.constant 32 : i32
      %add3A_538 = arith.addi %mul3A_476, %add3A_537 : i32
      %get3A_539 = arith.index_cast %shift_right_logical3A_473 : i32 to index
      %get3A_540 = arith.index_cast %add3A_538 : i32 to index
      %get3A_541 = tpu.vector_load %arg10[%get3A_539, %get3A_540] {strides = array<i32>} : memref<42x128xi32, #tpu.memory_space<vmem>>, vector<16xi32>,
      %get3A_542 = arith.constant 32 : index
      %get3A_543 = tpu.vector_load %arg11[%get3A_542] {strides = array<i32>} : memref<64xi32, #tpu.memory_space<vmem>>, vector<16xi32>,
      %gather3A_544 = tpu.vector_load_idx %arg9[%get3A_541] : memref<10016xf32, #tpu.memory_space<vmem>>[vector<16xi32>], vector<16xf32>,
      %gather3A_545 = tpu.vector_load_idx %arg9[%get3A_543] : memref<10016xf32, #tpu.memory_space<vmem>>[vector<16xi32>], vector<16xf32>,
      %add3A_546 = arith.addf %gather3A_544, %gather3A_545 : vector<16xf32>
      %div3A_547 = arith.constant 2.000000e+00 : f32
      %div3A_548 = vector.broadcast %div3A_547 : f32 to vector<16xf32>
      %div3A_549 = arith.divf %div3A_548, %add3A_546 : vector<16xf32>
      %neg3A_550 = arith.constant 0.000000e+00 : f32
      %neg3A_551 = vector.broadcast %neg3A_550 : f32 to vector<16xf32>
      %neg3A_552 = arith.subf %neg3A_551, %div3A_549 : vector<16xf32>
      %exp3A_553 = math.exp %neg3A_552 : vector<16xf32>
      %mul3A_554 = arith.constant -1.000000e+02 : f32
      %mul3A_555 = vector.broadcast %mul3A_554 : f32 to vector<16xf32>
      %mul3A_556 = arith.mulf %mul3A_555, %div3A_549 : vector<16xf32>
      %exp3A_557 = math.exp %mul3A_556 : vector<16xf32>
      %sub3A_558 = arith.constant 1.000000e+00 : f32
      %sub3A_559 = vector.broadcast %sub3A_558 : f32 to vector<16xf32>
      %sub3A_560 = arith.subf %sub3A_559, %exp3A_557 : vector<16xf32>
      %mul3A_561 = arith.mulf %div3A_549, %sub3A_560 : vector<16xf32>
      %sub3A_562 = arith.constant 1.000000e+00 : f32
      %sub3A_563 = vector.broadcast %sub3A_562 : f32 to vector<16xf32>
      %sub3A_564 = arith.subf %sub3A_563, %exp3A_553 : vector<16xf32>
      %div3A_565 = arith.divf %mul3A_561, %sub3A_564 : vector<16xf32>
      %add3A_566 = arith.constant 9.99999993E-9 : f32
      %add3A_567 = vector.broadcast %add3A_566 : f32 to vector<16xf32>
      %add3A_568 = arith.addf %div3A_565, %add3A_567 : vector<16xf32>
      %div3A_569 = arith.divf %div3A_549, %add3A_568 : vector<16xf32>
      %add3A_570 = arith.constant 48 : i32
      %add3A_571 = arith.addi %mul3A_476, %add3A_570 : i32
      %get3A_572 = arith.index_cast %shift_right_logical3A_473 : i32 to index
      %get3A_573 = arith.index_cast %add3A_571 : i32 to index
      %get3A_574 = tpu.vector_load %arg10[%get3A_572, %get3A_573] {strides = array<i32>} : memref<42x128xi32, #tpu.memory_space<vmem>>, vector<16xi32>,
      %get3A_575 = arith.constant 48 : index
      %get3A_576 = tpu.vector_load %arg11[%get3A_575] {strides = array<i32>} : memref<64xi32, #tpu.memory_space<vmem>>, vector<16xi32>,
      %gather3A_577 = tpu.vector_load_idx %arg9[%get3A_574] : memref<10016xf32, #tpu.memory_space<vmem>>[vector<16xi32>], vector<16xf32>,
      %gather3A_578 = tpu.vector_load_idx %arg9[%get3A_576] : memref<10016xf32, #tpu.memory_space<vmem>>[vector<16xi32>], vector<16xf32>,
      %add3A_579 = arith.addf %gather3A_577, %gather3A_578 : vector<16xf32>
      %div3A_580 = arith.constant 2.000000e+00 : f32
      %div3A_581 = vector.broadcast %div3A_580 : f32 to vector<16xf32>
      %div3A_582 = arith.divf %div3A_581, %add3A_579 : vector<16xf32>
      %neg3A_583 = arith.constant 0.000000e+00 : f32
      %neg3A_584 = vector.broadcast %neg3A_583 : f32 to vector<16xf32>
      %neg3A_585 = arith.subf %neg3A_584, %div3A_582 : vector<16xf32>
      %exp3A_586 = math.exp %neg3A_585 : vector<16xf32>
      %mul3A_587 = arith.constant -1.000000e+02 : f32
      %mul3A_588 = vector.broadcast %mul3A_587 : f32 to vector<16xf32>
      %mul3A_589 = arith.mulf %mul3A_588, %div3A_582 : vector<16xf32>
      %exp3A_590 = math.exp %mul3A_589 : vector<16xf32>
      %sub3A_591 = arith.constant 1.000000e+00 : f32
      %sub3A_592 = vector.broadcast %sub3A_591 : f32 to vector<16xf32>
      %sub3A_593 = arith.subf %sub3A_592, %exp3A_590 : vector<16xf32>
      %mul3A_594 = arith.mulf %div3A_582, %sub3A_593 : vector<16xf32>
      %sub3A_595 = arith.constant 1.000000e+00 : f32
      %sub3A_596 = vector.broadcast %sub3A_595 : f32 to vector<16xf32>
      %sub3A_597 = arith.subf %sub3A_596, %exp3A_586 : vector<16xf32>
      %div3A_598 = arith.divf %mul3A_594, %sub3A_597 : vector<16xf32>
      %add3A_599 = arith.constant 9.99999993E-9 : f32
      %add3A_600 = vector.broadcast %add3A_599 : f32 to vector<16xf32>
      %add3A_601 = arith.addf %div3A_598, %add3A_600 : vector<16xf32>
      %div3A_602 = arith.divf %div3A_582, %add3A_601 : vector<16xf32>
      %broadcast_in_dim3A = arith.constant 0.000000e+00 : f32
      %broadcast_in_dim3A_603 = vector.broadcast %broadcast_in_dim3A : f32 to vector<16xf32>
      %parallel_loop3A = arith.constant 0 : i32
      %parallel_loop3A_604 = arith.constant 144 : i32
      %parallel_loop3A_605 = arith.constant 1 : i32
      %parallel_loop3A_606:4 = scf.for %parallel_loop3A_1111 = %parallel_loop3A to %parallel_loop3A_604 step %parallel_loop3A_605 iter_args(%parallel_loop3A_1112 = %broadcast_in_dim3A_603, %parallel_loop3A_1113 = %broadcast_in_dim3A_603, %parallel_loop3A_1114 = %broadcast_in_dim3A_603, %parallel_loop3A_1115 = %broadcast_in_dim3A_603) -> (vector<16xf32>, vector<16xf32>, vector<16xf32>, vector<16xf32>)  : i32 {
        %parallel_loop3A_1116 = vector.broadcast %parallel_loop3A_1111 : i32 to vector<16xi32>
        %parallel_loop3A_1117 = arith.subi %parallel_loop3A_1116, %iota3A : vector<16xi32>
        %parallel_loop3A_1118 = arith.constant 0 : i32
        %parallel_loop3A_1119 = vector.broadcast %parallel_loop3A_1118 : i32 to vector<16xi32>
        %parallel_loop3A_1120 = arith.cmpi sge, %parallel_loop3A_1117, %parallel_loop3A_1119 : vector<16xi32>
        %parallel_loop3A_1121 = arith.constant 128 : i32
        %parallel_loop3A_1122 = vector.broadcast %parallel_loop3A_1121 : i32 to vector<16xi32>
        %parallel_loop3A_1123 = arith.cmpi slt, %parallel_loop3A_1117, %parallel_loop3A_1122 : vector<16xi32>
        %parallel_loop3A_1124 = arith.andi %parallel_loop3A_1120, %parallel_loop3A_1123 : vector<16xi1>
        %parallel_loop3A_1125 = arith.constant 0 : i32
        %parallel_loop3A_1126 = vector.broadcast %parallel_loop3A_1125 : i32 to vector<16xi32>
        %parallel_loop3A_1127 = arith.maxsi %parallel_loop3A_1117, %parallel_loop3A_1126 : vector<16xi32>
        %parallel_loop3A_1128 = arith.constant 127 : i32
        %parallel_loop3A_1129 = vector.broadcast %parallel_loop3A_1128 : i32 to vector<16xi32>
        %parallel_loop3A_1130 = arith.minsi %parallel_loop3A_1127, %parallel_loop3A_1129 : vector<16xi32>
        %parallel_loop3A_1131 = tpu.vector_load_idx %arg15[%add3A_3, %parallel_loop3A_1130] : memref<64x128xf32, #tpu.memory_space<vmem>>[vector<16xi32>, vector<16xi32>], vector<16xf32>,
        %parallel_loop3A_1132 = tpu.vector_load_idx %arg15[%add3A_6, %parallel_loop3A_1130] : memref<64x128xf32, #tpu.memory_space<vmem>>[vector<16xi32>, vector<16xi32>], vector<16xf32>,
        %parallel_loop3A_1133 = tpu.vector_load_idx %arg15[%add3A_9, %parallel_loop3A_1130] : memref<64x128xf32, #tpu.memory_space<vmem>>[vector<16xi32>, vector<16xi32>], vector<16xf32>,
        %parallel_loop3A_1134 = tpu.vector_load_idx %arg15[%add3A_12, %parallel_loop3A_1130] : memref<64x128xf32, #tpu.memory_space<vmem>>[vector<16xi32>, vector<16xi32>], vector<16xf32>,
        %parallel_loop3A_1135 = arith.constant 0.000000e+00 : f32
        %parallel_loop3A_1136 = vector.broadcast %parallel_loop3A_1135 : f32 to vector<16xf32>
        %parallel_loop3A_1137 = arith.select %parallel_loop3A_1124, %parallel_loop3A_1131, %parallel_loop3A_1136 : vector<16xi1>, vector<16xf32>
        %parallel_loop3A_1138 = arith.mulf %exp3A, %parallel_loop3A_1112 : vector<16xf32>
        %parallel_loop3A_1139 = arith.addf %parallel_loop3A_1137, %parallel_loop3A_1138 : vector<16xf32>
        %parallel_loop3A_1140 = arith.constant 0.000000e+00 : f32
        %parallel_loop3A_1141 = vector.broadcast %parallel_loop3A_1140 : f32 to vector<16xf32>
        %parallel_loop3A_1142 = arith.select %parallel_loop3A_1124, %parallel_loop3A_1132, %parallel_loop3A_1141 : vector<16xi1>, vector<16xf32>
        %parallel_loop3A_1143 = arith.mulf %exp3A_520, %parallel_loop3A_1113 : vector<16xf32>
        %parallel_loop3A_1144 = arith.addf %parallel_loop3A_1142, %parallel_loop3A_1143 : vector<16xf32>
        %parallel_loop3A_1145 = arith.constant 0.000000e+00 : f32
        %parallel_loop3A_1146 = vector.broadcast %parallel_loop3A_1145 : f32 to vector<16xf32>
        %parallel_loop3A_1147 = arith.select %parallel_loop3A_1124, %parallel_loop3A_1133, %parallel_loop3A_1146 : vector<16xi1>, vector<16xf32>
        %parallel_loop3A_1148 = arith.mulf %exp3A_553, %parallel_loop3A_1114 : vector<16xf32>
        %parallel_loop3A_1149 = arith.addf %parallel_loop3A_1147, %parallel_loop3A_1148 : vector<16xf32>
        %parallel_loop3A_1150 = arith.constant 0.000000e+00 : f32
        %parallel_loop3A_1151 = vector.broadcast %parallel_loop3A_1150 : f32 to vector<16xf32>
        %parallel_loop3A_1152 = arith.select %parallel_loop3A_1124, %parallel_loop3A_1134, %parallel_loop3A_1151 : vector<16xi1>, vector<16xf32>
        %parallel_loop3A_1153 = arith.mulf %exp3A_586, %parallel_loop3A_1115 : vector<16xf32>
        %parallel_loop3A_1154 = arith.addf %parallel_loop3A_1152, %parallel_loop3A_1153 : vector<16xf32>
        %parallel_loop3A_1155 = arith.mulf %div3A_503, %parallel_loop3A_1139 : vector<16xf32>
        tpu.vector_store_idx %arg15[%add3A_3, %parallel_loop3A_1130], %parallel_loop3A_1155 masked %parallel_loop3A_1124 : memref<64x128xf32, #tpu.memory_space<vmem>>[vector<16xi32>, vector<16xi32>], vector<16xf32>, vector<16xi1>
        %parallel_loop3A_1156 = arith.mulf %div3A_536, %parallel_loop3A_1144 : vector<16xf32>
        tpu.vector_store_idx %arg15[%add3A_6, %parallel_loop3A_1130], %parallel_loop3A_1156 masked %parallel_loop3A_1124 : memref<64x128xf32, #tpu.memory_space<vmem>>[vector<16xi32>, vector<16xi32>], vector<16xf32>, vector<16xi1>
        %parallel_loop3A_1157 = arith.mulf %div3A_569, %parallel_loop3A_1149 : vector<16xf32>
        tpu.vector_store_idx %arg15[%add3A_9, %parallel_loop3A_1130], %parallel_loop3A_1157 masked %parallel_loop3A_1124 : memref<64x128xf32, #tpu.memory_space<vmem>>[vector<16xi32>, vector<16xi32>], vector<16xf32>, vector<16xi1>
        %parallel_loop3A_1158 = arith.mulf %div3A_602, %parallel_loop3A_1154 : vector<16xf32>
        tpu.vector_store_idx %arg15[%add3A_12, %parallel_loop3A_1130], %parallel_loop3A_1158 masked %parallel_loop3A_1124 : memref<64x128xf32, #tpu.memory_space<vmem>>[vector<16xi32>, vector<16xi32>], vector<16xf32>, vector<16xi1>
        scf.yield %parallel_loop3A_1139, %parallel_loop3A_1144, %parallel_loop3A_1149, %parallel_loop3A_1154 : vector<16xf32>, vector<16xf32>, vector<16xf32>, vector<16xf32>
      } {sc.loop_unroll_factor = 2 : i64, sc.parallel_access}
      %parallel_loop3A_607 = arith.constant 100 : i32
      %parallel_loop3A_608 = arith.constant 144 : i32
      %parallel_loop3A_609 = arith.constant 1 : i32
      scf.for %parallel_loop3A_1111 = %parallel_loop3A_607 to %parallel_loop3A_608 step %parallel_loop3A_609  : i32 {
        %parallel_loop3A_1112 = vector.broadcast %parallel_loop3A_1111 : i32 to vector<16xi32>
        %parallel_loop3A_1113 = arith.subi %parallel_loop3A_1112, %iota3A : vector<16xi32>
        %parallel_loop3A_1114 = arith.constant 100 : i32
        %parallel_loop3A_1115 = vector.broadcast %parallel_loop3A_1114 : i32 to vector<16xi32>
        %parallel_loop3A_1116 = arith.cmpi sge, %parallel_loop3A_1113, %parallel_loop3A_1115 : vector<16xi32>
        %parallel_loop3A_1117 = arith.constant 128 : i32
        %parallel_loop3A_1118 = vector.broadcast %parallel_loop3A_1117 : i32 to vector<16xi32>
        %parallel_loop3A_1119 = arith.cmpi slt, %parallel_loop3A_1113, %parallel_loop3A_1118 : vector<16xi32>
        %parallel_loop3A_1120 = arith.andi %parallel_loop3A_1116, %parallel_loop3A_1119 : vector<16xi1>
        %parallel_loop3A_1121 = arith.constant 100 : i32
        %parallel_loop3A_1122 = vector.broadcast %parallel_loop3A_1121 : i32 to vector<16xi32>
        %parallel_loop3A_1123 = arith.maxsi %parallel_loop3A_1113, %parallel_loop3A_1122 : vector<16xi32>
        %parallel_loop3A_1124 = arith.constant 127 : i32
        %parallel_loop3A_1125 = vector.broadcast %parallel_loop3A_1124 : i32 to vector<16xi32>
        %parallel_loop3A_1126 = arith.minsi %parallel_loop3A_1123, %parallel_loop3A_1125 : vector<16xi32>
        %parallel_loop3A_1127 = arith.constant 100 : i32
        %parallel_loop3A_1128 = vector.broadcast %parallel_loop3A_1127 : i32 to vector<16xi32>
        %parallel_loop3A_1129 = arith.subi %parallel_loop3A_1126, %parallel_loop3A_1128 : vector<16xi32>
        %parallel_loop3A_1130 = tpu.vector_load_idx %arg15[%add3A_3, %parallel_loop3A_1129] : memref<64x128xf32, #tpu.memory_space<vmem>>[vector<16xi32>, vector<16xi32>], vector<16xf32>,
        %parallel_loop3A_1131 = tpu.vector_load_idx %arg15[%add3A_6, %parallel_loop3A_1129] : memref<64x128xf32, #tpu.memory_space<vmem>>[vector<16xi32>, vector<16xi32>], vector<16xf32>,
        %parallel_loop3A_1132 = tpu.vector_load_idx %arg15[%add3A_9, %parallel_loop3A_1129] : memref<64x128xf32, #tpu.memory_space<vmem>>[vector<16xi32>, vector<16xi32>], vector<16xf32>,
        %parallel_loop3A_1133 = tpu.vector_load_idx %arg15[%add3A_12, %parallel_loop3A_1129] : memref<64x128xf32, #tpu.memory_space<vmem>>[vector<16xi32>, vector<16xi32>], vector<16xf32>,
        %parallel_loop3A_1134 = tpu.vector_load_idx %arg15[%add3A_3, %parallel_loop3A_1126] : memref<64x128xf32, #tpu.memory_space<vmem>>[vector<16xi32>, vector<16xi32>], vector<16xf32>,
        %parallel_loop3A_1135 = tpu.vector_load_idx %arg15[%add3A_6, %parallel_loop3A_1126] : memref<64x128xf32, #tpu.memory_space<vmem>>[vector<16xi32>, vector<16xi32>], vector<16xf32>,
        %parallel_loop3A_1136 = tpu.vector_load_idx %arg15[%add3A_9, %parallel_loop3A_1126] : memref<64x128xf32, #tpu.memory_space<vmem>>[vector<16xi32>, vector<16xi32>], vector<16xf32>,
        %parallel_loop3A_1137 = tpu.vector_load_idx %arg15[%add3A_12, %parallel_loop3A_1126] : memref<64x128xf32, #tpu.memory_space<vmem>>[vector<16xi32>, vector<16xi32>], vector<16xf32>,
        %parallel_loop3A_1138 = arith.mulf %exp3A_492, %parallel_loop3A_1130 : vector<16xf32>
        %parallel_loop3A_1139 = arith.subf %parallel_loop3A_1134, %parallel_loop3A_1138 : vector<16xf32>
        tpu.vector_store_idx %arg15[%add3A_3, %parallel_loop3A_1126], %parallel_loop3A_1139 masked %parallel_loop3A_1120 : memref<64x128xf32, #tpu.memory_space<vmem>>[vector<16xi32>, vector<16xi32>], vector<16xf32>, vector<16xi1>
        %parallel_loop3A_1140 = arith.mulf %exp3A_524, %parallel_loop3A_1131 : vector<16xf32>
        %parallel_loop3A_1141 = arith.subf %parallel_loop3A_1135, %parallel_loop3A_1140 : vector<16xf32>
        tpu.vector_store_idx %arg15[%add3A_6, %parallel_loop3A_1126], %parallel_loop3A_1141 masked %parallel_loop3A_1120 : memref<64x128xf32, #tpu.memory_space<vmem>>[vector<16xi32>, vector<16xi32>], vector<16xf32>, vector<16xi1>
        %parallel_loop3A_1142 = arith.mulf %exp3A_557, %parallel_loop3A_1132 : vector<16xf32>
        %parallel_loop3A_1143 = arith.subf %parallel_loop3A_1136, %parallel_loop3A_1142 : vector<16xf32>
        tpu.vector_store_idx %arg15[%add3A_9, %parallel_loop3A_1126], %parallel_loop3A_1143 masked %parallel_loop3A_1120 : memref<64x128xf32, #tpu.memory_space<vmem>>[vector<16xi32>, vector<16xi32>], vector<16xf32>, vector<16xi1>
        %parallel_loop3A_1144 = arith.mulf %exp3A_590, %parallel_loop3A_1133 : vector<16xf32>
        %parallel_loop3A_1145 = arith.subf %parallel_loop3A_1137, %parallel_loop3A_1144 : vector<16xf32>
        tpu.vector_store_idx %arg15[%add3A_12, %parallel_loop3A_1126], %parallel_loop3A_1145 masked %parallel_loop3A_1120 : memref<64x128xf32, #tpu.memory_space<vmem>>[vector<16xi32>, vector<16xi32>], vector<16xf32>, vector<16xi1>
      } {sc.loop_unroll_factor = 2 : i64, sc.parallel_access}
      %dma_start3A_610 = arith.constant 0 : i32
      %dma_start3A_611 = arith.constant 0 : i32
      %dma_start3A_612 = tpu.memref_slice %arg8[%dma_start3A_610, %dma_start3A_611] : memref<10112x128xf32, #tpu.memory_space<vmem_shared>> -> memref<10112x128xf32, #tpu.memory_space<vmem_shared>>
      tpu.enqueue_indirect_dma source(%arg15 : memref<64x128xf32, #tpu.memory_space<vmem>>) target(%dma_start3A_612 : memref<10112x128xf32, #tpu.memory_space<vmem_shared>>) offsets(%arg11 : memref<64xi32, #tpu.memory_space<vmem>>) semaphore(%arg23 : memref<!tpu.dma_semaphore, #tpu.memory_space<semaphore_mem>>) {add = true}
      %mul3A_613 = arith.constant 4 : i32
      %mul3A_614 = arith.muli %mul3A_613, %scan3A_459 : i32
      %add3A_615 = arith.constant 1 : i32
      %add3A_616 = arith.addi %mul3A_614, %add3A_615 : i32
      tpu.wait_dma2 semaphore(%arg20 : memref<!tpu.dma_semaphore, #tpu.memory_space<semaphore_mem>>) src(%arg6 : memref<64x128xf32, #tpu.memory_space<hbm>>) dst(%arg16 : memref<64x128xf32, #tpu.memory_space<vmem>>)
      %add3A_617 = arith.constant 3 : i32
      %add3A_618 = arith.addi %add3A_616, %add3A_617 : i32
      %lt3A_619 = arith.constant 84 : i32
      %lt3A_620 = arith.cmpi slt, %add3A_618, %lt3A_619 : i32
      %convert_element_type3A_621 = arith.extui %lt3A_620 : i1 to i32
      %cond3A_622 = arith.constant 0 : i32
      %cond3A_623 = arith.cmpi ne, %convert_element_type3A_621, %cond3A_622 : i32
      scf.if %cond3A_623 {
        %ge3A_1111 = arith.constant 1 : i32
        %ge3A_1112 = arith.cmpi sge, %add3A_616, %ge3A_1111 : i32
        %convert_element_type3A_1113 = arith.extui %ge3A_1112 : i1 to i32
        %cond3A_1114 = arith.constant 0 : i32
        %cond3A_1115 = arith.cmpi ne, %convert_element_type3A_1113, %cond3A_1114 : i32
        scf.if %cond3A_1115 {
          tpu.wait_dma2 semaphore(%arg23 : memref<!tpu.dma_semaphore, #tpu.memory_space<semaphore_mem>>) src(%arg6 : memref<64x128xf32, #tpu.memory_space<hbm>>) dst(%arg15 : memref<64x128xf32, #tpu.memory_space<vmem>>)
          %add3A_1129 = arith.constant 3 : i32
          %add3A_1130 = arith.addi %add3A_616, %add3A_1129 : i32
          %dma_start3A_1131 = arith.constant 0 : i32
          %dma_start3A_1132 = tpu.memref_slice %arg5[%add3A, %add3A_1130, %dma_start3A_1131] : memref<32x84x64xi32, #tpu.memory_space<hbm>> -> memref<1x1x64xi32, #tpu.memory_space<hbm>>
          %dma_start3A_1133 = tpu.memref_squeeze %dma_start3A_1132 : memref<1x1x64xi32, #tpu.memory_space<hbm>> -> memref<64xi32, #tpu.memory_space<hbm>>
          %dma_start3A_1134 = arith.constant 0 : i32
          %dma_start3A_1135 = tpu.memref_slice %arg5[%add3A, %add3A_1130, %dma_start3A_1134] : memref<32x84x64xi32, #tpu.memory_space<hbm>> -> memref<1x1x64xi32, #tpu.memory_space<hbm>>
          %dma_start3A_1136 = tpu.memref_squeeze %dma_start3A_1135 : memref<1x1x64xi32, #tpu.memory_space<hbm>> -> memref<64xi32, #tpu.memory_space<hbm>>
          tpu.enqueue_dma source(%dma_start3A_1136 : memref<64xi32, #tpu.memory_space<hbm>>) target(%arg11 : memref<64xi32, #tpu.memory_space<vmem>>) target_semaphore(%arg27 : memref<!tpu.dma_semaphore, #tpu.memory_space<semaphore_mem>>)
        } else {
        }
        %add3A_1116 = arith.constant 3 : i32
        %add3A_1117 = arith.addi %add3A_616, %add3A_1116 : i32
        %shift_right_logical3A_1118 = arith.constant 1 : i32
        %shift_right_logical3A_1119 = arith.shrui %add3A_1117, %shift_right_logical3A_1118 : i32
        %and3A_1120 = arith.constant 1 : i32
        %and3A_1121 = arith.andi %add3A_1117, %and3A_1120 : i32
        %mul3A_1122 = arith.constant 64 : i32
        %mul3A_1123 = arith.muli %and3A_1121, %mul3A_1122 : i32
        %dma_start3A_1124 = tpu.memref_slice %arg10[%shift_right_logical3A_1119, %mul3A_1123] : memref<42x128xi32, #tpu.memory_space<vmem>> -> memref<1x64xi32, #tpu.memory_space<vmem>>
        %dma_start3A_1125 = tpu.memref_squeeze %dma_start3A_1124 : memref<1x64xi32, #tpu.memory_space<vmem>> -> memref<64xi32, #tpu.memory_space<vmem>>
        %dma_start3A_1126 = arith.constant 0 : i32
        %dma_start3A_1127 = arith.constant 0 : i32
        %dma_start3A_1128 = tpu.memref_slice %arg2[%dma_start3A_1126, %dma_start3A_1127] : memref<10000x128xf32, #tpu.memory_space<hbm>> -> memref<10000x128xf32, #tpu.memory_space<hbm>>
        tpu.enqueue_indirect_dma source(%dma_start3A_1128 : memref<10000x128xf32, #tpu.memory_space<hbm>>) target(%arg15 : memref<64x128xf32, #tpu.memory_space<vmem>>) offsets(%dma_start3A_1125 : memref<64xi32, #tpu.memory_space<vmem>>) semaphore(%arg19 : memref<!tpu.dma_semaphore, #tpu.memory_space<semaphore_mem>>)
      } else {
      }
      %ge3A_624 = arith.constant 4 : i32
      %ge3A_625 = arith.cmpi sge, %add3A_616, %ge3A_624 : i32
      %convert_element_type3A_626 = arith.extui %ge3A_625 : i1 to i32
      %cond3A_627 = arith.constant 0 : i32
      %cond3A_628 = arith.cmpi ne, %convert_element_type3A_626, %cond3A_627 : i32
      scf.if %cond3A_628 {
        %dma_wait3A_1111 = arith.constant 0 : i32
        %dma_wait3A_1112 = tpu.memref_slice %arg5[%add3A, %add3A_616, %dma_wait3A_1111] : memref<32x84x64xi32, #tpu.memory_space<hbm>> -> memref<1x1x64xi32, #tpu.memory_space<hbm>>
        %dma_wait3A_1113 = tpu.memref_squeeze %dma_wait3A_1112 : memref<1x1x64xi32, #tpu.memory_space<hbm>> -> memref<64xi32, #tpu.memory_space<hbm>>
        %dma_wait3A_1114 = arith.constant 0 : i32
        %dma_wait3A_1115 = tpu.memref_slice %arg5[%add3A, %add3A_616, %dma_wait3A_1114] : memref<32x84x64xi32, #tpu.memory_space<hbm>> -> memref<1x1x64xi32, #tpu.memory_space<hbm>>
        %dma_wait3A_1116 = tpu.memref_squeeze %dma_wait3A_1115 : memref<1x1x64xi32, #tpu.memory_space<hbm>> -> memref<64xi32, #tpu.memory_space<hbm>>
        tpu.wait_dma2 semaphore(%arg28 : memref<!tpu.dma_semaphore, #tpu.memory_space<semaphore_mem>>) src(%dma_wait3A_1116 : memref<64xi32, #tpu.memory_space<hbm>>) dst(%arg12 : memref<64xi32, #tpu.memory_space<vmem>>)
      } else {
      }
      %shift_right_logical3A_629 = arith.constant 1 : i32
      %shift_right_logical3A_630 = arith.shrui %add3A_616, %shift_right_logical3A_629 : i32
      %and3A_631 = arith.constant 1 : i32
      %and3A_632 = arith.andi %add3A_616, %and3A_631 : i32
      %mul3A_633 = arith.constant 64 : i32
      %mul3A_634 = arith.muli %and3A_632, %mul3A_633 : i32
      %add3A_635 = arith.constant 0 : i32
      %add3A_636 = arith.addi %mul3A_634, %add3A_635 : i32
      %get3A_637 = arith.index_cast %shift_right_logical3A_630 : i32 to index
      %get3A_638 = arith.index_cast %add3A_636 : i32 to index
      %get3A_639 = tpu.vector_load %arg10[%get3A_637, %get3A_638] {strides = array<i32>} : memref<42x128xi32, #tpu.memory_space<vmem>>, vector<16xi32>,
      %get3A_640 = arith.constant 0 : index
      %get3A_641 = tpu.vector_load %arg12[%get3A_640] {strides = array<i32>} : memref<64xi32, #tpu.memory_space<vmem>>, vector<16xi32>,
      %gather3A_642 = tpu.vector_load_idx %arg9[%get3A_639] : memref<10016xf32, #tpu.memory_space<vmem>>[vector<16xi32>], vector<16xf32>,
      %gather3A_643 = tpu.vector_load_idx %arg9[%get3A_641] : memref<10016xf32, #tpu.memory_space<vmem>>[vector<16xi32>], vector<16xf32>,
      %add3A_644 = arith.addf %gather3A_642, %gather3A_643 : vector<16xf32>
      %div3A_645 = arith.constant 2.000000e+00 : f32
      %div3A_646 = vector.broadcast %div3A_645 : f32 to vector<16xf32>
      %div3A_647 = arith.divf %div3A_646, %add3A_644 : vector<16xf32>
      %neg3A_648 = arith.constant 0.000000e+00 : f32
      %neg3A_649 = vector.broadcast %neg3A_648 : f32 to vector<16xf32>
      %neg3A_650 = arith.subf %neg3A_649, %div3A_647 : vector<16xf32>
      %exp3A_651 = math.exp %neg3A_650 : vector<16xf32>
      %mul3A_652 = arith.constant -1.000000e+02 : f32
      %mul3A_653 = vector.broadcast %mul3A_652 : f32 to vector<16xf32>
      %mul3A_654 = arith.mulf %mul3A_653, %div3A_647 : vector<16xf32>
      %exp3A_655 = math.exp %mul3A_654 : vector<16xf32>
      %sub3A_656 = arith.constant 1.000000e+00 : f32
      %sub3A_657 = vector.broadcast %sub3A_656 : f32 to vector<16xf32>
      %sub3A_658 = arith.subf %sub3A_657, %exp3A_655 : vector<16xf32>
      %mul3A_659 = arith.mulf %div3A_647, %sub3A_658 : vector<16xf32>
      %sub3A_660 = arith.constant 1.000000e+00 : f32
      %sub3A_661 = vector.broadcast %sub3A_660 : f32 to vector<16xf32>
      %sub3A_662 = arith.subf %sub3A_661, %exp3A_651 : vector<16xf32>
      %div3A_663 = arith.divf %mul3A_659, %sub3A_662 : vector<16xf32>
      %add3A_664 = arith.constant 9.99999993E-9 : f32
      %add3A_665 = vector.broadcast %add3A_664 : f32 to vector<16xf32>
      %add3A_666 = arith.addf %div3A_663, %add3A_665 : vector<16xf32>
      %div3A_667 = arith.divf %div3A_647, %add3A_666 : vector<16xf32>
      %add3A_668 = arith.constant 16 : i32
      %add3A_669 = arith.addi %mul3A_634, %add3A_668 : i32
      %get3A_670 = arith.index_cast %shift_right_logical3A_630 : i32 to index
      %get3A_671 = arith.index_cast %add3A_669 : i32 to index
      %get3A_672 = tpu.vector_load %arg10[%get3A_670, %get3A_671] {strides = array<i32>} : memref<42x128xi32, #tpu.memory_space<vmem>>, vector<16xi32>,
      %get3A_673 = arith.constant 16 : index
      %get3A_674 = tpu.vector_load %arg12[%get3A_673] {strides = array<i32>} : memref<64xi32, #tpu.memory_space<vmem>>, vector<16xi32>,
      %gather3A_675 = tpu.vector_load_idx %arg9[%get3A_672] : memref<10016xf32, #tpu.memory_space<vmem>>[vector<16xi32>], vector<16xf32>,
      %gather3A_676 = tpu.vector_load_idx %arg9[%get3A_674] : memref<10016xf32, #tpu.memory_space<vmem>>[vector<16xi32>], vector<16xf32>,
      %add3A_677 = arith.addf %gather3A_675, %gather3A_676 : vector<16xf32>
      %div3A_678 = arith.constant 2.000000e+00 : f32
      %div3A_679 = vector.broadcast %div3A_678 : f32 to vector<16xf32>
      %div3A_680 = arith.divf %div3A_679, %add3A_677 : vector<16xf32>
      %neg3A_681 = arith.constant 0.000000e+00 : f32
      %neg3A_682 = vector.broadcast %neg3A_681 : f32 to vector<16xf32>
      %neg3A_683 = arith.subf %neg3A_682, %div3A_680 : vector<16xf32>
      %exp3A_684 = math.exp %neg3A_683 : vector<16xf32>
      %mul3A_685 = arith.constant -1.000000e+02 : f32
      %mul3A_686 = vector.broadcast %mul3A_685 : f32 to vector<16xf32>
      %mul3A_687 = arith.mulf %mul3A_686, %div3A_680 : vector<16xf32>
      %exp3A_688 = math.exp %mul3A_687 : vector<16xf32>
      %sub3A_689 = arith.constant 1.000000e+00 : f32
      %sub3A_690 = vector.broadcast %sub3A_689 : f32 to vector<16xf32>
      %sub3A_691 = arith.subf %sub3A_690, %exp3A_688 : vector<16xf32>
      %mul3A_692 = arith.mulf %div3A_680, %sub3A_691 : vector<16xf32>
      %sub3A_693 = arith.constant 1.000000e+00 : f32
      %sub3A_694 = vector.broadcast %sub3A_693 : f32 to vector<16xf32>
      %sub3A_695 = arith.subf %sub3A_694, %exp3A_684 : vector<16xf32>
      %div3A_696 = arith.divf %mul3A_692, %sub3A_695 : vector<16xf32>
      %add3A_697 = arith.constant 9.99999993E-9 : f32
      %add3A_698 = vector.broadcast %add3A_697 : f32 to vector<16xf32>
      %add3A_699 = arith.addf %div3A_696, %add3A_698 : vector<16xf32>
      %div3A_700 = arith.divf %div3A_680, %add3A_699 : vector<16xf32>
      %add3A_701 = arith.constant 32 : i32
      %add3A_702 = arith.addi %mul3A_634, %add3A_701 : i32
      %get3A_703 = arith.index_cast %shift_right_logical3A_630 : i32 to index
      %get3A_704 = arith.index_cast %add3A_702 : i32 to index
      %get3A_705 = tpu.vector_load %arg10[%get3A_703, %get3A_704] {strides = array<i32>} : memref<42x128xi32, #tpu.memory_space<vmem>>, vector<16xi32>,
      %get3A_706 = arith.constant 32 : index
      %get3A_707 = tpu.vector_load %arg12[%get3A_706] {strides = array<i32>} : memref<64xi32, #tpu.memory_space<vmem>>, vector<16xi32>,
      %gather3A_708 = tpu.vector_load_idx %arg9[%get3A_705] : memref<10016xf32, #tpu.memory_space<vmem>>[vector<16xi32>], vector<16xf32>,
      %gather3A_709 = tpu.vector_load_idx %arg9[%get3A_707] : memref<10016xf32, #tpu.memory_space<vmem>>[vector<16xi32>], vector<16xf32>,
      %add3A_710 = arith.addf %gather3A_708, %gather3A_709 : vector<16xf32>
      %div3A_711 = arith.constant 2.000000e+00 : f32
      %div3A_712 = vector.broadcast %div3A_711 : f32 to vector<16xf32>
      %div3A_713 = arith.divf %div3A_712, %add3A_710 : vector<16xf32>
      %neg3A_714 = arith.constant 0.000000e+00 : f32
      %neg3A_715 = vector.broadcast %neg3A_714 : f32 to vector<16xf32>
      %neg3A_716 = arith.subf %neg3A_715, %div3A_713 : vector<16xf32>
      %exp3A_717 = math.exp %neg3A_716 : vector<16xf32>
      %mul3A_718 = arith.constant -1.000000e+02 : f32
      %mul3A_719 = vector.broadcast %mul3A_718 : f32 to vector<16xf32>
      %mul3A_720 = arith.mulf %mul3A_719, %div3A_713 : vector<16xf32>
      %exp3A_721 = math.exp %mul3A_720 : vector<16xf32>
      %sub3A_722 = arith.constant 1.000000e+00 : f32
      %sub3A_723 = vector.broadcast %sub3A_722 : f32 to vector<16xf32>
      %sub3A_724 = arith.subf %sub3A_723, %exp3A_721 : vector<16xf32>
      %mul3A_725 = arith.mulf %div3A_713, %sub3A_724 : vector<16xf32>
      %sub3A_726 = arith.constant 1.000000e+00 : f32
      %sub3A_727 = vector.broadcast %sub3A_726 : f32 to vector<16xf32>
      %sub3A_728 = arith.subf %sub3A_727, %exp3A_717 : vector<16xf32>
      %div3A_729 = arith.divf %mul3A_725, %sub3A_728 : vector<16xf32>
      %add3A_730 = arith.constant 9.99999993E-9 : f32
      %add3A_731 = vector.broadcast %add3A_730 : f32 to vector<16xf32>
      %add3A_732 = arith.addf %div3A_729, %add3A_731 : vector<16xf32>
      %div3A_733 = arith.divf %div3A_713, %add3A_732 : vector<16xf32>
      %add3A_734 = arith.constant 48 : i32
      %add3A_735 = arith.addi %mul3A_634, %add3A_734 : i32
      %get3A_736 = arith.index_cast %shift_right_logical3A_630 : i32 to index
      %get3A_737 = arith.index_cast %add3A_735 : i32 to index
      %get3A_738 = tpu.vector_load %arg10[%get3A_736, %get3A_737] {strides = array<i32>} : memref<42x128xi32, #tpu.memory_space<vmem>>, vector<16xi32>,
      %get3A_739 = arith.constant 48 : index
      %get3A_740 = tpu.vector_load %arg12[%get3A_739] {strides = array<i32>} : memref<64xi32, #tpu.memory_space<vmem>>, vector<16xi32>,
      %gather3A_741 = tpu.vector_load_idx %arg9[%get3A_738] : memref<10016xf32, #tpu.memory_space<vmem>>[vector<16xi32>], vector<16xf32>,
      %gather3A_742 = tpu.vector_load_idx %arg9[%get3A_740] : memref<10016xf32, #tpu.memory_space<vmem>>[vector<16xi32>], vector<16xf32>,
      %add3A_743 = arith.addf %gather3A_741, %gather3A_742 : vector<16xf32>
      %div3A_744 = arith.constant 2.000000e+00 : f32
      %div3A_745 = vector.broadcast %div3A_744 : f32 to vector<16xf32>
      %div3A_746 = arith.divf %div3A_745, %add3A_743 : vector<16xf32>
      %neg3A_747 = arith.constant 0.000000e+00 : f32
      %neg3A_748 = vector.broadcast %neg3A_747 : f32 to vector<16xf32>
      %neg3A_749 = arith.subf %neg3A_748, %div3A_746 : vector<16xf32>
      %exp3A_750 = math.exp %neg3A_749 : vector<16xf32>
      %mul3A_751 = arith.constant -1.000000e+02 : f32
      %mul3A_752 = vector.broadcast %mul3A_751 : f32 to vector<16xf32>
      %mul3A_753 = arith.mulf %mul3A_752, %div3A_746 : vector<16xf32>
      %exp3A_754 = math.exp %mul3A_753 : vector<16xf32>
      %sub3A_755 = arith.constant 1.000000e+00 : f32
      %sub3A_756 = vector.broadcast %sub3A_755 : f32 to vector<16xf32>
      %sub3A_757 = arith.subf %sub3A_756, %exp3A_754 : vector<16xf32>
      %mul3A_758 = arith.mulf %div3A_746, %sub3A_757 : vector<16xf32>
      %sub3A_759 = arith.constant 1.000000e+00 : f32
      %sub3A_760 = vector.broadcast %sub3A_759 : f32 to vector<16xf32>
      %sub3A_761 = arith.subf %sub3A_760, %exp3A_750 : vector<16xf32>
      %div3A_762 = arith.divf %mul3A_758, %sub3A_761 : vector<16xf32>
      %add3A_763 = arith.constant 9.99999993E-9 : f32
      %add3A_764 = vector.broadcast %add3A_763 : f32 to vector<16xf32>
      %add3A_765 = arith.addf %div3A_762, %add3A_764 : vector<16xf32>
      %div3A_766 = arith.divf %div3A_746, %add3A_765 : vector<16xf32>
      %broadcast_in_dim3A_767 = arith.constant 0.000000e+00 : f32
      %broadcast_in_dim3A_768 = vector.broadcast %broadcast_in_dim3A_767 : f32 to vector<16xf32>
      %parallel_loop3A_769 = arith.constant 0 : i32
      %parallel_loop3A_770 = arith.constant 144 : i32
      %parallel_loop3A_771 = arith.constant 1 : i32
      %parallel_loop3A_772:4 = scf.for %parallel_loop3A_1111 = %parallel_loop3A_769 to %parallel_loop3A_770 step %parallel_loop3A_771 iter_args(%parallel_loop3A_1112 = %broadcast_in_dim3A_768, %parallel_loop3A_1113 = %broadcast_in_dim3A_768, %parallel_loop3A_1114 = %broadcast_in_dim3A_768, %parallel_loop3A_1115 = %broadcast_in_dim3A_768) -> (vector<16xf32>, vector<16xf32>, vector<16xf32>, vector<16xf32>)  : i32 {
        %parallel_loop3A_1116 = vector.broadcast %parallel_loop3A_1111 : i32 to vector<16xi32>
        %parallel_loop3A_1117 = arith.subi %parallel_loop3A_1116, %iota3A : vector<16xi32>
        %parallel_loop3A_1118 = arith.constant 0 : i32
        %parallel_loop3A_1119 = vector.broadcast %parallel_loop3A_1118 : i32 to vector<16xi32>
        %parallel_loop3A_1120 = arith.cmpi sge, %parallel_loop3A_1117, %parallel_loop3A_1119 : vector<16xi32>
        %parallel_loop3A_1121 = arith.constant 128 : i32
        %parallel_loop3A_1122 = vector.broadcast %parallel_loop3A_1121 : i32 to vector<16xi32>
        %parallel_loop3A_1123 = arith.cmpi slt, %parallel_loop3A_1117, %parallel_loop3A_1122 : vector<16xi32>
        %parallel_loop3A_1124 = arith.andi %parallel_loop3A_1120, %parallel_loop3A_1123 : vector<16xi1>
        %parallel_loop3A_1125 = arith.constant 0 : i32
        %parallel_loop3A_1126 = vector.broadcast %parallel_loop3A_1125 : i32 to vector<16xi32>
        %parallel_loop3A_1127 = arith.maxsi %parallel_loop3A_1117, %parallel_loop3A_1126 : vector<16xi32>
        %parallel_loop3A_1128 = arith.constant 127 : i32
        %parallel_loop3A_1129 = vector.broadcast %parallel_loop3A_1128 : i32 to vector<16xi32>
        %parallel_loop3A_1130 = arith.minsi %parallel_loop3A_1127, %parallel_loop3A_1129 : vector<16xi32>
        %parallel_loop3A_1131 = tpu.vector_load_idx %arg16[%add3A_3, %parallel_loop3A_1130] : memref<64x128xf32, #tpu.memory_space<vmem>>[vector<16xi32>, vector<16xi32>], vector<16xf32>,
        %parallel_loop3A_1132 = tpu.vector_load_idx %arg16[%add3A_6, %parallel_loop3A_1130] : memref<64x128xf32, #tpu.memory_space<vmem>>[vector<16xi32>, vector<16xi32>], vector<16xf32>,
        %parallel_loop3A_1133 = tpu.vector_load_idx %arg16[%add3A_9, %parallel_loop3A_1130] : memref<64x128xf32, #tpu.memory_space<vmem>>[vector<16xi32>, vector<16xi32>], vector<16xf32>,
        %parallel_loop3A_1134 = tpu.vector_load_idx %arg16[%add3A_12, %parallel_loop3A_1130] : memref<64x128xf32, #tpu.memory_space<vmem>>[vector<16xi32>, vector<16xi32>], vector<16xf32>,
        %parallel_loop3A_1135 = arith.constant 0.000000e+00 : f32
        %parallel_loop3A_1136 = vector.broadcast %parallel_loop3A_1135 : f32 to vector<16xf32>
        %parallel_loop3A_1137 = arith.select %parallel_loop3A_1124, %parallel_loop3A_1131, %parallel_loop3A_1136 : vector<16xi1>, vector<16xf32>
        %parallel_loop3A_1138 = arith.mulf %exp3A_651, %parallel_loop3A_1112 : vector<16xf32>
        %parallel_loop3A_1139 = arith.addf %parallel_loop3A_1137, %parallel_loop3A_1138 : vector<16xf32>
        %parallel_loop3A_1140 = arith.constant 0.000000e+00 : f32
        %parallel_loop3A_1141 = vector.broadcast %parallel_loop3A_1140 : f32 to vector<16xf32>
        %parallel_loop3A_1142 = arith.select %parallel_loop3A_1124, %parallel_loop3A_1132, %parallel_loop3A_1141 : vector<16xi1>, vector<16xf32>
        %parallel_loop3A_1143 = arith.mulf %exp3A_684, %parallel_loop3A_1113 : vector<16xf32>
        %parallel_loop3A_1144 = arith.addf %parallel_loop3A_1142, %parallel_loop3A_1143 : vector<16xf32>
        %parallel_loop3A_1145 = arith.constant 0.000000e+00 : f32
        %parallel_loop3A_1146 = vector.broadcast %parallel_loop3A_1145 : f32 to vector<16xf32>
        %parallel_loop3A_1147 = arith.select %parallel_loop3A_1124, %parallel_loop3A_1133, %parallel_loop3A_1146 : vector<16xi1>, vector<16xf32>
        %parallel_loop3A_1148 = arith.mulf %exp3A_717, %parallel_loop3A_1114 : vector<16xf32>
        %parallel_loop3A_1149 = arith.addf %parallel_loop3A_1147, %parallel_loop3A_1148 : vector<16xf32>
        %parallel_loop3A_1150 = arith.constant 0.000000e+00 : f32
        %parallel_loop3A_1151 = vector.broadcast %parallel_loop3A_1150 : f32 to vector<16xf32>
        %parallel_loop3A_1152 = arith.select %parallel_loop3A_1124, %parallel_loop3A_1134, %parallel_loop3A_1151 : vector<16xi1>, vector<16xf32>
        %parallel_loop3A_1153 = arith.mulf %exp3A_750, %parallel_loop3A_1115 : vector<16xf32>
        %parallel_loop3A_1154 = arith.addf %parallel_loop3A_1152, %parallel_loop3A_1153 : vector<16xf32>
        %parallel_loop3A_1155 = arith.mulf %div3A_667, %parallel_loop3A_1139 : vector<16xf32>
        tpu.vector_store_idx %arg16[%add3A_3, %parallel_loop3A_1130], %parallel_loop3A_1155 masked %parallel_loop3A_1124 : memref<64x128xf32, #tpu.memory_space<vmem>>[vector<16xi32>, vector<16xi32>], vector<16xf32>, vector<16xi1>
        %parallel_loop3A_1156 = arith.mulf %div3A_700, %parallel_loop3A_1144 : vector<16xf32>
        tpu.vector_store_idx %arg16[%add3A_6, %parallel_loop3A_1130], %parallel_loop3A_1156 masked %parallel_loop3A_1124 : memref<64x128xf32, #tpu.memory_space<vmem>>[vector<16xi32>, vector<16xi32>], vector<16xf32>, vector<16xi1>
        %parallel_loop3A_1157 = arith.mulf %div3A_733, %parallel_loop3A_1149 : vector<16xf32>
        tpu.vector_store_idx %arg16[%add3A_9, %parallel_loop3A_1130], %parallel_loop3A_1157 masked %parallel_loop3A_1124 : memref<64x128xf32, #tpu.memory_space<vmem>>[vector<16xi32>, vector<16xi32>], vector<16xf32>, vector<16xi1>
        %parallel_loop3A_1158 = arith.mulf %div3A_766, %parallel_loop3A_1154 : vector<16xf32>
        tpu.vector_store_idx %arg16[%add3A_12, %parallel_loop3A_1130], %parallel_loop3A_1158 masked %parallel_loop3A_1124 : memref<64x128xf32, #tpu.memory_space<vmem>>[vector<16xi32>, vector<16xi32>], vector<16xf32>, vector<16xi1>
        scf.yield %parallel_loop3A_1139, %parallel_loop3A_1144, %parallel_loop3A_1149, %parallel_loop3A_1154 : vector<16xf32>, vector<16xf32>, vector<16xf32>, vector<16xf32>
      } {sc.loop_unroll_factor = 2 : i64, sc.parallel_access}
      %parallel_loop3A_773 = arith.constant 100 : i32
      %parallel_loop3A_774 = arith.constant 144 : i32
      %parallel_loop3A_775 = arith.constant 1 : i32
      scf.for %parallel_loop3A_1111 = %parallel_loop3A_773 to %parallel_loop3A_774 step %parallel_loop3A_775  : i32 {
        %parallel_loop3A_1112 = vector.broadcast %parallel_loop3A_1111 : i32 to vector<16xi32>
        %parallel_loop3A_1113 = arith.subi %parallel_loop3A_1112, %iota3A : vector<16xi32>
        %parallel_loop3A_1114 = arith.constant 100 : i32
        %parallel_loop3A_1115 = vector.broadcast %parallel_loop3A_1114 : i32 to vector<16xi32>
        %parallel_loop3A_1116 = arith.cmpi sge, %parallel_loop3A_1113, %parallel_loop3A_1115 : vector<16xi32>
        %parallel_loop3A_1117 = arith.constant 128 : i32
        %parallel_loop3A_1118 = vector.broadcast %parallel_loop3A_1117 : i32 to vector<16xi32>
        %parallel_loop3A_1119 = arith.cmpi slt, %parallel_loop3A_1113, %parallel_loop3A_1118 : vector<16xi32>
        %parallel_loop3A_1120 = arith.andi %parallel_loop3A_1116, %parallel_loop3A_1119 : vector<16xi1>
        %parallel_loop3A_1121 = arith.constant 100 : i32
        %parallel_loop3A_1122 = vector.broadcast %parallel_loop3A_1121 : i32 to vector<16xi32>
        %parallel_loop3A_1123 = arith.maxsi %parallel_loop3A_1113, %parallel_loop3A_1122 : vector<16xi32>
        %parallel_loop3A_1124 = arith.constant 127 : i32
        %parallel_loop3A_1125 = vector.broadcast %parallel_loop3A_1124 : i32 to vector<16xi32>
        %parallel_loop3A_1126 = arith.minsi %parallel_loop3A_1123, %parallel_loop3A_1125 : vector<16xi32>
        %parallel_loop3A_1127 = arith.constant 100 : i32
        %parallel_loop3A_1128 = vector.broadcast %parallel_loop3A_1127 : i32 to vector<16xi32>
        %parallel_loop3A_1129 = arith.subi %parallel_loop3A_1126, %parallel_loop3A_1128 : vector<16xi32>
        %parallel_loop3A_1130 = tpu.vector_load_idx %arg16[%add3A_3, %parallel_loop3A_1129] : memref<64x128xf32, #tpu.memory_space<vmem>>[vector<16xi32>, vector<16xi32>], vector<16xf32>,
        %parallel_loop3A_1131 = tpu.vector_load_idx %arg16[%add3A_6, %parallel_loop3A_1129] : memref<64x128xf32, #tpu.memory_space<vmem>>[vector<16xi32>, vector<16xi32>], vector<16xf32>,
        %parallel_loop3A_1132 = tpu.vector_load_idx %arg16[%add3A_9, %parallel_loop3A_1129] : memref<64x128xf32, #tpu.memory_space<vmem>>[vector<16xi32>, vector<16xi32>], vector<16xf32>,
        %parallel_loop3A_1133 = tpu.vector_load_idx %arg16[%add3A_12, %parallel_loop3A_1129] : memref<64x128xf32, #tpu.memory_space<vmem>>[vector<16xi32>, vector<16xi32>], vector<16xf32>,
        %parallel_loop3A_1134 = tpu.vector_load_idx %arg16[%add3A_3, %parallel_loop3A_1126] : memref<64x128xf32, #tpu.memory_space<vmem>>[vector<16xi32>, vector<16xi32>], vector<16xf32>,
        %parallel_loop3A_1135 = tpu.vector_load_idx %arg16[%add3A_6, %parallel_loop3A_1126] : memref<64x128xf32, #tpu.memory_space<vmem>>[vector<16xi32>, vector<16xi32>], vector<16xf32>,
        %parallel_loop3A_1136 = tpu.vector_load_idx %arg16[%add3A_9, %parallel_loop3A_1126] : memref<64x128xf32, #tpu.memory_space<vmem>>[vector<16xi32>, vector<16xi32>], vector<16xf32>,
        %parallel_loop3A_1137 = tpu.vector_load_idx %arg16[%add3A_12, %parallel_loop3A_1126] : memref<64x128xf32, #tpu.memory_space<vmem>>[vector<16xi32>, vector<16xi32>], vector<16xf32>,
        %parallel_loop3A_1138 = arith.mulf %exp3A_655, %parallel_loop3A_1130 : vector<16xf32>
        %parallel_loop3A_1139 = arith.subf %parallel_loop3A_1134, %parallel_loop3A_1138 : vector<16xf32>
        tpu.vector_store_idx %arg16[%add3A_3, %parallel_loop3A_1126], %parallel_loop3A_1139 masked %parallel_loop3A_1120 : memref<64x128xf32, #tpu.memory_space<vmem>>[vector<16xi32>, vector<16xi32>], vector<16xf32>, vector<16xi1>
        %parallel_loop3A_1140 = arith.mulf %exp3A_688, %parallel_loop3A_1131 : vector<16xf32>
        %parallel_loop3A_1141 = arith.subf %parallel_loop3A_1135, %parallel_loop3A_1140 : vector<16xf32>
        tpu.vector_store_idx %arg16[%add3A_6, %parallel_loop3A_1126], %parallel_loop3A_1141 masked %parallel_loop3A_1120 : memref<64x128xf32, #tpu.memory_space<vmem>>[vector<16xi32>, vector<16xi32>], vector<16xf32>, vector<16xi1>
        %parallel_loop3A_1142 = arith.mulf %exp3A_721, %parallel_loop3A_1132 : vector<16xf32>
        %parallel_loop3A_1143 = arith.subf %parallel_loop3A_1136, %parallel_loop3A_1142 : vector<16xf32>
        tpu.vector_store_idx %arg16[%add3A_9, %parallel_loop3A_1126], %parallel_loop3A_1143 masked %parallel_loop3A_1120 : memref<64x128xf32, #tpu.memory_space<vmem>>[vector<16xi32>, vector<16xi32>], vector<16xf32>, vector<16xi1>
        %parallel_loop3A_1144 = arith.mulf %exp3A_754, %parallel_loop3A_1133 : vector<16xf32>
        %parallel_loop3A_1145 = arith.subf %parallel_loop3A_1137, %parallel_loop3A_1144 : vector<16xf32>
        tpu.vector_store_idx %arg16[%add3A_12, %parallel_loop3A_1126], %parallel_loop3A_1145 masked %parallel_loop3A_1120 : memref<64x128xf32, #tpu.memory_space<vmem>>[vector<16xi32>, vector<16xi32>], vector<16xf32>, vector<16xi1>
      } {sc.loop_unroll_factor = 2 : i64, sc.parallel_access}
      %dma_start3A_776 = arith.constant 0 : i32
      %dma_start3A_777 = arith.constant 0 : i32
      %dma_start3A_778 = tpu.memref_slice %arg8[%dma_start3A_776, %dma_start3A_777] : memref<10112x128xf32, #tpu.memory_space<vmem_shared>> -> memref<10112x128xf32, #tpu.memory_space<vmem_shared>>
      tpu.enqueue_indirect_dma source(%arg16 : memref<64x128xf32, #tpu.memory_space<vmem>>) target(%dma_start3A_778 : memref<10112x128xf32, #tpu.memory_space<vmem_shared>>) offsets(%arg12 : memref<64xi32, #tpu.memory_space<vmem>>) semaphore(%arg24 : memref<!tpu.dma_semaphore, #tpu.memory_space<semaphore_mem>>) {add = true}
      %mul3A_779 = arith.constant 4 : i32
      %mul3A_780 = arith.muli %mul3A_779, %scan3A_459 : i32
      %add3A_781 = arith.constant 2 : i32
      %add3A_782 = arith.addi %mul3A_780, %add3A_781 : i32
      tpu.wait_dma2 semaphore(%arg21 : memref<!tpu.dma_semaphore, #tpu.memory_space<semaphore_mem>>) src(%arg6 : memref<64x128xf32, #tpu.memory_space<hbm>>) dst(%arg17 : memref<64x128xf32, #tpu.memory_space<vmem>>)
      %add3A_783 = arith.constant 3 : i32
      %add3A_784 = arith.addi %add3A_782, %add3A_783 : i32
      %lt3A_785 = arith.constant 84 : i32
      %lt3A_786 = arith.cmpi slt, %add3A_784, %lt3A_785 : i32
      %convert_element_type3A_787 = arith.extui %lt3A_786 : i1 to i32
      %cond3A_788 = arith.constant 0 : i32
      %cond3A_789 = arith.cmpi ne, %convert_element_type3A_787, %cond3A_788 : i32
      scf.if %cond3A_789 {
        %ge3A_1111 = arith.constant 1 : i32
        %ge3A_1112 = arith.cmpi sge, %add3A_782, %ge3A_1111 : i32
        %convert_element_type3A_1113 = arith.extui %ge3A_1112 : i1 to i32
        %cond3A_1114 = arith.constant 0 : i32
        %cond3A_1115 = arith.cmpi ne, %convert_element_type3A_1113, %cond3A_1114 : i32
        scf.if %cond3A_1115 {
          tpu.wait_dma2 semaphore(%arg24 : memref<!tpu.dma_semaphore, #tpu.memory_space<semaphore_mem>>) src(%arg6 : memref<64x128xf32, #tpu.memory_space<hbm>>) dst(%arg16 : memref<64x128xf32, #tpu.memory_space<vmem>>)
          %add3A_1129 = arith.constant 3 : i32
          %add3A_1130 = arith.addi %add3A_782, %add3A_1129 : i32
          %dma_start3A_1131 = arith.constant 0 : i32
          %dma_start3A_1132 = tpu.memref_slice %arg5[%add3A, %add3A_1130, %dma_start3A_1131] : memref<32x84x64xi32, #tpu.memory_space<hbm>> -> memref<1x1x64xi32, #tpu.memory_space<hbm>>
          %dma_start3A_1133 = tpu.memref_squeeze %dma_start3A_1132 : memref<1x1x64xi32, #tpu.memory_space<hbm>> -> memref<64xi32, #tpu.memory_space<hbm>>
          %dma_start3A_1134 = arith.constant 0 : i32
          %dma_start3A_1135 = tpu.memref_slice %arg5[%add3A, %add3A_1130, %dma_start3A_1134] : memref<32x84x64xi32, #tpu.memory_space<hbm>> -> memref<1x1x64xi32, #tpu.memory_space<hbm>>
          %dma_start3A_1136 = tpu.memref_squeeze %dma_start3A_1135 : memref<1x1x64xi32, #tpu.memory_space<hbm>> -> memref<64xi32, #tpu.memory_space<hbm>>
          tpu.enqueue_dma source(%dma_start3A_1136 : memref<64xi32, #tpu.memory_space<hbm>>) target(%arg12 : memref<64xi32, #tpu.memory_space<vmem>>) target_semaphore(%arg28 : memref<!tpu.dma_semaphore, #tpu.memory_space<semaphore_mem>>)
        } else {
        }
        %add3A_1116 = arith.constant 3 : i32
        %add3A_1117 = arith.addi %add3A_782, %add3A_1116 : i32
        %shift_right_logical3A_1118 = arith.constant 1 : i32
        %shift_right_logical3A_1119 = arith.shrui %add3A_1117, %shift_right_logical3A_1118 : i32
        %and3A_1120 = arith.constant 1 : i32
        %and3A_1121 = arith.andi %add3A_1117, %and3A_1120 : i32
        %mul3A_1122 = arith.constant 64 : i32
        %mul3A_1123 = arith.muli %and3A_1121, %mul3A_1122 : i32
        %dma_start3A_1124 = tpu.memref_slice %arg10[%shift_right_logical3A_1119, %mul3A_1123] : memref<42x128xi32, #tpu.memory_space<vmem>> -> memref<1x64xi32, #tpu.memory_space<vmem>>
        %dma_start3A_1125 = tpu.memref_squeeze %dma_start3A_1124 : memref<1x64xi32, #tpu.memory_space<vmem>> -> memref<64xi32, #tpu.memory_space<vmem>>
        %dma_start3A_1126 = arith.constant 0 : i32
        %dma_start3A_1127 = arith.constant 0 : i32
        %dma_start3A_1128 = tpu.memref_slice %arg2[%dma_start3A_1126, %dma_start3A_1127] : memref<10000x128xf32, #tpu.memory_space<hbm>> -> memref<10000x128xf32, #tpu.memory_space<hbm>>
        tpu.enqueue_indirect_dma source(%dma_start3A_1128 : memref<10000x128xf32, #tpu.memory_space<hbm>>) target(%arg16 : memref<64x128xf32, #tpu.memory_space<vmem>>) offsets(%dma_start3A_1125 : memref<64xi32, #tpu.memory_space<vmem>>) semaphore(%arg20 : memref<!tpu.dma_semaphore, #tpu.memory_space<semaphore_mem>>)
      } else {
      }
      %ge3A_790 = arith.constant 4 : i32
      %ge3A_791 = arith.cmpi sge, %add3A_782, %ge3A_790 : i32
      %convert_element_type3A_792 = arith.extui %ge3A_791 : i1 to i32
      %cond3A_793 = arith.constant 0 : i32
      %cond3A_794 = arith.cmpi ne, %convert_element_type3A_792, %cond3A_793 : i32
      scf.if %cond3A_794 {
        %dma_wait3A_1111 = arith.constant 0 : i32
        %dma_wait3A_1112 = tpu.memref_slice %arg5[%add3A, %add3A_782, %dma_wait3A_1111] : memref<32x84x64xi32, #tpu.memory_space<hbm>> -> memref<1x1x64xi32, #tpu.memory_space<hbm>>
        %dma_wait3A_1113 = tpu.memref_squeeze %dma_wait3A_1112 : memref<1x1x64xi32, #tpu.memory_space<hbm>> -> memref<64xi32, #tpu.memory_space<hbm>>
        %dma_wait3A_1114 = arith.constant 0 : i32
        %dma_wait3A_1115 = tpu.memref_slice %arg5[%add3A, %add3A_782, %dma_wait3A_1114] : memref<32x84x64xi32, #tpu.memory_space<hbm>> -> memref<1x1x64xi32, #tpu.memory_space<hbm>>
        %dma_wait3A_1116 = tpu.memref_squeeze %dma_wait3A_1115 : memref<1x1x64xi32, #tpu.memory_space<hbm>> -> memref<64xi32, #tpu.memory_space<hbm>>
        tpu.wait_dma2 semaphore(%arg29 : memref<!tpu.dma_semaphore, #tpu.memory_space<semaphore_mem>>) src(%dma_wait3A_1116 : memref<64xi32, #tpu.memory_space<hbm>>) dst(%arg13 : memref<64xi32, #tpu.memory_space<vmem>>)
      } else {
      }
      %shift_right_logical3A_795 = arith.constant 1 : i32
      %shift_right_logical3A_796 = arith.shrui %add3A_782, %shift_right_logical3A_795 : i32
      %and3A_797 = arith.constant 1 : i32
      %and3A_798 = arith.andi %add3A_782, %and3A_797 : i32
      %mul3A_799 = arith.constant 64 : i32
      %mul3A_800 = arith.muli %and3A_798, %mul3A_799 : i32
      %add3A_801 = arith.constant 0 : i32
      %add3A_802 = arith.addi %mul3A_800, %add3A_801 : i32
      %get3A_803 = arith.index_cast %shift_right_logical3A_796 : i32 to index
      %get3A_804 = arith.index_cast %add3A_802 : i32 to index
      %get3A_805 = tpu.vector_load %arg10[%get3A_803, %get3A_804] {strides = array<i32>} : memref<42x128xi32, #tpu.memory_space<vmem>>, vector<16xi32>,
      %get3A_806 = arith.constant 0 : index
      %get3A_807 = tpu.vector_load %arg13[%get3A_806] {strides = array<i32>} : memref<64xi32, #tpu.memory_space<vmem>>, vector<16xi32>,
      %gather3A_808 = tpu.vector_load_idx %arg9[%get3A_805] : memref<10016xf32, #tpu.memory_space<vmem>>[vector<16xi32>], vector<16xf32>,
      %gather3A_809 = tpu.vector_load_idx %arg9[%get3A_807] : memref<10016xf32, #tpu.memory_space<vmem>>[vector<16xi32>], vector<16xf32>,
      %add3A_810 = arith.addf %gather3A_808, %gather3A_809 : vector<16xf32>
      %div3A_811 = arith.constant 2.000000e+00 : f32
      %div3A_812 = vector.broadcast %div3A_811 : f32 to vector<16xf32>
      %div3A_813 = arith.divf %div3A_812, %add3A_810 : vector<16xf32>
      %neg3A_814 = arith.constant 0.000000e+00 : f32
      %neg3A_815 = vector.broadcast %neg3A_814 : f32 to vector<16xf32>
      %neg3A_816 = arith.subf %neg3A_815, %div3A_813 : vector<16xf32>
      %exp3A_817 = math.exp %neg3A_816 : vector<16xf32>
      %mul3A_818 = arith.constant -1.000000e+02 : f32
      %mul3A_819 = vector.broadcast %mul3A_818 : f32 to vector<16xf32>
      %mul3A_820 = arith.mulf %mul3A_819, %div3A_813 : vector<16xf32>
      %exp3A_821 = math.exp %mul3A_820 : vector<16xf32>
      %sub3A_822 = arith.constant 1.000000e+00 : f32
      %sub3A_823 = vector.broadcast %sub3A_822 : f32 to vector<16xf32>
      %sub3A_824 = arith.subf %sub3A_823, %exp3A_821 : vector<16xf32>
      %mul3A_825 = arith.mulf %div3A_813, %sub3A_824 : vector<16xf32>
      %sub3A_826 = arith.constant 1.000000e+00 : f32
      %sub3A_827 = vector.broadcast %sub3A_826 : f32 to vector<16xf32>
      %sub3A_828 = arith.subf %sub3A_827, %exp3A_817 : vector<16xf32>
      %div3A_829 = arith.divf %mul3A_825, %sub3A_828 : vector<16xf32>
      %add3A_830 = arith.constant 9.99999993E-9 : f32
      %add3A_831 = vector.broadcast %add3A_830 : f32 to vector<16xf32>
      %add3A_832 = arith.addf %div3A_829, %add3A_831 : vector<16xf32>
      %div3A_833 = arith.divf %div3A_813, %add3A_832 : vector<16xf32>
      %add3A_834 = arith.constant 16 : i32
      %add3A_835 = arith.addi %mul3A_800, %add3A_834 : i32
      %get3A_836 = arith.index_cast %shift_right_logical3A_796 : i32 to index
      %get3A_837 = arith.index_cast %add3A_835 : i32 to index
      %get3A_838 = tpu.vector_load %arg10[%get3A_836, %get3A_837] {strides = array<i32>} : memref<42x128xi32, #tpu.memory_space<vmem>>, vector<16xi32>,
      %get3A_839 = arith.constant 16 : index
      %get3A_840 = tpu.vector_load %arg13[%get3A_839] {strides = array<i32>} : memref<64xi32, #tpu.memory_space<vmem>>, vector<16xi32>,
      %gather3A_841 = tpu.vector_load_idx %arg9[%get3A_838] : memref<10016xf32, #tpu.memory_space<vmem>>[vector<16xi32>], vector<16xf32>,
      %gather3A_842 = tpu.vector_load_idx %arg9[%get3A_840] : memref<10016xf32, #tpu.memory_space<vmem>>[vector<16xi32>], vector<16xf32>,
      %add3A_843 = arith.addf %gather3A_841, %gather3A_842 : vector<16xf32>
      %div3A_844 = arith.constant 2.000000e+00 : f32
      %div3A_845 = vector.broadcast %div3A_844 : f32 to vector<16xf32>
      %div3A_846 = arith.divf %div3A_845, %add3A_843 : vector<16xf32>
      %neg3A_847 = arith.constant 0.000000e+00 : f32
      %neg3A_848 = vector.broadcast %neg3A_847 : f32 to vector<16xf32>
      %neg3A_849 = arith.subf %neg3A_848, %div3A_846 : vector<16xf32>
      %exp3A_850 = math.exp %neg3A_849 : vector<16xf32>
      %mul3A_851 = arith.constant -1.000000e+02 : f32
      %mul3A_852 = vector.broadcast %mul3A_851 : f32 to vector<16xf32>
      %mul3A_853 = arith.mulf %mul3A_852, %div3A_846 : vector<16xf32>
      %exp3A_854 = math.exp %mul3A_853 : vector<16xf32>
      %sub3A_855 = arith.constant 1.000000e+00 : f32
      %sub3A_856 = vector.broadcast %sub3A_855 : f32 to vector<16xf32>
      %sub3A_857 = arith.subf %sub3A_856, %exp3A_854 : vector<16xf32>
      %mul3A_858 = arith.mulf %div3A_846, %sub3A_857 : vector<16xf32>
      %sub3A_859 = arith.constant 1.000000e+00 : f32
      %sub3A_860 = vector.broadcast %sub3A_859 : f32 to vector<16xf32>
      %sub3A_861 = arith.subf %sub3A_860, %exp3A_850 : vector<16xf32>
      %div3A_862 = arith.divf %mul3A_858, %sub3A_861 : vector<16xf32>
      %add3A_863 = arith.constant 9.99999993E-9 : f32
      %add3A_864 = vector.broadcast %add3A_863 : f32 to vector<16xf32>
      %add3A_865 = arith.addf %div3A_862, %add3A_864 : vector<16xf32>
      %div3A_866 = arith.divf %div3A_846, %add3A_865 : vector<16xf32>
      %add3A_867 = arith.constant 32 : i32
      %add3A_868 = arith.addi %mul3A_800, %add3A_867 : i32
      %get3A_869 = arith.index_cast %shift_right_logical3A_796 : i32 to index
      %get3A_870 = arith.index_cast %add3A_868 : i32 to index
      %get3A_871 = tpu.vector_load %arg10[%get3A_869, %get3A_870] {strides = array<i32>} : memref<42x128xi32, #tpu.memory_space<vmem>>, vector<16xi32>,
      %get3A_872 = arith.constant 32 : index
      %get3A_873 = tpu.vector_load %arg13[%get3A_872] {strides = array<i32>} : memref<64xi32, #tpu.memory_space<vmem>>, vector<16xi32>,
      %gather3A_874 = tpu.vector_load_idx %arg9[%get3A_871] : memref<10016xf32, #tpu.memory_space<vmem>>[vector<16xi32>], vector<16xf32>,
      %gather3A_875 = tpu.vector_load_idx %arg9[%get3A_873] : memref<10016xf32, #tpu.memory_space<vmem>>[vector<16xi32>], vector<16xf32>,
      %add3A_876 = arith.addf %gather3A_874, %gather3A_875 : vector<16xf32>
      %div3A_877 = arith.constant 2.000000e+00 : f32
      %div3A_878 = vector.broadcast %div3A_877 : f32 to vector<16xf32>
      %div3A_879 = arith.divf %div3A_878, %add3A_876 : vector<16xf32>
      %neg3A_880 = arith.constant 0.000000e+00 : f32
      %neg3A_881 = vector.broadcast %neg3A_880 : f32 to vector<16xf32>
      %neg3A_882 = arith.subf %neg3A_881, %div3A_879 : vector<16xf32>
      %exp3A_883 = math.exp %neg3A_882 : vector<16xf32>
      %mul3A_884 = arith.constant -1.000000e+02 : f32
      %mul3A_885 = vector.broadcast %mul3A_884 : f32 to vector<16xf32>
      %mul3A_886 = arith.mulf %mul3A_885, %div3A_879 : vector<16xf32>
      %exp3A_887 = math.exp %mul3A_886 : vector<16xf32>
      %sub3A_888 = arith.constant 1.000000e+00 : f32
      %sub3A_889 = vector.broadcast %sub3A_888 : f32 to vector<16xf32>
      %sub3A_890 = arith.subf %sub3A_889, %exp3A_887 : vector<16xf32>
      %mul3A_891 = arith.mulf %div3A_879, %sub3A_890 : vector<16xf32>
      %sub3A_892 = arith.constant 1.000000e+00 : f32
      %sub3A_893 = vector.broadcast %sub3A_892 : f32 to vector<16xf32>
      %sub3A_894 = arith.subf %sub3A_893, %exp3A_883 : vector<16xf32>
      %div3A_895 = arith.divf %mul3A_891, %sub3A_894 : vector<16xf32>
      %add3A_896 = arith.constant 9.99999993E-9 : f32
      %add3A_897 = vector.broadcast %add3A_896 : f32 to vector<16xf32>
      %add3A_898 = arith.addf %div3A_895, %add3A_897 : vector<16xf32>
      %div3A_899 = arith.divf %div3A_879, %add3A_898 : vector<16xf32>
      %add3A_900 = arith.constant 48 : i32
      %add3A_901 = arith.addi %mul3A_800, %add3A_900 : i32
      %get3A_902 = arith.index_cast %shift_right_logical3A_796 : i32 to index
      %get3A_903 = arith.index_cast %add3A_901 : i32 to index
      %get3A_904 = tpu.vector_load %arg10[%get3A_902, %get3A_903] {strides = array<i32>} : memref<42x128xi32, #tpu.memory_space<vmem>>, vector<16xi32>,
      %get3A_905 = arith.constant 48 : index
      %get3A_906 = tpu.vector_load %arg13[%get3A_905] {strides = array<i32>} : memref<64xi32, #tpu.memory_space<vmem>>, vector<16xi32>,
      %gather3A_907 = tpu.vector_load_idx %arg9[%get3A_904] : memref<10016xf32, #tpu.memory_space<vmem>>[vector<16xi32>], vector<16xf32>,
      %gather3A_908 = tpu.vector_load_idx %arg9[%get3A_906] : memref<10016xf32, #tpu.memory_space<vmem>>[vector<16xi32>], vector<16xf32>,
      %add3A_909 = arith.addf %gather3A_907, %gather3A_908 : vector<16xf32>
      %div3A_910 = arith.constant 2.000000e+00 : f32
      %div3A_911 = vector.broadcast %div3A_910 : f32 to vector<16xf32>
      %div3A_912 = arith.divf %div3A_911, %add3A_909 : vector<16xf32>
      %neg3A_913 = arith.constant 0.000000e+00 : f32
      %neg3A_914 = vector.broadcast %neg3A_913 : f32 to vector<16xf32>
      %neg3A_915 = arith.subf %neg3A_914, %div3A_912 : vector<16xf32>
      %exp3A_916 = math.exp %neg3A_915 : vector<16xf32>
      %mul3A_917 = arith.constant -1.000000e+02 : f32
      %mul3A_918 = vector.broadcast %mul3A_917 : f32 to vector<16xf32>
      %mul3A_919 = arith.mulf %mul3A_918, %div3A_912 : vector<16xf32>
      %exp3A_920 = math.exp %mul3A_919 : vector<16xf32>
      %sub3A_921 = arith.constant 1.000000e+00 : f32
      %sub3A_922 = vector.broadcast %sub3A_921 : f32 to vector<16xf32>
      %sub3A_923 = arith.subf %sub3A_922, %exp3A_920 : vector<16xf32>
      %mul3A_924 = arith.mulf %div3A_912, %sub3A_923 : vector<16xf32>
      %sub3A_925 = arith.constant 1.000000e+00 : f32
      %sub3A_926 = vector.broadcast %sub3A_925 : f32 to vector<16xf32>
      %sub3A_927 = arith.subf %sub3A_926, %exp3A_916 : vector<16xf32>
      %div3A_928 = arith.divf %mul3A_924, %sub3A_927 : vector<16xf32>
      %add3A_929 = arith.constant 9.99999993E-9 : f32
      %add3A_930 = vector.broadcast %add3A_929 : f32 to vector<16xf32>
      %add3A_931 = arith.addf %div3A_928, %add3A_930 : vector<16xf32>
      %div3A_932 = arith.divf %div3A_912, %add3A_931 : vector<16xf32>
      %broadcast_in_dim3A_933 = arith.constant 0.000000e+00 : f32
      %broadcast_in_dim3A_934 = vector.broadcast %broadcast_in_dim3A_933 : f32 to vector<16xf32>
      %parallel_loop3A_935 = arith.constant 0 : i32
      %parallel_loop3A_936 = arith.constant 144 : i32
      %parallel_loop3A_937 = arith.constant 1 : i32
      %parallel_loop3A_938:4 = scf.for %parallel_loop3A_1111 = %parallel_loop3A_935 to %parallel_loop3A_936 step %parallel_loop3A_937 iter_args(%parallel_loop3A_1112 = %broadcast_in_dim3A_934, %parallel_loop3A_1113 = %broadcast_in_dim3A_934, %parallel_loop3A_1114 = %broadcast_in_dim3A_934, %parallel_loop3A_1115 = %broadcast_in_dim3A_934) -> (vector<16xf32>, vector<16xf32>, vector<16xf32>, vector<16xf32>)  : i32 {
        %parallel_loop3A_1116 = vector.broadcast %parallel_loop3A_1111 : i32 to vector<16xi32>
        %parallel_loop3A_1117 = arith.subi %parallel_loop3A_1116, %iota3A : vector<16xi32>
        %parallel_loop3A_1118 = arith.constant 0 : i32
        %parallel_loop3A_1119 = vector.broadcast %parallel_loop3A_1118 : i32 to vector<16xi32>
        %parallel_loop3A_1120 = arith.cmpi sge, %parallel_loop3A_1117, %parallel_loop3A_1119 : vector<16xi32>
        %parallel_loop3A_1121 = arith.constant 128 : i32
        %parallel_loop3A_1122 = vector.broadcast %parallel_loop3A_1121 : i32 to vector<16xi32>
        %parallel_loop3A_1123 = arith.cmpi slt, %parallel_loop3A_1117, %parallel_loop3A_1122 : vector<16xi32>
        %parallel_loop3A_1124 = arith.andi %parallel_loop3A_1120, %parallel_loop3A_1123 : vector<16xi1>
        %parallel_loop3A_1125 = arith.constant 0 : i32
        %parallel_loop3A_1126 = vector.broadcast %parallel_loop3A_1125 : i32 to vector<16xi32>
        %parallel_loop3A_1127 = arith.maxsi %parallel_loop3A_1117, %parallel_loop3A_1126 : vector<16xi32>
        %parallel_loop3A_1128 = arith.constant 127 : i32
        %parallel_loop3A_1129 = vector.broadcast %parallel_loop3A_1128 : i32 to vector<16xi32>
        %parallel_loop3A_1130 = arith.minsi %parallel_loop3A_1127, %parallel_loop3A_1129 : vector<16xi32>
        %parallel_loop3A_1131 = tpu.vector_load_idx %arg17[%add3A_3, %parallel_loop3A_1130] : memref<64x128xf32, #tpu.memory_space<vmem>>[vector<16xi32>, vector<16xi32>], vector<16xf32>,
        %parallel_loop3A_1132 = tpu.vector_load_idx %arg17[%add3A_6, %parallel_loop3A_1130] : memref<64x128xf32, #tpu.memory_space<vmem>>[vector<16xi32>, vector<16xi32>], vector<16xf32>,
        %parallel_loop3A_1133 = tpu.vector_load_idx %arg17[%add3A_9, %parallel_loop3A_1130] : memref<64x128xf32, #tpu.memory_space<vmem>>[vector<16xi32>, vector<16xi32>], vector<16xf32>,
        %parallel_loop3A_1134 = tpu.vector_load_idx %arg17[%add3A_12, %parallel_loop3A_1130] : memref<64x128xf32, #tpu.memory_space<vmem>>[vector<16xi32>, vector<16xi32>], vector<16xf32>,
        %parallel_loop3A_1135 = arith.constant 0.000000e+00 : f32
        %parallel_loop3A_1136 = vector.broadcast %parallel_loop3A_1135 : f32 to vector<16xf32>
        %parallel_loop3A_1137 = arith.select %parallel_loop3A_1124, %parallel_loop3A_1131, %parallel_loop3A_1136 : vector<16xi1>, vector<16xf32>
        %parallel_loop3A_1138 = arith.mulf %exp3A_817, %parallel_loop3A_1112 : vector<16xf32>
        %parallel_loop3A_1139 = arith.addf %parallel_loop3A_1137, %parallel_loop3A_1138 : vector<16xf32>
        %parallel_loop3A_1140 = arith.constant 0.000000e+00 : f32
        %parallel_loop3A_1141 = vector.broadcast %parallel_loop3A_1140 : f32 to vector<16xf32>
        %parallel_loop3A_1142 = arith.select %parallel_loop3A_1124, %parallel_loop3A_1132, %parallel_loop3A_1141 : vector<16xi1>, vector<16xf32>
        %parallel_loop3A_1143 = arith.mulf %exp3A_850, %parallel_loop3A_1113 : vector<16xf32>
        %parallel_loop3A_1144 = arith.addf %parallel_loop3A_1142, %parallel_loop3A_1143 : vector<16xf32>
        %parallel_loop3A_1145 = arith.constant 0.000000e+00 : f32
        %parallel_loop3A_1146 = vector.broadcast %parallel_loop3A_1145 : f32 to vector<16xf32>
        %parallel_loop3A_1147 = arith.select %parallel_loop3A_1124, %parallel_loop3A_1133, %parallel_loop3A_1146 : vector<16xi1>, vector<16xf32>
        %parallel_loop3A_1148 = arith.mulf %exp3A_883, %parallel_loop3A_1114 : vector<16xf32>
        %parallel_loop3A_1149 = arith.addf %parallel_loop3A_1147, %parallel_loop3A_1148 : vector<16xf32>
        %parallel_loop3A_1150 = arith.constant 0.000000e+00 : f32
        %parallel_loop3A_1151 = vector.broadcast %parallel_loop3A_1150 : f32 to vector<16xf32>
        %parallel_loop3A_1152 = arith.select %parallel_loop3A_1124, %parallel_loop3A_1134, %parallel_loop3A_1151 : vector<16xi1>, vector<16xf32>
        %parallel_loop3A_1153 = arith.mulf %exp3A_916, %parallel_loop3A_1115 : vector<16xf32>
        %parallel_loop3A_1154 = arith.addf %parallel_loop3A_1152, %parallel_loop3A_1153 : vector<16xf32>
        %parallel_loop3A_1155 = arith.mulf %div3A_833, %parallel_loop3A_1139 : vector<16xf32>
        tpu.vector_store_idx %arg17[%add3A_3, %parallel_loop3A_1130], %parallel_loop3A_1155 masked %parallel_loop3A_1124 : memref<64x128xf32, #tpu.memory_space<vmem>>[vector<16xi32>, vector<16xi32>], vector<16xf32>, vector<16xi1>
        %parallel_loop3A_1156 = arith.mulf %div3A_866, %parallel_loop3A_1144 : vector<16xf32>
        tpu.vector_store_idx %arg17[%add3A_6, %parallel_loop3A_1130], %parallel_loop3A_1156 masked %parallel_loop3A_1124 : memref<64x128xf32, #tpu.memory_space<vmem>>[vector<16xi32>, vector<16xi32>], vector<16xf32>, vector<16xi1>
        %parallel_loop3A_1157 = arith.mulf %div3A_899, %parallel_loop3A_1149 : vector<16xf32>
        tpu.vector_store_idx %arg17[%add3A_9, %parallel_loop3A_1130], %parallel_loop3A_1157 masked %parallel_loop3A_1124 : memref<64x128xf32, #tpu.memory_space<vmem>>[vector<16xi32>, vector<16xi32>], vector<16xf32>, vector<16xi1>
        %parallel_loop3A_1158 = arith.mulf %div3A_932, %parallel_loop3A_1154 : vector<16xf32>
        tpu.vector_store_idx %arg17[%add3A_12, %parallel_loop3A_1130], %parallel_loop3A_1158 masked %parallel_loop3A_1124 : memref<64x128xf32, #tpu.memory_space<vmem>>[vector<16xi32>, vector<16xi32>], vector<16xf32>, vector<16xi1>
        scf.yield %parallel_loop3A_1139, %parallel_loop3A_1144, %parallel_loop3A_1149, %parallel_loop3A_1154 : vector<16xf32>, vector<16xf32>, vector<16xf32>, vector<16xf32>
      } {sc.loop_unroll_factor = 2 : i64, sc.parallel_access}
      %parallel_loop3A_939 = arith.constant 100 : i32
      %parallel_loop3A_940 = arith.constant 144 : i32
      %parallel_loop3A_941 = arith.constant 1 : i32
      scf.for %parallel_loop3A_1111 = %parallel_loop3A_939 to %parallel_loop3A_940 step %parallel_loop3A_941  : i32 {
        %parallel_loop3A_1112 = vector.broadcast %parallel_loop3A_1111 : i32 to vector<16xi32>
        %parallel_loop3A_1113 = arith.subi %parallel_loop3A_1112, %iota3A : vector<16xi32>
        %parallel_loop3A_1114 = arith.constant 100 : i32
        %parallel_loop3A_1115 = vector.broadcast %parallel_loop3A_1114 : i32 to vector<16xi32>
        %parallel_loop3A_1116 = arith.cmpi sge, %parallel_loop3A_1113, %parallel_loop3A_1115 : vector<16xi32>
        %parallel_loop3A_1117 = arith.constant 128 : i32
        %parallel_loop3A_1118 = vector.broadcast %parallel_loop3A_1117 : i32 to vector<16xi32>
        %parallel_loop3A_1119 = arith.cmpi slt, %parallel_loop3A_1113, %parallel_loop3A_1118 : vector<16xi32>
        %parallel_loop3A_1120 = arith.andi %parallel_loop3A_1116, %parallel_loop3A_1119 : vector<16xi1>
        %parallel_loop3A_1121 = arith.constant 100 : i32
        %parallel_loop3A_1122 = vector.broadcast %parallel_loop3A_1121 : i32 to vector<16xi32>
        %parallel_loop3A_1123 = arith.maxsi %parallel_loop3A_1113, %parallel_loop3A_1122 : vector<16xi32>
        %parallel_loop3A_1124 = arith.constant 127 : i32
        %parallel_loop3A_1125 = vector.broadcast %parallel_loop3A_1124 : i32 to vector<16xi32>
        %parallel_loop3A_1126 = arith.minsi %parallel_loop3A_1123, %parallel_loop3A_1125 : vector<16xi32>
        %parallel_loop3A_1127 = arith.constant 100 : i32
        %parallel_loop3A_1128 = vector.broadcast %parallel_loop3A_1127 : i32 to vector<16xi32>
        %parallel_loop3A_1129 = arith.subi %parallel_loop3A_1126, %parallel_loop3A_1128 : vector<16xi32>
        %parallel_loop3A_1130 = tpu.vector_load_idx %arg17[%add3A_3, %parallel_loop3A_1129] : memref<64x128xf32, #tpu.memory_space<vmem>>[vector<16xi32>, vector<16xi32>], vector<16xf32>,
        %parallel_loop3A_1131 = tpu.vector_load_idx %arg17[%add3A_6, %parallel_loop3A_1129] : memref<64x128xf32, #tpu.memory_space<vmem>>[vector<16xi32>, vector<16xi32>], vector<16xf32>,
        %parallel_loop3A_1132 = tpu.vector_load_idx %arg17[%add3A_9, %parallel_loop3A_1129] : memref<64x128xf32, #tpu.memory_space<vmem>>[vector<16xi32>, vector<16xi32>], vector<16xf32>,
        %parallel_loop3A_1133 = tpu.vector_load_idx %arg17[%add3A_12, %parallel_loop3A_1129] : memref<64x128xf32, #tpu.memory_space<vmem>>[vector<16xi32>, vector<16xi32>], vector<16xf32>,
        %parallel_loop3A_1134 = tpu.vector_load_idx %arg17[%add3A_3, %parallel_loop3A_1126] : memref<64x128xf32, #tpu.memory_space<vmem>>[vector<16xi32>, vector<16xi32>], vector<16xf32>,
        %parallel_loop3A_1135 = tpu.vector_load_idx %arg17[%add3A_6, %parallel_loop3A_1126] : memref<64x128xf32, #tpu.memory_space<vmem>>[vector<16xi32>, vector<16xi32>], vector<16xf32>,
        %parallel_loop3A_1136 = tpu.vector_load_idx %arg17[%add3A_9, %parallel_loop3A_1126] : memref<64x128xf32, #tpu.memory_space<vmem>>[vector<16xi32>, vector<16xi32>], vector<16xf32>,
        %parallel_loop3A_1137 = tpu.vector_load_idx %arg17[%add3A_12, %parallel_loop3A_1126] : memref<64x128xf32, #tpu.memory_space<vmem>>[vector<16xi32>, vector<16xi32>], vector<16xf32>,
        %parallel_loop3A_1138 = arith.mulf %exp3A_821, %parallel_loop3A_1130 : vector<16xf32>
        %parallel_loop3A_1139 = arith.subf %parallel_loop3A_1134, %parallel_loop3A_1138 : vector<16xf32>
        tpu.vector_store_idx %arg17[%add3A_3, %parallel_loop3A_1126], %parallel_loop3A_1139 masked %parallel_loop3A_1120 : memref<64x128xf32, #tpu.memory_space<vmem>>[vector<16xi32>, vector<16xi32>], vector<16xf32>, vector<16xi1>
        %parallel_loop3A_1140 = arith.mulf %exp3A_854, %parallel_loop3A_1131 : vector<16xf32>
        %parallel_loop3A_1141 = arith.subf %parallel_loop3A_1135, %parallel_loop3A_1140 : vector<16xf32>
        tpu.vector_store_idx %arg17[%add3A_6, %parallel_loop3A_1126], %parallel_loop3A_1141 masked %parallel_loop3A_1120 : memref<64x128xf32, #tpu.memory_space<vmem>>[vector<16xi32>, vector<16xi32>], vector<16xf32>, vector<16xi1>
        %parallel_loop3A_1142 = arith.mulf %exp3A_887, %parallel_loop3A_1132 : vector<16xf32>
        %parallel_loop3A_1143 = arith.subf %parallel_loop3A_1136, %parallel_loop3A_1142 : vector<16xf32>
        tpu.vector_store_idx %arg17[%add3A_9, %parallel_loop3A_1126], %parallel_loop3A_1143 masked %parallel_loop3A_1120 : memref<64x128xf32, #tpu.memory_space<vmem>>[vector<16xi32>, vector<16xi32>], vector<16xf32>, vector<16xi1>
        %parallel_loop3A_1144 = arith.mulf %exp3A_920, %parallel_loop3A_1133 : vector<16xf32>
        %parallel_loop3A_1145 = arith.subf %parallel_loop3A_1137, %parallel_loop3A_1144 : vector<16xf32>
        tpu.vector_store_idx %arg17[%add3A_12, %parallel_loop3A_1126], %parallel_loop3A_1145 masked %parallel_loop3A_1120 : memref<64x128xf32, #tpu.memory_space<vmem>>[vector<16xi32>, vector<16xi32>], vector<16xf32>, vector<16xi1>
      } {sc.loop_unroll_factor = 2 : i64, sc.parallel_access}
      %dma_start3A_942 = arith.constant 0 : i32
      %dma_start3A_943 = arith.constant 0 : i32
      %dma_start3A_944 = tpu.memref_slice %arg8[%dma_start3A_942, %dma_start3A_943] : memref<10112x128xf32, #tpu.memory_space<vmem_shared>> -> memref<10112x128xf32, #tpu.memory_space<vmem_shared>>
      tpu.enqueue_indirect_dma source(%arg17 : memref<64x128xf32, #tpu.memory_space<vmem>>) target(%dma_start3A_944 : memref<10112x128xf32, #tpu.memory_space<vmem_shared>>) offsets(%arg13 : memref<64xi32, #tpu.memory_space<vmem>>) semaphore(%arg25 : memref<!tpu.dma_semaphore, #tpu.memory_space<semaphore_mem>>) {add = true}
      %mul3A_945 = arith.constant 4 : i32
      %mul3A_946 = arith.muli %mul3A_945, %scan3A_459 : i32
      %add3A_947 = arith.constant 3 : i32
      %add3A_948 = arith.addi %mul3A_946, %add3A_947 : i32
      tpu.wait_dma2 semaphore(%arg22 : memref<!tpu.dma_semaphore, #tpu.memory_space<semaphore_mem>>) src(%arg6 : memref<64x128xf32, #tpu.memory_space<hbm>>) dst(%arg18 : memref<64x128xf32, #tpu.memory_space<vmem>>)
      %add3A_949 = arith.constant 3 : i32
      %add3A_950 = arith.addi %add3A_948, %add3A_949 : i32
      %lt3A_951 = arith.constant 84 : i32
      %lt3A_952 = arith.cmpi slt, %add3A_950, %lt3A_951 : i32
      %convert_element_type3A_953 = arith.extui %lt3A_952 : i1 to i32
      %cond3A_954 = arith.constant 0 : i32
      %cond3A_955 = arith.cmpi ne, %convert_element_type3A_953, %cond3A_954 : i32
      scf.if %cond3A_955 {
        %ge3A_1111 = arith.constant 1 : i32
        %ge3A_1112 = arith.cmpi sge, %add3A_948, %ge3A_1111 : i32
        %convert_element_type3A_1113 = arith.extui %ge3A_1112 : i1 to i32
        %cond3A_1114 = arith.constant 0 : i32
        %cond3A_1115 = arith.cmpi ne, %convert_element_type3A_1113, %cond3A_1114 : i32
        scf.if %cond3A_1115 {
          tpu.wait_dma2 semaphore(%arg25 : memref<!tpu.dma_semaphore, #tpu.memory_space<semaphore_mem>>) src(%arg6 : memref<64x128xf32, #tpu.memory_space<hbm>>) dst(%arg17 : memref<64x128xf32, #tpu.memory_space<vmem>>)
          %add3A_1129 = arith.constant 3 : i32
          %add3A_1130 = arith.addi %add3A_948, %add3A_1129 : i32
          %dma_start3A_1131 = arith.constant 0 : i32
          %dma_start3A_1132 = tpu.memref_slice %arg5[%add3A, %add3A_1130, %dma_start3A_1131] : memref<32x84x64xi32, #tpu.memory_space<hbm>> -> memref<1x1x64xi32, #tpu.memory_space<hbm>>
          %dma_start3A_1133 = tpu.memref_squeeze %dma_start3A_1132 : memref<1x1x64xi32, #tpu.memory_space<hbm>> -> memref<64xi32, #tpu.memory_space<hbm>>
          %dma_start3A_1134 = arith.constant 0 : i32
          %dma_start3A_1135 = tpu.memref_slice %arg5[%add3A, %add3A_1130, %dma_start3A_1134] : memref<32x84x64xi32, #tpu.memory_space<hbm>> -> memref<1x1x64xi32, #tpu.memory_space<hbm>>
          %dma_start3A_1136 = tpu.memref_squeeze %dma_start3A_1135 : memref<1x1x64xi32, #tpu.memory_space<hbm>> -> memref<64xi32, #tpu.memory_space<hbm>>
          tpu.enqueue_dma source(%dma_start3A_1136 : memref<64xi32, #tpu.memory_space<hbm>>) target(%arg13 : memref<64xi32, #tpu.memory_space<vmem>>) target_semaphore(%arg29 : memref<!tpu.dma_semaphore, #tpu.memory_space<semaphore_mem>>)
        } else {
        }
        %add3A_1116 = arith.constant 3 : i32
        %add3A_1117 = arith.addi %add3A_948, %add3A_1116 : i32
        %shift_right_logical3A_1118 = arith.constant 1 : i32
        %shift_right_logical3A_1119 = arith.shrui %add3A_1117, %shift_right_logical3A_1118 : i32
        %and3A_1120 = arith.constant 1 : i32
        %and3A_1121 = arith.andi %add3A_1117, %and3A_1120 : i32
        %mul3A_1122 = arith.constant 64 : i32
        %mul3A_1123 = arith.muli %and3A_1121, %mul3A_1122 : i32
        %dma_start3A_1124 = tpu.memref_slice %arg10[%shift_right_logical3A_1119, %mul3A_1123] : memref<42x128xi32, #tpu.memory_space<vmem>> -> memref<1x64xi32, #tpu.memory_space<vmem>>
        %dma_start3A_1125 = tpu.memref_squeeze %dma_start3A_1124 : memref<1x64xi32, #tpu.memory_space<vmem>> -> memref<64xi32, #tpu.memory_space<vmem>>
        %dma_start3A_1126 = arith.constant 0 : i32
        %dma_start3A_1127 = arith.constant 0 : i32
        %dma_start3A_1128 = tpu.memref_slice %arg2[%dma_start3A_1126, %dma_start3A_1127] : memref<10000x128xf32, #tpu.memory_space<hbm>> -> memref<10000x128xf32, #tpu.memory_space<hbm>>
        tpu.enqueue_indirect_dma source(%dma_start3A_1128 : memref<10000x128xf32, #tpu.memory_space<hbm>>) target(%arg17 : memref<64x128xf32, #tpu.memory_space<vmem>>) offsets(%dma_start3A_1125 : memref<64xi32, #tpu.memory_space<vmem>>) semaphore(%arg21 : memref<!tpu.dma_semaphore, #tpu.memory_space<semaphore_mem>>)
      } else {
      }
      %ge3A_956 = arith.constant 4 : i32
      %ge3A_957 = arith.cmpi sge, %add3A_948, %ge3A_956 : i32
      %convert_element_type3A_958 = arith.extui %ge3A_957 : i1 to i32
      %cond3A_959 = arith.constant 0 : i32
      %cond3A_960 = arith.cmpi ne, %convert_element_type3A_958, %cond3A_959 : i32
      scf.if %cond3A_960 {
        %dma_wait3A_1111 = arith.constant 0 : i32
        %dma_wait3A_1112 = tpu.memref_slice %arg5[%add3A, %add3A_948, %dma_wait3A_1111] : memref<32x84x64xi32, #tpu.memory_space<hbm>> -> memref<1x1x64xi32, #tpu.memory_space<hbm>>
        %dma_wait3A_1113 = tpu.memref_squeeze %dma_wait3A_1112 : memref<1x1x64xi32, #tpu.memory_space<hbm>> -> memref<64xi32, #tpu.memory_space<hbm>>
        %dma_wait3A_1114 = arith.constant 0 : i32
        %dma_wait3A_1115 = tpu.memref_slice %arg5[%add3A, %add3A_948, %dma_wait3A_1114] : memref<32x84x64xi32, #tpu.memory_space<hbm>> -> memref<1x1x64xi32, #tpu.memory_space<hbm>>
        %dma_wait3A_1116 = tpu.memref_squeeze %dma_wait3A_1115 : memref<1x1x64xi32, #tpu.memory_space<hbm>> -> memref<64xi32, #tpu.memory_space<hbm>>
        tpu.wait_dma2 semaphore(%arg30 : memref<!tpu.dma_semaphore, #tpu.memory_space<semaphore_mem>>) src(%dma_wait3A_1116 : memref<64xi32, #tpu.memory_space<hbm>>) dst(%arg14 : memref<64xi32, #tpu.memory_space<vmem>>)
      } else {
      }
      %shift_right_logical3A_961 = arith.constant 1 : i32
      %shift_right_logical3A_962 = arith.shrui %add3A_948, %shift_right_logical3A_961 : i32
      %and3A_963 = arith.constant 1 : i32
      %and3A_964 = arith.andi %add3A_948, %and3A_963 : i32
      %mul3A_965 = arith.constant 64 : i32
      %mul3A_966 = arith.muli %and3A_964, %mul3A_965 : i32
      %add3A_967 = arith.constant 0 : i32
      %add3A_968 = arith.addi %mul3A_966, %add3A_967 : i32
      %get3A_969 = arith.index_cast %shift_right_logical3A_962 : i32 to index
      %get3A_970 = arith.index_cast %add3A_968 : i32 to index
      %get3A_971 = tpu.vector_load %arg10[%get3A_969, %get3A_970] {strides = array<i32>} : memref<42x128xi32, #tpu.memory_space<vmem>>, vector<16xi32>,
      %get3A_972 = arith.constant 0 : index
      %get3A_973 = tpu.vector_load %arg14[%get3A_972] {strides = array<i32>} : memref<64xi32, #tpu.memory_space<vmem>>, vector<16xi32>,
      %gather3A_974 = tpu.vector_load_idx %arg9[%get3A_971] : memref<10016xf32, #tpu.memory_space<vmem>>[vector<16xi32>], vector<16xf32>,
      %gather3A_975 = tpu.vector_load_idx %arg9[%get3A_973] : memref<10016xf32, #tpu.memory_space<vmem>>[vector<16xi32>], vector<16xf32>,
      %add3A_976 = arith.addf %gather3A_974, %gather3A_975 : vector<16xf32>
      %div3A_977 = arith.constant 2.000000e+00 : f32
      %div3A_978 = vector.broadcast %div3A_977 : f32 to vector<16xf32>
      %div3A_979 = arith.divf %div3A_978, %add3A_976 : vector<16xf32>
      %neg3A_980 = arith.constant 0.000000e+00 : f32
      %neg3A_981 = vector.broadcast %neg3A_980 : f32 to vector<16xf32>
      %neg3A_982 = arith.subf %neg3A_981, %div3A_979 : vector<16xf32>
      %exp3A_983 = math.exp %neg3A_982 : vector<16xf32>
      %mul3A_984 = arith.constant -1.000000e+02 : f32
      %mul3A_985 = vector.broadcast %mul3A_984 : f32 to vector<16xf32>
      %mul3A_986 = arith.mulf %mul3A_985, %div3A_979 : vector<16xf32>
      %exp3A_987 = math.exp %mul3A_986 : vector<16xf32>
      %sub3A_988 = arith.constant 1.000000e+00 : f32
      %sub3A_989 = vector.broadcast %sub3A_988 : f32 to vector<16xf32>
      %sub3A_990 = arith.subf %sub3A_989, %exp3A_987 : vector<16xf32>
      %mul3A_991 = arith.mulf %div3A_979, %sub3A_990 : vector<16xf32>
      %sub3A_992 = arith.constant 1.000000e+00 : f32
      %sub3A_993 = vector.broadcast %sub3A_992 : f32 to vector<16xf32>
      %sub3A_994 = arith.subf %sub3A_993, %exp3A_983 : vector<16xf32>
      %div3A_995 = arith.divf %mul3A_991, %sub3A_994 : vector<16xf32>
      %add3A_996 = arith.constant 9.99999993E-9 : f32
      %add3A_997 = vector.broadcast %add3A_996 : f32 to vector<16xf32>
      %add3A_998 = arith.addf %div3A_995, %add3A_997 : vector<16xf32>
      %div3A_999 = arith.divf %div3A_979, %add3A_998 : vector<16xf32>
      %add3A_1000 = arith.constant 16 : i32
      %add3A_1001 = arith.addi %mul3A_966, %add3A_1000 : i32
      %get3A_1002 = arith.index_cast %shift_right_logical3A_962 : i32 to index
      %get3A_1003 = arith.index_cast %add3A_1001 : i32 to index
      %get3A_1004 = tpu.vector_load %arg10[%get3A_1002, %get3A_1003] {strides = array<i32>} : memref<42x128xi32, #tpu.memory_space<vmem>>, vector<16xi32>,
      %get3A_1005 = arith.constant 16 : index
      %get3A_1006 = tpu.vector_load %arg14[%get3A_1005] {strides = array<i32>} : memref<64xi32, #tpu.memory_space<vmem>>, vector<16xi32>,
      %gather3A_1007 = tpu.vector_load_idx %arg9[%get3A_1004] : memref<10016xf32, #tpu.memory_space<vmem>>[vector<16xi32>], vector<16xf32>,
      %gather3A_1008 = tpu.vector_load_idx %arg9[%get3A_1006] : memref<10016xf32, #tpu.memory_space<vmem>>[vector<16xi32>], vector<16xf32>,
      %add3A_1009 = arith.addf %gather3A_1007, %gather3A_1008 : vector<16xf32>
      %div3A_1010 = arith.constant 2.000000e+00 : f32
      %div3A_1011 = vector.broadcast %div3A_1010 : f32 to vector<16xf32>
      %div3A_1012 = arith.divf %div3A_1011, %add3A_1009 : vector<16xf32>
      %neg3A_1013 = arith.constant 0.000000e+00 : f32
      %neg3A_1014 = vector.broadcast %neg3A_1013 : f32 to vector<16xf32>
      %neg3A_1015 = arith.subf %neg3A_1014, %div3A_1012 : vector<16xf32>
      %exp3A_1016 = math.exp %neg3A_1015 : vector<16xf32>
      %mul3A_1017 = arith.constant -1.000000e+02 : f32
      %mul3A_1018 = vector.broadcast %mul3A_1017 : f32 to vector<16xf32>
      %mul3A_1019 = arith.mulf %mul3A_1018, %div3A_1012 : vector<16xf32>
      %exp3A_1020 = math.exp %mul3A_1019 : vector<16xf32>
      %sub3A_1021 = arith.constant 1.000000e+00 : f32
      %sub3A_1022 = vector.broadcast %sub3A_1021 : f32 to vector<16xf32>
      %sub3A_1023 = arith.subf %sub3A_1022, %exp3A_1020 : vector<16xf32>
      %mul3A_1024 = arith.mulf %div3A_1012, %sub3A_1023 : vector<16xf32>
      %sub3A_1025 = arith.constant 1.000000e+00 : f32
      %sub3A_1026 = vector.broadcast %sub3A_1025 : f32 to vector<16xf32>
      %sub3A_1027 = arith.subf %sub3A_1026, %exp3A_1016 : vector<16xf32>
      %div3A_1028 = arith.divf %mul3A_1024, %sub3A_1027 : vector<16xf32>
      %add3A_1029 = arith.constant 9.99999993E-9 : f32
      %add3A_1030 = vector.broadcast %add3A_1029 : f32 to vector<16xf32>
      %add3A_1031 = arith.addf %div3A_1028, %add3A_1030 : vector<16xf32>
      %div3A_1032 = arith.divf %div3A_1012, %add3A_1031 : vector<16xf32>
      %add3A_1033 = arith.constant 32 : i32
      %add3A_1034 = arith.addi %mul3A_966, %add3A_1033 : i32
      %get3A_1035 = arith.index_cast %shift_right_logical3A_962 : i32 to index
      %get3A_1036 = arith.index_cast %add3A_1034 : i32 to index
      %get3A_1037 = tpu.vector_load %arg10[%get3A_1035, %get3A_1036] {strides = array<i32>} : memref<42x128xi32, #tpu.memory_space<vmem>>, vector<16xi32>,
      %get3A_1038 = arith.constant 32 : index
      %get3A_1039 = tpu.vector_load %arg14[%get3A_1038] {strides = array<i32>} : memref<64xi32, #tpu.memory_space<vmem>>, vector<16xi32>,
      %gather3A_1040 = tpu.vector_load_idx %arg9[%get3A_1037] : memref<10016xf32, #tpu.memory_space<vmem>>[vector<16xi32>], vector<16xf32>,
      %gather3A_1041 = tpu.vector_load_idx %arg9[%get3A_1039] : memref<10016xf32, #tpu.memory_space<vmem>>[vector<16xi32>], vector<16xf32>,
      %add3A_1042 = arith.addf %gather3A_1040, %gather3A_1041 : vector<16xf32>
      %div3A_1043 = arith.constant 2.000000e+00 : f32
      %div3A_1044 = vector.broadcast %div3A_1043 : f32 to vector<16xf32>
      %div3A_1045 = arith.divf %div3A_1044, %add3A_1042 : vector<16xf32>
      %neg3A_1046 = arith.constant 0.000000e+00 : f32
      %neg3A_1047 = vector.broadcast %neg3A_1046 : f32 to vector<16xf32>
      %neg3A_1048 = arith.subf %neg3A_1047, %div3A_1045 : vector<16xf32>
      %exp3A_1049 = math.exp %neg3A_1048 : vector<16xf32>
      %mul3A_1050 = arith.constant -1.000000e+02 : f32
      %mul3A_1051 = vector.broadcast %mul3A_1050 : f32 to vector<16xf32>
      %mul3A_1052 = arith.mulf %mul3A_1051, %div3A_1045 : vector<16xf32>
      %exp3A_1053 = math.exp %mul3A_1052 : vector<16xf32>
      %sub3A_1054 = arith.constant 1.000000e+00 : f32
      %sub3A_1055 = vector.broadcast %sub3A_1054 : f32 to vector<16xf32>
      %sub3A_1056 = arith.subf %sub3A_1055, %exp3A_1053 : vector<16xf32>
      %mul3A_1057 = arith.mulf %div3A_1045, %sub3A_1056 : vector<16xf32>
      %sub3A_1058 = arith.constant 1.000000e+00 : f32
      %sub3A_1059 = vector.broadcast %sub3A_1058 : f32 to vector<16xf32>
      %sub3A_1060 = arith.subf %sub3A_1059, %exp3A_1049 : vector<16xf32>
      %div3A_1061 = arith.divf %mul3A_1057, %sub3A_1060 : vector<16xf32>
      %add3A_1062 = arith.constant 9.99999993E-9 : f32
      %add3A_1063 = vector.broadcast %add3A_1062 : f32 to vector<16xf32>
      %add3A_1064 = arith.addf %div3A_1061, %add3A_1063 : vector<16xf32>
      %div3A_1065 = arith.divf %div3A_1045, %add3A_1064 : vector<16xf32>
      %add3A_1066 = arith.constant 48 : i32
      %add3A_1067 = arith.addi %mul3A_966, %add3A_1066 : i32
      %get3A_1068 = arith.index_cast %shift_right_logical3A_962 : i32 to index
      %get3A_1069 = arith.index_cast %add3A_1067 : i32 to index
      %get3A_1070 = tpu.vector_load %arg10[%get3A_1068, %get3A_1069] {strides = array<i32>} : memref<42x128xi32, #tpu.memory_space<vmem>>, vector<16xi32>,
      %get3A_1071 = arith.constant 48 : index
      %get3A_1072 = tpu.vector_load %arg14[%get3A_1071] {strides = array<i32>} : memref<64xi32, #tpu.memory_space<vmem>>, vector<16xi32>,
      %gather3A_1073 = tpu.vector_load_idx %arg9[%get3A_1070] : memref<10016xf32, #tpu.memory_space<vmem>>[vector<16xi32>], vector<16xf32>,
      %gather3A_1074 = tpu.vector_load_idx %arg9[%get3A_1072] : memref<10016xf32, #tpu.memory_space<vmem>>[vector<16xi32>], vector<16xf32>,
      %add3A_1075 = arith.addf %gather3A_1073, %gather3A_1074 : vector<16xf32>
      %div3A_1076 = arith.constant 2.000000e+00 : f32
      %div3A_1077 = vector.broadcast %div3A_1076 : f32 to vector<16xf32>
      %div3A_1078 = arith.divf %div3A_1077, %add3A_1075 : vector<16xf32>
      %neg3A_1079 = arith.constant 0.000000e+00 : f32
      %neg3A_1080 = vector.broadcast %neg3A_1079 : f32 to vector<16xf32>
      %neg3A_1081 = arith.subf %neg3A_1080, %div3A_1078 : vector<16xf32>
      %exp3A_1082 = math.exp %neg3A_1081 : vector<16xf32>
      %mul3A_1083 = arith.constant -1.000000e+02 : f32
      %mul3A_1084 = vector.broadcast %mul3A_1083 : f32 to vector<16xf32>
      %mul3A_1085 = arith.mulf %mul3A_1084, %div3A_1078 : vector<16xf32>
      %exp3A_1086 = math.exp %mul3A_1085 : vector<16xf32>
      %sub3A_1087 = arith.constant 1.000000e+00 : f32
      %sub3A_1088 = vector.broadcast %sub3A_1087 : f32 to vector<16xf32>
      %sub3A_1089 = arith.subf %sub3A_1088, %exp3A_1086 : vector<16xf32>
      %mul3A_1090 = arith.mulf %div3A_1078, %sub3A_1089 : vector<16xf32>
      %sub3A_1091 = arith.constant 1.000000e+00 : f32
      %sub3A_1092 = vector.broadcast %sub3A_1091 : f32 to vector<16xf32>
      %sub3A_1093 = arith.subf %sub3A_1092, %exp3A_1082 : vector<16xf32>
      %div3A_1094 = arith.divf %mul3A_1090, %sub3A_1093 : vector<16xf32>
      %add3A_1095 = arith.constant 9.99999993E-9 : f32
      %add3A_1096 = vector.broadcast %add3A_1095 : f32 to vector<16xf32>
      %add3A_1097 = arith.addf %div3A_1094, %add3A_1096 : vector<16xf32>
      %div3A_1098 = arith.divf %div3A_1078, %add3A_1097 : vector<16xf32>
      %broadcast_in_dim3A_1099 = arith.constant 0.000000e+00 : f32
      %broadcast_in_dim3A_1100 = vector.broadcast %broadcast_in_dim3A_1099 : f32 to vector<16xf32>
      %parallel_loop3A_1101 = arith.constant 0 : i32
      %parallel_loop3A_1102 = arith.constant 144 : i32
      %parallel_loop3A_1103 = arith.constant 1 : i32
      %parallel_loop3A_1104:4 = scf.for %parallel_loop3A_1111 = %parallel_loop3A_1101 to %parallel_loop3A_1102 step %parallel_loop3A_1103 iter_args(%parallel_loop3A_1112 = %broadcast_in_dim3A_1100, %parallel_loop3A_1113 = %broadcast_in_dim3A_1100, %parallel_loop3A_1114 = %broadcast_in_dim3A_1100, %parallel_loop3A_1115 = %broadcast_in_dim3A_1100) -> (vector<16xf32>, vector<16xf32>, vector<16xf32>, vector<16xf32>)  : i32 {
        %parallel_loop3A_1116 = vector.broadcast %parallel_loop3A_1111 : i32 to vector<16xi32>
        %parallel_loop3A_1117 = arith.subi %parallel_loop3A_1116, %iota3A : vector<16xi32>
        %parallel_loop3A_1118 = arith.constant 0 : i32
        %parallel_loop3A_1119 = vector.broadcast %parallel_loop3A_1118 : i32 to vector<16xi32>
        %parallel_loop3A_1120 = arith.cmpi sge, %parallel_loop3A_1117, %parallel_loop3A_1119 : vector<16xi32>
        %parallel_loop3A_1121 = arith.constant 128 : i32
        %parallel_loop3A_1122 = vector.broadcast %parallel_loop3A_1121 : i32 to vector<16xi32>
        %parallel_loop3A_1123 = arith.cmpi slt, %parallel_loop3A_1117, %parallel_loop3A_1122 : vector<16xi32>
        %parallel_loop3A_1124 = arith.andi %parallel_loop3A_1120, %parallel_loop3A_1123 : vector<16xi1>
        %parallel_loop3A_1125 = arith.constant 0 : i32
        %parallel_loop3A_1126 = vector.broadcast %parallel_loop3A_1125 : i32 to vector<16xi32>
        %parallel_loop3A_1127 = arith.maxsi %parallel_loop3A_1117, %parallel_loop3A_1126 : vector<16xi32>
        %parallel_loop3A_1128 = arith.constant 127 : i32
        %parallel_loop3A_1129 = vector.broadcast %parallel_loop3A_1128 : i32 to vector<16xi32>
        %parallel_loop3A_1130 = arith.minsi %parallel_loop3A_1127, %parallel_loop3A_1129 : vector<16xi32>
        %parallel_loop3A_1131 = tpu.vector_load_idx %arg18[%add3A_3, %parallel_loop3A_1130] : memref<64x128xf32, #tpu.memory_space<vmem>>[vector<16xi32>, vector<16xi32>], vector<16xf32>,
        %parallel_loop3A_1132 = tpu.vector_load_idx %arg18[%add3A_6, %parallel_loop3A_1130] : memref<64x128xf32, #tpu.memory_space<vmem>>[vector<16xi32>, vector<16xi32>], vector<16xf32>,
        %parallel_loop3A_1133 = tpu.vector_load_idx %arg18[%add3A_9, %parallel_loop3A_1130] : memref<64x128xf32, #tpu.memory_space<vmem>>[vector<16xi32>, vector<16xi32>], vector<16xf32>,
        %parallel_loop3A_1134 = tpu.vector_load_idx %arg18[%add3A_12, %parallel_loop3A_1130] : memref<64x128xf32, #tpu.memory_space<vmem>>[vector<16xi32>, vector<16xi32>], vector<16xf32>,
        %parallel_loop3A_1135 = arith.constant 0.000000e+00 : f32
        %parallel_loop3A_1136 = vector.broadcast %parallel_loop3A_1135 : f32 to vector<16xf32>
        %parallel_loop3A_1137 = arith.select %parallel_loop3A_1124, %parallel_loop3A_1131, %parallel_loop3A_1136 : vector<16xi1>, vector<16xf32>
        %parallel_loop3A_1138 = arith.mulf %exp3A_983, %parallel_loop3A_1112 : vector<16xf32>
        %parallel_loop3A_1139 = arith.addf %parallel_loop3A_1137, %parallel_loop3A_1138 : vector<16xf32>
        %parallel_loop3A_1140 = arith.constant 0.000000e+00 : f32
        %parallel_loop3A_1141 = vector.broadcast %parallel_loop3A_1140 : f32 to vector<16xf32>
        %parallel_loop3A_1142 = arith.select %parallel_loop3A_1124, %parallel_loop3A_1132, %parallel_loop3A_1141 : vector<16xi1>, vector<16xf32>
        %parallel_loop3A_1143 = arith.mulf %exp3A_1016, %parallel_loop3A_1113 : vector<16xf32>
        %parallel_loop3A_1144 = arith.addf %parallel_loop3A_1142, %parallel_loop3A_1143 : vector<16xf32>
        %parallel_loop3A_1145 = arith.constant 0.000000e+00 : f32
        %parallel_loop3A_1146 = vector.broadcast %parallel_loop3A_1145 : f32 to vector<16xf32>
        %parallel_loop3A_1147 = arith.select %parallel_loop3A_1124, %parallel_loop3A_1133, %parallel_loop3A_1146 : vector<16xi1>, vector<16xf32>
        %parallel_loop3A_1148 = arith.mulf %exp3A_1049, %parallel_loop3A_1114 : vector<16xf32>
        %parallel_loop3A_1149 = arith.addf %parallel_loop3A_1147, %parallel_loop3A_1148 : vector<16xf32>
        %parallel_loop3A_1150 = arith.constant 0.000000e+00 : f32
        %parallel_loop3A_1151 = vector.broadcast %parallel_loop3A_1150 : f32 to vector<16xf32>
        %parallel_loop3A_1152 = arith.select %parallel_loop3A_1124, %parallel_loop3A_1134, %parallel_loop3A_1151 : vector<16xi1>, vector<16xf32>
        %parallel_loop3A_1153 = arith.mulf %exp3A_1082, %parallel_loop3A_1115 : vector<16xf32>
        %parallel_loop3A_1154 = arith.addf %parallel_loop3A_1152, %parallel_loop3A_1153 : vector<16xf32>
        %parallel_loop3A_1155 = arith.mulf %div3A_999, %parallel_loop3A_1139 : vector<16xf32>
        tpu.vector_store_idx %arg18[%add3A_3, %parallel_loop3A_1130], %parallel_loop3A_1155 masked %parallel_loop3A_1124 : memref<64x128xf32, #tpu.memory_space<vmem>>[vector<16xi32>, vector<16xi32>], vector<16xf32>, vector<16xi1>
        %parallel_loop3A_1156 = arith.mulf %div3A_1032, %parallel_loop3A_1144 : vector<16xf32>
        tpu.vector_store_idx %arg18[%add3A_6, %parallel_loop3A_1130], %parallel_loop3A_1156 masked %parallel_loop3A_1124 : memref<64x128xf32, #tpu.memory_space<vmem>>[vector<16xi32>, vector<16xi32>], vector<16xf32>, vector<16xi1>
        %parallel_loop3A_1157 = arith.mulf %div3A_1065, %parallel_loop3A_1149 : vector<16xf32>
        tpu.vector_store_idx %arg18[%add3A_9, %parallel_loop3A_1130], %parallel_loop3A_1157 masked %parallel_loop3A_1124 : memref<64x128xf32, #tpu.memory_space<vmem>>[vector<16xi32>, vector<16xi32>], vector<16xf32>, vector<16xi1>
        %parallel_loop3A_1158 = arith.mulf %div3A_1098, %parallel_loop3A_1154 : vector<16xf32>
        tpu.vector_store_idx %arg18[%add3A_12, %parallel_loop3A_1130], %parallel_loop3A_1158 masked %parallel_loop3A_1124 : memref<64x128xf32, #tpu.memory_space<vmem>>[vector<16xi32>, vector<16xi32>], vector<16xf32>, vector<16xi1>
        scf.yield %parallel_loop3A_1139, %parallel_loop3A_1144, %parallel_loop3A_1149, %parallel_loop3A_1154 : vector<16xf32>, vector<16xf32>, vector<16xf32>, vector<16xf32>
      } {sc.loop_unroll_factor = 2 : i64, sc.parallel_access}
      %parallel_loop3A_1105 = arith.constant 100 : i32
      %parallel_loop3A_1106 = arith.constant 144 : i32
      %parallel_loop3A_1107 = arith.constant 1 : i32
      scf.for %parallel_loop3A_1111 = %parallel_loop3A_1105 to %parallel_loop3A_1106 step %parallel_loop3A_1107  : i32 {
        %parallel_loop3A_1112 = vector.broadcast %parallel_loop3A_1111 : i32 to vector<16xi32>
        %parallel_loop3A_1113 = arith.subi %parallel_loop3A_1112, %iota3A : vector<16xi32>
        %parallel_loop3A_1114 = arith.constant 100 : i32
        %parallel_loop3A_1115 = vector.broadcast %parallel_loop3A_1114 : i32 to vector<16xi32>
        %parallel_loop3A_1116 = arith.cmpi sge, %parallel_loop3A_1113, %parallel_loop3A_1115 : vector<16xi32>
        %parallel_loop3A_1117 = arith.constant 128 : i32
        %parallel_loop3A_1118 = vector.broadcast %parallel_loop3A_1117 : i32 to vector<16xi32>
        %parallel_loop3A_1119 = arith.cmpi slt, %parallel_loop3A_1113, %parallel_loop3A_1118 : vector<16xi32>
        %parallel_loop3A_1120 = arith.andi %parallel_loop3A_1116, %parallel_loop3A_1119 : vector<16xi1>
        %parallel_loop3A_1121 = arith.constant 100 : i32
        %parallel_loop3A_1122 = vector.broadcast %parallel_loop3A_1121 : i32 to vector<16xi32>
        %parallel_loop3A_1123 = arith.maxsi %parallel_loop3A_1113, %parallel_loop3A_1122 : vector<16xi32>
        %parallel_loop3A_1124 = arith.constant 127 : i32
        %parallel_loop3A_1125 = vector.broadcast %parallel_loop3A_1124 : i32 to vector<16xi32>
        %parallel_loop3A_1126 = arith.minsi %parallel_loop3A_1123, %parallel_loop3A_1125 : vector<16xi32>
        %parallel_loop3A_1127 = arith.constant 100 : i32
        %parallel_loop3A_1128 = vector.broadcast %parallel_loop3A_1127 : i32 to vector<16xi32>
        %parallel_loop3A_1129 = arith.subi %parallel_loop3A_1126, %parallel_loop3A_1128 : vector<16xi32>
        %parallel_loop3A_1130 = tpu.vector_load_idx %arg18[%add3A_3, %parallel_loop3A_1129] : memref<64x128xf32, #tpu.memory_space<vmem>>[vector<16xi32>, vector<16xi32>], vector<16xf32>,
        %parallel_loop3A_1131 = tpu.vector_load_idx %arg18[%add3A_6, %parallel_loop3A_1129] : memref<64x128xf32, #tpu.memory_space<vmem>>[vector<16xi32>, vector<16xi32>], vector<16xf32>,
        %parallel_loop3A_1132 = tpu.vector_load_idx %arg18[%add3A_9, %parallel_loop3A_1129] : memref<64x128xf32, #tpu.memory_space<vmem>>[vector<16xi32>, vector<16xi32>], vector<16xf32>,
        %parallel_loop3A_1133 = tpu.vector_load_idx %arg18[%add3A_12, %parallel_loop3A_1129] : memref<64x128xf32, #tpu.memory_space<vmem>>[vector<16xi32>, vector<16xi32>], vector<16xf32>,
        %parallel_loop3A_1134 = tpu.vector_load_idx %arg18[%add3A_3, %parallel_loop3A_1126] : memref<64x128xf32, #tpu.memory_space<vmem>>[vector<16xi32>, vector<16xi32>], vector<16xf32>,
        %parallel_loop3A_1135 = tpu.vector_load_idx %arg18[%add3A_6, %parallel_loop3A_1126] : memref<64x128xf32, #tpu.memory_space<vmem>>[vector<16xi32>, vector<16xi32>], vector<16xf32>,
        %parallel_loop3A_1136 = tpu.vector_load_idx %arg18[%add3A_9, %parallel_loop3A_1126] : memref<64x128xf32, #tpu.memory_space<vmem>>[vector<16xi32>, vector<16xi32>], vector<16xf32>,
        %parallel_loop3A_1137 = tpu.vector_load_idx %arg18[%add3A_12, %parallel_loop3A_1126] : memref<64x128xf32, #tpu.memory_space<vmem>>[vector<16xi32>, vector<16xi32>], vector<16xf32>,
        %parallel_loop3A_1138 = arith.mulf %exp3A_987, %parallel_loop3A_1130 : vector<16xf32>
        %parallel_loop3A_1139 = arith.subf %parallel_loop3A_1134, %parallel_loop3A_1138 : vector<16xf32>
        tpu.vector_store_idx %arg18[%add3A_3, %parallel_loop3A_1126], %parallel_loop3A_1139 masked %parallel_loop3A_1120 : memref<64x128xf32, #tpu.memory_space<vmem>>[vector<16xi32>, vector<16xi32>], vector<16xf32>, vector<16xi1>
        %parallel_loop3A_1140 = arith.mulf %exp3A_1020, %parallel_loop3A_1131 : vector<16xf32>
        %parallel_loop3A_1141 = arith.subf %parallel_loop3A_1135, %parallel_loop3A_1140 : vector<16xf32>
        tpu.vector_store_idx %arg18[%add3A_6, %parallel_loop3A_1126], %parallel_loop3A_1141 masked %parallel_loop3A_1120 : memref<64x128xf32, #tpu.memory_space<vmem>>[vector<16xi32>, vector<16xi32>], vector<16xf32>, vector<16xi1>
        %parallel_loop3A_1142 = arith.mulf %exp3A_1053, %parallel_loop3A_1132 : vector<16xf32>
        %parallel_loop3A_1143 = arith.subf %parallel_loop3A_1136, %parallel_loop3A_1142 : vector<16xf32>
        tpu.vector_store_idx %arg18[%add3A_9, %parallel_loop3A_1126], %parallel_loop3A_1143 masked %parallel_loop3A_1120 : memref<64x128xf32, #tpu.memory_space<vmem>>[vector<16xi32>, vector<16xi32>], vector<16xf32>, vector<16xi1>
        %parallel_loop3A_1144 = arith.mulf %exp3A_1086, %parallel_loop3A_1133 : vector<16xf32>
        %parallel_loop3A_1145 = arith.subf %parallel_loop3A_1137, %parallel_loop3A_1144 : vector<16xf32>
        tpu.vector_store_idx %arg18[%add3A_12, %parallel_loop3A_1126], %parallel_loop3A_1145 masked %parallel_loop3A_1120 : memref<64x128xf32, #tpu.memory_space<vmem>>[vector<16xi32>, vector<16xi32>], vector<16xf32>, vector<16xi1>
      } {sc.loop_unroll_factor = 2 : i64, sc.parallel_access}
      %dma_start3A_1108 = arith.constant 0 : i32
      %dma_start3A_1109 = arith.constant 0 : i32
      %dma_start3A_1110 = tpu.memref_slice %arg8[%dma_start3A_1108, %dma_start3A_1109] : memref<10112x128xf32, #tpu.memory_space<vmem_shared>> -> memref<10112x128xf32, #tpu.memory_space<vmem_shared>>
      tpu.enqueue_indirect_dma source(%arg18 : memref<64x128xf32, #tpu.memory_space<vmem>>) target(%dma_start3A_1110 : memref<10112x128xf32, #tpu.memory_space<vmem_shared>>) offsets(%arg14 : memref<64xi32, #tpu.memory_space<vmem>>) semaphore(%arg26 : memref<!tpu.dma_semaphore, #tpu.memory_space<semaphore_mem>>) {add = true}
    }
    %scan3A_265 = arith.constant 21 : i32
    tpu.wait_dma2 semaphore(%arg23 : memref<!tpu.dma_semaphore, #tpu.memory_space<semaphore_mem>>) src(%arg6 : memref<64x128xf32, #tpu.memory_space<hbm>>) dst(%arg15 : memref<64x128xf32, #tpu.memory_space<vmem>>)
    tpu.wait_dma2 semaphore(%arg24 : memref<!tpu.dma_semaphore, #tpu.memory_space<semaphore_mem>>) src(%arg6 : memref<64x128xf32, #tpu.memory_space<hbm>>) dst(%arg16 : memref<64x128xf32, #tpu.memory_space<vmem>>)
    tpu.wait_dma2 semaphore(%arg25 : memref<!tpu.dma_semaphore, #tpu.memory_space<semaphore_mem>>) src(%arg6 : memref<64x128xf32, #tpu.memory_space<hbm>>) dst(%arg17 : memref<64x128xf32, #tpu.memory_space<vmem>>)
    tpu.wait_dma2 semaphore(%arg26 : memref<!tpu.dma_semaphore, #tpu.memory_space<semaphore_mem>>) src(%arg6 : memref<64x128xf32, #tpu.memory_space<hbm>>) dst(%arg18 : memref<64x128xf32, #tpu.memory_space<vmem>>)
    %barrier3A_266 = arith.constant 0 : index
    tpu.barrier barrier_id(%barrier3A_266)
    %mul3A_267 = arith.constant 632 : i32
    %mul3A_268 = arith.muli %arg1, %mul3A_267 : i32
    %add3A_269 = arith.constant 0 : i32
    %add3A_270 = arith.addi %mul3A_268, %add3A_269 : i32
    "tpu.region"() ({
      %run_scoped3A = tpu.sem_alloc : memref<!tpu.dma_semaphore, #tpu.memory_space<semaphore_mem>>
      %dma_start3A_459 = arith.constant 0 : i32
      %dma_start3A_460 = tpu.memref_slice %arg8[%add3A_270, %dma_start3A_459] : memref<10112x128xf32, #tpu.memory_space<vmem_shared>> -> memref<64x128xf32, #tpu.memory_space<vmem_shared>>
      %dma_start3A_461 = arith.constant 0 : i32
      %dma_start3A_462 = tpu.memref_slice %arg8[%add3A_270, %dma_start3A_461] : memref<10112x128xf32, #tpu.memory_space<vmem_shared>> -> memref<64x128xf32, #tpu.memory_space<vmem_shared>>
      tpu.enqueue_dma source(%dma_start3A_462 : memref<64x128xf32, #tpu.memory_space<vmem_shared>>) target(%arg15 : memref<64x128xf32, #tpu.memory_space<vmem>>) target_semaphore(%run_scoped3A : memref<!tpu.dma_semaphore, #tpu.memory_space<semaphore_mem>>)
      %dma_wait3A_463 = arith.constant 0 : i32
      %dma_wait3A_464 = tpu.memref_slice %arg8[%add3A_270, %dma_wait3A_463] : memref<10112x128xf32, #tpu.memory_space<vmem_shared>> -> memref<64x128xf32, #tpu.memory_space<vmem_shared>>
      %dma_wait3A_465 = arith.constant 0 : i32
      %dma_wait3A_466 = tpu.memref_slice %arg8[%add3A_270, %dma_wait3A_465] : memref<10112x128xf32, #tpu.memory_space<vmem_shared>> -> memref<64x128xf32, #tpu.memory_space<vmem_shared>>
      tpu.wait_dma2 semaphore(%run_scoped3A : memref<!tpu.dma_semaphore, #tpu.memory_space<semaphore_mem>>) src(%dma_wait3A_466 : memref<64x128xf32, #tpu.memory_space<vmem_shared>>) dst(%arg15 : memref<64x128xf32, #tpu.memory_space<vmem>>)
      tpu.yield
    }) : () -> ()
    %dma_start3A_271 = arith.constant 0 : i32
    %dma_start3A_272 = tpu.memref_slice %arg7[%arg0, %add3A_270, %dma_start3A_271] : memref<2x10112x128xf32, #tpu.memory_space<hbm>> -> memref<1x64x128xf32, #tpu.memory_space<hbm>>
    %dma_start3A_273 = tpu.memref_squeeze %dma_start3A_272 : memref<1x64x128xf32, #tpu.memory_space<hbm>> -> memref<64x128xf32, #tpu.memory_space<hbm>>
    %dma_start3A_274 = arith.constant 0 : i32
    %dma_start3A_275 = tpu.memref_slice %arg7[%arg0, %add3A_270, %dma_start3A_274] : memref<2x10112x128xf32, #tpu.memory_space<hbm>> -> memref<1x64x128xf32, #tpu.memory_space<hbm>>
    %dma_start3A_276 = tpu.memref_squeeze %dma_start3A_275 : memref<1x64x128xf32, #tpu.memory_space<hbm>> -> memref<64x128xf32, #tpu.memory_space<hbm>>
    tpu.enqueue_dma source(%arg15 : memref<64x128xf32, #tpu.memory_space<vmem>>) target(%dma_start3A_276 : memref<64x128xf32, #tpu.memory_space<hbm>>) target_semaphore(%arg19 : memref<!tpu.dma_semaphore, #tpu.memory_space<semaphore_mem>>)
    %mul3A_277 = arith.constant 632 : i32
    %mul3A_278 = arith.muli %arg1, %mul3A_277 : i32
    %add3A_279 = arith.constant 64 : i32
    %add3A_280 = arith.addi %mul3A_278, %add3A_279 : i32
    "tpu.region"() ({
      %run_scoped3A = tpu.sem_alloc : memref<!tpu.dma_semaphore, #tpu.memory_space<semaphore_mem>>
      %dma_start3A_459 = arith.constant 0 : i32
      %dma_start3A_460 = tpu.memref_slice %arg8[%add3A_280, %dma_start3A_459] : memref<10112x128xf32, #tpu.memory_space<vmem_shared>> -> memref<64x128xf32, #tpu.memory_space<vmem_shared>>
      %dma_start3A_461 = arith.constant 0 : i32
      %dma_start3A_462 = tpu.memref_slice %arg8[%add3A_280, %dma_start3A_461] : memref<10112x128xf32, #tpu.memory_space<vmem_shared>> -> memref<64x128xf32, #tpu.memory_space<vmem_shared>>
      tpu.enqueue_dma source(%dma_start3A_462 : memref<64x128xf32, #tpu.memory_space<vmem_shared>>) target(%arg16 : memref<64x128xf32, #tpu.memory_space<vmem>>) target_semaphore(%run_scoped3A : memref<!tpu.dma_semaphore, #tpu.memory_space<semaphore_mem>>)
      %dma_wait3A_463 = arith.constant 0 : i32
      %dma_wait3A_464 = tpu.memref_slice %arg8[%add3A_280, %dma_wait3A_463] : memref<10112x128xf32, #tpu.memory_space<vmem_shared>> -> memref<64x128xf32, #tpu.memory_space<vmem_shared>>
      %dma_wait3A_465 = arith.constant 0 : i32
      %dma_wait3A_466 = tpu.memref_slice %arg8[%add3A_280, %dma_wait3A_465] : memref<10112x128xf32, #tpu.memory_space<vmem_shared>> -> memref<64x128xf32, #tpu.memory_space<vmem_shared>>
      tpu.wait_dma2 semaphore(%run_scoped3A : memref<!tpu.dma_semaphore, #tpu.memory_space<semaphore_mem>>) src(%dma_wait3A_466 : memref<64x128xf32, #tpu.memory_space<vmem_shared>>) dst(%arg16 : memref<64x128xf32, #tpu.memory_space<vmem>>)
      tpu.yield
    }) : () -> ()
    %dma_start3A_281 = arith.constant 0 : i32
    %dma_start3A_282 = tpu.memref_slice %arg7[%arg0, %add3A_280, %dma_start3A_281] : memref<2x10112x128xf32, #tpu.memory_space<hbm>> -> memref<1x64x128xf32, #tpu.memory_space<hbm>>
    %dma_start3A_283 = tpu.memref_squeeze %dma_start3A_282 : memref<1x64x128xf32, #tpu.memory_space<hbm>> -> memref<64x128xf32, #tpu.memory_space<hbm>>
    %dma_start3A_284 = arith.constant 0 : i32
    %dma_start3A_285 = tpu.memref_slice %arg7[%arg0, %add3A_280, %dma_start3A_284] : memref<2x10112x128xf32, #tpu.memory_space<hbm>> -> memref<1x64x128xf32, #tpu.memory_space<hbm>>
    %dma_start3A_286 = tpu.memref_squeeze %dma_start3A_285 : memref<1x64x128xf32, #tpu.memory_space<hbm>> -> memref<64x128xf32, #tpu.memory_space<hbm>>
    tpu.enqueue_dma source(%arg16 : memref<64x128xf32, #tpu.memory_space<vmem>>) target(%dma_start3A_286 : memref<64x128xf32, #tpu.memory_space<hbm>>) target_semaphore(%arg20 : memref<!tpu.dma_semaphore, #tpu.memory_space<semaphore_mem>>)
    %mul3A_287 = arith.constant 632 : i32
    %mul3A_288 = arith.muli %arg1, %mul3A_287 : i32
    %add3A_289 = arith.constant 128 : i32
    %add3A_290 = arith.addi %mul3A_288, %add3A_289 : i32
    %dma_wait3A_291 = arith.constant 0 : i32
    %dma_wait3A_292 = arith.constant 0 : i32
    %dma_wait3A_293 = tpu.memref_slice %arg7[%arg0, %dma_wait3A_291, %dma_wait3A_292] : memref<2x10112x128xf32, #tpu.memory_space<hbm>> -> memref<1x64x128xf32, #tpu.memory_space<hbm>>
    %dma_wait3A_294 = tpu.memref_squeeze %dma_wait3A_293 : memref<1x64x128xf32, #tpu.memory_space<hbm>> -> memref<64x128xf32, #tpu.memory_space<hbm>>
    %dma_wait3A_295 = arith.constant 0 : i32
    %dma_wait3A_296 = arith.constant 0 : i32
    %dma_wait3A_297 = tpu.memref_slice %arg7[%arg0, %dma_wait3A_295, %dma_wait3A_296] : memref<2x10112x128xf32, #tpu.memory_space<hbm>> -> memref<1x64x128xf32, #tpu.memory_space<hbm>>
    %dma_wait3A_298 = tpu.memref_squeeze %dma_wait3A_297 : memref<1x64x128xf32, #tpu.memory_space<hbm>> -> memref<64x128xf32, #tpu.memory_space<hbm>>
    tpu.wait_dma2 semaphore(%arg19 : memref<!tpu.dma_semaphore, #tpu.memory_space<semaphore_mem>>) src(%arg15 : memref<64x128xf32, #tpu.memory_space<vmem>>) dst(%dma_wait3A_298 : memref<64x128xf32, #tpu.memory_space<hbm>>)
    "tpu.region"() ({
      %run_scoped3A = tpu.sem_alloc : memref<!tpu.dma_semaphore, #tpu.memory_space<semaphore_mem>>
      %dma_start3A_459 = arith.constant 0 : i32
      %dma_start3A_460 = tpu.memref_slice %arg8[%add3A_290, %dma_start3A_459] : memref<10112x128xf32, #tpu.memory_space<vmem_shared>> -> memref<64x128xf32, #tpu.memory_space<vmem_shared>>
      %dma_start3A_461 = arith.constant 0 : i32
      %dma_start3A_462 = tpu.memref_slice %arg8[%add3A_290, %dma_start3A_461] : memref<10112x128xf32, #tpu.memory_space<vmem_shared>> -> memref<64x128xf32, #tpu.memory_space<vmem_shared>>
      tpu.enqueue_dma source(%dma_start3A_462 : memref<64x128xf32, #tpu.memory_space<vmem_shared>>) target(%arg15 : memref<64x128xf32, #tpu.memory_space<vmem>>) target_semaphore(%run_scoped3A : memref<!tpu.dma_semaphore, #tpu.memory_space<semaphore_mem>>)
      %dma_wait3A_463 = arith.constant 0 : i32
      %dma_wait3A_464 = tpu.memref_slice %arg8[%add3A_290, %dma_wait3A_463] : memref<10112x128xf32, #tpu.memory_space<vmem_shared>> -> memref<64x128xf32, #tpu.memory_space<vmem_shared>>
      %dma_wait3A_465 = arith.constant 0 : i32
      %dma_wait3A_466 = tpu.memref_slice %arg8[%add3A_290, %dma_wait3A_465] : memref<10112x128xf32, #tpu.memory_space<vmem_shared>> -> memref<64x128xf32, #tpu.memory_space<vmem_shared>>
      tpu.wait_dma2 semaphore(%run_scoped3A : memref<!tpu.dma_semaphore, #tpu.memory_space<semaphore_mem>>) src(%dma_wait3A_466 : memref<64x128xf32, #tpu.memory_space<vmem_shared>>) dst(%arg15 : memref<64x128xf32, #tpu.memory_space<vmem>>)
      tpu.yield
    }) : () -> ()
    %dma_start3A_299 = arith.constant 0 : i32
    %dma_start3A_300 = tpu.memref_slice %arg7[%arg0, %add3A_290, %dma_start3A_299] : memref<2x10112x128xf32, #tpu.memory_space<hbm>> -> memref<1x64x128xf32, #tpu.memory_space<hbm>>
    %dma_start3A_301 = tpu.memref_squeeze %dma_start3A_300 : memref<1x64x128xf32, #tpu.memory_space<hbm>> -> memref<64x128xf32, #tpu.memory_space<hbm>>
    %dma_start3A_302 = arith.constant 0 : i32
    %dma_start3A_303 = tpu.memref_slice %arg7[%arg0, %add3A_290, %dma_start3A_302] : memref<2x10112x128xf32, #tpu.memory_space<hbm>> -> memref<1x64x128xf32, #tpu.memory_space<hbm>>
    %dma_start3A_304 = tpu.memref_squeeze %dma_start3A_303 : memref<1x64x128xf32, #tpu.memory_space<hbm>> -> memref<64x128xf32, #tpu.memory_space<hbm>>
    tpu.enqueue_dma source(%arg15 : memref<64x128xf32, #tpu.memory_space<vmem>>) target(%dma_start3A_304 : memref<64x128xf32, #tpu.memory_space<hbm>>) target_semaphore(%arg19 : memref<!tpu.dma_semaphore, #tpu.memory_space<semaphore_mem>>)
    %mul3A_305 = arith.constant 632 : i32
    %mul3A_306 = arith.muli %arg1, %mul3A_305 : i32
    %add3A_307 = arith.constant 192 : i32
    %add3A_308 = arith.addi %mul3A_306, %add3A_307 : i32
    %dma_wait3A_309 = arith.constant 0 : i32
    %dma_wait3A_310 = arith.constant 0 : i32
    %dma_wait3A_311 = tpu.memref_slice %arg7[%arg0, %dma_wait3A_309, %dma_wait3A_310] : memref<2x10112x128xf32, #tpu.memory_space<hbm>> -> memref<1x64x128xf32, #tpu.memory_space<hbm>>
    %dma_wait3A_312 = tpu.memref_squeeze %dma_wait3A_311 : memref<1x64x128xf32, #tpu.memory_space<hbm>> -> memref<64x128xf32, #tpu.memory_space<hbm>>
    %dma_wait3A_313 = arith.constant 0 : i32
    %dma_wait3A_314 = arith.constant 0 : i32
    %dma_wait3A_315 = tpu.memref_slice %arg7[%arg0, %dma_wait3A_313, %dma_wait3A_314] : memref<2x10112x128xf32, #tpu.memory_space<hbm>> -> memref<1x64x128xf32, #tpu.memory_space<hbm>>
    %dma_wait3A_316 = tpu.memref_squeeze %dma_wait3A_315 : memref<1x64x128xf32, #tpu.memory_space<hbm>> -> memref<64x128xf32, #tpu.memory_space<hbm>>
    tpu.wait_dma2 semaphore(%arg20 : memref<!tpu.dma_semaphore, #tpu.memory_space<semaphore_mem>>) src(%arg16 : memref<64x128xf32, #tpu.memory_space<vmem>>) dst(%dma_wait3A_316 : memref<64x128xf32, #tpu.memory_space<hbm>>)
    "tpu.region"() ({
      %run_scoped3A = tpu.sem_alloc : memref<!tpu.dma_semaphore, #tpu.memory_space<semaphore_mem>>
      %dma_start3A_459 = arith.constant 0 : i32
      %dma_start3A_460 = tpu.memref_slice %arg8[%add3A_308, %dma_start3A_459] : memref<10112x128xf32, #tpu.memory_space<vmem_shared>> -> memref<64x128xf32, #tpu.memory_space<vmem_shared>>
      %dma_start3A_461 = arith.constant 0 : i32
      %dma_start3A_462 = tpu.memref_slice %arg8[%add3A_308, %dma_start3A_461] : memref<10112x128xf32, #tpu.memory_space<vmem_shared>> -> memref<64x128xf32, #tpu.memory_space<vmem_shared>>
      tpu.enqueue_dma source(%dma_start3A_462 : memref<64x128xf32, #tpu.memory_space<vmem_shared>>) target(%arg16 : memref<64x128xf32, #tpu.memory_space<vmem>>) target_semaphore(%run_scoped3A : memref<!tpu.dma_semaphore, #tpu.memory_space<semaphore_mem>>)
      %dma_wait3A_463 = arith.constant 0 : i32
      %dma_wait3A_464 = tpu.memref_slice %arg8[%add3A_308, %dma_wait3A_463] : memref<10112x128xf32, #tpu.memory_space<vmem_shared>> -> memref<64x128xf32, #tpu.memory_space<vmem_shared>>
      %dma_wait3A_465 = arith.constant 0 : i32
      %dma_wait3A_466 = tpu.memref_slice %arg8[%add3A_308, %dma_wait3A_465] : memref<10112x128xf32, #tpu.memory_space<vmem_shared>> -> memref<64x128xf32, #tpu.memory_space<vmem_shared>>
      tpu.wait_dma2 semaphore(%run_scoped3A : memref<!tpu.dma_semaphore, #tpu.memory_space<semaphore_mem>>) src(%dma_wait3A_466 : memref<64x128xf32, #tpu.memory_space<vmem_shared>>) dst(%arg16 : memref<64x128xf32, #tpu.memory_space<vmem>>)
      tpu.yield
    }) : () -> ()
    %dma_start3A_317 = arith.constant 0 : i32
    %dma_start3A_318 = tpu.memref_slice %arg7[%arg0, %add3A_308, %dma_start3A_317] : memref<2x10112x128xf32, #tpu.memory_space<hbm>> -> memref<1x64x128xf32, #tpu.memory_space<hbm>>
    %dma_start3A_319 = tpu.memref_squeeze %dma_start3A_318 : memref<1x64x128xf32, #tpu.memory_space<hbm>> -> memref<64x128xf32, #tpu.memory_space<hbm>>
    %dma_start3A_320 = arith.constant 0 : i32
    %dma_start3A_321 = tpu.memref_slice %arg7[%arg0, %add3A_308, %dma_start3A_320] : memref<2x10112x128xf32, #tpu.memory_space<hbm>> -> memref<1x64x128xf32, #tpu.memory_space<hbm>>
    %dma_start3A_322 = tpu.memref_squeeze %dma_start3A_321 : memref<1x64x128xf32, #tpu.memory_space<hbm>> -> memref<64x128xf32, #tpu.memory_space<hbm>>
    tpu.enqueue_dma source(%arg16 : memref<64x128xf32, #tpu.memory_space<vmem>>) target(%dma_start3A_322 : memref<64x128xf32, #tpu.memory_space<hbm>>) target_semaphore(%arg20 : memref<!tpu.dma_semaphore, #tpu.memory_space<semaphore_mem>>)
    %mul3A_323 = arith.constant 632 : i32
    %mul3A_324 = arith.muli %arg1, %mul3A_323 : i32
    %add3A_325 = arith.constant 256 : i32
    %add3A_326 = arith.addi %mul3A_324, %add3A_325 : i32
    %dma_wait3A_327 = arith.constant 0 : i32
    %dma_wait3A_328 = arith.constant 0 : i32
    %dma_wait3A_329 = tpu.memref_slice %arg7[%arg0, %dma_wait3A_327, %dma_wait3A_328] : memref<2x10112x128xf32, #tpu.memory_space<hbm>> -> memref<1x64x128xf32, #tpu.memory_space<hbm>>
    %dma_wait3A_330 = tpu.memref_squeeze %dma_wait3A_329 : memref<1x64x128xf32, #tpu.memory_space<hbm>> -> memref<64x128xf32, #tpu.memory_space<hbm>>
    %dma_wait3A_331 = arith.constant 0 : i32
    %dma_wait3A_332 = arith.constant 0 : i32
    %dma_wait3A_333 = tpu.memref_slice %arg7[%arg0, %dma_wait3A_331, %dma_wait3A_332] : memref<2x10112x128xf32, #tpu.memory_space<hbm>> -> memref<1x64x128xf32, #tpu.memory_space<hbm>>
    %dma_wait3A_334 = tpu.memref_squeeze %dma_wait3A_333 : memref<1x64x128xf32, #tpu.memory_space<hbm>> -> memref<64x128xf32, #tpu.memory_space<hbm>>
    tpu.wait_dma2 semaphore(%arg19 : memref<!tpu.dma_semaphore, #tpu.memory_space<semaphore_mem>>) src(%arg15 : memref<64x128xf32, #tpu.memory_space<vmem>>) dst(%dma_wait3A_334 : memref<64x128xf32, #tpu.memory_space<hbm>>)
    "tpu.region"() ({
      %run_scoped3A = tpu.sem_alloc : memref<!tpu.dma_semaphore, #tpu.memory_space<semaphore_mem>>
      %dma_start3A_459 = arith.constant 0 : i32
      %dma_start3A_460 = tpu.memref_slice %arg8[%add3A_326, %dma_start3A_459] : memref<10112x128xf32, #tpu.memory_space<vmem_shared>> -> memref<64x128xf32, #tpu.memory_space<vmem_shared>>
      %dma_start3A_461 = arith.constant 0 : i32
      %dma_start3A_462 = tpu.memref_slice %arg8[%add3A_326, %dma_start3A_461] : memref<10112x128xf32, #tpu.memory_space<vmem_shared>> -> memref<64x128xf32, #tpu.memory_space<vmem_shared>>
      tpu.enqueue_dma source(%dma_start3A_462 : memref<64x128xf32, #tpu.memory_space<vmem_shared>>) target(%arg15 : memref<64x128xf32, #tpu.memory_space<vmem>>) target_semaphore(%run_scoped3A : memref<!tpu.dma_semaphore, #tpu.memory_space<semaphore_mem>>)
      %dma_wait3A_463 = arith.constant 0 : i32
      %dma_wait3A_464 = tpu.memref_slice %arg8[%add3A_326, %dma_wait3A_463] : memref<10112x128xf32, #tpu.memory_space<vmem_shared>> -> memref<64x128xf32, #tpu.memory_space<vmem_shared>>
      %dma_wait3A_465 = arith.constant 0 : i32
      %dma_wait3A_466 = tpu.memref_slice %arg8[%add3A_326, %dma_wait3A_465] : memref<10112x128xf32, #tpu.memory_space<vmem_shared>> -> memref<64x128xf32, #tpu.memory_space<vmem_shared>>
      tpu.wait_dma2 semaphore(%run_scoped3A : memref<!tpu.dma_semaphore, #tpu.memory_space<semaphore_mem>>) src(%dma_wait3A_466 : memref<64x128xf32, #tpu.memory_space<vmem_shared>>) dst(%arg15 : memref<64x128xf32, #tpu.memory_space<vmem>>)
      tpu.yield
    }) : () -> ()
    %dma_start3A_335 = arith.constant 0 : i32
    %dma_start3A_336 = tpu.memref_slice %arg7[%arg0, %add3A_326, %dma_start3A_335] : memref<2x10112x128xf32, #tpu.memory_space<hbm>> -> memref<1x64x128xf32, #tpu.memory_space<hbm>>
    %dma_start3A_337 = tpu.memref_squeeze %dma_start3A_336 : memref<1x64x128xf32, #tpu.memory_space<hbm>> -> memref<64x128xf32, #tpu.memory_space<hbm>>
    %dma_start3A_338 = arith.constant 0 : i32
    %dma_start3A_339 = tpu.memref_slice %arg7[%arg0, %add3A_326, %dma_start3A_338] : memref<2x10112x128xf32, #tpu.memory_space<hbm>> -> memref<1x64x128xf32, #tpu.memory_space<hbm>>
    %dma_start3A_340 = tpu.memref_squeeze %dma_start3A_339 : memref<1x64x128xf32, #tpu.memory_space<hbm>> -> memref<64x128xf32, #tpu.memory_space<hbm>>
    tpu.enqueue_dma source(%arg15 : memref<64x128xf32, #tpu.memory_space<vmem>>) target(%dma_start3A_340 : memref<64x128xf32, #tpu.memory_space<hbm>>) target_semaphore(%arg19 : memref<!tpu.dma_semaphore, #tpu.memory_space<semaphore_mem>>)
    %mul3A_341 = arith.constant 632 : i32
    %mul3A_342 = arith.muli %arg1, %mul3A_341 : i32
    %add3A_343 = arith.constant 320 : i32
    %add3A_344 = arith.addi %mul3A_342, %add3A_343 : i32
    %dma_wait3A_345 = arith.constant 0 : i32
    %dma_wait3A_346 = arith.constant 0 : i32
    %dma_wait3A_347 = tpu.memref_slice %arg7[%arg0, %dma_wait3A_345, %dma_wait3A_346] : memref<2x10112x128xf32, #tpu.memory_space<hbm>> -> memref<1x64x128xf32, #tpu.memory_space<hbm>>
    %dma_wait3A_348 = tpu.memref_squeeze %dma_wait3A_347 : memref<1x64x128xf32, #tpu.memory_space<hbm>> -> memref<64x128xf32, #tpu.memory_space<hbm>>
    %dma_wait3A_349 = arith.constant 0 : i32
    %dma_wait3A_350 = arith.constant 0 : i32
    %dma_wait3A_351 = tpu.memref_slice %arg7[%arg0, %dma_wait3A_349, %dma_wait3A_350] : memref<2x10112x128xf32, #tpu.memory_space<hbm>> -> memref<1x64x128xf32, #tpu.memory_space<hbm>>
    %dma_wait3A_352 = tpu.memref_squeeze %dma_wait3A_351 : memref<1x64x128xf32, #tpu.memory_space<hbm>> -> memref<64x128xf32, #tpu.memory_space<hbm>>
    tpu.wait_dma2 semaphore(%arg20 : memref<!tpu.dma_semaphore, #tpu.memory_space<semaphore_mem>>) src(%arg16 : memref<64x128xf32, #tpu.memory_space<vmem>>) dst(%dma_wait3A_352 : memref<64x128xf32, #tpu.memory_space<hbm>>)
    "tpu.region"() ({
      %run_scoped3A = tpu.sem_alloc : memref<!tpu.dma_semaphore, #tpu.memory_space<semaphore_mem>>
      %dma_start3A_459 = arith.constant 0 : i32
      %dma_start3A_460 = tpu.memref_slice %arg8[%add3A_344, %dma_start3A_459] : memref<10112x128xf32, #tpu.memory_space<vmem_shared>> -> memref<64x128xf32, #tpu.memory_space<vmem_shared>>
      %dma_start3A_461 = arith.constant 0 : i32
      %dma_start3A_462 = tpu.memref_slice %arg8[%add3A_344, %dma_start3A_461] : memref<10112x128xf32, #tpu.memory_space<vmem_shared>> -> memref<64x128xf32, #tpu.memory_space<vmem_shared>>
      tpu.enqueue_dma source(%dma_start3A_462 : memref<64x128xf32, #tpu.memory_space<vmem_shared>>) target(%arg16 : memref<64x128xf32, #tpu.memory_space<vmem>>) target_semaphore(%run_scoped3A : memref<!tpu.dma_semaphore, #tpu.memory_space<semaphore_mem>>)
      %dma_wait3A_463 = arith.constant 0 : i32
      %dma_wait3A_464 = tpu.memref_slice %arg8[%add3A_344, %dma_wait3A_463] : memref<10112x128xf32, #tpu.memory_space<vmem_shared>> -> memref<64x128xf32, #tpu.memory_space<vmem_shared>>
      %dma_wait3A_465 = arith.constant 0 : i32
      %dma_wait3A_466 = tpu.memref_slice %arg8[%add3A_344, %dma_wait3A_465] : memref<10112x128xf32, #tpu.memory_space<vmem_shared>> -> memref<64x128xf32, #tpu.memory_space<vmem_shared>>
      tpu.wait_dma2 semaphore(%run_scoped3A : memref<!tpu.dma_semaphore, #tpu.memory_space<semaphore_mem>>) src(%dma_wait3A_466 : memref<64x128xf32, #tpu.memory_space<vmem_shared>>) dst(%arg16 : memref<64x128xf32, #tpu.memory_space<vmem>>)
      tpu.yield
    }) : () -> ()
    %dma_start3A_353 = arith.constant 0 : i32
    %dma_start3A_354 = tpu.memref_slice %arg7[%arg0, %add3A_344, %dma_start3A_353] : memref<2x10112x128xf32, #tpu.memory_space<hbm>> -> memref<1x64x128xf32, #tpu.memory_space<hbm>>
    %dma_start3A_355 = tpu.memref_squeeze %dma_start3A_354 : memref<1x64x128xf32, #tpu.memory_space<hbm>> -> memref<64x128xf32, #tpu.memory_space<hbm>>
    %dma_start3A_356 = arith.constant 0 : i32
    %dma_start3A_357 = tpu.memref_slice %arg7[%arg0, %add3A_344, %dma_start3A_356] : memref<2x10112x128xf32, #tpu.memory_space<hbm>> -> memref<1x64x128xf32, #tpu.memory_space<hbm>>
    %dma_start3A_358 = tpu.memref_squeeze %dma_start3A_357 : memref<1x64x128xf32, #tpu.memory_space<hbm>> -> memref<64x128xf32, #tpu.memory_space<hbm>>
    tpu.enqueue_dma source(%arg16 : memref<64x128xf32, #tpu.memory_space<vmem>>) target(%dma_start3A_358 : memref<64x128xf32, #tpu.memory_space<hbm>>) target_semaphore(%arg20 : memref<!tpu.dma_semaphore, #tpu.memory_space<semaphore_mem>>)
    %mul3A_359 = arith.constant 632 : i32
    %mul3A_360 = arith.muli %arg1, %mul3A_359 : i32
    %add3A_361 = arith.constant 384 : i32
    %add3A_362 = arith.addi %mul3A_360, %add3A_361 : i32
    %dma_wait3A_363 = arith.constant 0 : i32
    %dma_wait3A_364 = arith.constant 0 : i32
    %dma_wait3A_365 = tpu.memref_slice %arg7[%arg0, %dma_wait3A_363, %dma_wait3A_364] : memref<2x10112x128xf32, #tpu.memory_space<hbm>> -> memref<1x64x128xf32, #tpu.memory_space<hbm>>
    %dma_wait3A_366 = tpu.memref_squeeze %dma_wait3A_365 : memref<1x64x128xf32, #tpu.memory_space<hbm>> -> memref<64x128xf32, #tpu.memory_space<hbm>>
    %dma_wait3A_367 = arith.constant 0 : i32
    %dma_wait3A_368 = arith.constant 0 : i32
    %dma_wait3A_369 = tpu.memref_slice %arg7[%arg0, %dma_wait3A_367, %dma_wait3A_368] : memref<2x10112x128xf32, #tpu.memory_space<hbm>> -> memref<1x64x128xf32, #tpu.memory_space<hbm>>
    %dma_wait3A_370 = tpu.memref_squeeze %dma_wait3A_369 : memref<1x64x128xf32, #tpu.memory_space<hbm>> -> memref<64x128xf32, #tpu.memory_space<hbm>>
    tpu.wait_dma2 semaphore(%arg19 : memref<!tpu.dma_semaphore, #tpu.memory_space<semaphore_mem>>) src(%arg15 : memref<64x128xf32, #tpu.memory_space<vmem>>) dst(%dma_wait3A_370 : memref<64x128xf32, #tpu.memory_space<hbm>>)
    "tpu.region"() ({
      %run_scoped3A = tpu.sem_alloc : memref<!tpu.dma_semaphore, #tpu.memory_space<semaphore_mem>>
      %dma_start3A_459 = arith.constant 0 : i32
      %dma_start3A_460 = tpu.memref_slice %arg8[%add3A_362, %dma_start3A_459] : memref<10112x128xf32, #tpu.memory_space<vmem_shared>> -> memref<64x128xf32, #tpu.memory_space<vmem_shared>>
      %dma_start3A_461 = arith.constant 0 : i32
      %dma_start3A_462 = tpu.memref_slice %arg8[%add3A_362, %dma_start3A_461] : memref<10112x128xf32, #tpu.memory_space<vmem_shared>> -> memref<64x128xf32, #tpu.memory_space<vmem_shared>>
      tpu.enqueue_dma source(%dma_start3A_462 : memref<64x128xf32, #tpu.memory_space<vmem_shared>>) target(%arg15 : memref<64x128xf32, #tpu.memory_space<vmem>>) target_semaphore(%run_scoped3A : memref<!tpu.dma_semaphore, #tpu.memory_space<semaphore_mem>>)
      %dma_wait3A_463 = arith.constant 0 : i32
      %dma_wait3A_464 = tpu.memref_slice %arg8[%add3A_362, %dma_wait3A_463] : memref<10112x128xf32, #tpu.memory_space<vmem_shared>> -> memref<64x128xf32, #tpu.memory_space<vmem_shared>>
      %dma_wait3A_465 = arith.constant 0 : i32
      %dma_wait3A_466 = tpu.memref_slice %arg8[%add3A_362, %dma_wait3A_465] : memref<10112x128xf32, #tpu.memory_space<vmem_shared>> -> memref<64x128xf32, #tpu.memory_space<vmem_shared>>
      tpu.wait_dma2 semaphore(%run_scoped3A : memref<!tpu.dma_semaphore, #tpu.memory_space<semaphore_mem>>) src(%dma_wait3A_466 : memref<64x128xf32, #tpu.memory_space<vmem_shared>>) dst(%arg15 : memref<64x128xf32, #tpu.memory_space<vmem>>)
      tpu.yield
    }) : () -> ()
    %dma_start3A_371 = arith.constant 0 : i32
    %dma_start3A_372 = tpu.memref_slice %arg7[%arg0, %add3A_362, %dma_start3A_371] : memref<2x10112x128xf32, #tpu.memory_space<hbm>> -> memref<1x64x128xf32, #tpu.memory_space<hbm>>
    %dma_start3A_373 = tpu.memref_squeeze %dma_start3A_372 : memref<1x64x128xf32, #tpu.memory_space<hbm>> -> memref<64x128xf32, #tpu.memory_space<hbm>>
    %dma_start3A_374 = arith.constant 0 : i32
    %dma_start3A_375 = tpu.memref_slice %arg7[%arg0, %add3A_362, %dma_start3A_374] : memref<2x10112x128xf32, #tpu.memory_space<hbm>> -> memref<1x64x128xf32, #tpu.memory_space<hbm>>
    %dma_start3A_376 = tpu.memref_squeeze %dma_start3A_375 : memref<1x64x128xf32, #tpu.memory_space<hbm>> -> memref<64x128xf32, #tpu.memory_space<hbm>>
    tpu.enqueue_dma source(%arg15 : memref<64x128xf32, #tpu.memory_space<vmem>>) target(%dma_start3A_376 : memref<64x128xf32, #tpu.memory_space<hbm>>) target_semaphore(%arg19 : memref<!tpu.dma_semaphore, #tpu.memory_space<semaphore_mem>>)
    %mul3A_377 = arith.constant 632 : i32
    %mul3A_378 = arith.muli %arg1, %mul3A_377 : i32
    %add3A_379 = arith.constant 448 : i32
    %add3A_380 = arith.addi %mul3A_378, %add3A_379 : i32
    %dma_wait3A_381 = arith.constant 0 : i32
    %dma_wait3A_382 = arith.constant 0 : i32
    %dma_wait3A_383 = tpu.memref_slice %arg7[%arg0, %dma_wait3A_381, %dma_wait3A_382] : memref<2x10112x128xf32, #tpu.memory_space<hbm>> -> memref<1x64x128xf32, #tpu.memory_space<hbm>>
    %dma_wait3A_384 = tpu.memref_squeeze %dma_wait3A_383 : memref<1x64x128xf32, #tpu.memory_space<hbm>> -> memref<64x128xf32, #tpu.memory_space<hbm>>
    %dma_wait3A_385 = arith.constant 0 : i32
    %dma_wait3A_386 = arith.constant 0 : i32
    %dma_wait3A_387 = tpu.memref_slice %arg7[%arg0, %dma_wait3A_385, %dma_wait3A_386] : memref<2x10112x128xf32, #tpu.memory_space<hbm>> -> memref<1x64x128xf32, #tpu.memory_space<hbm>>
    %dma_wait3A_388 = tpu.memref_squeeze %dma_wait3A_387 : memref<1x64x128xf32, #tpu.memory_space<hbm>> -> memref<64x128xf32, #tpu.memory_space<hbm>>
    tpu.wait_dma2 semaphore(%arg20 : memref<!tpu.dma_semaphore, #tpu.memory_space<semaphore_mem>>) src(%arg16 : memref<64x128xf32, #tpu.memory_space<vmem>>) dst(%dma_wait3A_388 : memref<64x128xf32, #tpu.memory_space<hbm>>)
    "tpu.region"() ({
      %run_scoped3A = tpu.sem_alloc : memref<!tpu.dma_semaphore, #tpu.memory_space<semaphore_mem>>
      %dma_start3A_459 = arith.constant 0 : i32
      %dma_start3A_460 = tpu.memref_slice %arg8[%add3A_380, %dma_start3A_459] : memref<10112x128xf32, #tpu.memory_space<vmem_shared>> -> memref<64x128xf32, #tpu.memory_space<vmem_shared>>
      %dma_start3A_461 = arith.constant 0 : i32
      %dma_start3A_462 = tpu.memref_slice %arg8[%add3A_380, %dma_start3A_461] : memref<10112x128xf32, #tpu.memory_space<vmem_shared>> -> memref<64x128xf32, #tpu.memory_space<vmem_shared>>
      tpu.enqueue_dma source(%dma_start3A_462 : memref<64x128xf32, #tpu.memory_space<vmem_shared>>) target(%arg16 : memref<64x128xf32, #tpu.memory_space<vmem>>) target_semaphore(%run_scoped3A : memref<!tpu.dma_semaphore, #tpu.memory_space<semaphore_mem>>)
      %dma_wait3A_463 = arith.constant 0 : i32
      %dma_wait3A_464 = tpu.memref_slice %arg8[%add3A_380, %dma_wait3A_463] : memref<10112x128xf32, #tpu.memory_space<vmem_shared>> -> memref<64x128xf32, #tpu.memory_space<vmem_shared>>
      %dma_wait3A_465 = arith.constant 0 : i32
      %dma_wait3A_466 = tpu.memref_slice %arg8[%add3A_380, %dma_wait3A_465] : memref<10112x128xf32, #tpu.memory_space<vmem_shared>> -> memref<64x128xf32, #tpu.memory_space<vmem_shared>>
      tpu.wait_dma2 semaphore(%run_scoped3A : memref<!tpu.dma_semaphore, #tpu.memory_space<semaphore_mem>>) src(%dma_wait3A_466 : memref<64x128xf32, #tpu.memory_space<vmem_shared>>) dst(%arg16 : memref<64x128xf32, #tpu.memory_space<vmem>>)
      tpu.yield
    }) : () -> ()
    %dma_start3A_389 = arith.constant 0 : i32
    %dma_start3A_390 = tpu.memref_slice %arg7[%arg0, %add3A_380, %dma_start3A_389] : memref<2x10112x128xf32, #tpu.memory_space<hbm>> -> memref<1x64x128xf32, #tpu.memory_space<hbm>>
    %dma_start3A_391 = tpu.memref_squeeze %dma_start3A_390 : memref<1x64x128xf32, #tpu.memory_space<hbm>> -> memref<64x128xf32, #tpu.memory_space<hbm>>
    %dma_start3A_392 = arith.constant 0 : i32
    %dma_start3A_393 = tpu.memref_slice %arg7[%arg0, %add3A_380, %dma_start3A_392] : memref<2x10112x128xf32, #tpu.memory_space<hbm>> -> memref<1x64x128xf32, #tpu.memory_space<hbm>>
    %dma_start3A_394 = tpu.memref_squeeze %dma_start3A_393 : memref<1x64x128xf32, #tpu.memory_space<hbm>> -> memref<64x128xf32, #tpu.memory_space<hbm>>
    tpu.enqueue_dma source(%arg16 : memref<64x128xf32, #tpu.memory_space<vmem>>) target(%dma_start3A_394 : memref<64x128xf32, #tpu.memory_space<hbm>>) target_semaphore(%arg20 : memref<!tpu.dma_semaphore, #tpu.memory_space<semaphore_mem>>)
    %mul3A_395 = arith.constant 632 : i32
    %mul3A_396 = arith.muli %arg1, %mul3A_395 : i32
    %add3A_397 = arith.constant 512 : i32
    %add3A_398 = arith.addi %mul3A_396, %add3A_397 : i32
    %dma_wait3A_399 = arith.constant 0 : i32
    %dma_wait3A_400 = arith.constant 0 : i32
    %dma_wait3A_401 = tpu.memref_slice %arg7[%arg0, %dma_wait3A_399, %dma_wait3A_400] : memref<2x10112x128xf32, #tpu.memory_space<hbm>> -> memref<1x64x128xf32, #tpu.memory_space<hbm>>
    %dma_wait3A_402 = tpu.memref_squeeze %dma_wait3A_401 : memref<1x64x128xf32, #tpu.memory_space<hbm>> -> memref<64x128xf32, #tpu.memory_space<hbm>>
    %dma_wait3A_403 = arith.constant 0 : i32
    %dma_wait3A_404 = arith.constant 0 : i32
    %dma_wait3A_405 = tpu.memref_slice %arg7[%arg0, %dma_wait3A_403, %dma_wait3A_404] : memref<2x10112x128xf32, #tpu.memory_space<hbm>> -> memref<1x64x128xf32, #tpu.memory_space<hbm>>
    %dma_wait3A_406 = tpu.memref_squeeze %dma_wait3A_405 : memref<1x64x128xf32, #tpu.memory_space<hbm>> -> memref<64x128xf32, #tpu.memory_space<hbm>>
    tpu.wait_dma2 semaphore(%arg19 : memref<!tpu.dma_semaphore, #tpu.memory_space<semaphore_mem>>) src(%arg15 : memref<64x128xf32, #tpu.memory_space<vmem>>) dst(%dma_wait3A_406 : memref<64x128xf32, #tpu.memory_space<hbm>>)
    "tpu.region"() ({
      %run_scoped3A = tpu.sem_alloc : memref<!tpu.dma_semaphore, #tpu.memory_space<semaphore_mem>>
      %dma_start3A_459 = arith.constant 0 : i32
      %dma_start3A_460 = tpu.memref_slice %arg8[%add3A_398, %dma_start3A_459] : memref<10112x128xf32, #tpu.memory_space<vmem_shared>> -> memref<64x128xf32, #tpu.memory_space<vmem_shared>>
      %dma_start3A_461 = arith.constant 0 : i32
      %dma_start3A_462 = tpu.memref_slice %arg8[%add3A_398, %dma_start3A_461] : memref<10112x128xf32, #tpu.memory_space<vmem_shared>> -> memref<64x128xf32, #tpu.memory_space<vmem_shared>>
      tpu.enqueue_dma source(%dma_start3A_462 : memref<64x128xf32, #tpu.memory_space<vmem_shared>>) target(%arg15 : memref<64x128xf32, #tpu.memory_space<vmem>>) target_semaphore(%run_scoped3A : memref<!tpu.dma_semaphore, #tpu.memory_space<semaphore_mem>>)
      %dma_wait3A_463 = arith.constant 0 : i32
      %dma_wait3A_464 = tpu.memref_slice %arg8[%add3A_398, %dma_wait3A_463] : memref<10112x128xf32, #tpu.memory_space<vmem_shared>> -> memref<64x128xf32, #tpu.memory_space<vmem_shared>>
      %dma_wait3A_465 = arith.constant 0 : i32
      %dma_wait3A_466 = tpu.memref_slice %arg8[%add3A_398, %dma_wait3A_465] : memref<10112x128xf32, #tpu.memory_space<vmem_shared>> -> memref<64x128xf32, #tpu.memory_space<vmem_shared>>
      tpu.wait_dma2 semaphore(%run_scoped3A : memref<!tpu.dma_semaphore, #tpu.memory_space<semaphore_mem>>) src(%dma_wait3A_466 : memref<64x128xf32, #tpu.memory_space<vmem_shared>>) dst(%arg15 : memref<64x128xf32, #tpu.memory_space<vmem>>)
      tpu.yield
    }) : () -> ()
    %dma_start3A_407 = arith.constant 0 : i32
    %dma_start3A_408 = tpu.memref_slice %arg7[%arg0, %add3A_398, %dma_start3A_407] : memref<2x10112x128xf32, #tpu.memory_space<hbm>> -> memref<1x64x128xf32, #tpu.memory_space<hbm>>
    %dma_start3A_409 = tpu.memref_squeeze %dma_start3A_408 : memref<1x64x128xf32, #tpu.memory_space<hbm>> -> memref<64x128xf32, #tpu.memory_space<hbm>>
    %dma_start3A_410 = arith.constant 0 : i32
    %dma_start3A_411 = tpu.memref_slice %arg7[%arg0, %add3A_398, %dma_start3A_410] : memref<2x10112x128xf32, #tpu.memory_space<hbm>> -> memref<1x64x128xf32, #tpu.memory_space<hbm>>
    %dma_start3A_412 = tpu.memref_squeeze %dma_start3A_411 : memref<1x64x128xf32, #tpu.memory_space<hbm>> -> memref<64x128xf32, #tpu.memory_space<hbm>>
    tpu.enqueue_dma source(%arg15 : memref<64x128xf32, #tpu.memory_space<vmem>>) target(%dma_start3A_412 : memref<64x128xf32, #tpu.memory_space<hbm>>) target_semaphore(%arg19 : memref<!tpu.dma_semaphore, #tpu.memory_space<semaphore_mem>>)
    %mul3A_413 = arith.constant 632 : i32
    %mul3A_414 = arith.muli %arg1, %mul3A_413 : i32
    %add3A_415 = arith.constant 576 : i32
    %add3A_416 = arith.addi %mul3A_414, %add3A_415 : i32
    %dma_wait3A_417 = arith.constant 0 : i32
    %dma_wait3A_418 = arith.constant 0 : i32
    %dma_wait3A_419 = tpu.memref_slice %arg7[%arg0, %dma_wait3A_417, %dma_wait3A_418] : memref<2x10112x128xf32, #tpu.memory_space<hbm>> -> memref<1x64x128xf32, #tpu.memory_space<hbm>>
    %dma_wait3A_420 = tpu.memref_squeeze %dma_wait3A_419 : memref<1x64x128xf32, #tpu.memory_space<hbm>> -> memref<64x128xf32, #tpu.memory_space<hbm>>
    %dma_wait3A_421 = arith.constant 0 : i32
    %dma_wait3A_422 = arith.constant 0 : i32
    %dma_wait3A_423 = tpu.memref_slice %arg7[%arg0, %dma_wait3A_421, %dma_wait3A_422] : memref<2x10112x128xf32, #tpu.memory_space<hbm>> -> memref<1x64x128xf32, #tpu.memory_space<hbm>>
    %dma_wait3A_424 = tpu.memref_squeeze %dma_wait3A_423 : memref<1x64x128xf32, #tpu.memory_space<hbm>> -> memref<64x128xf32, #tpu.memory_space<hbm>>
    tpu.wait_dma2 semaphore(%arg20 : memref<!tpu.dma_semaphore, #tpu.memory_space<semaphore_mem>>) src(%arg16 : memref<64x128xf32, #tpu.memory_space<vmem>>) dst(%dma_wait3A_424 : memref<64x128xf32, #tpu.memory_space<hbm>>)
    "tpu.region"() ({
      %run_scoped3A = tpu.sem_alloc : memref<!tpu.dma_semaphore, #tpu.memory_space<semaphore_mem>>
      %dma_start3A_459 = arith.constant 0 : i32
      %dma_start3A_460 = arith.constant 0 : i32
      %dma_start3A_461 = tpu.memref_slice %arg16[%dma_start3A_459, %dma_start3A_460] : memref<64x128xf32, #tpu.memory_space<vmem>> -> memref<56x128xf32, #tpu.memory_space<vmem>>
      %dma_start3A_462 = arith.constant 0 : i32
      %dma_start3A_463 = tpu.memref_slice %arg8[%add3A_416, %dma_start3A_462] : memref<10112x128xf32, #tpu.memory_space<vmem_shared>> -> memref<56x128xf32, #tpu.memory_space<vmem_shared>>
      %dma_start3A_464 = arith.constant 0 : i32
      %dma_start3A_465 = arith.constant 0 : i32
      %dma_start3A_466 = tpu.memref_slice %arg16[%dma_start3A_464, %dma_start3A_465] : memref<64x128xf32, #tpu.memory_space<vmem>> -> memref<56x128xf32, #tpu.memory_space<vmem>>
      %dma_start3A_467 = arith.constant 0 : i32
      %dma_start3A_468 = tpu.memref_slice %arg8[%add3A_416, %dma_start3A_467] : memref<10112x128xf32, #tpu.memory_space<vmem_shared>> -> memref<56x128xf32, #tpu.memory_space<vmem_shared>>
      tpu.enqueue_dma source(%dma_start3A_468 : memref<56x128xf32, #tpu.memory_space<vmem_shared>>) target(%dma_start3A_466 : memref<56x128xf32, #tpu.memory_space<vmem>>) target_semaphore(%run_scoped3A : memref<!tpu.dma_semaphore, #tpu.memory_space<semaphore_mem>>)
      %dma_wait3A_469 = arith.constant 0 : i32
      %dma_wait3A_470 = arith.constant 0 : i32
      %dma_wait3A_471 = tpu.memref_slice %arg16[%dma_wait3A_469, %dma_wait3A_470] : memref<64x128xf32, #tpu.memory_space<vmem>> -> memref<56x128xf32, #tpu.memory_space<vmem>>
      %dma_wait3A_472 = arith.constant 0 : i32
      %dma_wait3A_473 = tpu.memref_slice %arg8[%add3A_416, %dma_wait3A_472] : memref<10112x128xf32, #tpu.memory_space<vmem_shared>> -> memref<56x128xf32, #tpu.memory_space<vmem_shared>>
      %dma_wait3A_474 = arith.constant 0 : i32
      %dma_wait3A_475 = arith.constant 0 : i32
      %dma_wait3A_476 = tpu.memref_slice %arg16[%dma_wait3A_474, %dma_wait3A_475] : memref<64x128xf32, #tpu.memory_space<vmem>> -> memref<56x128xf32, #tpu.memory_space<vmem>>
      %dma_wait3A_477 = arith.constant 0 : i32
      %dma_wait3A_478 = tpu.memref_slice %arg8[%add3A_416, %dma_wait3A_477] : memref<10112x128xf32, #tpu.memory_space<vmem_shared>> -> memref<56x128xf32, #tpu.memory_space<vmem_shared>>
      tpu.wait_dma2 semaphore(%run_scoped3A : memref<!tpu.dma_semaphore, #tpu.memory_space<semaphore_mem>>) src(%dma_wait3A_478 : memref<56x128xf32, #tpu.memory_space<vmem_shared>>) dst(%dma_wait3A_476 : memref<56x128xf32, #tpu.memory_space<vmem>>)
      tpu.yield
    }) : () -> ()
    %dma_start3A_425 = arith.constant 0 : i32
    %dma_start3A_426 = arith.constant 0 : i32
    %dma_start3A_427 = tpu.memref_slice %arg16[%dma_start3A_425, %dma_start3A_426] : memref<64x128xf32, #tpu.memory_space<vmem>> -> memref<56x128xf32, #tpu.memory_space<vmem>>
    %dma_start3A_428 = arith.constant 0 : i32
    %dma_start3A_429 = tpu.memref_slice %arg7[%arg0, %add3A_416, %dma_start3A_428] : memref<2x10112x128xf32, #tpu.memory_space<hbm>> -> memref<1x56x128xf32, #tpu.memory_space<hbm>>
    %dma_start3A_430 = tpu.memref_squeeze %dma_start3A_429 : memref<1x56x128xf32, #tpu.memory_space<hbm>> -> memref<56x128xf32, #tpu.memory_space<hbm>>
    %dma_start3A_431 = arith.constant 0 : i32
    %dma_start3A_432 = tpu.memref_slice %arg7[%arg0, %add3A_416, %dma_start3A_431] : memref<2x10112x128xf32, #tpu.memory_space<hbm>> -> memref<1x56x128xf32, #tpu.memory_space<hbm>>
    %dma_start3A_433 = tpu.memref_squeeze %dma_start3A_432 : memref<1x56x128xf32, #tpu.memory_space<hbm>> -> memref<56x128xf32, #tpu.memory_space<hbm>>
    %dma_start3A_434 = arith.constant 0 : i32
    %dma_start3A_435 = arith.constant 0 : i32
    %dma_start3A_436 = tpu.memref_slice %arg16[%dma_start3A_434, %dma_start3A_435] : memref<64x128xf32, #tpu.memory_space<vmem>> -> memref<56x128xf32, #tpu.memory_space<vmem>>
    tpu.enqueue_dma source(%dma_start3A_436 : memref<56x128xf32, #tpu.memory_space<vmem>>) target(%dma_start3A_433 : memref<56x128xf32, #tpu.memory_space<hbm>>) target_semaphore(%arg20 : memref<!tpu.dma_semaphore, #tpu.memory_space<semaphore_mem>>)
    %dma_wait3A_437 = arith.constant 0 : i32
    %dma_wait3A_438 = arith.constant 0 : i32
    %dma_wait3A_439 = tpu.memref_slice %arg7[%arg0, %dma_wait3A_437, %dma_wait3A_438] : memref<2x10112x128xf32, #tpu.memory_space<hbm>> -> memref<1x64x128xf32, #tpu.memory_space<hbm>>
    %dma_wait3A_440 = tpu.memref_squeeze %dma_wait3A_439 : memref<1x64x128xf32, #tpu.memory_space<hbm>> -> memref<64x128xf32, #tpu.memory_space<hbm>>
    %dma_wait3A_441 = arith.constant 0 : i32
    %dma_wait3A_442 = arith.constant 0 : i32
    %dma_wait3A_443 = tpu.memref_slice %arg7[%arg0, %dma_wait3A_441, %dma_wait3A_442] : memref<2x10112x128xf32, #tpu.memory_space<hbm>> -> memref<1x64x128xf32, #tpu.memory_space<hbm>>
    %dma_wait3A_444 = tpu.memref_squeeze %dma_wait3A_443 : memref<1x64x128xf32, #tpu.memory_space<hbm>> -> memref<64x128xf32, #tpu.memory_space<hbm>>
    tpu.wait_dma2 semaphore(%arg19 : memref<!tpu.dma_semaphore, #tpu.memory_space<semaphore_mem>>) src(%arg15 : memref<64x128xf32, #tpu.memory_space<vmem>>) dst(%dma_wait3A_444 : memref<64x128xf32, #tpu.memory_space<hbm>>)
    %dma_wait3A_445 = arith.constant 0 : i32
    %dma_wait3A_446 = arith.constant 0 : i32
    %dma_wait3A_447 = tpu.memref_slice %arg16[%dma_wait3A_445, %dma_wait3A_446] : memref<64x128xf32, #tpu.memory_space<vmem>> -> memref<56x128xf32, #tpu.memory_space<vmem>>
    %dma_wait3A_448 = arith.constant 0 : i32
    %dma_wait3A_449 = arith.constant 0 : i32
    %dma_wait3A_450 = tpu.memref_slice %arg7[%arg0, %dma_wait3A_448, %dma_wait3A_449] : memref<2x10112x128xf32, #tpu.memory_space<hbm>> -> memref<1x56x128xf32, #tpu.memory_space<hbm>>
    %dma_wait3A_451 = tpu.memref_squeeze %dma_wait3A_450 : memref<1x56x128xf32, #tpu.memory_space<hbm>> -> memref<56x128xf32, #tpu.memory_space<hbm>>
    %dma_wait3A_452 = arith.constant 0 : i32
    %dma_wait3A_453 = arith.constant 0 : i32
    %dma_wait3A_454 = tpu.memref_slice %arg7[%arg0, %dma_wait3A_452, %dma_wait3A_453] : memref<2x10112x128xf32, #tpu.memory_space<hbm>> -> memref<1x56x128xf32, #tpu.memory_space<hbm>>
    %dma_wait3A_455 = tpu.memref_squeeze %dma_wait3A_454 : memref<1x56x128xf32, #tpu.memory_space<hbm>> -> memref<56x128xf32, #tpu.memory_space<hbm>>
    %dma_wait3A_456 = arith.constant 0 : i32
    %dma_wait3A_457 = arith.constant 0 : i32
    %dma_wait3A_458 = tpu.memref_slice %arg16[%dma_wait3A_456, %dma_wait3A_457] : memref<64x128xf32, #tpu.memory_space<vmem>> -> memref<56x128xf32, #tpu.memory_space<vmem>>
    tpu.wait_dma2 semaphore(%arg20 : memref<!tpu.dma_semaphore, #tpu.memory_space<semaphore_mem>>) src(%dma_wait3A_458 : memref<56x128xf32, #tpu.memory_space<vmem>>) dst(%dma_wait3A_455 : memref<56x128xf32, #tpu.memory_space<hbm>>)
    return
  }
}

module attributes {stable_mosaic.version = 14 : i64} {
  func.func @_k_body(%arg0: memref<80x128xf32, #tpu.memory_space<vmem>>, %arg1: memref<80x128xf32, #tpu.memory_space<vmem>>) attributes {dimension_semantics = [], scalar_prefetch = 0 : i64, scratch_operands = 0 : i64, tpu.core_type = #tpu.core_type<tc>} {
    %get3A = arith.constant 0 : index
    %get3A_0 = arith.constant 0 : index
    %get3A_1 = vector.load %arg0[%get3A, %get3A_0] : memref<80x128xf32, #tpu.memory_space<vmem>>, vector<80x128xf32>
    %custom_jvp_call3A = arith.constant 0.000000e+00 : f32
    %max3A = vector.broadcast %custom_jvp_call3A : f32 to vector<80x128xf32>
    %max3A_2 = arith.maximumf %get3A_1, %max3A : vector<80x128xf32>
    %sub3A = vector.broadcast %custom_jvp_call3A : f32 to vector<80x128xf32>
    %sub3A_3 = arith.subf %get3A_1, %sub3A : vector<80x128xf32>
    %ne3A = arith.cmpf one, %sub3A_3, %sub3A_3 : vector<80x128xf32>
    %add3A = vector.broadcast %custom_jvp_call3A : f32 to vector<80x128xf32>
    %add3A_4 = arith.addf %get3A_1, %add3A : vector<80x128xf32>
    %abs3A = math.absf %sub3A_3 : vector<80x128xf32>
    %neg3A = arith.constant 0.000000e+00 : f32
    %neg3A_5 = vector.broadcast %neg3A : f32 to vector<80x128xf32>
    %neg3A_6 = arith.subf %neg3A_5, %abs3A : vector<80x128xf32>
    %exp3A = math.exp %neg3A_6 : vector<80x128xf32>
    %log1p3A = math.log1p %exp3A : vector<80x128xf32>
    %add3A_7 = arith.addf %max3A_2, %log1p3A : vector<80x128xf32>
    %select_n3A = arith.select %ne3A, %add3A_4, %add3A_7 : vector<80x128xi1>, vector<80x128xf32>
    %mul3A = arith.constant 1.000000e+01 : f32
    %mul3A_8 = vector.broadcast %mul3A : f32 to vector<80x128xf32>
    %mul3A_9 = arith.mulf %select_n3A, %mul3A_8 : vector<80x128xf32>
    %add3A_10 = arith.constant 5.000000e-01 : f32
    %add3A_11 = vector.broadcast %add3A_10 : f32 to vector<80x128xf32>
    %add3A_12 = arith.addf %mul3A_9, %add3A_11 : vector<80x128xf32>
    %swap3A = arith.constant 0 : index
    %swap3A_13 = arith.constant 0 : index
    %swap3A_14 = vector.load %arg1[%swap3A, %swap3A_13] : memref<80x128xf32, #tpu.memory_space<vmem>>, vector<80x128xf32>
    tpu.vector_store %arg1[%swap3A, %swap3A_13], %add3A_12 {strides = array<i32>} : memref<80x128xf32, #tpu.memory_space<vmem>>, vector<80x128xf32>,
    return
  }
}

</mosaic_0001>

<sc_bundles>
// kernel: kernel.4.cloned.1.call-start
scs
__scs_entry_jumppad:
0x0: {  	(pc) =	sbr.rel $0x88, $3  }
0x1: {  	(tag) =	ssettag $0x0;
	lr =	simm.s32 $0x1  }
0x2: {  	[smem:$0x3F9E] =	sst lr;
	_ =	strace $0xD0000000  }
0x3: {  	_ = 	snop  }
0x4: {  	_ = 	snop  }
0x5: {  	_ = 	snop  }
0x6: {  	_ = 	snop  }
0x7: {  	_ = 	snop  }
__scs_overlays_trampoline_lowered:
0x8: {  	[smem:$0x3FAD] =	sst s0  }
0x9: {  	[smem:$0x3FAE] =	sst s1  }
0xa: {  	[smem:$0x3FAF] =	sst s2  }
0xb: {  	[smem:$0x3FB0] =	sst s3  }
0xc: {  	[smem:$0x3FB1] =	sst s4  }
0xd: {  	[smem:$0x3FB2] =	sst s5  }
0xe: {  	[smem:$0x3FB3] =	sst s6  }
0xf: {  	[smem:$0x3FB4] =	sst s7  }
0x10: {  	[smem:$0x3FB5] =	sst s8  }
0x11: {  	[smem:$0x3FB6] =	sst s9;
	s0 =	simm.s32 @!p0 $0x0  }
0x12: {  	s1 =	sld [smem:$0x3F9C];
	s0 =	simm.s32 @p0 $0x1  }
0x13: {  	[smem:$0x3FB7] =	sst s0;
	s0 =	simm.s32 @!p1 $0x0  }
0x14: {  	s2 =	sld [smem:$0x3F9B];
	s0 =	simm.s32 @p1 $0x1  }
0x15: {  	[smem:$0x3FB8] =	sst s0;
	s0 =	simm.s32 @!p2 $0x0  }
0x16: {  	s3 =	sld [smem:$0x3FDB];
	s0 =	simm.s32 @p2 $0x1  }
0x17: {  	s4 =	simm.s32 $0x1BF5;
	[smem:$0x3FBA] =	sst s0  }
0x18: {  	s0 =	sld [smem:$0x3F9D];
	_ =	swait.ge [sflag:s4], $0x0  }
0x19: {  	s7 =	sld [smem:$0x3F9E]  }
0x1a: {  	s8 =	sadd.s32 $0xFFFFE003, lr  }
0x1b: {  	s9 =	sadd.s32 $0xFFFFFEF7, lr;
	s5 =	simm.s32 $0xFFFFFFFF;
	p2 =	slt.u32 s8, $0xFFFFF086  }
0x1c: {  	p1 =	slt.u32 s9, $0xF7A;
	s5 =	simm.s32 @!p2 $0x0  }
0x1d: {  	s5 =	simm.s32 @p1 $0x1;
	p0 =	seq.s32 s7, s2  }
0x1e: {  	s7 =	smul.u32 @!p0 $0xF7A, s2;
	p2 =	seq.s32 @!p0 s5, $0x0  }
0x1f: {  	s9 =	smul.u32 $0xF7A, s1;
	s8 =	simm.s32 @!p0 $0x1BF5;
	p2 =	por !p2, p0  }
0x20: {  	[sflag:s8] =	ssyncset.s32 @!p0 $0xFFFFF086;
	s6 =	sadd.s32 @!p0 s3, s7;
	s7 =	simm.s32 @!p0 $0x108  }
0x21: {  	s3 =	sadd.s32 s3, s9;
	s6 =	sadd.s32 @!p0 $0x88, s6;
	s7 =	simm.s32 @p2 $0x1082  }
0x22: {  	[simem:s7], [sflag:s8] =	dma.local @!p0 [hbm:s6], $0xF7A  }
0x23: {  	s9 =	sor.u32 $0xD0000000, s2;
	s6 =	simm.s32 $0x108;
	_ =	swait.ge @!p0 [sflag:s8], $0x0  }
0x24: {  	s3 =	sadd.s32 $0x88, s3;
	s6 =	simm.s32 @!p1 $0x1082;
	[sflag:s4] =	ssyncset.s32 $0xFFFFF086  }
0x25: {  	[simem:s6], [sflag:s4] =	dma.local [hbm:s3], $0xF7A  }
0x26: {  	[smem:$0x3F9E] =	sst s1;
	(tag) =	ssettag s2;
	_ =	strace s9  }
0x27: {  	s1 =	sld [smem:$0x3FAE]  }
0x28: {  	s2 =	sld [smem:$0x3FAF]  }
0x29: {  	s4 =	sld [smem:$0x3FB1]  }
0x2a: {  	p0 =	seq.s32 s5, $0x0;
	s5 =	sld [smem:$0x3FB2]  }
0x2b: {  	s6 =	sld [smem:$0x3FB3]  }
0x2c: {  	s7 =	sld [smem:$0x3FB4]  }
0x2d: {  	s3 =	simm.s32 $0x108;
	s8 =	sld [smem:$0x3FB5]  }
0x2e: {  	s3 =	simm.s32 @!p0 $0x1082;
	s9 =	sld [smem:$0x3FB6]  }
0x2f: {  	lr =	sadd.s32 s0, s3;
	s0 =	sld [smem:$0x3FAD]  }
0x30: {  	s3 =	sld [smem:$0x3FB0]  }
0x31: {  	[smem:$0x3FB9] =	sst s10  }
0x32: {  	s10 =	sld [smem:$0x3FB7];
	_ =	sdelay $0x3  }
0x33: {  	p0 =	seq.s32 s10, $0x1;
	s10 =	sld [smem:$0x3FB9];
	_ =	sdelay $0x3  }
0x34: {  	[smem:$0x3FB9] =	sst s10  }
0x35: {  	s10 =	sld [smem:$0x3FB8];
	_ =	sdelay $0x3  }
0x36: {  	p1 =	seq.s32 s10, $0x1;
	s10 =	sld [smem:$0x3FB9];
	_ =	sdelay $0x3  }
0x37: {  	[smem:$0x3FB9] =	sst s10  }
0x38: {  	s10 =	sld [smem:$0x3FBA]  }
0x39: {  	_ = 	snop;
	(pc) =	sbr.ind lr, $3  }
0x3a: {  	_ = 	snop  }
0x3b: {  	_ = 	snop  }
0x3c: {  	p2 =	seq.s32 s10, $0x1;
	s10 =	sld [smem:$0x3FB9]  }
0x3d: {  	_ =	shalt  }
0x3e: {  	_ =	shalt  }
0x3f: {  	_ =	shalt  }
0x40: {  	_ =	shalt  }
0x41: {  	_ =	shalt  }
0x42: {  	_ =	shalt  }
0x43: {  	_ =	shalt  }
0x44: {  	_ =	shalt  }
0x45: {  	_ =	shalt  }
0x46: {  	_ =	shalt  }
0x47: {  	_ =	shalt  }
0x48: {  	_ =	shalt  }
0x49: {  	_ =	shalt  }
0x4a: {  	_ =	shalt  }
0x4b: {  	_ =	shalt  }
0x4c: {  	_ =	shalt  }
0x4d: {  	_ =	shalt  }
0x4e: {  	_ =	shalt  }
0x4f: {  	_ =	shalt  }
0x50: {  	_ =	shalt  }
0x51: {  	_ =	shalt  }
0x52: {  	_ =	shalt  }
0x53: {  	_ =	shalt  }
0x54: {  	_ =	shalt  }
0x55: {  	_ =	shalt  }
0x56: {  	_ =	shalt  }
0x57: {  	_ =	shalt  }
0x58: {  	_ =	shalt  }
0x59: {  	_ =	shalt  }
0x5a: {  	_ =	shalt  }
0x5b: {  	_ =	shalt  }
0x5c: {  	_ =	shalt  }
0x5d: {  	_ =	shalt  }
0x5e: {  	_ =	shalt  }
0x5f: {  	_ =	shalt  }
0x60: {  	_ =	shalt  }
0x61: {  	_ =	shalt  }
0x62: {  	_ =	shalt  }
0x63: {  	_ =	shalt  }
0x64: {  	_ =	shalt  }
0x65: {  	_ =	shalt  }
0x66: {  	_ =	shalt  }
0x67: {  	_ =	shalt  }
0x68: {  	_ =	shalt  }
0x69: {  	_ =	shalt  }
0x6a: {  	_ =	shalt  }
0x6b: {  	_ =	shalt  }
0x6c: {  	_ =	shalt  }
0x6d: {  	_ =	shalt  }
0x6e: {  	_ =	shalt  }
0x6f: {  	_ =	shalt  }
0x70: {  	_ =	shalt  }
0x71: {  	_ =	shalt  }
0x72: {  	_ =	shalt  }
0x73: {  	_ =	shalt  }
0x74: {  	_ =	shalt  }
0x75: {  	_ =	shalt  }
0x76: {  	_ =	shalt  }
0x77: {  	_ =	shalt  }
0x78: {  	_ =	shalt  }
0x79: {  	_ =	shalt  }
0x7a: {  	_ =	shalt  }
0x7b: {  	_ =	shalt  }
0x7c: {  	_ =	shalt  }
0x7d: {  	_ =	shalt  }
0x7e: {  	_ =	shalt  }
0x7f: {  	_ =	shalt  }
0x80: {  	_ =	shalt  }
0x81: {  	_ =	shalt  }
0x82: {  	_ =	shalt  }
0x83: {  	_ =	shalt  }
0x84: {  	_ =	shalt  }
0x85: {  	_ =	shalt  }
0x86: {  	_ =	shalt  }
0x87: {  	_ =	shalt  }
.Lfunc_end0:
.L_simem_size_0:
called_computation_lowered:
.L_overlay_start_0:
0x88: {  	s2 =	sld [smem:$0x3FD9]  }
0x89: {  	s3 =	sld [smem:$0x3FFE];
	_ =	sdelay $0x1  }
0x8a: {  	s1 =	srdreg.scid  }
0x8b: {  	s0 =	sand.u32 $0x1, s1  }
0x8c: {  	s17 =	sshll.u32 s0, $0xA;
	s2 =	sadd.s32 s3, s2  }
0x8d: {  	s2 =	sadd.s32 s2, s17  }
0x8e: {  	[smem:$0x3FC5] =	sst s2  }
0x8f: {  	_ = 	snop  }
0x90: {  	s2 =	sld [smem:$0x3FC9]  }
0x91: {  	s18 =	sld [smem:$0x3FD0];
	(tm) =	ssettm $0x1  }
0x92: {  	s4 =	sld [smem:$0x3FFB];
	_ =	sdelay $0x3  }
0x93: {  	_ =	strace s4  }
0x94: {  	s4 =	sld [smem:$0x3FFC];
	_ =	sdelay $0x3  }
0x95: {  	_ =	strace s4  }
0x96: {  	s4 =	sld [smem:$0x3FFD];
	_ =	sdelay $0x3  }
0x97: {  	_ =	strace s4  }
0x98: {  	_ =	strace $0x8FFFFFFF  }
0x99: {  	s19 =	sld [smem:$0x3FDB];
	_ =	sdelay $0x1  }
0x9a: {  	s5 =	simm.s32 $_scs_section_size  }
0x9b: {  	s6 =	simm.s32 $_size__tile_overlayer_lowered;
	s7 =	simm.s32 $_tile_overlayer_lowered  }
0x9c: {  	s22 =	simm.s32 $0x1BFF;
	s21 =	sshll.u32 s7, $0x1;
	s4 =	sadd.s32 s5, s19  }
0x9d: {  	s8 =	simm.s32 $0x0;
	s20 =	sshll.u32 s6, $0x1;
	s6 =	sadd.s32 s21, s4  }
0x9e: {  	[timem:s8], [sflag:s22] =	dma.local [hbm:s6], s20  }
0x9f: {  	_ =	swait.ge [sflag:s22], s20  }
0xa0: {  	s5 =	ssub.s32 $0x0, s20;
	[sflag:s22] =	ssyncset.done $0x0  }
0xa1: {  	[sflag:s22] =	ssyncadd.s32 s5;
	_ =	sdelay $0x1  }
0xa2: {  	s23 =	simm.s32 $0x1B8B  }
0xa3: {  	_ =	swait.ge [sflag:s23], $0x1  }
0xa4: {  	[sflag:s23] =	ssyncset.done $0x0  }
0xa5: {  	s25 =	simm.s32 $0x1B8E;
	s24 =	sld [smem:$0x3FFE];
	[sflag:s23] =	ssyncadd.s32 $0xFFFFFFFF  }
0xa6: {  	s26 =	simm.s32 $execute0_lowered;
	[smem:$0x3FD2] =	sst s25  }
0xa7: {  	s6 =	sshll.u32 s26, $0x1;
	_ =	strace $0x80000046;
	[dreg:$0x1] =	wrdreg $0xFFFFFFFF  }
0xa8: {  	s28 =	simm.s32 $_size_execute0_lowered;
	s4 =	sadd.s32 s4, s6;
	[dreg:$0x0] =	wrdreg $0x0  }
0xa9: {  	s6 =	sshll.u32 s28, $0x1;
	[dreg:$0x2] =	wrdreg s4  }
0xaa: {  	[dreg:$0x3] =	wrdreg s6  }
0xab: {  	[dreg:$0x4] =	wrdreg $0xC0  }
0xac: {  	_ =	task [dreg:s8], $0x5FFFF  }
0xad: {  	[dreg:$0x1] =	wrdreg $0xFFFFFFFF  }
0xae: {  	[dreg:$0x0] =	wrdreg $0x60  }
0xaf: {  	[dreg:$0x2] =	wrdreg s2  }
0xb0: {  	[dreg:$0x3] =	wrdreg s24  }
0xb1: {  	[dreg:$0x4] =	wrdreg s18  }
0xb2: {  	[dreg:$0x5] =	wrdreg $0x0  }
0xb3: {  	[dreg:$0x6] =	wrdreg $0x9  }
0xb4: {  	_ =	task.clear_ibuf [dreg:s8], $0x7FFFF;
	_ =	strace $0x90000046  }
0xb5: {  	s29 =	simm.s32 $0x9;
	_ =	strace $0x80000048  }
0xb6: {  	_ =	swait.ge [sflag:s29], $0x1  }
0xb7: {  	[sflag:s29] =	ssyncadd.s32 $0xFFFFFFFF  }
0xb8: {  	_ =	strace $0x90000048  }
0xb9: {  	_ =	sfence  }
0xba: {  	s30 =	sld [smem:$0x0];
	_ =	sdelay $0x2  }
0xbb: {  	s31 =	sshll.u32 s1, $0xD;
	s1 =	sshrl.u32 s1, $0x2  }
0xbc: {  	s3 =	sand.u32 $0x4000, s31;
	s1 =	sadd.s32 s1, s30  }
0xbd: {  	s0 =	sor.u32 s3, s0;
	s1 =	sshll.u32 s1, $0x11  }
0xbe: {  	s0 =	sor.u32 s1, s0  }
0xbf: {  	s0 =	sadd.s32 $0x8F2B, s0  }
0xc0: {  	[sflag:s0] =	ssyncadd.remote.s32 $0x1  }
0xc1: {  	_ =	sfence.sel $0xFFFF  }
0xc2: {  	[dreg:$0x0] =	wrdreg $0xFFFFFFFF;
	(pc) =	sbr.abs _section_cstart, $3  }
0xc3: {  	[dreg:$0x1] =	wrdreg $0xFFFFFFFF  }
0xc4: {  	_ =	task.clear_ibuf [dreg:s8], $0x2FFFF;
	_ =	strace $0x9FFFFFFF  }
0xc5: {  	(tm) =	ssettm $0x7FFFFFFF  }
tec
execute0_lowered:
.L_overlay_start_1:
0x0: {  	(tag) =	ssettag $0x1  }
0x1: {  	s0 =	rddreg [dreg:$0x0]  }
0x2: {  	s19 =	rddreg [dreg:$0x1];
	s28 =	simm.s32 $0x0;
	s1 =	srdreg.scid  }
0x3: {  	s20 =	stileid.u32;
	s31 =	simm.s32 $0x19D80;
	[smem:$0x7FF] =	sst s28  }
0x4: {  	s1 =	sand.u32 $0x1, s1;
	s6 =	smul.u32 $0x13C00, s20;
	s8 =	sadd.s32 $0x6A00, s19  }
0x5: {  	s2 =	sshll.u32 s1, $0x4;
	s4 =	ssub.s32 $0x2, s1;
	s1 =	smul.u32 $0x13C000, s1  }
0x6: {  	s2 =	sor.u32 s20, s2;
	s5 =	sshrl.u32 s4, $0x1;
	s9 =	sadd.s32 $0x4000, s6  }
0x7: {  	s10 =	sadd.s32 $0x6000, s6;
	s11 =	sadd.s32 $0x8000, s6;
	s12 =	sadd.s32 $0xA000, s6  }
0x8: {  	s13 =	sadd.s32 $0xC000, s6;
	s15 =	sadd.s32 $0xE000, s6;
	s7 =	smul.u32 $0x300, s2  }
0x9: {  	s17 =	sadd.s32 $0x10000, s6;
	s5 =	ssub.s32 s4, s5;
	s4 =	smul.u32 $0x2C00, s2  }
0xa: {  	s2 =	sadd.s32 $0x2000, s6;
	s14 =	sadd.s32 s6, s1;
	s6 =	sadd.s32 $0x12000, s6  }
0xb: {  	s21 =	sadd.s32 s1, s9;
	s22 =	sadd.s32 s1, s10;
	s26 =	sadd.s32 s1, s12  }
0xc: {  	s30 =	sadd.s32 s1, s13;
	s3 =	sadd.s32 s1, s15;
	s14 =	sshrl.u32 s14, $0x3  }
0xd: {  	s16 =	sadd.s32 s1, s2;
	s23 =	sshrl.u32 s22, $0x3;
	s14 =	sadd.s32 s8, s14  }
0xe: {  	s16 =	sshrl.u32 s16, $0x3;
	s7 =	sadd.s32 s7, s19;
	[dreg:$0x5] =	wrdreg s14  }
0xf: {  	s18 =	sadd.s32 s8, s16;
	s14 =	sshrl.u32 s21, $0x3;
	s16 =	sshrl.u32 s30, $0x3  }
0x10: {  	s21 =	sshrl.u32 s3, $0x3;
	s7 =	sadd.s32 $0x600, s7;
	[dreg:$0x6] =	wrdreg s18  }
0x11: {  	s18 =	sadd.s32 s1, s11;
	s14 =	sadd.s32 s8, s14;
	s22 =	sadd.s32 s8, s21  }
0x12: {  	[dreg:$0x7] =	wrdreg s14;
	s24 =	sshrl.u32 s18, $0x3;
	s14 =	sadd.s32 s8, s23  }
0x13: {  	[dreg:$0xc] =	wrdreg s22;
	s23 =	sadd.s32 s1, s17;
	s1 =	sadd.s32 s1, s6  }
0x14: {  	[dreg:$0x8] =	wrdreg s14;
	s25 =	sadd.s32 s8, s24;
	s14 =	sshrl.u32 s26, $0x3  }
0x15: {  	s1 =	sshrl.u32 s1, $0x3;
	[dreg:$0x9] =	wrdreg s25;
	s14 =	sadd.s32 s8, s14  }
0x16: {  	s21 =	sadd.s32 $0x6600, s19;
	s1 =	sadd.s32 s8, s1;
	[dreg:$0xa] =	wrdreg s14  }
0x17: {  	s19 =	simm.s32 $0xB;
	s14 =	sadd.s32 s8, s16;
	[dreg:$0xe] =	wrdreg s1  }
0x18: {  	s24 =	sshrl.u32 s23, $0x3;
	s26 =	sshrl.u32 s4, $0x3;
	[dreg:$0xb] =	wrdreg s14  }
0x19: {  	s25 =	smul.u32 $0x4F000, s20;
	s16 =	sadd.s32 s8, s24;
	s14 =	rddreg [dreg:$0x2]  }
0x1a: {  	s20 =	smax.u32 s5, $0x1;
	s5 =	simm.s32 $0x0;
	[dreg:$0xd] =	wrdreg s16  }
0x1b: {  	s16 =	rddreg [dreg:$0x3];
	s1 =	sshrl.u32 s25, $0x2;
	_ =	strace $0x80000047  }
0x1c: {  	[dreg:$0xf] =	wrdreg s7;
	s30 =	sadd.s32 s14, s26;
	s24 =	sadd.s32 s1, s16  }
0x1d: {  	s25 =	sadd.s32 s2, s16;
	s26 =	sadd.s32 s9, s16;
	s18 =	sadd.s32 s10, s16  }
0x1e: {  	s3 =	sadd.s32 s11, s16;
	s8 =	sadd.s32 s12, s16;
	[dreg:$0x15] =	wrdreg s20  }
0x1f: {  	s9 =	sadd.s32 s13, s16;
	s29 =	sadd.s32 s15, s16;
	[dreg:$0x16] =	wrdreg s21  }
0x20: {  	s10 =	sadd.s32 s17, s16;
	s12 =	sadd.s32 s6, s16;
	[dreg:$0x10] =	wrdreg s30  }
0x21: {  	s6 =	simm.s32 $0x13C00;
	s11 =	simm.s32 $0x1DD80;
	[dreg:$0x11] =	wrdreg s24  }
0x22: {  	v1 =	vlaneseq.u32;
	s17 =	simm.s32 $0x40;
	s13 =	simm.s32 $0x1BD80;
	[dreg:$0x12] =	wrdreg s25  }
0x23: {  	v0 =	vmul.u32 $0x80, v1;
	s1 =	simm.s32 $0xC;
	s22 =	sadd.s32 $0x10, s30;
	[dreg:$0x13] =	wrdreg s26  }
0x24: {  	v1 =	vmul.u32 $0xFFFFFFFF, v1;
	s20 =	simm.s32 $0x4;
	s23 =	sadd.s32 $0x20, s30;
	[dreg:$0x17] =	wrdreg s22  }
0x25: {  	v2 =	vor.u32 $0x800, v0;
	v3 =	vor.u32 $0x1000, v0;
	s21 =	simm.s32 $0x1;
	s30 =	sadd.s32 $0x30, s30;
	[dreg:$0x18] =	wrdreg s23  }
0x26: {  	v4 =	vor.u32 $0x1800, v0;
	v5 =	vadd.s32 $0xFFFFFF9C, v1;
	v6 =	vadd.s32 $0xFFFFFF9C, v0;
	s15 =	smov.u32 s18;
	s18 =	simm.s32 $0x17D80;
	[dreg:$0x19] =	wrdreg s30  }
0x27: {  	v7 =	vadd.s32 $0x79C, v0;
	v8 =	vadd.s32 $0xF9C, v0;
	v9 =	vadd.s32 $0x179C, v0;
	s22 =	simm.s32 $0x2;
	s23 =	simm.s32 $0x3;
	[dreg:$0x14] =	wrdreg s15  }
.LBB2_1:
0x28: {  	[dreg:$0x1a] =	wrdreg s5  }
0x29: {  	s2 =	rddreg [dreg:$0x1]  }
0x2a: {  	[tilespmem:s6], [sflag:$0x5] =	stream.linear.gather [hbm4b:s2+s28], $0x2780, $0x38;
	[tilespmem:$0x1FD80] =	vst v63  }
0x2b: {  	s30 =	rddreg [dreg:$0xf];
	s7 =	simm.s32 $0x16380  }
0x2c: {  	[tilespmem:s7], [sflag:$0x6] =	stream.linear.gather [hbm4b:s30+s28], $0x1500, $0x38;
	[tilespmem:$0x1FD80] =	vst v63  }
0x2d: {  	s2 =	rddreg [dreg:$0x10];
	s30 =	simm.s32 $0x17B80  }
0x2e: {  	[tilespmem:s30], [sflag:$0x9] =	stream.linear.gather [hbm4b:s2+s28], $0x80, $0x38;
	[tilespmem:$0x1FD80] =	vst v63  }
0x2f: {  	s2 =	rddreg [dreg:$0x17];
	s30 =	simm.s32 $0x17C00  }
0x30: {  	[tilespmem:s30], [sflag:$0xA] =	stream.linear.gather [hbm4b:s2+s28], $0x80, $0x38;
	[tilespmem:$0x1FD80] =	vst v63  }
0x31: {  	s2 =	rddreg [dreg:$0x18];
	s30 =	simm.s32 $0x17C80  }
0x32: {  	[tilespmem:s30], [sflag:$0xB] =	stream.linear.gather [hbm4b:s2+s28], $0x80, $0x38;
	[tilespmem:$0x1FD80] =	vst v63  }
0x33: {  	s2 =	rddreg [dreg:$0x19];
	s30 =	simm.s32 $0x17D00  }
0x34: {  	[tilespmem:s30], [sflag:$0xC] =	stream.linear.gather [hbm4b:s2+s28], $0x80, $0x38;
	[tilespmem:$0x1FD80] =	vst v63  }
0x35: {  	s5 =	simm.s32 $0xD;
	s2 =	rddreg [dreg:$0x16]  }
0x36: {  	[tilespmem:s11], [sflag:$0xD] =	stream.linear.gather [hbm4b:s2+s28], $0x2000, $0x38;
	[tilespmem:$0x1FD80] =	vst v63  }
0x37: {  	_ =	swait.ge [sflag:s5], $0x2000  }
0x38: {  	[sflag:s5] =	ssyncset.done $0x0  }
0x39: {  	[sflag:s5] =	ssyncadd.s32 $0xFFFFE000  }
0x3a: {  	[spmem:s24] =	stream.linear.scatter [tilespmem:s11], [sflag:$0x4], $0x2000, $0x38;
	[tilespmem:$0x1FD80] =	vst v63  }
0x3b: {  	_ = 	snop  }
0x3c: {  	[spmem:s25] =	stream.linear.scatter [tilespmem:s11], [sflag:$0x4], $0x2000, $0x38;
	[tilespmem:$0x1FD80] =	vst v63  }
0x3d: {  	_ = 	snop  }
0x3e: {  	[spmem:s26] =	stream.linear.scatter [tilespmem:s11], [sflag:$0x4], $0x2000, $0x38;
	[tilespmem:$0x1FD80] =	vst v63  }
0x3f: {  	_ = 	snop  }
0x40: {  	[spmem:s15] =	stream.linear.scatter [tilespmem:s11], [sflag:$0x4], $0x2000, $0x38;
	[tilespmem:$0x1FD80] =	vst v63  }
0x41: {  	_ = 	snop  }
0x42: {  	[spmem:s3] =	stream.linear.scatter [tilespmem:s11], [sflag:$0x4], $0x2000, $0x38;
	[tilespmem:$0x1FD80] =	vst v63  }
0x43: {  	_ = 	snop  }
0x44: {  	[spmem:s8] =	stream.linear.scatter [tilespmem:s11], [sflag:$0x4], $0x2000, $0x38;
	[tilespmem:$0x1FD80] =	vst v63  }
0x45: {  	_ = 	snop  }
0x46: {  	[spmem:s9] =	stream.linear.scatter [tilespmem:s11], [sflag:$0x4], $0x2000, $0x38;
	[tilespmem:$0x1FD80] =	vst v63  }
0x47: {  	_ = 	snop  }
0x48: {  	[spmem:s29] =	stream.linear.scatter [tilespmem:s11], [sflag:$0x4], $0x2000, $0x38;
	[tilespmem:$0x1FD80] =	vst v63  }
0x49: {  	_ = 	snop  }
0x4a: {  	[spmem:s10] =	stream.linear.scatter [tilespmem:s11], [sflag:$0x4], $0x2000, $0x38;
	[tilespmem:$0x1FD80] =	vst v63  }
0x4b: {  	s5 =	simm.s32 $0x6  }
0x4c: {  	[spmem:s12] =	stream.linear.scatter [tilespmem:s11], [sflag:$0x4], $0x1C00, $0x38;
	[tilespmem:$0x1FD80] =	vst v63  }
0x4d: {  	_ =	swait.ge [sflag:s5], $0x1500  }
0x4e: {  	[sflag:s5] =	ssyncset.done $0x0  }
0x4f: {  	[sflag:s5] =	ssyncadd.s32 $0xFFFFEB00  }
0x50: {  	[tilespmem:s18], [sflag:$0x1] =	stream.indirect.gather [hbm4b:s0+s17], $0x80, s7, s17, $0xb8;
	[tilespmem:$0x1FD80] =	vst v63  }
0x51: {  	s25 =	simm.s32 $0x163C0  }
0x52: {  	[tilespmem:s31], [sflag:$0x2] =	stream.indirect.gather [hbm4b:s0+s17], $0x80, s25, s17, $0xb8;
	[tilespmem:$0x1FD80] =	vst v63  }
0x53: {  	s30 =	simm.s32 $0x5;
	s26 =	simm.s32 $0x16400  }
0x54: {  	[tilespmem:s13], [sflag:$0x3] =	stream.indirect.gather [hbm4b:s0+s17], $0x80, s26, s17, $0xb8;
	[tilespmem:$0x1FD80] =	vst v63  }
0x55: {  	_ =	swait.ge [sflag:s30], $0x2780  }
0x56: {  	[sflag:s30] =	ssyncset.done $0x0  }
0x57: {  	s28 =	simm.s32 $0x9;
	[sflag:s30] =	ssyncadd.s32 $0xFFFFD880  }
0x58: {  	_ =	swait.ge [sflag:s28], $0x80  }
0x59: {  	[sflag:s28] =	ssyncset.done $0x0  }
0x5a: {  	s30 =	simm.s32 $0xA;
	[sflag:s28] =	ssyncadd.s32 $0xFFFFFF80  }
0x5b: {  	_ =	swait.ge [sflag:s30], $0x80  }
0x5c: {  	[sflag:s30] =	ssyncset.done $0x0  }
0x5d: {  	[sflag:s30] =	ssyncadd.s32 $0xFFFFFF80  }
0x5e: {  	_ =	swait.ge [sflag:s19], $0x80  }
0x5f: {  	[sflag:s19] =	ssyncset.done $0x0  }
0x60: {  	[sflag:s19] =	ssyncadd.s32 $0xFFFFFF80  }
0x61: {  	_ =	swait.ge [sflag:s1], $0x80  }
0x62: {  	[sflag:s1] =	ssyncset.done $0x0  }
0x63: {  	[sflag:s1] =	ssyncadd.s32 $0xFFFFFF80  }
0x64: {  	_ =	swait.ge [sflag:s20], $0x2000  }
0x65: {  	[sflag:s20] =	ssyncset.done $0x0  }
0x66: {  	[sflag:s20] =	ssyncadd.s32 $0xFFFFE000  }
0x67: {  	_ =	swait.ge [sflag:s20], $0x2000  }
0x68: {  	[sflag:s20] =	ssyncset.done $0x0  }
0x69: {  	[sflag:s20] =	ssyncadd.s32 $0xFFFFE000  }
0x6a: {  	_ =	swait.ge [sflag:s20], $0x2000  }
0x6b: {  	[sflag:s20] =	ssyncset.done $0x0  }
0x6c: {  	[sflag:s20] =	ssyncadd.s32 $0xFFFFE000  }
0x6d: {  	_ =	swait.ge [sflag:s20], $0x2000  }
0x6e: {  	[sflag:s20] =	ssyncset.done $0x0  }
0x6f: {  	[sflag:s20] =	ssyncadd.s32 $0xFFFFE000  }
0x70: {  	_ =	swait.ge [sflag:s20], $0x2000  }
0x71: {  	[sflag:s20] =	ssyncset.done $0x0  }
0x72: {  	[sflag:s20] =	ssyncadd.s32 $0xFFFFE000  }
0x73: {  	_ =	swait.ge [sflag:s20], $0x2000  }
0x74: {  	[sflag:s20] =	ssyncset.done $0x0  }
0x75: {  	[sflag:s20] =	ssyncadd.s32 $0xFFFFE000  }
0x76: {  	_ =	swait.ge [sflag:s20], $0x2000  }
0x77: {  	[sflag:s20] =	ssyncset.done $0x0  }
0x78: {  	[sflag:s20] =	ssyncadd.s32 $0xFFFFE000  }
0x79: {  	_ =	swait.ge [sflag:s20], $0x2000  }
0x7a: {  	[sflag:s20] =	ssyncset.done $0x0  }
0x7b: {  	[sflag:s20] =	ssyncadd.s32 $0xFFFFE000  }
0x7c: {  	_ =	swait.ge [sflag:s20], $0x2000  }
0x7d: {  	[sflag:s20] =	ssyncset.done $0x0  }
0x7e: {  	[sflag:s20] =	ssyncadd.s32 $0xFFFFE000  }
0x7f: {  	_ =	swait.ge [sflag:s20], $0x1C00  }
0x80: {  	[sflag:s20] =	ssyncset.done $0x0  }
0x81: {  	[sflag:s20] =	ssyncadd.s32 $0xFFFFE400  }
0x82: {  	s25 =	simm.s32 $0x0;
	[bflag:$0x0] =	sbarrier.arrive $0xFFFF  }
.LBB2_2:
0x83: {  	s7 =	smov.u32 s29;
	_ =	swait.ge [sflag:s21], $0x2000;
	p0 =	sne.s32 s25, $0x0  }
0x84: {  	s26 =	sshllo.u32 s25, $0x2;
	[sflag:s21] =	ssyncset.done $0x0;
	s15 =	sshll.u32 @p0 s25, $0x9  }
0x85: {  	s28 =	simm.s32 @p0 $0x8;
	s29 =	sshll.u32 @p0 s26, $0x7;
	s15 =	sand.u32 @p0 $0x3C00, s15  }
0x86: {  	[sflag:s21] =	ssyncadd.s32 $0xFFFFE000;
	s29 =	sand.u32 @p0 $0x380, s29;
	s15 =	sadd.s32 @p0 s4, s15  }
0x87: {  	_ =	swait.ge @p0 [sflag:s28], $0x2000;
	s15 =	sor.u32 @p0 s15, s29  }
0x88: {  	[sflag:s28] =	ssyncset.done @p0 $0x0;
	s29 =	simm.s32 @p0 $0x17D00;
	s15 =	sshrl.u32 @p0 s15, $0x3  }
0x89: {  	[sflag:s28] =	ssyncadd.s32 @p0 $0xFFFFE000;
	s28 =	simm.s32 @p0 $0x0;
	s15 =	sadd.s32 @p0 s14, s15  }
0x8a: {  	[tilespmem:s29], [sflag:$0xC] =	stream.linear.gather @p0 [hbm4b:s15+s28], $0x80, $0x38;
	[tilespmem:$0x1FD80] =	vst v63  }
0x8b: {  	s15 =	sshll.u32 @p0 s26, $0x6  }
0x8c: {  	s15 =	sand.u32 @p0 $0x3FFFFFC0, s15  }
0x8d: {  	s28 =	simm.s32 @p0 $0x40;
	s29 =	simm.s32 @p0 $0x1DD80;
	s15 =	sadd.s32 @p0 $0x16380, s15  }
0x8e: {  	[tilespmem:s29], [sflag:$0x4] =	stream.indirect.gather @p0 [hbm4b:s0+s28], $0x80, s15, s28, $0xb8;
	[tilespmem:$0x1FD80] =	vst v63  }
0x8f: {  	s15 =	simm.s32 @p0 $0x9  }
0x90: {  	_ =	swait.ge @p0 [sflag:s15], $0x80  }
0x91: {  	s24 =	sshll.u32 s25, $0xA;
	s28 =	simm.s32 @!p0 $0x16440;
	[sflag:s15] =	ssyncset.done @p0 $0x0  }
0x92: {  	s29 =	simm.s32 @!p0 $0x1DD80;
	[sflag:s15] =	ssyncadd.s32 @p0 $0xFFFFFF80;
	s15 =	simm.s32 @!p0 $0x40  }
0x93: {  	[tilespmem:s29], [sflag:$0x4] =	stream.indirect.gather @!p0 [hbm4b:s0+s15], $0x80, s28, s15, $0xb8;
	[tilespmem:$0x1FD80] =	vst v63  }
0x94: {  	s29 =	sshra.s32 s24, $0x2  }
0x95: {  	v10 =	vld [tilespmem:s29+$0x16380]  }
0x96: {  	v11 =	vld [tilespmem:$0x17B80];
	_ =	sdelay $0x6  }
0x97: {  	v10 =	vld.idx.msk [tilespmem:v10+s6+$0x0], $0xffff  }
0x98: {  	v11 =	vld.idx.msk [tilespmem:v11+s6+$0x0], $0xffff;
	_ =	sdelay $0x4  }
0x99: {  	v10 =	vadd.f32 v11, v10;
	_ =	sdelay $0x1  }
0x9a: {  	(erf) = vrcp.f32 v10;
	_ =	sdelay $0x8  }
0x9b: {  	v10 =	vpop (erf)  }
0x9c: {  	v17 =	vadd.f32 v10, v10;
	_ =	sdelay $0x1  }
0x9d: {  	v10 =	vsub.f32 $0.0e+00, v17;
	_ =	sdelay $0x1  }
0x9e: {  	v10 =	vmul.f32 $1.442695020e+00, v10;
	_ =	sdelay $0x1  }
0x9f: {  	(erf) = vpow2.f32 v10;
	_ =	sdelay $0x3  }
0xa0: {  	v10 =	vmul.f32 $-1.000000000e+02, v17;
	_ =	sdelay $0x1  }
0xa1: {  	v10 =	vmul.f32 $1.442695020e+00, v10;
	_ =	sdelay $0x1  }
0xa2: {  	(erf) = vpow2.f32 v10  }
0xa3: {  	v14 =	vpop (erf)  }
0xa4: {  	v10 =	vsub.f32 $1.000000000e+00, v14  }
0xa5: {  	v12 =	vld [tilespmem:$0x17B90]  }
0xa6: {  	v11 =	vld [tilespmem:s29+$0x16390];
	(erf) = vrcp.f32 v10;
	_ =	sdelay $0x4  }
0xa7: {  	v10 =	vpop (erf)  }
0xa8: {  	v13 =	vsub.f32 $1.000000000e+00, v10  }
0xa9: {  	v12 =	vld.idx.msk [tilespmem:v12+s6+$0x0], $0xffff  }
0xaa: {  	v11 =	vld.idx.msk [tilespmem:v11+s6+$0x0], $0xffff;
	v13 =	vmul.f32 v13, v17  }
0xab: {  	v15 =	vpop (erf)  }
0xac: {  	v13 =	vmul.f32 v15, v13;
	_ =	sdelay $0x1  }
0xad: {  	v13 =	vadd.f32 $9.999999930e-09, v13  }
0xae: {  	v11 =	vadd.f32 v12, v11  }
0xaf: {  	(erf) = vrcp.f32 v13  }
0xb0: {  	(erf) = vrcp.f32 v11;
	_ =	sdelay $0x7  }
0xb1: {  	v19 =	vpop (erf)  }
0xb2: {  	v11 =	vpop (erf)  }
0xb3: {  	v20 =	vadd.f32 v11, v11;
	_ =	sdelay $0x1  }
0xb4: {  	v11 =	vsub.f32 $0.0e+00, v20;
	_ =	sdelay $0x1  }
0xb5: {  	v11 =	vmul.f32 $1.442695020e+00, v11;
	_ =	sdelay $0x1  }
0xb6: {  	(erf) = vpow2.f32 v11;
	_ =	sdelay $0x3  }
0xb7: {  	v11 =	vmul.f32 $-1.000000000e+02, v20;
	_ =	sdelay $0x1  }
0xb8: {  	v11 =	vmul.f32 $1.442695020e+00, v11;
	_ =	sdelay $0x1  }
0xb9: {  	(erf) = vpow2.f32 v11  }
0xba: {  	v15 =	vpop (erf)  }
0xbb: {  	v11 =	vsub.f32 $1.000000000e+00, v15  }
0xbc: {  	v12 =	vld [tilespmem:s29+$0x163A0]  }
0xbd: {  	v13 =	vld [tilespmem:$0x17BA0];
	(erf) = vrcp.f32 v11;
	_ =	sdelay $0x4  }
0xbe: {  	v11 =	vpop (erf)  }
0xbf: {  	v16 =	vsub.f32 $1.000000000e+00, v11  }
0xc0: {  	v12 =	vld.idx.msk [tilespmem:v12+s6+$0x0], $0xffff  }
0xc1: {  	v13 =	vld.idx.msk [tilespmem:v13+s6+$0x0], $0xffff;
	v16 =	vmul.f32 v16, v20  }
0xc2: {  	v18 =	vpop (erf)  }
0xc3: {  	v16 =	vmul.f32 v18, v16;
	_ =	sdelay $0x1  }
0xc4: {  	v16 =	vadd.f32 $9.999999930e-09, v16  }
0xc5: {  	v12 =	vadd.f32 v13, v12  }
0xc6: {  	(erf) = vrcp.f32 v16  }
0xc7: {  	(erf) = vrcp.f32 v12;
	_ =	sdelay $0x7  }
0xc8: {  	v24 =	vpop (erf)  }
0xc9: {  	v12 =	vpop (erf)  }
0xca: {  	v28 =	vadd.f32 v12, v12;
	_ =	sdelay $0x1  }
0xcb: {  	v12 =	vsub.f32 $0.0e+00, v28;
	_ =	sdelay $0x1  }
0xcc: {  	v12 =	vmul.f32 $1.442695020e+00, v12;
	_ =	sdelay $0x1  }
0xcd: {  	(erf) = vpow2.f32 v12;
	_ =	sdelay $0x3  }
0xce: {  	v12 =	vmul.f32 $-1.000000000e+02, v28;
	_ =	sdelay $0x1  }
0xcf: {  	v12 =	vmul.f32 $1.442695020e+00, v12;
	_ =	sdelay $0x1  }
0xd0: {  	(erf) = vpow2.f32 v12  }
0xd1: {  	v16 =	vpop (erf)  }
0xd2: {  	v12 =	vsub.f32 $1.000000000e+00, v16  }
0xd3: {  	v13 =	vld [tilespmem:s29+$0x163B0]  }
0xd4: {  	v18 =	vld [tilespmem:$0x17BB0];
	(erf) = vrcp.f32 v12;
	_ =	sdelay $0x4  }
0xd5: {  	v12 =	vpop (erf)  }
0xd6: {  	v21 =	vsub.f32 $1.000000000e+00, v12  }
0xd7: {  	v13 =	vld.idx.msk [tilespmem:v13+s6+$0x0], $0xffff  }
0xd8: {  	v18 =	vld.idx.msk [tilespmem:v18+s6+$0x0], $0xffff;
	v21 =	vmul.f32 v21, v28  }
0xd9: {  	v22 =	vpop (erf)  }
0xda: {  	v21 =	vmul.f32 v22, v21;
	_ =	sdelay $0x1  }
0xdb: {  	v21 =	vadd.f32 $9.999999930e-09, v21  }
0xdc: {  	v13 =	vadd.f32 v18, v13  }
0xdd: {  	(erf) = vrcp.f32 v21  }
0xde: {  	(erf) = vrcp.f32 v13;
	_ =	sdelay $0x7  }
0xdf: {  	v29 =	vpop (erf)  }
0xe0: {  	v13 =	vpop (erf)  }
0xe1: {  	v31 =	vadd.f32 v13, v13;
	_ =	sdelay $0x1  }
0xe2: {  	v13 =	vsub.f32 $0.0e+00, v31;
	_ =	sdelay $0x1  }
0xe3: {  	v13 =	vmul.f32 $1.442695020e+00, v13;
	_ =	sdelay $0x1  }
0xe4: {  	(erf) = vpow2.f32 v13;
	_ =	sdelay $0x3  }
0xe5: {  	v13 =	vmul.f32 $-1.000000000e+02, v31;
	_ =	sdelay $0x1  }
0xe6: {  	v13 =	vmul.f32 $1.442695020e+00, v13;
	_ =	sdelay $0x1  }
0xe7: {  	(erf) = vpow2.f32 v13  }
0xe8: {  	v18 =	vpop (erf)  }
0xe9: {  	v13 =	vsub.f32 $1.000000000e+00, v18;
	_ =	sdelay $0x1  }
0xea: {  	(erf) = vrcp.f32 v13;
	_ =	sdelay $0x4  }
0xeb: {  	v13 =	vpop (erf)  }
0xec: {  	v21 =	vsub.f32 $1.000000000e+00, v13;
	_ =	sdelay $0x1  }
0xed: {  	v21 =	vmul.f32 v21, v31  }
0xee: {  	v22 =	vpop (erf)  }
0xef: {  	v21 =	vmul.f32 v22, v21  }
0xf0: {  	s2 =	simm.s32 $0x0  }
0xf1: {  	v33 =	vadd.s32 s2, v1;
	v21 =	vadd.f32 $9.999999930e-09, v21  }
0xf2: {  	vm0 =	vgt.s32 v33, $0x0  }
0xf3: {  	s24 =	simm.s32 $0x1;
	(erf) = vrcp.f32 v21;
	v21 =	vnsel vm0, $0x0, v33  }
0xf4: {  	v34 =	vadd.s32 s24, v1;
	v22 =	vmin.u32 v21, $0x7F  }
0xf5: {  	vm0 =	vgt.s32 v34, $0x0;
	v38 =	vor.u32 v0, v22  }
0xf6: {  	v23 =	vnsel vm0, $0x0, v34;
	v21 =	vor.u32 v4, v22  }
0xf7: {  	v32 =	vmin.u32 v23, $0x7F;
	v23 =	vor.u32 v3, v22  }
0xf8: {  	s2 =	simm.s32 $0x3;
	v25 =	vor.u32 v2, v22  }
0xf9: {  	v30 =	vadd.s32 s2, v1;
	v27 =	vor.u32 v3, v32  }
0xfa: {  	v22 =	vmul.f32 v19, v17;
	v19 =	vmul.f32 v24, v20;
	v24 =	vor.u32 v4, v32;
	v35 =	vld.idx.msk [tilespmem:v38+s18+$0x0], $0xffff  }
0xfb: {  	v36 =	vimm.f32 $0.0e+00;
	vm0 =	vgt.s32 v30, $0x0;
	v37 =	vld.idx.msk [tilespmem:v21+s18+$0x0], $0xffff  }
0xfc: {  	v20 =	vmul.f32 v29, v28;
	v28 =	vnsel vm0, $0x0, v30;
	v26 =	vor.u32 v0, v32;
	v39 =	vld.idx.msk [tilespmem:v23+s18+$0x0], $0xffff  }
0xfd: {  	v40 =	vmul.f32 v36, v14;
	vm0 =	vlt.u32 v33, $0x80;
	v33 =	vmin.u32 v28, $0x7F;
	v28 =	vld.idx.msk [tilespmem:v25+s18+$0x0], $0xffff  }
0xfe: {  	s24 =	simm.s32 $0x2;
	v60 =	vmul.f32 v36, v15;
	v41 =	vmul.f32 v36, v16;
	v29 =	vld.idx.msk [tilespmem:v27+s18+$0x0], $0xffff  }
0xff: {  	v42 =	vmul.f32 v36, v18;
	v36 =	vadd.s32 s24, v1;
	v32 =	vor.u32 v2, v32;
	v61 =	vld.idx.msk [tilespmem:v24+s18+$0x0], $0xffff  }
0x100: {  	vm1 =	vlt.u32 v34, $0x80;
	vm2 =	vgt.s32 v36, $0x0;
	v17 =	vpop (erf)  }
0x101: {  	v17 =	vmul.f32 v17, v31;
	v31 =	vld.idx.msk [tilespmem:v26+s18+$0x0], $0xffff;
	v35 =	vnsel vm0, $0x0, v35;
	v39 =	vnsel vm0, $0x0, v39  }
0x102: {  	v37 =	vnsel vm0, $0x0, v37;
	v28 =	vnsel vm0, $0x0, v28;
	v59 =	vadd.f32 v35, v40  }
0x103: {  	v47 =	vnsel vm1, $0x0, v29;
	v37 =	vadd.f32 v37, v42;
	v29 =	vnsel vm2, $0x0, v36  }
0x104: {  	v45 =	vld.idx.msk [tilespmem:v32+s18+$0x0], $0xffff;
	v42 =	vadd.f32 v39, v41;
	v40 =	vnsel vm1, $0x0, v61;
	v44 =	vadd.f32 v28, v60  }
0x105: {  	v39 =	vor.u32 v0, v33;
	v43 =	vmul.f32 v59, v14;
	v46 =	vmul.f32 v59, v22  }
0x106: {  	v48 =	vnsel vm1, $0x0, v31;
	v31 =	vmin.u32 v29, $0x7F;
	v62 =	vmul.f32 v37, v18  }
0x107: {  	v63 =	vmul.f32 v42, v16;
	v29 =	vor.u32 v0, v31;
	v34 =	vor.u32 v2, v31  }
0x108: {  	v35 =	vor.u32 v3, v31;
	v28 =	vor.u32 v4, v31;
	v40 =	vadd.f32 v40, v62  }
0x109: {  	v45 =	vnsel vm1, $0x0, v45;
	v31 =	vor.u32 v3, v33;
	[tilespmem:v38+s18+$0x0] =	vst.idx.msk vm0, v46;
	v46 =	vmul.f32 v44, v15  }
0x10a: {  	s30 =	simm.s32 $0x4;
	s28 =	sshll.u32 s25, $0x2;
	v43 =	vadd.f32 v48, v43;
	v41 =	vadd.f32 v47, v63;
	v38 =	vmul.f32 v40, v17  }
.LBB2_3:
0x10b: {  	s15 =	sadd.s32 $0x1, s30;
	v44 =	vmul.f32 v44, v19;
	v45 =	vadd.f32 v45, v46  }
0x10c: {  	p0 =	slt.u32 s30, $0x8E;
	v47 =	vld.idx.msk [tilespmem:v29+s18+$0x0], $0xffff;
	v46 =	vmul.f32 v43, v22;
	vm2 =	vmmov vm0;
	vm3 =	vmmov vm1;
	s2 =	smov.u32 s30;
	s30 =	sadd.s32 $0x2, s30  }
0x10d: {  	v50 =	vor.u32 v4, v33;
	v42 =	vmul.f32 v42, v20;
	v48 =	vadd.s32 s15, v1;
	v49 =	vld.idx.msk [tilespmem:v28+s18+$0x0], $0xffff  }
0x10e: {  	vm4 =	vgt.s32 v48, $0x0;
	v51 =	vld.idx.msk [tilespmem:v35+s18+$0x0], $0xffff;
	[tilespmem:v26+s18+$0x0] =	vst.idx.msk vm1, v46;
	v46 =	vmul.f32 v45, v19;
	v26 =	vmov v39  }
0x10f: {  	v52 =	vnsel vm4, $0x0, v48;
	v53 =	vld.idx.msk [tilespmem:v31+s18+$0x0], $0xffff;
	[tilespmem:v25+s18+$0x0] =	vst.idx.msk vm0, v44;
	v44 =	vmul.f32 v41, v20;
	v25 =	vmov v34  }
0x110: {  	v54 =	vor.u32 v2, v33;
	v39 =	vld.idx.msk [tilespmem:v39+s18+$0x0], $0xffff;
	v33 =	vmin.u32 v52, $0x7F;
	[tilespmem:v23+s18+$0x0] =	vst.idx.msk vm0, v42;
	v23 =	vmov v35  }
0x111: {  	v37 =	vmul.f32 v37, v17;
	vm0 =	vlt.u32 v36, $0x80;
	v35 =	vmul.f32 v43, v14;
	v34 =	vld.idx.msk [tilespmem:v34+s18+$0x0], $0xffff  }
0x112: {  	vm1 =	vlt.u32 v30, $0x80;
	v30 =	vmovc v48;
	v41 =	vmul.f32 v41, v16;
	v36 =	vnsel vm0, $0x0, v47;
	[tilespmem:v32+s18+$0x0] =	vst.idx.msk vm3, v46  }
0x113: {  	v43 =	vmul.f32 v45, v15;
	v48 =	vadd.f32 v36, v35;
	v35 =	vld.idx.msk [tilespmem:v50+s18+$0x0], $0xffff;
	[tilespmem:v27+s18+$0x0] =	vst.idx.msk vm3, v44  }
0x114: {  	v40 =	vmul.f32 v40, v18;
	v42 =	vnsel vm0, $0x0, v51;
	v27 =	vnsel vm0, $0x0, v49;
	[tilespmem:v24+s18+$0x0] =	vst.idx.msk vm3, v38;
	v24 =	vmovc v50  }
0x115: {  	v36 =	vadd.s32 s2, v1;
	v46 =	vmul.f32 v48, v14;
	v47 =	vnsel vm1, $0x0, v53;
	v38 =	vld.idx.msk [tilespmem:v54+s18+$0x0], $0xffff;
	[tilespmem:v21+s18+$0x0] =	vst.idx.msk vm2, v37  }
0x116: {  	v32 =	vmovc v54;
	vm2 =	vgt.s32 v36, $0x0;
	v37 =	vadd.f32 v27, v40;
	v40 =	vmul.f32 v48, v22;
	v21 =	vmovc v28  }
0x117: {  	v39 =	vnsel vm1, $0x0, v39;
	v28 =	vnsel vm2, $0x0, v36;
	v44 =	vnsel vm0, $0x0, v34;
	v27 =	vmovc v31  }
0x118: {  	v42 =	vadd.f32 v42, v41;
	v28 =	vmin.u32 v28, $0x7F;
	v31 =	vmul.f32 v37, v18;
	[tilespmem:v29+s18+$0x0] =	vst.idx.msk vm0, v40  }
.Ltmp0:
0x119: {  	v29 =	vor.u32 v0, v28;
	v34 =	vor.u32 v2, v28;
	v40 =	vnsel vm1, $0x0, v35;
	(pc) =	sbr.rel @p0 .LBB2_3-.Ltmp0, $4  }
0x11a: {  	v44 =	vadd.f32 v44, v43;
	v35 =	vor.u32 v3, v28;
	v28 =	vor.u32 v4, v28  }
0x11b: {  	v40 =	vadd.f32 v40, v31;
	v45 =	vnsel vm1, $0x0, v38;
	v38 =	vmul.f32 v42, v16  }
0x11c: {  	v43 =	vadd.f32 v39, v46;
	v31 =	vor.u32 v3, v33;
	v46 =	vmul.f32 v44, v15  }
0x11d: {  	v39 =	vor.u32 v0, v33;
	v41 =	vadd.f32 v47, v38;
	v38 =	vmul.f32 v40, v17  }
0x11e: {  	_ =	sdelay $0x3  }
0x11f: {  	v47 =	vld.idx.msk [tilespmem:v29+s18+$0x0], $0xffff  }
0x120: {  	v44 =	vmul.f32 v44, v19;
	v62 =	vld.idx.msk [tilespmem:v28+s18+$0x0], $0xffff  }
0x121: {  	v45 =	vadd.f32 v45, v46;
	v48 =	vor.u32 v4, v33;
	v49 =	vmul.f32 v43, v22;
	v50 =	vld.idx.msk [tilespmem:v35+s18+$0x0], $0xffff  }
0x122: {  	vm3 =	vmmov vm0;
	v63 =	vor.u32 v2, v33;
	v42 =	vmul.f32 v42, v20;
	v56 =	vld.idx.msk [tilespmem:v34+s18+$0x0], $0xffff  }
0x123: {  	v57 =	vmul.f32 v43, v14;
	vm4 =	vlt.u32 v30, $0x80;
	v30 =	vld.idx.msk [tilespmem:v39+s18+$0x0], $0xffff;
	v40 =	vmul.f32 v40, v18  }
0x124: {  	v52 =	vld.idx.msk [tilespmem:v31+s18+$0x0], $0xffff;
	v37 =	vmul.f32 v37, v17;
	v53 =	vmul.f32 v41, v20;
	[tilespmem:v26+s18+$0x0] =	vst.idx.msk vm1, v49  }
0x125: {  	vm2 =	vlt.u32 v36, $0x80;
	v59 =	vmul.f32 v41, v16;
	v51 =	vmul.f32 v45, v19;
	[tilespmem:v25+s18+$0x0] =	vst.idx.msk vm0, v44  }
0x126: {  	v45 =	vmul.f32 v45, v15;
	[tilespmem:v23+s18+$0x0] =	vst.idx.msk vm0, v42;
	v47 =	vnsel vm2, $0x0, v47;
	v58 =	vld.idx.msk [tilespmem:v48+s18+$0x0], $0xffff;
	v46 =	vnsel vm2, $0x0, v62  }
0x127: {  	[tilespmem:v32+s18+$0x0] =	vst.idx.msk vm1, v51;
	v60 =	vld.idx.msk [tilespmem:v63+s18+$0x0], $0xffff;
	v26 =	vnsel vm2, $0x0, v50;
	v36 =	vnsel vm2, $0x0, v56;
	v43 =	vadd.f32 v47, v57  }
0x128: {  	v23 =	vnsel vm4, $0x0, v30;
	[tilespmem:v27+s18+$0x0] =	vst.idx.msk vm1, v53;
	v40 =	vadd.f32 v46, v40;
	v26 =	vadd.f32 v26, v59  }
0x129: {  	v30 =	vadd.f32 v36, v45;
	v14 =	vmul.f32 v43, v14;
	v25 =	vmul.f32 v43, v22  }
0x12a: {  	v61 =	vnsel vm4, $0x0, v52;
	[tilespmem:v21+s18+$0x0] =	vst.idx.msk vm3, v37;
	v18 =	vmul.f32 v40, v18;
	v16 =	vmul.f32 v26, v16  }
0x12b: {  	v15 =	vmul.f32 v30, v15;
	v21 =	vmul.f32 v30, v19;
	v14 =	vadd.f32 v23, v14  }
0x12c: {  	s2 =	simm.s32 $0x64;
	[tilespmem:v24+s18+$0x0] =	vst.idx.msk vm1, v38;
	v24 =	vmul.f32 v26, v20;
	v62 =	vnsel vm4, $0x0, v58;
	v23 =	vnsel vm4, $0x0, v60  }
0x12d: {  	v15 =	vadd.f32 v23, v15;
	v14 =	vmul.f32 v14, v22;
	v22 =	vadd.s32 s2, v1  }
0x12e: {  	s15 =	simm.s32 $0x65;
	v16 =	vadd.f32 v61, v16;
	[tilespmem:v29+s18+$0x0] =	vst.idx.msk vm2, v25;
	v18 =	vadd.f32 v62, v18;
	vm3 =	vgt.s32 v22, $0x64  }
0x12f: {  	v23 =	vadd.s32 s15, v1;
	v15 =	vmul.f32 v15, v19;
	[tilespmem:v39+s18+$0x0] =	vst.idx.msk vm4, v14;
	v14 =	vnsel vm3, $0x64, v22  }
0x130: {  	[tilespmem:v34+s18+$0x0] =	vst.idx.msk vm2, v21;
	v18 =	vmul.f32 v18, v17;
	vm3 =	vgt.s32 v23, $0x64;
	v14 =	vmin.u32 v14, $0x7F  }
0x131: {  	[tilespmem:v35+s18+$0x0] =	vst.idx.msk vm2, v24;
	v17 =	vmul.f32 v40, v17;
	v19 =	vnsel vm3, $0x64, v23;
	v21 =	vadd.s32 v6, v14  }
0x132: {  	v16 =	vmul.f32 v16, v20;
	[tilespmem:v63+s18+$0x0] =	vst.idx.msk vm4, v15;
	v20 =	vmin.u32 v19, $0x7F;
	v19 =	vadd.s32 v7, v14  }
0x133: {  	[tilespmem:v28+s18+$0x0] =	vst.idx.msk vm2, v17;
	v26 =	vadd.s32 v8, v14  }
0x134: {  	[tilespmem:v31+s18+$0x0] =	vst.idx.msk vm4, v16;
	v17 =	vor.u32 v0, v14  }
0x135: {  	v15 =	vadd.s32 v6, v20;
	[tilespmem:v48+s18+$0x0] =	vst.idx.msk vm4, v18  }
0x136: {  	v18 =	vadd.s32 v7, v20;
	v21 =	vld.idx.msk [tilespmem:v21+s18+$0x0], $0xffff  }
0x137: {  	v24 =	vadd.s32 v8, v20;
	v23 =	vld.idx.msk [tilespmem:v19+s18+$0x0], $0xffff  }
0x138: {  	p0 =	por $0x1, $0x1;
	v16 =	vor.u32 v0, v20;
	v28 =	vld.idx.msk [tilespmem:v26+s18+$0x0], $0xffff  }
.Ltmp1:
0x139: {  	vm5 =	vmmov vm1;
	v29 =	vld.idx.msk [tilespmem:v17+s18+$0x0], $0xffff;
	(pc) =	sbr.rel @!p0 .LBB2_6-.Ltmp1, $4  }
0x13a: {  	vm0 =	vmmov vm4;
	v32 =	vadd.s32 s2, v5;
	v30 =	vadd.s32 v9, v14;
	v25 =	vld.idx.msk [tilespmem:v15+s18+$0x0], $0xffff  }
0x13b: {  	vm1 =	vmmov vm2;
	v63 =	vadd.s32 s15, v5;
	v19 =	vor.u32 v2, v14;
	v22 =	vld.idx.msk [tilespmem:v18+s18+$0x0], $0xffff  }
0x13c: {  	vm0 =	vlt.u32 v63, $0x1C;
	v31 =	vadd.s32 v9, v20;
	v24 =	vld.idx.msk [tilespmem:v24+s18+$0x0], $0xffff;
	v18 =	vor.u32 v3, v14  }
0x13d: {  	s30 =	simm.s32 $0x66;
	v27 =	vld.idx.msk [tilespmem:v16+s18+$0x0], $0xffff;
	v15 =	vor.u32 v3, v20;
	v26 =	vmul.f32 v21, v10;
	v21 =	vor.u32 v2, v20  }
.LBB2_5:
0x13e: {  	s2 =	sadd.s32 $0x1, s30  }
0x13f: {  	v33 =	vadd.s32 s30, v1;
	p0 =	slt.u32 s30, $0x8E;
	vm1 =	vlt.u32 v32, $0x1C;
	v30 =	vld.idx.msk [tilespmem:v30+s18+$0x0], $0xffff;
	v32 =	vor.u32 v4, v20;
	s15 =	smov.u32 s30;
	s30 =	sadd.s32 $0x2, s30  }
0x140: {  	v25 =	vmul.f32 v25, v10;
	vm2 =	vgt.s32 v33, $0x64;
	v20 =	vadd.s32 s2, v1;
	v34 =	vld.idx.msk [tilespmem:v19+s18+$0x0], $0xffff  }
0x141: {  	v36 =	vor.u32 v4, v14;
	v33 =	vnsel vm2, $0x64, v33;
	vm2 =	vgt.s32 v20, $0x64;
	v35 =	vld.idx.msk [tilespmem:v18+s18+$0x0], $0xffff  }
0x142: {  	v25 =	vsub.f32 v27, v25;
	v14 =	vmin.u32 v33, $0x7F;
	v20 =	vnsel vm2, $0x64, v20;
	v31 =	vld.idx.msk [tilespmem:v31+s18+$0x0], $0xffff  }
0x143: {  	v28 =	vmul.f32 v28, v12;
	v27 =	vadd.s32 v6, v14;
	v20 =	vmin.u32 v20, $0x7F;
	v33 =	vld.idx.msk [tilespmem:v21+s18+$0x0], $0xffff  }
0x144: {  	v23 =	vmul.f32 v23, v11;
	v26 =	vsub.f32 v29, v26;
	v37 =	vadd.s32 v6, v20;
	v29 =	vld.idx.msk [tilespmem:v15+s18+$0x0], $0xffff  }
0x145: {  	v22 =	vmul.f32 v22, v11;
	v24 =	vmul.f32 v24, v12;
	v38 =	vadd.s32 v7, v14;
	v39 =	vld.idx.msk [tilespmem:v32+s18+$0x0], $0xffff  }
0x146: {  	v40 =	vadd.s32 v7, v20;
	v23 =	vsub.f32 v34, v23;
	v41 =	vld.idx.msk [tilespmem:v36+s18+$0x0], $0xffff;
	[tilespmem:v16+s18+$0x0] =	vst.idx.msk vm0, v25  }
0x147: {  	v42 =	vadd.s32 v8, v20;
	v34 =	vadd.s32 s2, v5;
	[tilespmem:v17+s18+$0x0] =	vst.idx.msk vm1, v26;
	v17 =	vsub.f32 v35, v28  }
0x148: {  	v16 =	vor.u32 v0, v20;
	v26 =	vld.idx.msk [tilespmem:v27+s18+$0x0], $0xffff;
	[tilespmem:v19+s18+$0x0] =	vst.idx.msk vm1, v23;
	v19 =	vmul.f32 v31, v13  }
0x149: {  	v28 =	vadd.s32 v8, v14;
	v25 =	vld.idx.msk [tilespmem:v37+s18+$0x0], $0xffff;
	[tilespmem:v18+s18+$0x0] =	vst.idx.msk vm1, v17;
	v18 =	vsub.f32 v33, v22  }
0x14a: {  	v27 =	vmul.f32 v30, v13;
	v17 =	vor.u32 v0, v14;
	v29 =	vsub.f32 v29, v24;
	v23 =	vld.idx.msk [tilespmem:v38+s18+$0x0], $0xffff  }
.Ltmp2:
0x14b: {  	v30 =	vadd.s32 v9, v14;
	v22 =	vld.idx.msk [tilespmem:v40+s18+$0x0], $0xffff;
	[tilespmem:v21+s18+$0x0] =	vst.idx.msk vm0, v18;
	v21 =	vsub.f32 v39, v19;
	(pc) =	sbr.rel @p0 .LBB2_5-.Ltmp2, $4  }
0x14c: {  	v19 =	vor.u32 v2, v14;
	v33 =	vsub.f32 v41, v27;
	v24 =	vld.idx.msk [tilespmem:v42+s18+$0x0], $0xffff;
	[tilespmem:v15+s18+$0x0] =	vst.idx.msk vm0, v29  }
0x14d: {  	v18 =	vor.u32 v3, v14;
	v15 =	vor.u32 v3, v20;
	v27 =	vld.idx.msk [tilespmem:v16+s18+$0x0], $0xffff;
	[tilespmem:v32+s18+$0x0] =	vst.idx.msk vm0, v21  }
0x14e: {  	v31 =	vadd.s32 v9, v20;
	v26 =	vmul.f32 v26, v10;
	v28 =	vld.idx.msk [tilespmem:v28+s18+$0x0], $0xffff;
	[tilespmem:v36+s18+$0x0] =	vst.idx.msk vm1, v33  }
0x14f: {  	v32 =	vadd.s32 s15, v5;
	vm0 =	vlt.u32 v34, $0x1C;
	v21 =	vor.u32 v2, v20;
	v29 =	vld.idx.msk [tilespmem:v17+s18+$0x0], $0xffff  }
.LBB2_6:
0x150: {  	_ =	sdelay $0x3  }
0x151: {  	v30 =	vld.idx.msk [tilespmem:v30+s18+$0x0], $0xffff  }
0x152: {  	v20 =	vor.u32 v4, v20;
	v33 =	vld.idx.msk [tilespmem:v19+s18+$0x0], $0xffff  }
0x153: {  	vm1 =	vlt.u32 v32, $0x1C;
	v56 =	vld.idx.msk [tilespmem:v18+s18+$0x0], $0xffff;
	v14 =	vor.u32 v4, v14  }
0x154: {  	v10 =	vmul.f32 v25, v10;
	v25 =	vld.idx.msk [tilespmem:v31+s18+$0x0], $0xffff  }
0x155: {  	v31 =	vld.idx.msk [tilespmem:v21+s18+$0x0], $0xffff  }
0x156: {  	v23 =	vmul.f32 v23, v11;
	v10 =	vsub.f32 v27, v10;
	v27 =	vld.idx.msk [tilespmem:v15+s18+$0x0], $0xffff  }
0x157: {  	v28 =	vmul.f32 v28, v12;
	v26 =	vsub.f32 v29, v26;
	v29 =	vld.idx.msk [tilespmem:v20+s18+$0x0], $0xffff  }
0x158: {  	v11 =	vmul.f32 v22, v11;
	v22 =	vld.idx.msk [tilespmem:v14+s18+$0x0], $0xffff;
	v23 =	vsub.f32 v33, v23;
	[tilespmem:v16+s18+$0x0] =	vst.idx.msk vm0, v10  }
0x159: {  	v10 =	vmul.f32 v24, v12;
	[tilespmem:v17+s18+$0x0] =	vst.idx.msk vm1, v26;
	v12 =	vsub.f32 v56, v28  }
0x15a: {  	v16 =	vmul.f32 v25, v13;
	v11 =	vsub.f32 v31, v11;
	[tilespmem:v19+s18+$0x0] =	vst.idx.msk vm1, v23  }
0x15b: {  	[tilespmem:v18+s18+$0x0] =	vst.idx.msk vm1, v12;
	v12 =	vmul.f32 v30, v13;
	v10 =	vsub.f32 v27, v10  }
0x15c: {  	[tilespmem:v21+s18+$0x0] =	vst.idx.msk vm0, v11;
	v11 =	vsub.f32 v29, v16  }
0x15d: {  	v12 =	vsub.f32 v22, v12;
	[tilespmem:v15+s18+$0x0] =	vst.idx.msk vm0, v10  }
0x15e: {  	[tilespmem:v20+s18+$0x0] =	vst.idx.msk vm0, v11  }
0x15f: {  	s2 =	simm.s32 $0x17B80;
	p0 =	seq.s32 s25, $0x14;
	[tilespmem:v14+s18+$0x0] =	vst.idx.msk vm1, v12  }
0x160: {  	[spmem:s16] =	stream.indirect.scatter.add.f32 [tilespmem:s18], [sflag:$0x5], $0x80, s2, s17, $0xb8;
	[tilespmem:$0x1FD80] =	vst v63  }
0x161: {  	s30 =	simm.s32 @!p0 $0x5;
	p1 =	seq.s32 @!p0 s25, $0x0;
	s2 =	sadd.s32 @!p0 $0x4, s28  }
0x162: {  	p1 =	por p0, !p1;
	_ =	swait.ge [sflag:s22], $0x2000;
	s15 =	sshll.u32 @!p0 s2, $0x7  }
0x163: {  	s2 =	sshll.u32 @!p0 s2, $0x6;
	[sflag:s22] =	ssyncset.done $0x0;
	s24 =	sand.u32 @!p0 $0x7C00, s15  }
0x164: {  	s15 =	sand.u32 @!p0 $0x200, s15;
	[sflag:s22] =	ssyncadd.s32 $0xFFFFE000;
	s24 =	sadd.s32 @!p0 s4, s24  }
0x165: {  	s2 =	sand.u32 @!p0 $0x3FFFFFC0, s2;
	_ =	swait.ge @!p0 [sflag:s30], $0x2000;
	s15 =	sor.u32 @!p0 s15, s24  }
0x166: {  	s24 =	simm.s32 @!p0 $0x0;
	[sflag:s30] =	ssyncset.done @!p0 $0x0;
	s15 =	sshrl.u32 @!p0 s15, $0x3  }
0x167: {  	[sflag:s30] =	ssyncadd.s32 @!p0 $0xFFFFE000;
	s15 =	sadd.s32 @!p0 s14, s15;
	s30 =	simm.s32 @!p0 $0x17B80  }
0x168: {  	[tilespmem:s30], [sflag:$0x9] =	stream.linear.gather @!p0 [hbm4b:s15+s24], $0x80, $0x38;
	[tilespmem:$0x1FD80] =	vst v63  }
0x169: {  	s2 =	sadd.s32 @!p0 $0x16380, s2;
	s15 =	simm.s32 @!p0 $0x40;
	s24 =	simm.s32 @!p0 $0x17D80  }
0x16a: {  	[tilespmem:s24], [sflag:$0x1] =	stream.indirect.gather @!p0 [hbm4b:s0+s15], $0x80, s2, s15, $0xb8;
	[tilespmem:$0x1FD80] =	vst v63  }
0x16b: {  	s2 =	simm.s32 @p1 $0xA  }
0x16c: {  	_ =	swait.ge @p1 [sflag:s2], $0x80  }
0x16d: {  	[sflag:s2] =	ssyncset.done @p1 $0x0  }
0x16e: {  	[sflag:s2] =	ssyncadd.s32 @p1 $0xFFFFFF80  }
0x16f: {  	v10 =	vld [tilespmem:s29+$0x163C0]  }
0x170: {  	v11 =	vld [tilespmem:$0x17C00];
	_ =	sdelay $0x6  }
0x171: {  	v10 =	vld.idx.msk [tilespmem:v10+s6+$0x0], $0xffff  }
0x172: {  	v11 =	vld.idx.msk [tilespmem:v11+s6+$0x0], $0xffff;
	_ =	sdelay $0x4  }
0x173: {  	v10 =	vadd.f32 v11, v10;
	_ =	sdelay $0x1  }
0x174: {  	(erf) = vrcp.f32 v10;
	_ =	sdelay $0x8  }
0x175: {  	v10 =	vpop (erf)  }
0x176: {  	v17 =	vadd.f32 v10, v10;
	_ =	sdelay $0x1  }
0x177: {  	v10 =	vsub.f32 $0.0e+00, v17;
	_ =	sdelay $0x1  }
0x178: {  	v10 =	vmul.f32 $1.442695020e+00, v10;
	_ =	sdelay $0x1  }
0x179: {  	(erf) = vpow2.f32 v10;
	_ =	sdelay $0x3  }
0x17a: {  	v10 =	vmul.f32 $-1.000000000e+02, v17;
	_ =	sdelay $0x1  }
0x17b: {  	v10 =	vmul.f32 $1.442695020e+00, v10;
	_ =	sdelay $0x1  }
0x17c: {  	(erf) = vpow2.f32 v10  }
0x17d: {  	v14 =	vpop (erf)  }
0x17e: {  	v10 =	vsub.f32 $1.000000000e+00, v14  }
0x17f: {  	v12 =	vld [tilespmem:$0x17C10]  }
0x180: {  	v11 =	vld [tilespmem:s29+$0x163D0];
	(erf) = vrcp.f32 v10;
	_ =	sdelay $0x4  }
0x181: {  	v10 =	vpop (erf)  }
0x182: {  	v13 =	vsub.f32 $1.000000000e+00, v10  }
0x183: {  	v12 =	vld.idx.msk [tilespmem:v12+s6+$0x0], $0xffff  }
0x184: {  	v11 =	vld.idx.msk [tilespmem:v11+s6+$0x0], $0xffff;
	v13 =	vmul.f32 v13, v17  }
0x185: {  	v15 =	vpop (erf)  }
0x186: {  	v13 =	vmul.f32 v15, v13;
	_ =	sdelay $0x1  }
0x187: {  	v13 =	vadd.f32 $9.999999930e-09, v13  }
0x188: {  	v11 =	vadd.f32 v12, v11  }
0x189: {  	(erf) = vrcp.f32 v13  }
0x18a: {  	(erf) = vrcp.f32 v11;
	_ =	sdelay $0x7  }
0x18b: {  	v19 =	vpop (erf)  }
0x18c: {  	v11 =	vpop (erf)  }
0x18d: {  	v20 =	vadd.f32 v11, v11;
	_ =	sdelay $0x1  }
0x18e: {  	v11 =	vsub.f32 $0.0e+00, v20;
	_ =	sdelay $0x1  }
0x18f: {  	v11 =	vmul.f32 $1.442695020e+00, v11;
	_ =	sdelay $0x1  }
0x190: {  	(erf) = vpow2.f32 v11;
	_ =	sdelay $0x3  }
0x191: {  	v11 =	vmul.f32 $-1.000000000e+02, v20;
	_ =	sdelay $0x1  }
0x192: {  	v11 =	vmul.f32 $1.442695020e+00, v11;
	_ =	sdelay $0x1  }
0x193: {  	(erf) = vpow2.f32 v11  }
0x194: {  	v15 =	vpop (erf)  }
0x195: {  	v11 =	vsub.f32 $1.000000000e+00, v15  }
0x196: {  	v12 =	vld [tilespmem:s29+$0x163E0]  }
0x197: {  	v13 =	vld [tilespmem:$0x17C20];
	(erf) = vrcp.f32 v11;
	_ =	sdelay $0x4  }
0x198: {  	v11 =	vpop (erf)  }
0x199: {  	v16 =	vsub.f32 $1.000000000e+00, v11  }
0x19a: {  	v12 =	vld.idx.msk [tilespmem:v12+s6+$0x0], $0xffff  }
0x19b: {  	v13 =	vld.idx.msk [tilespmem:v13+s6+$0x0], $0xffff;
	v16 =	vmul.f32 v16, v20  }
0x19c: {  	v18 =	vpop (erf)  }
0x19d: {  	v16 =	vmul.f32 v18, v16;
	_ =	sdelay $0x1  }
0x19e: {  	v16 =	vadd.f32 $9.999999930e-09, v16  }
0x19f: {  	v12 =	vadd.f32 v13, v12  }
0x1a0: {  	(erf) = vrcp.f32 v16  }
0x1a1: {  	(erf) = vrcp.f32 v12;
	_ =	sdelay $0x7  }
0x1a2: {  	v24 =	vpop (erf)  }
0x1a3: {  	v12 =	vpop (erf)  }
0x1a4: {  	v28 =	vadd.f32 v12, v12;
	_ =	sdelay $0x1  }
0x1a5: {  	v12 =	vsub.f32 $0.0e+00, v28;
	_ =	sdelay $0x1  }
0x1a6: {  	v12 =	vmul.f32 $1.442695020e+00, v12;
	_ =	sdelay $0x1  }
0x1a7: {  	(erf) = vpow2.f32 v12;
	_ =	sdelay $0x3  }
0x1a8: {  	v12 =	vmul.f32 $-1.000000000e+02, v28;
	_ =	sdelay $0x1  }
0x1a9: {  	v12 =	vmul.f32 $1.442695020e+00, v12;
	_ =	sdelay $0x1  }
0x1aa: {  	(erf) = vpow2.f32 v12  }
0x1ab: {  	v16 =	vpop (erf)  }
0x1ac: {  	v12 =	vsub.f32 $1.000000000e+00, v16  }
0x1ad: {  	v13 =	vld [tilespmem:s29+$0x163F0]  }
0x1ae: {  	v18 =	vld [tilespmem:$0x17C30];
	(erf) = vrcp.f32 v12;
	_ =	sdelay $0x4  }
0x1af: {  	v12 =	vpop (erf)  }
0x1b0: {  	v21 =	vsub.f32 $1.000000000e+00, v12  }
0x1b1: {  	v13 =	vld.idx.msk [tilespmem:v13+s6+$0x0], $0xffff  }
0x1b2: {  	v18 =	vld.idx.msk [tilespmem:v18+s6+$0x0], $0xffff;
	v21 =	vmul.f32 v21, v28  }
0x1b3: {  	v22 =	vpop (erf)  }
0x1b4: {  	v21 =	vmul.f32 v22, v21;
	_ =	sdelay $0x1  }
0x1b5: {  	v21 =	vadd.f32 $9.999999930e-09, v21  }
0x1b6: {  	v13 =	vadd.f32 v18, v13  }
0x1b7: {  	(erf) = vrcp.f32 v21  }
0x1b8: {  	(erf) = vrcp.f32 v13;
	_ =	sdelay $0x7  }
0x1b9: {  	v29 =	vpop (erf)  }
0x1ba: {  	v13 =	vpop (erf)  }
0x1bb: {  	v31 =	vadd.f32 v13, v13;
	_ =	sdelay $0x1  }
0x1bc: {  	v13 =	vsub.f32 $0.0e+00, v31;
	_ =	sdelay $0x1  }
0x1bd: {  	v13 =	vmul.f32 $1.442695020e+00, v13;
	_ =	sdelay $0x1  }
0x1be: {  	(erf) = vpow2.f32 v13;
	_ =	sdelay $0x3  }
0x1bf: {  	v13 =	vmul.f32 $-1.000000000e+02, v31;
	_ =	sdelay $0x1  }
0x1c0: {  	v13 =	vmul.f32 $1.442695020e+00, v13;
	_ =	sdelay $0x1  }
0x1c1: {  	(erf) = vpow2.f32 v13  }
0x1c2: {  	v18 =	vpop (erf)  }
0x1c3: {  	v13 =	vsub.f32 $1.000000000e+00, v18;
	_ =	sdelay $0x1  }
0x1c4: {  	(erf) = vrcp.f32 v13;
	_ =	sdelay $0x4  }
0x1c5: {  	v13 =	vpop (erf)  }
0x1c6: {  	v21 =	vsub.f32 $1.000000000e+00, v13;
	_ =	sdelay $0x1  }
0x1c7: {  	v21 =	vmul.f32 v21, v31  }
0x1c8: {  	v22 =	vpop (erf)  }
0x1c9: {  	v21 =	vmul.f32 v22, v21  }
0x1ca: {  	s15 =	simm.s32 $0x0  }
0x1cb: {  	v57 =	vadd.s32 s15, v1;
	v21 =	vadd.f32 $9.999999930e-09, v21  }
0x1cc: {  	vm0 =	vgt.s32 v57, $0x0  }
0x1cd: {  	s24 =	simm.s32 $0x1;
	(erf) = vrcp.f32 v21;
	v21 =	vnsel vm0, $0x0, v57  }
0x1ce: {  	v34 =	vadd.s32 s24, v1;
	v22 =	vmin.u32 v21, $0x7F  }
0x1cf: {  	vm0 =	vgt.s32 v34, $0x0;
	v38 =	vor.u32 v0, v22  }
0x1d0: {  	v23 =	vnsel vm0, $0x0, v34;
	v21 =	vor.u32 v4, v22  }
0x1d1: {  	v58 =	vmin.u32 v23, $0x7F;
	v23 =	vor.u32 v3, v22  }
0x1d2: {  	s15 =	simm.s32 $0x3;
	v25 =	vor.u32 v2, v22  }
0x1d3: {  	v30 =	vadd.s32 s15, v1;
	v27 =	vor.u32 v3, v58  }
0x1d4: {  	v22 =	vmul.f32 v19, v17;
	v19 =	vmul.f32 v24, v20;
	v24 =	vor.u32 v4, v58;
	v35 =	vld.idx.msk [tilespmem:v38+s31+$0x0], $0xffff  }
0x1d5: {  	v36 =	vimm.f32 $0.0e+00;
	vm0 =	vgt.s32 v30, $0x0;
	v37 =	vld.idx.msk [tilespmem:v21+s31+$0x0], $0xffff  }
0x1d6: {  	v20 =	vmul.f32 v29, v28;
	v28 =	vnsel vm0, $0x0, v30;
	v26 =	vor.u32 v0, v58;
	v39 =	vld.idx.msk [tilespmem:v23+s31+$0x0], $0xffff  }
0x1d7: {  	v40 =	vmul.f32 v36, v14;
	v33 =	vmin.u32 v28, $0x7F;
	v28 =	vld.idx.msk [tilespmem:v25+s31+$0x0], $0xffff  }
0x1d8: {  	s24 =	simm.s32 $0x2;
	v60 =	vmul.f32 v36, v15;
	v41 =	vmul.f32 v36, v16;
	v29 =	vld.idx.msk [tilespmem:v27+s31+$0x0], $0xffff  }
0x1d9: {  	v42 =	vmul.f32 v36, v18;
	v36 =	vadd.s32 s24, v1;
	v32 =	vor.u32 v2, v58;
	v61 =	vld.idx.msk [tilespmem:v24+s31+$0x0], $0xffff  }
0x1da: {  	vm1 =	vlt.u32 v34, $0x80;
	vm2 =	vgt.s32 v36, $0x0;
	vm0 =	vlt.u32 v57, $0x80;
	v17 =	vpop (erf)  }
0x1db: {  	v17 =	vmul.f32 v17, v31;
	v31 =	vld.idx.msk [tilespmem:v26+s31+$0x0], $0xffff;
	v35 =	vnsel vm0, $0x0, v35;
	v39 =	vnsel vm0, $0x0, v39  }
0x1dc: {  	v37 =	vnsel vm0, $0x0, v37;
	v28 =	vnsel vm0, $0x0, v28;
	v59 =	vadd.f32 v35, v40  }
0x1dd: {  	v47 =	vnsel vm1, $0x0, v29;
	v37 =	vadd.f32 v37, v42;
	v29 =	vnsel vm2, $0x0, v36  }
0x1de: {  	v45 =	vld.idx.msk [tilespmem:v32+s31+$0x0], $0xffff;
	v42 =	vadd.f32 v39, v41;
	v40 =	vnsel vm1, $0x0, v61;
	v44 =	vadd.f32 v28, v60  }
0x1df: {  	v39 =	vor.u32 v0, v33;
	v43 =	vmul.f32 v59, v14;
	v46 =	vmul.f32 v59, v22  }
0x1e0: {  	v48 =	vnsel vm1, $0x0, v31;
	v31 =	vmin.u32 v29, $0x7F;
	v62 =	vmul.f32 v37, v18  }
0x1e1: {  	v63 =	vmul.f32 v42, v16;
	v29 =	vor.u32 v0, v31;
	v34 =	vor.u32 v2, v31  }
0x1e2: {  	v35 =	vor.u32 v3, v31;
	v28 =	vor.u32 v4, v31;
	v40 =	vadd.f32 v40, v62  }
0x1e3: {  	v45 =	vnsel vm1, $0x0, v45;
	v31 =	vor.u32 v3, v33;
	[tilespmem:v38+s31+$0x0] =	vst.idx.msk vm0, v46;
	v46 =	vmul.f32 v44, v15  }
0x1e4: {  	s30 =	simm.s32 $0x4;
	v43 =	vadd.f32 v48, v43;
	v41 =	vadd.f32 v47, v63;
	v38 =	vmul.f32 v40, v17  }
.LBB2_7:
0x1e5: {  	s2 =	sadd.s32 $0x1, s30;
	v44 =	vmul.f32 v44, v19;
	v45 =	vadd.f32 v45, v46  }
0x1e6: {  	p2 =	slt.u32 s30, $0x8E;
	v47 =	vld.idx.msk [tilespmem:v29+s31+$0x0], $0xffff;
	v46 =	vmul.f32 v43, v22;
	vm2 =	vmmov vm0;
	vm3 =	vmmov vm1;
	s15 =	smov.u32 s30;
	s30 =	sadd.s32 $0x2, s30  }
0x1e7: {  	v50 =	vor.u32 v4, v33;
	v42 =	vmul.f32 v42, v20;
	v48 =	vadd.s32 s2, v1;
	v49 =	vld.idx.msk [tilespmem:v28+s31+$0x0], $0xffff  }
0x1e8: {  	vm4 =	vgt.s32 v48, $0x0;
	v51 =	vld.idx.msk [tilespmem:v35+s31+$0x0], $0xffff;
	[tilespmem:v26+s31+$0x0] =	vst.idx.msk vm1, v46;
	v46 =	vmul.f32 v45, v19;
	v26 =	vmov v39  }
0x1e9: {  	v52 =	vnsel vm4, $0x0, v48;
	v53 =	vld.idx.msk [tilespmem:v31+s31+$0x0], $0xffff;
	[tilespmem:v25+s31+$0x0] =	vst.idx.msk vm0, v44;
	v44 =	vmul.f32 v41, v20;
	v25 =	vmov v34  }
0x1ea: {  	v54 =	vor.u32 v2, v33;
	v39 =	vld.idx.msk [tilespmem:v39+s31+$0x0], $0xffff;
	v33 =	vmin.u32 v52, $0x7F;
	[tilespmem:v23+s31+$0x0] =	vst.idx.msk vm0, v42;
	v23 =	vmov v35  }
0x1eb: {  	v37 =	vmul.f32 v37, v17;
	vm0 =	vlt.u32 v36, $0x80;
	v35 =	vmul.f32 v43, v14;
	v34 =	vld.idx.msk [tilespmem:v34+s31+$0x0], $0xffff  }
0x1ec: {  	vm1 =	vlt.u32 v30, $0x80;
	v30 =	vmovc v48;
	v41 =	vmul.f32 v41, v16;
	v36 =	vnsel vm0, $0x0, v47;
	[tilespmem:v32+s31+$0x0] =	vst.idx.msk vm3, v46  }
0x1ed: {  	v43 =	vmul.f32 v45, v15;
	v48 =	vadd.f32 v36, v35;
	v35 =	vld.idx.msk [tilespmem:v50+s31+$0x0], $0xffff;
	[tilespmem:v27+s31+$0x0] =	vst.idx.msk vm3, v44  }
0x1ee: {  	v40 =	vmul.f32 v40, v18;
	v42 =	vnsel vm0, $0x0, v51;
	v27 =	vnsel vm0, $0x0, v49;
	[tilespmem:v24+s31+$0x0] =	vst.idx.msk vm3, v38;
	v24 =	vmovc v50  }
0x1ef: {  	v36 =	vadd.s32 s15, v1;
	v46 =	vmul.f32 v48, v14;
	v47 =	vnsel vm1, $0x0, v53;
	v38 =	vld.idx.msk [tilespmem:v54+s31+$0x0], $0xffff;
	[tilespmem:v21+s31+$0x0] =	vst.idx.msk vm2, v37  }
0x1f0: {  	v32 =	vmovc v54;
	vm2 =	vgt.s32 v36, $0x0;
	v37 =	vadd.f32 v27, v40;
	v40 =	vmul.f32 v48, v22;
	v21 =	vmovc v28  }
0x1f1: {  	v39 =	vnsel vm1, $0x0, v39;
	v28 =	vnsel vm2, $0x0, v36;
	v44 =	vnsel vm0, $0x0, v34;
	v27 =	vmovc v31  }
0x1f2: {  	v42 =	vadd.f32 v42, v41;
	v28 =	vmin.u32 v28, $0x7F;
	v31 =	vmul.f32 v37, v18;
	[tilespmem:v29+s31+$0x0] =	vst.idx.msk vm0, v40  }
.Ltmp3:
0x1f3: {  	v29 =	vor.u32 v0, v28;
	v34 =	vor.u32 v2, v28;
	v40 =	vnsel vm1, $0x0, v35;
	(pc) =	sbr.rel @p2 .LBB2_7-.Ltmp3, $4  }
0x1f4: {  	v44 =	vadd.f32 v44, v43;
	v35 =	vor.u32 v3, v28;
	v28 =	vor.u32 v4, v28  }
0x1f5: {  	v40 =	vadd.f32 v40, v31;
	v45 =	vnsel vm1, $0x0, v38;
	v38 =	vmul.f32 v42, v16  }
0x1f6: {  	v43 =	vadd.f32 v39, v46;
	v31 =	vor.u32 v3, v33;
	v46 =	vmul.f32 v44, v15  }
0x1f7: {  	v39 =	vor.u32 v0, v33;
	v41 =	vadd.f32 v47, v38;
	v38 =	vmul.f32 v40, v17  }
0x1f8: {  	_ =	sdelay $0x3  }
0x1f9: {  	v47 =	vld.idx.msk [tilespmem:v29+s31+$0x0], $0xffff  }
0x1fa: {  	v44 =	vmul.f32 v44, v19;
	v62 =	vld.idx.msk [tilespmem:v28+s31+$0x0], $0xffff  }
0x1fb: {  	v45 =	vadd.f32 v45, v46;
	v48 =	vor.u32 v4, v33;
	v49 =	vmul.f32 v43, v22;
	v50 =	vld.idx.msk [tilespmem:v35+s31+$0x0], $0xffff  }
0x1fc: {  	vm3 =	vmmov vm0;
	v63 =	vor.u32 v2, v33;
	v42 =	vmul.f32 v42, v20;
	v56 =	vld.idx.msk [tilespmem:v34+s31+$0x0], $0xffff  }
0x1fd: {  	v57 =	vmul.f32 v43, v14;
	vm4 =	vlt.u32 v30, $0x80;
	v30 =	vld.idx.msk [tilespmem:v39+s31+$0x0], $0xffff;
	v40 =	vmul.f32 v40, v18  }
0x1fe: {  	v52 =	vld.idx.msk [tilespmem:v31+s31+$0x0], $0xffff;
	v37 =	vmul.f32 v37, v17;
	v53 =	vmul.f32 v41, v20;
	[tilespmem:v26+s31+$0x0] =	vst.idx.msk vm1, v49  }
0x1ff: {  	vm2 =	vlt.u32 v36, $0x80;
	v59 =	vmul.f32 v41, v16;
	v51 =	vmul.f32 v45, v19;
	[tilespmem:v25+s31+$0x0] =	vst.idx.msk vm0, v44  }
0x200: {  	v45 =	vmul.f32 v45, v15;
	[tilespmem:v23+s31+$0x0] =	vst.idx.msk vm0, v42;
	v47 =	vnsel vm2, $0x0, v47;
	v58 =	vld.idx.msk [tilespmem:v48+s31+$0x0], $0xffff;
	v46 =	vnsel vm2, $0x0, v62  }
0x201: {  	[tilespmem:v32+s31+$0x0] =	vst.idx.msk vm1, v51;
	v60 =	vld.idx.msk [tilespmem:v63+s31+$0x0], $0xffff;
	v26 =	vnsel vm2, $0x0, v50;
	v36 =	vnsel vm2, $0x0, v56;
	v43 =	vadd.f32 v47, v57  }
0x202: {  	v23 =	vnsel vm4, $0x0, v30;
	[tilespmem:v27+s31+$0x0] =	vst.idx.msk vm1, v53;
	v40 =	vadd.f32 v46, v40;
	v26 =	vadd.f32 v26, v59  }
0x203: {  	v30 =	vadd.f32 v36, v45;
	v14 =	vmul.f32 v43, v14;
	v25 =	vmul.f32 v43, v22  }
0x204: {  	v61 =	vnsel vm4, $0x0, v52;
	[tilespmem:v21+s31+$0x0] =	vst.idx.msk vm3, v37;
	v18 =	vmul.f32 v40, v18;
	v16 =	vmul.f32 v26, v16  }
0x205: {  	v15 =	vmul.f32 v30, v15;
	v21 =	vmul.f32 v30, v19;
	v14 =	vadd.f32 v23, v14  }
0x206: {  	s2 =	simm.s32 $0x64;
	[tilespmem:v24+s31+$0x0] =	vst.idx.msk vm1, v38;
	v24 =	vmul.f32 v26, v20;
	v62 =	vnsel vm4, $0x0, v58;
	v23 =	vnsel vm4, $0x0, v60  }
0x207: {  	v15 =	vadd.f32 v23, v15;
	v14 =	vmul.f32 v14, v22;
	v22 =	vadd.s32 s2, v1  }
0x208: {  	s15 =	simm.s32 $0x65;
	v16 =	vadd.f32 v61, v16;
	[tilespmem:v29+s31+$0x0] =	vst.idx.msk vm2, v25;
	v18 =	vadd.f32 v62, v18;
	vm3 =	vgt.s32 v22, $0x64  }
0x209: {  	v23 =	vadd.s32 s15, v1;
	v15 =	vmul.f32 v15, v19;
	[tilespmem:v39+s31+$0x0] =	vst.idx.msk vm4, v14;
	v14 =	vnsel vm3, $0x64, v22  }
0x20a: {  	[tilespmem:v34+s31+$0x0] =	vst.idx.msk vm2, v21;
	v18 =	vmul.f32 v18, v17;
	vm3 =	vgt.s32 v23, $0x64;
	v14 =	vmin.u32 v14, $0x7F  }
0x20b: {  	[tilespmem:v35+s31+$0x0] =	vst.idx.msk vm2, v24;
	v17 =	vmul.f32 v40, v17;
	v19 =	vnsel vm3, $0x64, v23;
	v21 =	vadd.s32 v6, v14  }
0x20c: {  	v16 =	vmul.f32 v16, v20;
	[tilespmem:v63+s31+$0x0] =	vst.idx.msk vm4, v15;
	v20 =	vmin.u32 v19, $0x7F;
	v19 =	vadd.s32 v7, v14  }
0x20d: {  	[tilespmem:v28+s31+$0x0] =	vst.idx.msk vm2, v17;
	v26 =	vadd.s32 v8, v14  }
0x20e: {  	[tilespmem:v31+s31+$0x0] =	vst.idx.msk vm4, v16;
	v17 =	vor.u32 v0, v14  }
0x20f: {  	v15 =	vadd.s32 v6, v20;
	[tilespmem:v48+s31+$0x0] =	vst.idx.msk vm4, v18  }
0x210: {  	v18 =	vadd.s32 v7, v20;
	v21 =	vld.idx.msk [tilespmem:v21+s31+$0x0], $0xffff  }
0x211: {  	v24 =	vadd.s32 v8, v20;
	v23 =	vld.idx.msk [tilespmem:v19+s31+$0x0], $0xffff  }
0x212: {  	p2 =	por $0x1, $0x1;
	v16 =	vor.u32 v0, v20;
	v28 =	vld.idx.msk [tilespmem:v26+s31+$0x0], $0xffff  }
.Ltmp4:
0x213: {  	vm5 =	vmmov vm1;
	v29 =	vld.idx.msk [tilespmem:v17+s31+$0x0], $0xffff;
	(pc) =	sbr.rel @!p2 .LBB2_10-.Ltmp4, $4  }
0x214: {  	vm0 =	vmmov vm4;
	v32 =	vadd.s32 s2, v5;
	v30 =	vadd.s32 v9, v14;
	v25 =	vld.idx.msk [tilespmem:v15+s31+$0x0], $0xffff  }
0x215: {  	vm1 =	vmmov vm2;
	v63 =	vadd.s32 s15, v5;
	v19 =	vor.u32 v2, v14;
	v22 =	vld.idx.msk [tilespmem:v18+s31+$0x0], $0xffff  }
0x216: {  	vm0 =	vlt.u32 v63, $0x1C;
	v31 =	vadd.s32 v9, v20;
	v24 =	vld.idx.msk [tilespmem:v24+s31+$0x0], $0xffff;
	v18 =	vor.u32 v3, v14  }
0x217: {  	s30 =	simm.s32 $0x66;
	v27 =	vld.idx.msk [tilespmem:v16+s31+$0x0], $0xffff;
	v15 =	vor.u32 v3, v20;
	v26 =	vmul.f32 v21, v10;
	v21 =	vor.u32 v2, v20  }
.LBB2_9:
0x218: {  	s2 =	sadd.s32 $0x1, s30  }
0x219: {  	v33 =	vadd.s32 s30, v1;
	p2 =	slt.u32 s30, $0x8E;
	vm1 =	vlt.u32 v32, $0x1C;
	v30 =	vld.idx.msk [tilespmem:v30+s31+$0x0], $0xffff;
	v32 =	vor.u32 v4, v20;
	s15 =	smov.u32 s30;
	s30 =	sadd.s32 $0x2, s30  }
0x21a: {  	v25 =	vmul.f32 v25, v10;
	vm2 =	vgt.s32 v33, $0x64;
	v20 =	vadd.s32 s2, v1;
	v34 =	vld.idx.msk [tilespmem:v19+s31+$0x0], $0xffff  }
0x21b: {  	v36 =	vor.u32 v4, v14;
	v33 =	vnsel vm2, $0x64, v33;
	vm2 =	vgt.s32 v20, $0x64;
	v35 =	vld.idx.msk [tilespmem:v18+s31+$0x0], $0xffff  }
0x21c: {  	v25 =	vsub.f32 v27, v25;
	v14 =	vmin.u32 v33, $0x7F;
	v20 =	vnsel vm2, $0x64, v20;
	v31 =	vld.idx.msk [tilespmem:v31+s31+$0x0], $0xffff  }
0x21d: {  	v28 =	vmul.f32 v28, v12;
	v27 =	vadd.s32 v6, v14;
	v20 =	vmin.u32 v20, $0x7F;
	v33 =	vld.idx.msk [tilespmem:v21+s31+$0x0], $0xffff  }
0x21e: {  	v23 =	vmul.f32 v23, v11;
	v26 =	vsub.f32 v29, v26;
	v37 =	vadd.s32 v6, v20;
	v29 =	vld.idx.msk [tilespmem:v15+s31+$0x0], $0xffff  }
0x21f: {  	v22 =	vmul.f32 v22, v11;
	v24 =	vmul.f32 v24, v12;
	v38 =	vadd.s32 v7, v14;
	v39 =	vld.idx.msk [tilespmem:v32+s31+$0x0], $0xffff  }
0x220: {  	v40 =	vadd.s32 v7, v20;
	v23 =	vsub.f32 v34, v23;
	v41 =	vld.idx.msk [tilespmem:v36+s31+$0x0], $0xffff;
	[tilespmem:v16+s31+$0x0] =	vst.idx.msk vm0, v25  }
0x221: {  	v42 =	vadd.s32 v8, v20;
	v34 =	vadd.s32 s2, v5;
	[tilespmem:v17+s31+$0x0] =	vst.idx.msk vm1, v26;
	v17 =	vsub.f32 v35, v28  }
0x222: {  	v16 =	vor.u32 v0, v20;
	v26 =	vld.idx.msk [tilespmem:v27+s31+$0x0], $0xffff;
	[tilespmem:v19+s31+$0x0] =	vst.idx.msk vm1, v23;
	v19 =	vmul.f32 v31, v13  }
0x223: {  	v28 =	vadd.s32 v8, v14;
	v25 =	vld.idx.msk [tilespmem:v37+s31+$0x0], $0xffff;
	[tilespmem:v18+s31+$0x0] =	vst.idx.msk vm1, v17;
	v18 =	vsub.f32 v33, v22  }
0x224: {  	v27 =	vmul.f32 v30, v13;
	v17 =	vor.u32 v0, v14;
	v29 =	vsub.f32 v29, v24;
	v23 =	vld.idx.msk [tilespmem:v38+s31+$0x0], $0xffff  }
.Ltmp5:
0x225: {  	v30 =	vadd.s32 v9, v14;
	v22 =	vld.idx.msk [tilespmem:v40+s31+$0x0], $0xffff;
	[tilespmem:v21+s31+$0x0] =	vst.idx.msk vm0, v18;
	v21 =	vsub.f32 v39, v19;
	(pc) =	sbr.rel @p2 .LBB2_9-.Ltmp5, $4  }
0x226: {  	v19 =	vor.u32 v2, v14;
	v33 =	vsub.f32 v41, v27;
	v24 =	vld.idx.msk [tilespmem:v42+s31+$0x0], $0xffff;
	[tilespmem:v15+s31+$0x0] =	vst.idx.msk vm0, v29  }
0x227: {  	v18 =	vor.u32 v3, v14;
	v15 =	vor.u32 v3, v20;
	v27 =	vld.idx.msk [tilespmem:v16+s31+$0x0], $0xffff;
	[tilespmem:v32+s31+$0x0] =	vst.idx.msk vm0, v21  }
0x228: {  	v31 =	vadd.s32 v9, v20;
	v26 =	vmul.f32 v26, v10;
	v28 =	vld.idx.msk [tilespmem:v28+s31+$0x0], $0xffff;
	[tilespmem:v36+s31+$0x0] =	vst.idx.msk vm1, v33  }
0x229: {  	v32 =	vadd.s32 s15, v5;
	vm0 =	vlt.u32 v34, $0x1C;
	v21 =	vor.u32 v2, v20;
	v29 =	vld.idx.msk [tilespmem:v17+s31+$0x0], $0xffff  }
.LBB2_10:
0x22a: {  	_ =	sdelay $0x3  }
0x22b: {  	v30 =	vld.idx.msk [tilespmem:v30+s31+$0x0], $0xffff  }
0x22c: {  	v20 =	vor.u32 v4, v20;
	v33 =	vld.idx.msk [tilespmem:v19+s31+$0x0], $0xffff  }
0x22d: {  	vm1 =	vlt.u32 v32, $0x1C;
	v56 =	vld.idx.msk [tilespmem:v18+s31+$0x0], $0xffff;
	v14 =	vor.u32 v4, v14  }
0x22e: {  	v10 =	vmul.f32 v25, v10;
	v25 =	vld.idx.msk [tilespmem:v31+s31+$0x0], $0xffff  }
0x22f: {  	v31 =	vld.idx.msk [tilespmem:v21+s31+$0x0], $0xffff  }
0x230: {  	v23 =	vmul.f32 v23, v11;
	v10 =	vsub.f32 v27, v10;
	v27 =	vld.idx.msk [tilespmem:v15+s31+$0x0], $0xffff  }
0x231: {  	v28 =	vmul.f32 v28, v12;
	v26 =	vsub.f32 v29, v26;
	v29 =	vld.idx.msk [tilespmem:v20+s31+$0x0], $0xffff  }
0x232: {  	v11 =	vmul.f32 v22, v11;
	v22 =	vld.idx.msk [tilespmem:v14+s31+$0x0], $0xffff;
	v23 =	vsub.f32 v33, v23;
	[tilespmem:v16+s31+$0x0] =	vst.idx.msk vm0, v10  }
0x233: {  	v10 =	vmul.f32 v24, v12;
	[tilespmem:v17+s31+$0x0] =	vst.idx.msk vm1, v26;
	v12 =	vsub.f32 v56, v28  }
0x234: {  	v16 =	vmul.f32 v25, v13;
	v11 =	vsub.f32 v31, v11;
	[tilespmem:v19+s31+$0x0] =	vst.idx.msk vm1, v23  }
0x235: {  	[tilespmem:v18+s31+$0x0] =	vst.idx.msk vm1, v12;
	v12 =	vmul.f32 v30, v13;
	v10 =	vsub.f32 v27, v10  }
0x236: {  	[tilespmem:v21+s31+$0x0] =	vst.idx.msk vm0, v11;
	v11 =	vsub.f32 v29, v16  }
0x237: {  	v12 =	vsub.f32 v22, v12;
	[tilespmem:v15+s31+$0x0] =	vst.idx.msk vm0, v10  }
0x238: {  	[tilespmem:v20+s31+$0x0] =	vst.idx.msk vm0, v11  }
0x239: {  	s2 =	simm.s32 $0x17C00;
	[tilespmem:v14+s31+$0x0] =	vst.idx.msk vm1, v12  }
0x23a: {  	[spmem:s16] =	stream.indirect.scatter.add.f32 [tilespmem:s31], [sflag:$0x6], $0x80, s2, s17, $0xb8;
	[tilespmem:$0x1FD80] =	vst v63  }
0x23b: {  	s2 =	sadd.s32 @!p0 $0x5, s28  }
0x23c: {  	s24 =	simm.s32 @!p0 $0x6;
	_ =	swait.ge [sflag:s23], $0x2000;
	s15 =	sshll.u32 @!p0 s2, $0x7  }
0x23d: {  	s2 =	sshll.u32 @!p0 s2, $0x6;
	[sflag:s23] =	ssyncset.done $0x0;
	s30 =	sand.u32 @!p0 $0x7C00, s15  }
0x23e: {  	s15 =	sand.u32 @!p0 $0x280, s15;
	[sflag:s23] =	ssyncadd.s32 $0xFFFFE000;
	s30 =	sadd.s32 @!p0 s4, s30  }
0x23f: {  	s2 =	sand.u32 @!p0 $0x3FFFFFC0, s2;
	_ =	swait.ge @!p0 [sflag:s24], $0x2000;
	s15 =	sor.u32 @!p0 s15, s30  }
0x240: {  	s30 =	simm.s32 @!p0 $0x17C00;
	[sflag:s24] =	ssyncset.done @!p0 $0x0;
	s15 =	sshrl.u32 @!p0 s15, $0x3  }
0x241: {  	[sflag:s24] =	ssyncadd.s32 @!p0 $0xFFFFE000;
	s15 =	sadd.s32 @!p0 s14, s15;
	s24 =	simm.s32 @!p0 $0x0  }
0x242: {  	[tilespmem:s30], [sflag:$0xA] =	stream.linear.gather @!p0 [hbm4b:s15+s24], $0x80, $0x38;
	[tilespmem:$0x1FD80] =	vst v63  }
0x243: {  	s2 =	sadd.s32 @!p0 $0x16380, s2;
	s15 =	simm.s32 @!p0 $0x40;
	s24 =	simm.s32 @!p0 $0x19D80  }
0x244: {  	[tilespmem:s24], [sflag:$0x2] =	stream.indirect.gather @!p0 [hbm4b:s0+s15], $0x80, s2, s15, $0xb8;
	[tilespmem:$0x1FD80] =	vst v63  }
0x245: {  	_ =	swait.ge @p1 [sflag:s19], $0x80  }
0x246: {  	[sflag:s19] =	ssyncset.done @p1 $0x0  }
0x247: {  	[sflag:s19] =	ssyncadd.s32 @p1 $0xFFFFFF80  }
0x248: {  	v10 =	vld [tilespmem:s29+$0x16400]  }
0x249: {  	v11 =	vld [tilespmem:$0x17C80];
	_ =	sdelay $0x6  }
0x24a: {  	v10 =	vld.idx.msk [tilespmem:v10+s6+$0x0], $0xffff  }
0x24b: {  	v11 =	vld.idx.msk [tilespmem:v11+s6+$0x0], $0xffff;
	_ =	sdelay $0x4  }
0x24c: {  	v10 =	vadd.f32 v11, v10;
	_ =	sdelay $0x1  }
0x24d: {  	(erf) = vrcp.f32 v10;
	_ =	sdelay $0x8  }
0x24e: {  	v10 =	vpop (erf)  }
0x24f: {  	v17 =	vadd.f32 v10, v10;
	_ =	sdelay $0x1  }
0x250: {  	v10 =	vsub.f32 $0.0e+00, v17;
	_ =	sdelay $0x1  }
0x251: {  	v10 =	vmul.f32 $1.442695020e+00, v10;
	_ =	sdelay $0x1  }
0x252: {  	(erf) = vpow2.f32 v10;
	_ =	sdelay $0x3  }
0x253: {  	v10 =	vmul.f32 $-1.000000000e+02, v17;
	_ =	sdelay $0x1  }
0x254: {  	v10 =	vmul.f32 $1.442695020e+00, v10;
	_ =	sdelay $0x1  }
0x255: {  	(erf) = vpow2.f32 v10  }
0x256: {  	v14 =	vpop (erf)  }
0x257: {  	v10 =	vsub.f32 $1.000000000e+00, v14  }
0x258: {  	v12 =	vld [tilespmem:$0x17C90]  }
0x259: {  	v11 =	vld [tilespmem:s29+$0x16410];
	(erf) = vrcp.f32 v10;
	_ =	sdelay $0x4  }
0x25a: {  	v10 =	vpop (erf)  }
0x25b: {  	v13 =	vsub.f32 $1.000000000e+00, v10  }
0x25c: {  	v12 =	vld.idx.msk [tilespmem:v12+s6+$0x0], $0xffff  }
0x25d: {  	v11 =	vld.idx.msk [tilespmem:v11+s6+$0x0], $0xffff;
	v13 =	vmul.f32 v13, v17  }
0x25e: {  	v15 =	vpop (erf)  }
0x25f: {  	v13 =	vmul.f32 v15, v13;
	_ =	sdelay $0x1  }
0x260: {  	v13 =	vadd.f32 $9.999999930e-09, v13  }
0x261: {  	v11 =	vadd.f32 v12, v11  }
0x262: {  	(erf) = vrcp.f32 v13  }
0x263: {  	(erf) = vrcp.f32 v11;
	_ =	sdelay $0x7  }
0x264: {  	v19 =	vpop (erf)  }
0x265: {  	v11 =	vpop (erf)  }
0x266: {  	v20 =	vadd.f32 v11, v11;
	_ =	sdelay $0x1  }
0x267: {  	v11 =	vsub.f32 $0.0e+00, v20;
	_ =	sdelay $0x1  }
0x268: {  	v11 =	vmul.f32 $1.442695020e+00, v11;
	_ =	sdelay $0x1  }
0x269: {  	(erf) = vpow2.f32 v11;
	_ =	sdelay $0x3  }
0x26a: {  	v11 =	vmul.f32 $-1.000000000e+02, v20;
	_ =	sdelay $0x1  }
0x26b: {  	v11 =	vmul.f32 $1.442695020e+00, v11;
	_ =	sdelay $0x1  }
0x26c: {  	(erf) = vpow2.f32 v11  }
0x26d: {  	v15 =	vpop (erf)  }
0x26e: {  	v11 =	vsub.f32 $1.000000000e+00, v15  }
0x26f: {  	v12 =	vld [tilespmem:s29+$0x16420]  }
0x270: {  	v13 =	vld [tilespmem:$0x17CA0];
	(erf) = vrcp.f32 v11;
	_ =	sdelay $0x4  }
0x271: {  	v11 =	vpop (erf)  }
0x272: {  	v16 =	vsub.f32 $1.000000000e+00, v11  }
0x273: {  	v12 =	vld.idx.msk [tilespmem:v12+s6+$0x0], $0xffff  }
0x274: {  	v13 =	vld.idx.msk [tilespmem:v13+s6+$0x0], $0xffff;
	v16 =	vmul.f32 v16, v20  }
0x275: {  	v18 =	vpop (erf)  }
0x276: {  	v16 =	vmul.f32 v18, v16;
	_ =	sdelay $0x1  }
0x277: {  	v16 =	vadd.f32 $9.999999930e-09, v16  }
0x278: {  	v12 =	vadd.f32 v13, v12  }
0x279: {  	(erf) = vrcp.f32 v16  }
0x27a: {  	(erf) = vrcp.f32 v12;
	_ =	sdelay $0x7  }
0x27b: {  	v24 =	vpop (erf)  }
0x27c: {  	v12 =	vpop (erf)  }
0x27d: {  	v28 =	vadd.f32 v12, v12;
	_ =	sdelay $0x1  }
0x27e: {  	v12 =	vsub.f32 $0.0e+00, v28;
	_ =	sdelay $0x1  }
0x27f: {  	v12 =	vmul.f32 $1.442695020e+00, v12;
	_ =	sdelay $0x1  }
0x280: {  	(erf) = vpow2.f32 v12;
	_ =	sdelay $0x3  }
0x281: {  	v12 =	vmul.f32 $-1.000000000e+02, v28;
	_ =	sdelay $0x1  }
0x282: {  	v12 =	vmul.f32 $1.442695020e+00, v12;
	_ =	sdelay $0x1  }
0x283: {  	(erf) = vpow2.f32 v12  }
0x284: {  	v16 =	vpop (erf)  }
0x285: {  	v12 =	vsub.f32 $1.000000000e+00, v16  }
0x286: {  	v13 =	vld [tilespmem:s29+$0x16430]  }
0x287: {  	v18 =	vld [tilespmem:$0x17CB0];
	(erf) = vrcp.f32 v12;
	_ =	sdelay $0x4  }
0x288: {  	v12 =	vpop (erf)  }
0x289: {  	v21 =	vsub.f32 $1.000000000e+00, v12  }
0x28a: {  	v13 =	vld.idx.msk [tilespmem:v13+s6+$0x0], $0xffff  }
0x28b: {  	v18 =	vld.idx.msk [tilespmem:v18+s6+$0x0], $0xffff;
	v21 =	vmul.f32 v21, v28  }
0x28c: {  	v22 =	vpop (erf)  }
0x28d: {  	v21 =	vmul.f32 v22, v21;
	_ =	sdelay $0x1  }
0x28e: {  	v21 =	vadd.f32 $9.999999930e-09, v21  }
0x28f: {  	v13 =	vadd.f32 v18, v13  }
0x290: {  	(erf) = vrcp.f32 v21  }
0x291: {  	(erf) = vrcp.f32 v13;
	_ =	sdelay $0x7  }
0x292: {  	v29 =	vpop (erf)  }
0x293: {  	v13 =	vpop (erf)  }
0x294: {  	v31 =	vadd.f32 v13, v13;
	_ =	sdelay $0x1  }
0x295: {  	v13 =	vsub.f32 $0.0e+00, v31;
	_ =	sdelay $0x1  }
0x296: {  	v13 =	vmul.f32 $1.442695020e+00, v13;
	_ =	sdelay $0x1  }
0x297: {  	(erf) = vpow2.f32 v13;
	_ =	sdelay $0x3  }
0x298: {  	v13 =	vmul.f32 $-1.000000000e+02, v31;
	_ =	sdelay $0x1  }
0x299: {  	v13 =	vmul.f32 $1.442695020e+00, v13;
	_ =	sdelay $0x1  }
0x29a: {  	(erf) = vpow2.f32 v13  }
0x29b: {  	v18 =	vpop (erf)  }
0x29c: {  	v13 =	vsub.f32 $1.000000000e+00, v18;
	_ =	sdelay $0x1  }
0x29d: {  	(erf) = vrcp.f32 v13;
	_ =	sdelay $0x4  }
0x29e: {  	v13 =	vpop (erf)  }
0x29f: {  	v21 =	vsub.f32 $1.000000000e+00, v13;
	_ =	sdelay $0x1  }
0x2a0: {  	v21 =	vmul.f32 v21, v31  }
0x2a1: {  	v22 =	vpop (erf)  }
0x2a2: {  	v21 =	vmul.f32 v22, v21  }
0x2a3: {  	s15 =	simm.s32 $0x0  }
0x2a4: {  	v57 =	vadd.s32 s15, v1;
	v21 =	vadd.f32 $9.999999930e-09, v21  }
0x2a5: {  	vm0 =	vgt.s32 v57, $0x0  }
0x2a6: {  	s24 =	simm.s32 $0x1;
	(erf) = vrcp.f32 v21;
	v21 =	vnsel vm0, $0x0, v57  }
0x2a7: {  	v34 =	vadd.s32 s24, v1;
	v22 =	vmin.u32 v21, $0x7F  }
0x2a8: {  	vm0 =	vgt.s32 v34, $0x0;
	v38 =	vor.u32 v0, v22  }
0x2a9: {  	v23 =	vnsel vm0, $0x0, v34;
	v21 =	vor.u32 v4, v22  }
0x2aa: {  	v58 =	vmin.u32 v23, $0x7F;
	v23 =	vor.u32 v3, v22  }
0x2ab: {  	s15 =	simm.s32 $0x3;
	v25 =	vor.u32 v2, v22  }
0x2ac: {  	v30 =	vadd.s32 s15, v1;
	v27 =	vor.u32 v3, v58  }
0x2ad: {  	v22 =	vmul.f32 v19, v17;
	v19 =	vmul.f32 v24, v20;
	v24 =	vor.u32 v4, v58;
	v35 =	vld.idx.msk [tilespmem:v38+s13+$0x0], $0xffff  }
0x2ae: {  	v36 =	vimm.f32 $0.0e+00;
	vm0 =	vgt.s32 v30, $0x0;
	v37 =	vld.idx.msk [tilespmem:v21+s13+$0x0], $0xffff  }
0x2af: {  	v20 =	vmul.f32 v29, v28;
	v28 =	vnsel vm0, $0x0, v30;
	v26 =	vor.u32 v0, v58;
	v39 =	vld.idx.msk [tilespmem:v23+s13+$0x0], $0xffff  }
0x2b0: {  	v40 =	vmul.f32 v36, v14;
	v33 =	vmin.u32 v28, $0x7F;
	v28 =	vld.idx.msk [tilespmem:v25+s13+$0x0], $0xffff  }
0x2b1: {  	s24 =	simm.s32 $0x2;
	v60 =	vmul.f32 v36, v15;
	v41 =	vmul.f32 v36, v16;
	v29 =	vld.idx.msk [tilespmem:v27+s13+$0x0], $0xffff  }
0x2b2: {  	v42 =	vmul.f32 v36, v18;
	v36 =	vadd.s32 s24, v1;
	v32 =	vor.u32 v2, v58;
	v61 =	vld.idx.msk [tilespmem:v24+s13+$0x0], $0xffff  }
0x2b3: {  	vm1 =	vlt.u32 v34, $0x80;
	vm2 =	vgt.s32 v36, $0x0;
	vm0 =	vlt.u32 v57, $0x80;
	v17 =	vpop (erf)  }
0x2b4: {  	v17 =	vmul.f32 v17, v31;
	v31 =	vld.idx.msk [tilespmem:v26+s13+$0x0], $0xffff;
	v35 =	vnsel vm0, $0x0, v35;
	v39 =	vnsel vm0, $0x0, v39  }
0x2b5: {  	v37 =	vnsel vm0, $0x0, v37;
	v28 =	vnsel vm0, $0x0, v28;
	v59 =	vadd.f32 v35, v40  }
0x2b6: {  	v47 =	vnsel vm1, $0x0, v29;
	v37 =	vadd.f32 v37, v42;
	v29 =	vnsel vm2, $0x0, v36  }
0x2b7: {  	v45 =	vld.idx.msk [tilespmem:v32+s13+$0x0], $0xffff;
	v42 =	vadd.f32 v39, v41;
	v40 =	vnsel vm1, $0x0, v61;
	v44 =	vadd.f32 v28, v60  }
0x2b8: {  	v39 =	vor.u32 v0, v33;
	v43 =	vmul.f32 v59, v14;
	v46 =	vmul.f32 v59, v22  }
0x2b9: {  	v48 =	vnsel vm1, $0x0, v31;
	v31 =	vmin.u32 v29, $0x7F;
	v62 =	vmul.f32 v37, v18  }
0x2ba: {  	v63 =	vmul.f32 v42, v16;
	v29 =	vor.u32 v0, v31;
	v34 =	vor.u32 v2, v31  }
0x2bb: {  	v35 =	vor.u32 v3, v31;
	v28 =	vor.u32 v4, v31;
	v40 =	vadd.f32 v40, v62  }
0x2bc: {  	v45 =	vnsel vm1, $0x0, v45;
	v31 =	vor.u32 v3, v33;
	[tilespmem:v38+s13+$0x0] =	vst.idx.msk vm0, v46;
	v46 =	vmul.f32 v44, v15  }
0x2bd: {  	s30 =	simm.s32 $0x5;
	s29 =	simm.s32 $0x4;
	v43 =	vadd.f32 v48, v43;
	v41 =	vadd.f32 v47, v63;
	v38 =	vmul.f32 v40, v17  }
.LBB2_11:
0x2be: {  	s2 =	sadd.s32 $0x1, s29;
	v44 =	vmul.f32 v44, v19;
	v45 =	vadd.f32 v45, v46  }
0x2bf: {  	p2 =	slt.u32 s29, $0x8E;
	v47 =	vld.idx.msk [tilespmem:v29+s13+$0x0], $0xffff;
	v46 =	vmul.f32 v43, v22;
	vm2 =	vmmov vm0;
	vm3 =	vmmov vm1;
	s15 =	smov.u32 s29;
	s29 =	sadd.s32 $0x2, s29  }
0x2c0: {  	v50 =	vor.u32 v4, v33;
	v42 =	vmul.f32 v42, v20;
	v48 =	vadd.s32 s2, v1;
	v49 =	vld.idx.msk [tilespmem:v28+s13+$0x0], $0xffff  }
0x2c1: {  	vm4 =	vgt.s32 v48, $0x0;
	v51 =	vld.idx.msk [tilespmem:v35+s13+$0x0], $0xffff;
	[tilespmem:v26+s13+$0x0] =	vst.idx.msk vm1, v46;
	v46 =	vmul.f32 v45, v19;
	v26 =	vmov v39  }
0x2c2: {  	v52 =	vnsel vm4, $0x0, v48;
	v53 =	vld.idx.msk [tilespmem:v31+s13+$0x0], $0xffff;
	[tilespmem:v25+s13+$0x0] =	vst.idx.msk vm0, v44;
	v44 =	vmul.f32 v41, v20;
	v25 =	vmov v34  }
0x2c3: {  	v54 =	vor.u32 v2, v33;
	v39 =	vld.idx.msk [tilespmem:v39+s13+$0x0], $0xffff;
	v33 =	vmin.u32 v52, $0x7F;
	[tilespmem:v23+s13+$0x0] =	vst.idx.msk vm0, v42;
	v23 =	vmov v35  }
0x2c4: {  	v37 =	vmul.f32 v37, v17;
	vm0 =	vlt.u32 v36, $0x80;
	v35 =	vmul.f32 v43, v14;
	v34 =	vld.idx.msk [tilespmem:v34+s13+$0x0], $0xffff  }
0x2c5: {  	vm1 =	vlt.u32 v30, $0x80;
	v30 =	vmovc v48;
	v41 =	vmul.f32 v41, v16;
	v36 =	vnsel vm0, $0x0, v47;
	[tilespmem:v32+s13+$0x0] =	vst.idx.msk vm3, v46  }
0x2c6: {  	v43 =	vmul.f32 v45, v15;
	v48 =	vadd.f32 v36, v35;
	v35 =	vld.idx.msk [tilespmem:v50+s13+$0x0], $0xffff;
	[tilespmem:v27+s13+$0x0] =	vst.idx.msk vm3, v44  }
0x2c7: {  	v40 =	vmul.f32 v40, v18;
	v42 =	vnsel vm0, $0x0, v51;
	v27 =	vnsel vm0, $0x0, v49;
	[tilespmem:v24+s13+$0x0] =	vst.idx.msk vm3, v38;
	v24 =	vmovc v50  }
0x2c8: {  	v36 =	vadd.s32 s15, v1;
	v46 =	vmul.f32 v48, v14;
	v47 =	vnsel vm1, $0x0, v53;
	v38 =	vld.idx.msk [tilespmem:v54+s13+$0x0], $0xffff;
	[tilespmem:v21+s13+$0x0] =	vst.idx.msk vm2, v37  }
0x2c9: {  	v32 =	vmovc v54;
	vm2 =	vgt.s32 v36, $0x0;
	v37 =	vadd.f32 v27, v40;
	v40 =	vmul.f32 v48, v22;
	v21 =	vmovc v28  }
0x2ca: {  	v39 =	vnsel vm1, $0x0, v39;
	v28 =	vnsel vm2, $0x0, v36;
	v44 =	vnsel vm0, $0x0, v34;
	v27 =	vmovc v31  }
0x2cb: {  	v42 =	vadd.f32 v42, v41;
	v28 =	vmin.u32 v28, $0x7F;
	v31 =	vmul.f32 v37, v18;
	[tilespmem:v29+s13+$0x0] =	vst.idx.msk vm0, v40  }
.Ltmp6:
0x2cc: {  	v29 =	vor.u32 v0, v28;
	v34 =	vor.u32 v2, v28;
	v40 =	vnsel vm1, $0x0, v35;
	(pc) =	sbr.rel @p2 .LBB2_11-.Ltmp6, $4  }
0x2cd: {  	v44 =	vadd.f32 v44, v43;
	v35 =	vor.u32 v3, v28;
	v28 =	vor.u32 v4, v28  }
0x2ce: {  	v40 =	vadd.f32 v40, v31;
	v45 =	vnsel vm1, $0x0, v38;
	v38 =	vmul.f32 v42, v16  }
0x2cf: {  	v43 =	vadd.f32 v39, v46;
	v31 =	vor.u32 v3, v33;
	v46 =	vmul.f32 v44, v15  }
0x2d0: {  	v39 =	vor.u32 v0, v33;
	v41 =	vadd.f32 v47, v38;
	v38 =	vmul.f32 v40, v17  }
0x2d1: {  	_ =	sdelay $0x3  }
0x2d2: {  	v47 =	vld.idx.msk [tilespmem:v29+s13+$0x0], $0xffff  }
0x2d3: {  	v44 =	vmul.f32 v44, v19;
	v62 =	vld.idx.msk [tilespmem:v28+s13+$0x0], $0xffff  }
0x2d4: {  	v45 =	vadd.f32 v45, v46;
	v48 =	vor.u32 v4, v33;
	v49 =	vmul.f32 v43, v22;
	v50 =	vld.idx.msk [tilespmem:v35+s13+$0x0], $0xffff  }
0x2d5: {  	vm3 =	vmmov vm0;
	v63 =	vor.u32 v2, v33;
	v42 =	vmul.f32 v42, v20;
	v56 =	vld.idx.msk [tilespmem:v34+s13+$0x0], $0xffff  }
0x2d6: {  	v57 =	vmul.f32 v43, v14;
	vm4 =	vlt.u32 v30, $0x80;
	v30 =	vld.idx.msk [tilespmem:v39+s13+$0x0], $0xffff;
	v40 =	vmul.f32 v40, v18  }
0x2d7: {  	v52 =	vld.idx.msk [tilespmem:v31+s13+$0x0], $0xffff;
	v37 =	vmul.f32 v37, v17;
	v53 =	vmul.f32 v41, v20;
	[tilespmem:v26+s13+$0x0] =	vst.idx.msk vm1, v49  }
0x2d8: {  	vm2 =	vlt.u32 v36, $0x80;
	v59 =	vmul.f32 v41, v16;
	v51 =	vmul.f32 v45, v19;
	[tilespmem:v25+s13+$0x0] =	vst.idx.msk vm0, v44  }
0x2d9: {  	v45 =	vmul.f32 v45, v15;
	[tilespmem:v23+s13+$0x0] =	vst.idx.msk vm0, v42;
	v47 =	vnsel vm2, $0x0, v47;
	v58 =	vld.idx.msk [tilespmem:v48+s13+$0x0], $0xffff;
	v46 =	vnsel vm2, $0x0, v62  }
0x2da: {  	[tilespmem:v32+s13+$0x0] =	vst.idx.msk vm1, v51;
	v60 =	vld.idx.msk [tilespmem:v63+s13+$0x0], $0xffff;
	v26 =	vnsel vm2, $0x0, v50;
	v36 =	vnsel vm2, $0x0, v56;
	v43 =	vadd.f32 v47, v57  }
0x2db: {  	v23 =	vnsel vm4, $0x0, v30;
	[tilespmem:v27+s13+$0x0] =	vst.idx.msk vm1, v53;
	v40 =	vadd.f32 v46, v40;
	v26 =	vadd.f32 v26, v59  }
0x2dc: {  	v30 =	vadd.f32 v36, v45;
	v14 =	vmul.f32 v43, v14;
	v25 =	vmul.f32 v43, v22  }
0x2dd: {  	v61 =	vnsel vm4, $0x0, v52;
	[tilespmem:v21+s13+$0x0] =	vst.idx.msk vm3, v37;
	v18 =	vmul.f32 v40, v18;
	v16 =	vmul.f32 v26, v16  }
0x2de: {  	v15 =	vmul.f32 v30, v15;
	v21 =	vmul.f32 v30, v19;
	v14 =	vadd.f32 v23, v14  }
0x2df: {  	s2 =	simm.s32 $0x64;
	[tilespmem:v24+s13+$0x0] =	vst.idx.msk vm1, v38;
	v24 =	vmul.f32 v26, v20;
	v62 =	vnsel vm4, $0x0, v58;
	v23 =	vnsel vm4, $0x0, v60  }
0x2e0: {  	v15 =	vadd.f32 v23, v15;
	v14 =	vmul.f32 v14, v22;
	v22 =	vadd.s32 s2, v1  }
0x2e1: {  	s15 =	simm.s32 $0x65;
	v16 =	vadd.f32 v61, v16;
	[tilespmem:v29+s13+$0x0] =	vst.idx.msk vm2, v25;
	v18 =	vadd.f32 v62, v18;
	vm3 =	vgt.s32 v22, $0x64  }
0x2e2: {  	v23 =	vadd.s32 s15, v1;
	v15 =	vmul.f32 v15, v19;
	[tilespmem:v39+s13+$0x0] =	vst.idx.msk vm4, v14;
	v14 =	vnsel vm3, $0x64, v22  }
0x2e3: {  	[tilespmem:v34+s13+$0x0] =	vst.idx.msk vm2, v21;
	v18 =	vmul.f32 v18, v17;
	vm3 =	vgt.s32 v23, $0x64;
	v14 =	vmin.u32 v14, $0x7F  }
0x2e4: {  	[tilespmem:v35+s13+$0x0] =	vst.idx.msk vm2, v24;
	v17 =	vmul.f32 v40, v17;
	v19 =	vnsel vm3, $0x64, v23;
	v21 =	vadd.s32 v6, v14  }
0x2e5: {  	v16 =	vmul.f32 v16, v20;
	[tilespmem:v63+s13+$0x0] =	vst.idx.msk vm4, v15;
	v20 =	vmin.u32 v19, $0x7F;
	v19 =	vadd.s32 v7, v14  }
0x2e6: {  	[tilespmem:v28+s13+$0x0] =	vst.idx.msk vm2, v17;
	v26 =	vadd.s32 v8, v14  }
0x2e7: {  	[tilespmem:v31+s13+$0x0] =	vst.idx.msk vm4, v16;
	v17 =	vor.u32 v0, v14  }
0x2e8: {  	v15 =	vadd.s32 v6, v20;
	[tilespmem:v48+s13+$0x0] =	vst.idx.msk vm4, v18  }
0x2e9: {  	v18 =	vadd.s32 v7, v20;
	v21 =	vld.idx.msk [tilespmem:v21+s13+$0x0], $0xffff  }
0x2ea: {  	v24 =	vadd.s32 v8, v20;
	v23 =	vld.idx.msk [tilespmem:v19+s13+$0x0], $0xffff  }
0x2eb: {  	p2 =	por $0x1, $0x1;
	v16 =	vor.u32 v0, v20;
	v28 =	vld.idx.msk [tilespmem:v26+s13+$0x0], $0xffff  }
.Ltmp7:
0x2ec: {  	vm5 =	vmmov vm1;
	v29 =	vld.idx.msk [tilespmem:v17+s13+$0x0], $0xffff;
	(pc) =	sbr.rel @!p2 .LBB2_14-.Ltmp7, $4  }
0x2ed: {  	vm0 =	vmmov vm4;
	v32 =	vadd.s32 s2, v5;
	v30 =	vadd.s32 v9, v14;
	v25 =	vld.idx.msk [tilespmem:v15+s13+$0x0], $0xffff  }
0x2ee: {  	vm1 =	vmmov vm2;
	v63 =	vadd.s32 s15, v5;
	v19 =	vor.u32 v2, v14;
	v22 =	vld.idx.msk [tilespmem:v18+s13+$0x0], $0xffff  }
0x2ef: {  	vm0 =	vlt.u32 v63, $0x1C;
	v31 =	vadd.s32 v9, v20;
	v24 =	vld.idx.msk [tilespmem:v24+s13+$0x0], $0xffff;
	v18 =	vor.u32 v3, v14  }
0x2f0: {  	s29 =	simm.s32 $0x66;
	v27 =	vld.idx.msk [tilespmem:v16+s13+$0x0], $0xffff;
	v15 =	vor.u32 v3, v20;
	v26 =	vmul.f32 v21, v10;
	v21 =	vor.u32 v2, v20  }
.LBB2_13:
0x2f1: {  	s2 =	sadd.s32 $0x1, s29  }
0x2f2: {  	v33 =	vadd.s32 s29, v1;
	p2 =	slt.u32 s29, $0x8E;
	vm1 =	vlt.u32 v32, $0x1C;
	v30 =	vld.idx.msk [tilespmem:v30+s13+$0x0], $0xffff;
	v32 =	vor.u32 v4, v20;
	s15 =	smov.u32 s29;
	s29 =	sadd.s32 $0x2, s29  }
0x2f3: {  	v25 =	vmul.f32 v25, v10;
	vm2 =	vgt.s32 v33, $0x64;
	v20 =	vadd.s32 s2, v1;
	v34 =	vld.idx.msk [tilespmem:v19+s13+$0x0], $0xffff  }
0x2f4: {  	v36 =	vor.u32 v4, v14;
	v33 =	vnsel vm2, $0x64, v33;
	vm2 =	vgt.s32 v20, $0x64;
	v35 =	vld.idx.msk [tilespmem:v18+s13+$0x0], $0xffff  }
0x2f5: {  	v25 =	vsub.f32 v27, v25;
	v14 =	vmin.u32 v33, $0x7F;
	v20 =	vnsel vm2, $0x64, v20;
	v31 =	vld.idx.msk [tilespmem:v31+s13+$0x0], $0xffff  }
0x2f6: {  	v28 =	vmul.f32 v28, v12;
	v27 =	vadd.s32 v6, v14;
	v20 =	vmin.u32 v20, $0x7F;
	v33 =	vld.idx.msk [tilespmem:v21+s13+$0x0], $0xffff  }
0x2f7: {  	v23 =	vmul.f32 v23, v11;
	v26 =	vsub.f32 v29, v26;
	v37 =	vadd.s32 v6, v20;
	v29 =	vld.idx.msk [tilespmem:v15+s13+$0x0], $0xffff  }
0x2f8: {  	v22 =	vmul.f32 v22, v11;
	v24 =	vmul.f32 v24, v12;
	v38 =	vadd.s32 v7, v14;
	v39 =	vld.idx.msk [tilespmem:v32+s13+$0x0], $0xffff  }
0x2f9: {  	v40 =	vadd.s32 v7, v20;
	v23 =	vsub.f32 v34, v23;
	v41 =	vld.idx.msk [tilespmem:v36+s13+$0x0], $0xffff;
	[tilespmem:v16+s13+$0x0] =	vst.idx.msk vm0, v25  }
0x2fa: {  	v42 =	vadd.s32 v8, v20;
	v34 =	vadd.s32 s2, v5;
	[tilespmem:v17+s13+$0x0] =	vst.idx.msk vm1, v26;
	v17 =	vsub.f32 v35, v28  }
0x2fb: {  	v16 =	vor.u32 v0, v20;
	v26 =	vld.idx.msk [tilespmem:v27+s13+$0x0], $0xffff;
	[tilespmem:v19+s13+$0x0] =	vst.idx.msk vm1, v23;
	v19 =	vmul.f32 v31, v13  }
0x2fc: {  	v28 =	vadd.s32 v8, v14;
	v25 =	vld.idx.msk [tilespmem:v37+s13+$0x0], $0xffff;
	[tilespmem:v18+s13+$0x0] =	vst.idx.msk vm1, v17;
	v18 =	vsub.f32 v33, v22  }
0x2fd: {  	v27 =	vmul.f32 v30, v13;
	v17 =	vor.u32 v0, v14;
	v29 =	vsub.f32 v29, v24;
	v23 =	vld.idx.msk [tilespmem:v38+s13+$0x0], $0xffff  }
.Ltmp8:
0x2fe: {  	v30 =	vadd.s32 v9, v14;
	v22 =	vld.idx.msk [tilespmem:v40+s13+$0x0], $0xffff;
	[tilespmem:v21+s13+$0x0] =	vst.idx.msk vm0, v18;
	v21 =	vsub.f32 v39, v19;
	(pc) =	sbr.rel @p2 .LBB2_13-.Ltmp8, $4  }
0x2ff: {  	v19 =	vor.u32 v2, v14;
	v33 =	vsub.f32 v41, v27;
	v24 =	vld.idx.msk [tilespmem:v42+s13+$0x0], $0xffff;
	[tilespmem:v15+s13+$0x0] =	vst.idx.msk vm0, v29  }
0x300: {  	v18 =	vor.u32 v3, v14;
	v15 =	vor.u32 v3, v20;
	v27 =	vld.idx.msk [tilespmem:v16+s13+$0x0], $0xffff;
	[tilespmem:v32+s13+$0x0] =	vst.idx.msk vm0, v21  }
0x301: {  	v31 =	vadd.s32 v9, v20;
	v26 =	vmul.f32 v26, v10;
	v28 =	vld.idx.msk [tilespmem:v28+s13+$0x0], $0xffff;
	[tilespmem:v36+s13+$0x0] =	vst.idx.msk vm1, v33  }
0x302: {  	v32 =	vadd.s32 s15, v5;
	vm0 =	vlt.u32 v34, $0x1C;
	v21 =	vor.u32 v2, v20;
	v29 =	vld.idx.msk [tilespmem:v17+s13+$0x0], $0xffff  }
.LBB2_14:
0x303: {  	_ =	sdelay $0x3  }
0x304: {  	v30 =	vld.idx.msk [tilespmem:v30+s13+$0x0], $0xffff  }
0x305: {  	v20 =	vor.u32 v4, v20;
	v33 =	vld.idx.msk [tilespmem:v19+s13+$0x0], $0xffff  }
0x306: {  	vm1 =	vlt.u32 v32, $0x1C;
	v56 =	vld.idx.msk [tilespmem:v18+s13+$0x0], $0xffff;
	v14 =	vor.u32 v4, v14  }
0x307: {  	v10 =	vmul.f32 v25, v10;
	v25 =	vld.idx.msk [tilespmem:v31+s13+$0x0], $0xffff  }
0x308: {  	v31 =	vld.idx.msk [tilespmem:v21+s13+$0x0], $0xffff  }
0x309: {  	v23 =	vmul.f32 v23, v11;
	v10 =	vsub.f32 v27, v10;
	v27 =	vld.idx.msk [tilespmem:v15+s13+$0x0], $0xffff  }
0x30a: {  	v28 =	vmul.f32 v28, v12;
	v26 =	vsub.f32 v29, v26;
	v29 =	vld.idx.msk [tilespmem:v20+s13+$0x0], $0xffff  }
0x30b: {  	v11 =	vmul.f32 v22, v11;
	v22 =	vld.idx.msk [tilespmem:v14+s13+$0x0], $0xffff;
	v23 =	vsub.f32 v33, v23;
	[tilespmem:v16+s13+$0x0] =	vst.idx.msk vm0, v10  }
0x30c: {  	v10 =	vmul.f32 v24, v12;
	[tilespmem:v17+s13+$0x0] =	vst.idx.msk vm1, v26;
	v12 =	vsub.f32 v56, v28  }
0x30d: {  	v16 =	vmul.f32 v25, v13;
	v11 =	vsub.f32 v31, v11;
	[tilespmem:v19+s13+$0x0] =	vst.idx.msk vm1, v23  }
0x30e: {  	[tilespmem:v18+s13+$0x0] =	vst.idx.msk vm1, v12;
	v12 =	vmul.f32 v30, v13;
	v10 =	vsub.f32 v27, v10  }
0x30f: {  	[tilespmem:v21+s13+$0x0] =	vst.idx.msk vm0, v11;
	v11 =	vsub.f32 v29, v16  }
0x310: {  	v12 =	vsub.f32 v22, v12;
	[tilespmem:v15+s13+$0x0] =	vst.idx.msk vm0, v10  }
0x311: {  	[tilespmem:v20+s13+$0x0] =	vst.idx.msk vm0, v11  }
0x312: {  	s2 =	simm.s32 $0x17C80;
	[tilespmem:v14+s13+$0x0] =	vst.idx.msk vm1, v12  }
0x313: {  	[spmem:s16] =	stream.indirect.scatter.add.f32 [tilespmem:s13], [sflag:$0x7], $0x80, s2, s17, $0xb8;
	[tilespmem:$0x1FD80] =	vst v63  }
0x314: {  	s2 =	sadd.s32 @!p0 $0x6, s28  }
0x315: {  	s24 =	simm.s32 @!p0 $0x7;
	_ =	swait.ge [sflag:s20], $0x2000;
	s15 =	sshll.u32 @!p0 s2, $0x7  }
0x316: {  	s2 =	sshll.u32 @!p0 s2, $0x6;
	[sflag:s20] =	ssyncset.done $0x0;
	s28 =	sand.u32 @!p0 $0x7C00, s15  }
0x317: {  	s15 =	sand.u32 @!p0 $0x300, s15;
	[sflag:s20] =	ssyncadd.s32 $0xFFFFE000;
	s28 =	sadd.s32 @!p0 s4, s28  }
0x318: {  	s2 =	sand.u32 @!p0 $0x3FFFFFC0, s2;
	_ =	swait.ge @!p0 [sflag:s24], $0x2000;
	s15 =	sor.u32 @!p0 s15, s28  }
0x319: {  	s28 =	simm.s32 @!p0 $0x17C80;
	[sflag:s24] =	ssyncset.done @!p0 $0x0;
	s15 =	sshrl.u32 @!p0 s15, $0x3  }
0x31a: {  	[sflag:s24] =	ssyncadd.s32 @!p0 $0xFFFFE000;
	s15 =	sadd.s32 @!p0 s14, s15;
	s24 =	simm.s32 @!p0 $0x0  }
0x31b: {  	[tilespmem:s28], [sflag:$0xB] =	stream.linear.gather @!p0 [hbm4b:s15+s24], $0x80, $0x38;
	[tilespmem:$0x1FD80] =	vst v63  }
0x31c: {  	s2 =	sadd.s32 @!p0 $0x16380, s2;
	s15 =	simm.s32 @!p0 $0x40;
	s24 =	simm.s32 @!p0 $0x1BD80  }
0x31d: {  	[tilespmem:s24], [sflag:$0x3] =	stream.indirect.gather @!p0 [hbm4b:s0+s15], $0x80, s2, s15, $0xb8;
	[tilespmem:$0x1FD80] =	vst v63  }
0x31e: {  	_ =	swait.ge @p1 [sflag:s1], $0x80  }
0x31f: {  	[sflag:s1] =	ssyncset.done @p1 $0x0  }
0x320: {  	s15 =	sshll.u32 s26, $0x6;
	[sflag:s1] =	ssyncadd.s32 @p1 $0xFFFFFF80  }
0x321: {  	v10 =	vld [tilespmem:s15+$0x16380]  }
0x322: {  	v11 =	vld [tilespmem:$0x17D00];
	_ =	sdelay $0x6  }
0x323: {  	v10 =	vld.idx.msk [tilespmem:v10+s6+$0x0], $0xffff  }
0x324: {  	v11 =	vld.idx.msk [tilespmem:v11+s6+$0x0], $0xffff;
	_ =	sdelay $0x4  }
0x325: {  	v10 =	vadd.f32 v11, v10;
	_ =	sdelay $0x1  }
0x326: {  	(erf) = vrcp.f32 v10;
	_ =	sdelay $0x8  }
0x327: {  	v10 =	vpop (erf)  }
0x328: {  	v17 =	vadd.f32 v10, v10;
	_ =	sdelay $0x1  }
0x329: {  	v10 =	vsub.f32 $0.0e+00, v17;
	_ =	sdelay $0x1  }
0x32a: {  	v10 =	vmul.f32 $1.442695020e+00, v10;
	_ =	sdelay $0x1  }
0x32b: {  	(erf) = vpow2.f32 v10;
	_ =	sdelay $0x3  }
0x32c: {  	v10 =	vmul.f32 $-1.000000000e+02, v17;
	_ =	sdelay $0x1  }
0x32d: {  	v10 =	vmul.f32 $1.442695020e+00, v10;
	_ =	sdelay $0x1  }
0x32e: {  	(erf) = vpow2.f32 v10  }
0x32f: {  	v14 =	vpop (erf)  }
0x330: {  	v10 =	vsub.f32 $1.000000000e+00, v14  }
0x331: {  	s24 =	sor.u32 $0x50, s15;
	v12 =	vld [tilespmem:$0x17D10]  }
0x332: {  	v11 =	vld [tilespmem:s24+$0x16380];
	(erf) = vrcp.f32 v10;
	_ =	sdelay $0x4  }
0x333: {  	v10 =	vpop (erf)  }
0x334: {  	v13 =	vsub.f32 $1.000000000e+00, v10  }
0x335: {  	v12 =	vld.idx.msk [tilespmem:v12+s6+$0x0], $0xffff  }
0x336: {  	v11 =	vld.idx.msk [tilespmem:v11+s6+$0x0], $0xffff;
	v13 =	vmul.f32 v13, v17  }
0x337: {  	v15 =	vpop (erf)  }
0x338: {  	v13 =	vmul.f32 v15, v13;
	_ =	sdelay $0x1  }
0x339: {  	v13 =	vadd.f32 $9.999999930e-09, v13  }
0x33a: {  	v11 =	vadd.f32 v12, v11  }
0x33b: {  	(erf) = vrcp.f32 v13  }
0x33c: {  	(erf) = vrcp.f32 v11;
	_ =	sdelay $0x7  }
0x33d: {  	v19 =	vpop (erf)  }
0x33e: {  	v11 =	vpop (erf)  }
0x33f: {  	v20 =	vadd.f32 v11, v11;
	_ =	sdelay $0x1  }
0x340: {  	v11 =	vsub.f32 $0.0e+00, v20;
	_ =	sdelay $0x1  }
0x341: {  	v11 =	vmul.f32 $1.442695020e+00, v11;
	_ =	sdelay $0x1  }
0x342: {  	(erf) = vpow2.f32 v11;
	_ =	sdelay $0x3  }
0x343: {  	v11 =	vmul.f32 $-1.000000000e+02, v20;
	_ =	sdelay $0x1  }
0x344: {  	v11 =	vmul.f32 $1.442695020e+00, v11;
	_ =	sdelay $0x1  }
0x345: {  	(erf) = vpow2.f32 v11  }
0x346: {  	v15 =	vpop (erf)  }
0x347: {  	s26 =	sor.u32 $0x60, s15;
	v11 =	vsub.f32 $1.000000000e+00, v15  }
0x348: {  	v12 =	vld [tilespmem:s26+$0x16380]  }
0x349: {  	v13 =	vld [tilespmem:$0x17D20];
	(erf) = vrcp.f32 v11;
	_ =	sdelay $0x4  }
0x34a: {  	v11 =	vpop (erf)  }
0x34b: {  	v16 =	vsub.f32 $1.000000000e+00, v11  }
0x34c: {  	v12 =	vld.idx.msk [tilespmem:v12+s6+$0x0], $0xffff  }
0x34d: {  	v13 =	vld.idx.msk [tilespmem:v13+s6+$0x0], $0xffff;
	v16 =	vmul.f32 v16, v20  }
0x34e: {  	v18 =	vpop (erf)  }
0x34f: {  	v16 =	vmul.f32 v18, v16;
	_ =	sdelay $0x1  }
0x350: {  	v16 =	vadd.f32 $9.999999930e-09, v16  }
0x351: {  	v12 =	vadd.f32 v13, v12  }
0x352: {  	(erf) = vrcp.f32 v16  }
0x353: {  	(erf) = vrcp.f32 v12;
	_ =	sdelay $0x7  }
0x354: {  	v24 =	vpop (erf)  }
0x355: {  	v12 =	vpop (erf)  }
0x356: {  	v28 =	vadd.f32 v12, v12;
	_ =	sdelay $0x1  }
0x357: {  	v12 =	vsub.f32 $0.0e+00, v28;
	_ =	sdelay $0x1  }
0x358: {  	v12 =	vmul.f32 $1.442695020e+00, v12;
	_ =	sdelay $0x1  }
0x359: {  	(erf) = vpow2.f32 v12;
	_ =	sdelay $0x3  }
0x35a: {  	v12 =	vmul.f32 $-1.000000000e+02, v28;
	_ =	sdelay $0x1  }
0x35b: {  	v12 =	vmul.f32 $1.442695020e+00, v12;
	_ =	sdelay $0x1  }
0x35c: {  	(erf) = vpow2.f32 v12  }
0x35d: {  	v16 =	vpop (erf)  }
0x35e: {  	s24 =	sor.u32 $0x70, s15;
	v12 =	vsub.f32 $1.000000000e+00, v16  }
0x35f: {  	v13 =	vld [tilespmem:s24+$0x16380]  }
0x360: {  	v18 =	vld [tilespmem:$0x17D30];
	(erf) = vrcp.f32 v12;
	_ =	sdelay $0x4  }
0x361: {  	v12 =	vpop (erf)  }
0x362: {  	v21 =	vsub.f32 $1.000000000e+00, v12  }
0x363: {  	v13 =	vld.idx.msk [tilespmem:v13+s6+$0x0], $0xffff  }
0x364: {  	v18 =	vld.idx.msk [tilespmem:v18+s6+$0x0], $0xffff;
	v21 =	vmul.f32 v21, v28  }
0x365: {  	v22 =	vpop (erf)  }
0x366: {  	v21 =	vmul.f32 v22, v21;
	_ =	sdelay $0x1  }
0x367: {  	v21 =	vadd.f32 $9.999999930e-09, v21  }
0x368: {  	v13 =	vadd.f32 v18, v13  }
0x369: {  	(erf) = vrcp.f32 v21  }
0x36a: {  	(erf) = vrcp.f32 v13;
	_ =	sdelay $0x7  }
0x36b: {  	v29 =	vpop (erf)  }
0x36c: {  	v13 =	vpop (erf)  }
0x36d: {  	v31 =	vadd.f32 v13, v13;
	_ =	sdelay $0x1  }
0x36e: {  	v13 =	vsub.f32 $0.0e+00, v31;
	_ =	sdelay $0x1  }
0x36f: {  	v13 =	vmul.f32 $1.442695020e+00, v13;
	_ =	sdelay $0x1  }
0x370: {  	(erf) = vpow2.f32 v13;
	_ =	sdelay $0x3  }
0x371: {  	v13 =	vmul.f32 $-1.000000000e+02, v31;
	_ =	sdelay $0x1  }
0x372: {  	v13 =	vmul.f32 $1.442695020e+00, v13;
	_ =	sdelay $0x1  }
0x373: {  	(erf) = vpow2.f32 v13  }
0x374: {  	v18 =	vpop (erf)  }
0x375: {  	v13 =	vsub.f32 $1.000000000e+00, v18;
	_ =	sdelay $0x1  }
0x376: {  	(erf) = vrcp.f32 v13;
	_ =	sdelay $0x4  }
0x377: {  	v13 =	vpop (erf)  }
0x378: {  	v21 =	vsub.f32 $1.000000000e+00, v13;
	_ =	sdelay $0x1  }
0x379: {  	v21 =	vmul.f32 v21, v31  }
0x37a: {  	v22 =	vpop (erf)  }
0x37b: {  	v21 =	vmul.f32 v22, v21  }
0x37c: {  	s26 =	simm.s32 $0x0  }
0x37d: {  	v57 =	vadd.s32 s26, v1;
	v21 =	vadd.f32 $9.999999930e-09, v21  }
0x37e: {  	vm0 =	vgt.s32 v57, $0x0  }
0x37f: {  	s15 =	simm.s32 $0x1;
	(erf) = vrcp.f32 v21;
	v21 =	vnsel vm0, $0x0, v57  }
0x380: {  	v34 =	vadd.s32 s15, v1;
	v22 =	vmin.u32 v21, $0x7F  }
0x381: {  	vm0 =	vgt.s32 v34, $0x0;
	v38 =	vor.u32 v0, v22  }
0x382: {  	v23 =	vnsel vm0, $0x0, v34;
	v21 =	vor.u32 v4, v22  }
0x383: {  	v58 =	vmin.u32 v23, $0x7F;
	v23 =	vor.u32 v3, v22  }
0x384: {  	s24 =	simm.s32 $0x3;
	v25 =	vor.u32 v2, v22  }
0x385: {  	v30 =	vadd.s32 s24, v1;
	v27 =	vor.u32 v3, v58  }
0x386: {  	v22 =	vmul.f32 v19, v17;
	v19 =	vmul.f32 v24, v20;
	v24 =	vor.u32 v4, v58;
	v35 =	vld.idx.msk [tilespmem:v38+s11+$0x0], $0xffff  }
0x387: {  	v36 =	vimm.f32 $0.0e+00;
	vm0 =	vgt.s32 v30, $0x0;
	v37 =	vld.idx.msk [tilespmem:v21+s11+$0x0], $0xffff  }
0x388: {  	v20 =	vmul.f32 v29, v28;
	v28 =	vnsel vm0, $0x0, v30;
	v26 =	vor.u32 v0, v58;
	v39 =	vld.idx.msk [tilespmem:v23+s11+$0x0], $0xffff  }
0x389: {  	v40 =	vmul.f32 v36, v14;
	v33 =	vmin.u32 v28, $0x7F;
	v28 =	vld.idx.msk [tilespmem:v25+s11+$0x0], $0xffff  }
0x38a: {  	s26 =	simm.s32 $0x2;
	v60 =	vmul.f32 v36, v15;
	v41 =	vmul.f32 v36, v16;
	v29 =	vld.idx.msk [tilespmem:v27+s11+$0x0], $0xffff  }
0x38b: {  	v42 =	vmul.f32 v36, v18;
	v36 =	vadd.s32 s26, v1;
	v32 =	vor.u32 v2, v58;
	v61 =	vld.idx.msk [tilespmem:v24+s11+$0x0], $0xffff  }
0x38c: {  	vm1 =	vlt.u32 v34, $0x80;
	vm2 =	vgt.s32 v36, $0x0;
	vm0 =	vlt.u32 v57, $0x80;
	v17 =	vpop (erf)  }
0x38d: {  	v17 =	vmul.f32 v17, v31;
	v31 =	vld.idx.msk [tilespmem:v26+s11+$0x0], $0xffff;
	v35 =	vnsel vm0, $0x0, v35;
	v39 =	vnsel vm0, $0x0, v39  }
0x38e: {  	v37 =	vnsel vm0, $0x0, v37;
	v28 =	vnsel vm0, $0x0, v28;
	v59 =	vadd.f32 v35, v40  }
0x38f: {  	v47 =	vnsel vm1, $0x0, v29;
	v37 =	vadd.f32 v37, v42;
	v29 =	vnsel vm2, $0x0, v36  }
0x390: {  	v45 =	vld.idx.msk [tilespmem:v32+s11+$0x0], $0xffff;
	v42 =	vadd.f32 v39, v41;
	v40 =	vnsel vm1, $0x0, v61;
	v44 =	vadd.f32 v28, v60  }
0x391: {  	v39 =	vor.u32 v0, v33;
	v43 =	vmul.f32 v59, v14;
	v46 =	vmul.f32 v59, v22  }
0x392: {  	v48 =	vnsel vm1, $0x0, v31;
	v31 =	vmin.u32 v29, $0x7F;
	v62 =	vmul.f32 v37, v18  }
0x393: {  	v63 =	vmul.f32 v42, v16;
	v29 =	vor.u32 v0, v31;
	v34 =	vor.u32 v2, v31  }
0x394: {  	v35 =	vor.u32 v3, v31;
	v28 =	vor.u32 v4, v31;
	v40 =	vadd.f32 v40, v62  }
0x395: {  	v45 =	vnsel vm1, $0x0, v45;
	v31 =	vor.u32 v3, v33;
	[tilespmem:v38+s11+$0x0] =	vst.idx.msk vm0, v46;
	v46 =	vmul.f32 v44, v15  }
0x396: {  	s29 =	smov.u32 s7;
	s28 =	simm.s32 $0x0;
	s26 =	simm.s32 $0x4;
	v43 =	vadd.f32 v48, v43;
	v41 =	vadd.f32 v47, v63;
	v38 =	vmul.f32 v40, v17  }
.LBB2_15:
0x397: {  	s2 =	sadd.s32 $0x1, s26;
	v44 =	vmul.f32 v44, v19;
	v45 =	vadd.f32 v45, v46  }
0x398: {  	p0 =	slt.u32 s26, $0x8E;
	v47 =	vld.idx.msk [tilespmem:v29+s11+$0x0], $0xffff;
	v46 =	vmul.f32 v43, v22;
	vm2 =	vmmov vm0;
	vm3 =	vmmov vm1;
	s15 =	smov.u32 s26;
	s26 =	sadd.s32 $0x2, s26  }
0x399: {  	v50 =	vor.u32 v4, v33;
	v42 =	vmul.f32 v42, v20;
	v48 =	vadd.s32 s2, v1;
	v49 =	vld.idx.msk [tilespmem:v28+s11+$0x0], $0xffff  }
0x39a: {  	vm4 =	vgt.s32 v48, $0x0;
	v51 =	vld.idx.msk [tilespmem:v35+s11+$0x0], $0xffff;
	[tilespmem:v26+s11+$0x0] =	vst.idx.msk vm1, v46;
	v46 =	vmul.f32 v45, v19;
	v26 =	vmov v39  }
0x39b: {  	v52 =	vnsel vm4, $0x0, v48;
	v53 =	vld.idx.msk [tilespmem:v31+s11+$0x0], $0xffff;
	[tilespmem:v25+s11+$0x0] =	vst.idx.msk vm0, v44;
	v44 =	vmul.f32 v41, v20;
	v25 =	vmov v34  }
0x39c: {  	v54 =	vor.u32 v2, v33;
	v39 =	vld.idx.msk [tilespmem:v39+s11+$0x0], $0xffff;
	v33 =	vmin.u32 v52, $0x7F;
	[tilespmem:v23+s11+$0x0] =	vst.idx.msk vm0, v42;
	v23 =	vmov v35  }
0x39d: {  	v37 =	vmul.f32 v37, v17;
	vm0 =	vlt.u32 v36, $0x80;
	v35 =	vmul.f32 v43, v14;
	v34 =	vld.idx.msk [tilespmem:v34+s11+$0x0], $0xffff  }
0x39e: {  	vm1 =	vlt.u32 v30, $0x80;
	v30 =	vmovc v48;
	v41 =	vmul.f32 v41, v16;
	v36 =	vnsel vm0, $0x0, v47;
	[tilespmem:v32+s11+$0x0] =	vst.idx.msk vm3, v46  }
0x39f: {  	v43 =	vmul.f32 v45, v15;
	v48 =	vadd.f32 v36, v35;
	v35 =	vld.idx.msk [tilespmem:v50+s11+$0x0], $0xffff;
	[tilespmem:v27+s11+$0x0] =	vst.idx.msk vm3, v44  }
0x3a0: {  	v40 =	vmul.f32 v40, v18;
	v42 =	vnsel vm0, $0x0, v51;
	v27 =	vnsel vm0, $0x0, v49;
	[tilespmem:v24+s11+$0x0] =	vst.idx.msk vm3, v38;
	v24 =	vmovc v50  }
0x3a1: {  	v36 =	vadd.s32 s15, v1;
	v46 =	vmul.f32 v48, v14;
	v47 =	vnsel vm1, $0x0, v53;
	v38 =	vld.idx.msk [tilespmem:v54+s11+$0x0], $0xffff;
	[tilespmem:v21+s11+$0x0] =	vst.idx.msk vm2, v37  }
0x3a2: {  	v32 =	vmovc v54;
	vm2 =	vgt.s32 v36, $0x0;
	v37 =	vadd.f32 v27, v40;
	v40 =	vmul.f32 v48, v22;
	v21 =	vmovc v28  }
0x3a3: {  	v39 =	vnsel vm1, $0x0, v39;
	v28 =	vnsel vm2, $0x0, v36;
	v44 =	vnsel vm0, $0x0, v34;
	v27 =	vmovc v31  }
0x3a4: {  	v42 =	vadd.f32 v42, v41;
	v28 =	vmin.u32 v28, $0x7F;
	v31 =	vmul.f32 v37, v18;
	[tilespmem:v29+s11+$0x0] =	vst.idx.msk vm0, v40  }
.Ltmp9:
0x3a5: {  	v29 =	vor.u32 v0, v28;
	v34 =	vor.u32 v2, v28;
	v40 =	vnsel vm1, $0x0, v35;
	(pc) =	sbr.rel @p0 .LBB2_15-.Ltmp9, $4  }
0x3a6: {  	v44 =	vadd.f32 v44, v43;
	v35 =	vor.u32 v3, v28;
	v28 =	vor.u32 v4, v28  }
0x3a7: {  	v40 =	vadd.f32 v40, v31;
	v45 =	vnsel vm1, $0x0, v38;
	v38 =	vmul.f32 v42, v16  }
0x3a8: {  	v43 =	vadd.f32 v39, v46;
	v31 =	vor.u32 v3, v33;
	v46 =	vmul.f32 v44, v15  }
0x3a9: {  	v39 =	vor.u32 v0, v33;
	v41 =	vadd.f32 v47, v38;
	v38 =	vmul.f32 v40, v17  }
0x3aa: {  	_ =	sdelay $0x3  }
0x3ab: {  	v47 =	vld.idx.msk [tilespmem:v29+s11+$0x0], $0xffff  }
0x3ac: {  	v44 =	vmul.f32 v44, v19;
	v62 =	vld.idx.msk [tilespmem:v28+s11+$0x0], $0xffff  }
0x3ad: {  	v45 =	vadd.f32 v45, v46;
	v48 =	vor.u32 v4, v33;
	v49 =	vmul.f32 v43, v22;
	v50 =	vld.idx.msk [tilespmem:v35+s11+$0x0], $0xffff  }
0x3ae: {  	vm3 =	vmmov vm0;
	v63 =	vor.u32 v2, v33;
	v42 =	vmul.f32 v42, v20;
	v56 =	vld.idx.msk [tilespmem:v34+s11+$0x0], $0xffff  }
0x3af: {  	v57 =	vmul.f32 v43, v14;
	vm4 =	vlt.u32 v30, $0x80;
	v30 =	vld.idx.msk [tilespmem:v39+s11+$0x0], $0xffff;
	v40 =	vmul.f32 v40, v18  }
0x3b0: {  	v52 =	vld.idx.msk [tilespmem:v31+s11+$0x0], $0xffff;
	v37 =	vmul.f32 v37, v17;
	v53 =	vmul.f32 v41, v20;
	[tilespmem:v26+s11+$0x0] =	vst.idx.msk vm1, v49  }
0x3b1: {  	vm2 =	vlt.u32 v36, $0x80;
	v59 =	vmul.f32 v41, v16;
	v51 =	vmul.f32 v45, v19;
	[tilespmem:v25+s11+$0x0] =	vst.idx.msk vm0, v44  }
0x3b2: {  	v45 =	vmul.f32 v45, v15;
	[tilespmem:v23+s11+$0x0] =	vst.idx.msk vm0, v42;
	v47 =	vnsel vm2, $0x0, v47;
	v58 =	vld.idx.msk [tilespmem:v48+s11+$0x0], $0xffff;
	v46 =	vnsel vm2, $0x0, v62  }
0x3b3: {  	[tilespmem:v32+s11+$0x0] =	vst.idx.msk vm1, v51;
	v60 =	vld.idx.msk [tilespmem:v63+s11+$0x0], $0xffff;
	v26 =	vnsel vm2, $0x0, v50;
	v36 =	vnsel vm2, $0x0, v56;
	v43 =	vadd.f32 v47, v57  }
0x3b4: {  	v23 =	vnsel vm4, $0x0, v30;
	[tilespmem:v27+s11+$0x0] =	vst.idx.msk vm1, v53;
	v40 =	vadd.f32 v46, v40;
	v26 =	vadd.f32 v26, v59  }
0x3b5: {  	v30 =	vadd.f32 v36, v45;
	v14 =	vmul.f32 v43, v14;
	v25 =	vmul.f32 v43, v22  }
0x3b6: {  	v61 =	vnsel vm4, $0x0, v52;
	[tilespmem:v21+s11+$0x0] =	vst.idx.msk vm3, v37;
	v18 =	vmul.f32 v40, v18;
	v16 =	vmul.f32 v26, v16  }
0x3b7: {  	v15 =	vmul.f32 v30, v15;
	v21 =	vmul.f32 v30, v19;
	v14 =	vadd.f32 v23, v14  }
0x3b8: {  	s2 =	simm.s32 $0x64;
	[tilespmem:v24+s11+$0x0] =	vst.idx.msk vm1, v38;
	v24 =	vmul.f32 v26, v20;
	v62 =	vnsel vm4, $0x0, v58;
	v23 =	vnsel vm4, $0x0, v60  }
0x3b9: {  	v15 =	vadd.f32 v23, v15;
	v14 =	vmul.f32 v14, v22;
	v22 =	vadd.s32 s2, v1  }
0x3ba: {  	s15 =	simm.s32 $0x65;
	v16 =	vadd.f32 v61, v16;
	[tilespmem:v29+s11+$0x0] =	vst.idx.msk vm2, v25;
	v18 =	vadd.f32 v62, v18;
	vm3 =	vgt.s32 v22, $0x64  }
0x3bb: {  	v23 =	vadd.s32 s15, v1;
	v15 =	vmul.f32 v15, v19;
	[tilespmem:v39+s11+$0x0] =	vst.idx.msk vm4, v14;
	v14 =	vnsel vm3, $0x64, v22  }
0x3bc: {  	[tilespmem:v34+s11+$0x0] =	vst.idx.msk vm2, v21;
	v18 =	vmul.f32 v18, v17;
	vm3 =	vgt.s32 v23, $0x64;
	v14 =	vmin.u32 v14, $0x7F  }
0x3bd: {  	[tilespmem:v35+s11+$0x0] =	vst.idx.msk vm2, v24;
	v17 =	vmul.f32 v40, v17;
	v19 =	vnsel vm3, $0x64, v23;
	v21 =	vadd.s32 v6, v14  }
0x3be: {  	v16 =	vmul.f32 v16, v20;
	[tilespmem:v63+s11+$0x0] =	vst.idx.msk vm4, v15;
	v20 =	vmin.u32 v19, $0x7F;
	v19 =	vadd.s32 v7, v14  }
0x3bf: {  	[tilespmem:v28+s11+$0x0] =	vst.idx.msk vm2, v17;
	v26 =	vadd.s32 v8, v14  }
0x3c0: {  	[tilespmem:v31+s11+$0x0] =	vst.idx.msk vm4, v16;
	v17 =	vor.u32 v0, v14  }
0x3c1: {  	v15 =	vadd.s32 v6, v20;
	[tilespmem:v48+s11+$0x0] =	vst.idx.msk vm4, v18  }
0x3c2: {  	v18 =	vadd.s32 v7, v20;
	v21 =	vld.idx.msk [tilespmem:v21+s11+$0x0], $0xffff  }
0x3c3: {  	v24 =	vadd.s32 v8, v20;
	v23 =	vld.idx.msk [tilespmem:v19+s11+$0x0], $0xffff  }
0x3c4: {  	p0 =	por $0x1, $0x1;
	v16 =	vor.u32 v0, v20;
	v28 =	vld.idx.msk [tilespmem:v26+s11+$0x0], $0xffff  }
.Ltmp10:
0x3c5: {  	vm5 =	vmmov vm1;
	v29 =	vld.idx.msk [tilespmem:v17+s11+$0x0], $0xffff;
	(pc) =	sbr.rel @!p0 .LBB2_18-.Ltmp10, $4  }
0x3c6: {  	vm0 =	vmmov vm4;
	v32 =	vadd.s32 s2, v5;
	v30 =	vadd.s32 v9, v14;
	v25 =	vld.idx.msk [tilespmem:v15+s11+$0x0], $0xffff  }
0x3c7: {  	vm1 =	vmmov vm2;
	v63 =	vadd.s32 s15, v5;
	v19 =	vor.u32 v2, v14;
	v22 =	vld.idx.msk [tilespmem:v18+s11+$0x0], $0xffff  }
0x3c8: {  	vm0 =	vlt.u32 v63, $0x1C;
	v31 =	vadd.s32 v9, v20;
	v24 =	vld.idx.msk [tilespmem:v24+s11+$0x0], $0xffff;
	v18 =	vor.u32 v3, v14  }
0x3c9: {  	s26 =	simm.s32 $0x66;
	v27 =	vld.idx.msk [tilespmem:v16+s11+$0x0], $0xffff;
	v15 =	vor.u32 v3, v20;
	v26 =	vmul.f32 v21, v10;
	v21 =	vor.u32 v2, v20  }
.LBB2_17:
0x3ca: {  	s2 =	sadd.s32 $0x1, s26  }
0x3cb: {  	v33 =	vadd.s32 s26, v1;
	p0 =	slt.u32 s26, $0x8E;
	vm1 =	vlt.u32 v32, $0x1C;
	v30 =	vld.idx.msk [tilespmem:v30+s11+$0x0], $0xffff;
	v32 =	vor.u32 v4, v20;
	s15 =	smov.u32 s26;
	s26 =	sadd.s32 $0x2, s26  }
0x3cc: {  	v25 =	vmul.f32 v25, v10;
	vm2 =	vgt.s32 v33, $0x64;
	v20 =	vadd.s32 s2, v1;
	v34 =	vld.idx.msk [tilespmem:v19+s11+$0x0], $0xffff  }
0x3cd: {  	v36 =	vor.u32 v4, v14;
	v33 =	vnsel vm2, $0x64, v33;
	vm2 =	vgt.s32 v20, $0x64;
	v35 =	vld.idx.msk [tilespmem:v18+s11+$0x0], $0xffff  }
0x3ce: {  	v25 =	vsub.f32 v27, v25;
	v14 =	vmin.u32 v33, $0x7F;
	v20 =	vnsel vm2, $0x64, v20;
	v31 =	vld.idx.msk [tilespmem:v31+s11+$0x0], $0xffff  }
0x3cf: {  	v28 =	vmul.f32 v28, v12;
	v27 =	vadd.s32 v6, v14;
	v20 =	vmin.u32 v20, $0x7F;
	v33 =	vld.idx.msk [tilespmem:v21+s11+$0x0], $0xffff  }
0x3d0: {  	v23 =	vmul.f32 v23, v11;
	v26 =	vsub.f32 v29, v26;
	v37 =	vadd.s32 v6, v20;
	v29 =	vld.idx.msk [tilespmem:v15+s11+$0x0], $0xffff  }
0x3d1: {  	v22 =	vmul.f32 v22, v11;
	v24 =	vmul.f32 v24, v12;
	v38 =	vadd.s32 v7, v14;
	v39 =	vld.idx.msk [tilespmem:v32+s11+$0x0], $0xffff  }
0x3d2: {  	v40 =	vadd.s32 v7, v20;
	v23 =	vsub.f32 v34, v23;
	v41 =	vld.idx.msk [tilespmem:v36+s11+$0x0], $0xffff;
	[tilespmem:v16+s11+$0x0] =	vst.idx.msk vm0, v25  }
0x3d3: {  	v42 =	vadd.s32 v8, v20;
	v34 =	vadd.s32 s2, v5;
	[tilespmem:v17+s11+$0x0] =	vst.idx.msk vm1, v26;
	v17 =	vsub.f32 v35, v28  }
0x3d4: {  	v16 =	vor.u32 v0, v20;
	v26 =	vld.idx.msk [tilespmem:v27+s11+$0x0], $0xffff;
	[tilespmem:v19+s11+$0x0] =	vst.idx.msk vm1, v23;
	v19 =	vmul.f32 v31, v13  }
0x3d5: {  	v28 =	vadd.s32 v8, v14;
	v25 =	vld.idx.msk [tilespmem:v37+s11+$0x0], $0xffff;
	[tilespmem:v18+s11+$0x0] =	vst.idx.msk vm1, v17;
	v18 =	vsub.f32 v33, v22  }
0x3d6: {  	v27 =	vmul.f32 v30, v13;
	v17 =	vor.u32 v0, v14;
	v29 =	vsub.f32 v29, v24;
	v23 =	vld.idx.msk [tilespmem:v38+s11+$0x0], $0xffff  }
.Ltmp11:
0x3d7: {  	v30 =	vadd.s32 v9, v14;
	v22 =	vld.idx.msk [tilespmem:v40+s11+$0x0], $0xffff;
	[tilespmem:v21+s11+$0x0] =	vst.idx.msk vm0, v18;
	v21 =	vsub.f32 v39, v19;
	(pc) =	sbr.rel @p0 .LBB2_17-.Ltmp11, $4  }
0x3d8: {  	v19 =	vor.u32 v2, v14;
	v33 =	vsub.f32 v41, v27;
	v24 =	vld.idx.msk [tilespmem:v42+s11+$0x0], $0xffff;
	[tilespmem:v15+s11+$0x0] =	vst.idx.msk vm0, v29  }
0x3d9: {  	v18 =	vor.u32 v3, v14;
	v15 =	vor.u32 v3, v20;
	v27 =	vld.idx.msk [tilespmem:v16+s11+$0x0], $0xffff;
	[tilespmem:v32+s11+$0x0] =	vst.idx.msk vm0, v21  }
0x3da: {  	v31 =	vadd.s32 v9, v20;
	v26 =	vmul.f32 v26, v10;
	v28 =	vld.idx.msk [tilespmem:v28+s11+$0x0], $0xffff;
	[tilespmem:v36+s11+$0x0] =	vst.idx.msk vm1, v33  }
0x3db: {  	v32 =	vadd.s32 s15, v5;
	vm0 =	vlt.u32 v34, $0x1C;
	v21 =	vor.u32 v2, v20;
	v29 =	vld.idx.msk [tilespmem:v17+s11+$0x0], $0xffff  }
.LBB2_18:
0x3dc: {  	_ =	sdelay $0x3  }
0x3dd: {  	v30 =	vld.idx.msk [tilespmem:v30+s11+$0x0], $0xffff  }
0x3de: {  	v20 =	vor.u32 v4, v20;
	v33 =	vld.idx.msk [tilespmem:v19+s11+$0x0], $0xffff  }
0x3df: {  	vm1 =	vlt.u32 v32, $0x1C;
	v55 =	vld.idx.msk [tilespmem:v18+s11+$0x0], $0xffff;
	v14 =	vor.u32 v4, v14  }
0x3e0: {  	v57 =	vld.idx.msk [tilespmem:v21+s11+$0x0], $0xffff;
	v10 =	vmul.f32 v25, v10  }
0x3e1: {  	v56 =	vld.idx.msk [tilespmem:v31+s11+$0x0], $0xffff  }
0x3e2: {  	v23 =	vmul.f32 v23, v11;
	v58 =	vld.idx.msk [tilespmem:v15+s11+$0x0], $0xffff;
	v10 =	vsub.f32 v27, v10  }
0x3e3: {  	v11 =	vmul.f32 v22, v11;
	v26 =	vsub.f32 v29, v26;
	v59 =	vld.idx.msk [tilespmem:v20+s11+$0x0], $0xffff  }
0x3e4: {  	v28 =	vmul.f32 v28, v12;
	v60 =	vld.idx.msk [tilespmem:v14+s11+$0x0], $0xffff;
	v23 =	vsub.f32 v33, v23;
	[tilespmem:v16+s11+$0x0] =	vst.idx.msk vm0, v10  }
0x3e5: {  	v11 =	vsub.f32 v57, v11;
	v10 =	vmul.f32 v24, v12;
	[tilespmem:v17+s11+$0x0] =	vst.idx.msk vm1, v26  }
0x3e6: {  	s25 =	sadd.s32 $0x1, s25;
	v61 =	vsub.f32 v55, v28;
	v62 =	vmul.f32 v56, v13;
	[tilespmem:v19+s11+$0x0] =	vst.idx.msk vm1, v23  }
0x3e7: {  	p0 =	sne.s32 s25, $0x15;
	v63 =	vmul.f32 v30, v13;
	[tilespmem:v21+s11+$0x0] =	vst.idx.msk vm0, v11;
	v10 =	vsub.f32 v58, v10  }
.Ltmp12:
0x3e8: {  	[tilespmem:v18+s11+$0x0] =	vst.idx.msk vm1, v61;
	v11 =	vsub.f32 v59, v62;
	(pc) =	sbr.rel @p0 .LBB2_2-.Ltmp12, $4  }
0x3e9: {  	v12 =	vsub.f32 v60, v63;
	[tilespmem:v15+s11+$0x0] =	vst.idx.msk vm0, v10  }
0x3ea: {  	[tilespmem:v20+s11+$0x0] =	vst.idx.msk vm0, v11  }
0x3eb: {  	s2 =	simm.s32 $0x17D00;
	[tilespmem:v14+s11+$0x0] =	vst.idx.msk vm1, v12  }
0x3ec: {  	[spmem:s16] =	stream.indirect.scatter.add.f32 [tilespmem:s11], [sflag:$0x8], $0x80, s2, s17, $0xb8;
	[tilespmem:$0x1FD80] =	vst v63  }
0x3ed: {  	_ =	swait.ge [sflag:s30], $0x2000  }
0x3ee: {  	[sflag:s30] =	ssyncset.done $0x0  }
0x3ef: {  	[sflag:s30] =	ssyncadd.s32 $0xFFFFE000  }
0x3f0: {  	_ =	swait.ge [sflag:s5], $0x2000  }
0x3f1: {  	[sflag:s5] =	ssyncset.done $0x0  }
0x3f2: {  	s2 =	simm.s32 $0x7;
	[sflag:s5] =	ssyncadd.s32 $0xFFFFE000  }
0x3f3: {  	_ =	swait.ge [sflag:s2], $0x2000  }
0x3f4: {  	[sflag:s2] =	ssyncset.done $0x0  }
0x3f5: {  	s24 =	simm.s32 $0x8;
	[sflag:s2] =	ssyncadd.s32 $0xFFFFE000  }
0x3f6: {  	_ =	swait.ge [sflag:s24], $0x2000  }
0x3f7: {  	[sflag:s24] =	ssyncset.done $0x0  }
0x3f8: {  	[sflag:s24] =	ssyncadd.s32 $0xFFFFE000  }
0x3f9: {  	[bflag:$0x0] =	sbarrier.arrive $0xFFFF  }
0x3fa: {  	s7 =	simm.s32 $0xD;
	s24 =	rddreg [dreg:$0x11]  }
0x3fb: {  	[tilespmem:s18], [sflag:$0xD] =	stream.linear.gather [spmem:s24], $0x2000, $0x38;
	[tilespmem:$0x1FD80] =	vst v63  }
0x3fc: {  	_ =	swait.ge [sflag:s7], $0x2000  }
0x3fd: {  	[sflag:s7] =	ssyncset.done $0x0  }
0x3fe: {  	s25 =	rddreg [dreg:$0x5];
	[sflag:s7] =	ssyncadd.s32 $0xFFFFE000  }
0x3ff: {  	[hbm4b:s25+s28] =	stream.linear.scatter [tilespmem:s18], [sflag:$0x1], $0x2000, $0x38;
	[tilespmem:$0x1FD80] =	vst v63  }
0x400: {  	s25 =	rddreg [dreg:$0x12]  }
0x401: {  	[tilespmem:s31], [sflag:$0xD] =	stream.linear.gather [spmem:s25], $0x2000, $0x38;
	[tilespmem:$0x1FD80] =	vst v63  }
0x402: {  	_ =	swait.ge [sflag:s7], $0x2000  }
0x403: {  	[sflag:s7] =	ssyncset.done $0x0  }
0x404: {  	s26 =	rddreg [dreg:$0x6];
	[sflag:s7] =	ssyncadd.s32 $0xFFFFE000  }
0x405: {  	[hbm4b:s26+s28] =	stream.linear.scatter [tilespmem:s31], [sflag:$0x2], $0x2000, $0x38;
	[tilespmem:$0x1FD80] =	vst v63  }
0x406: {  	_ =	swait.ge [sflag:s21], $0x2000  }
0x407: {  	[sflag:s21] =	ssyncset.done $0x0  }
0x408: {  	s26 =	rddreg [dreg:$0x13];
	[sflag:s21] =	ssyncadd.s32 $0xFFFFE000  }
0x409: {  	[tilespmem:s18], [sflag:$0xD] =	stream.linear.gather [spmem:s26], $0x2000, $0x38;
	[tilespmem:$0x1FD80] =	vst v63  }
0x40a: {  	_ =	swait.ge [sflag:s7], $0x2000  }
0x40b: {  	[sflag:s7] =	ssyncset.done $0x0  }
0x40c: {  	s30 =	rddreg [dreg:$0x7];
	[sflag:s7] =	ssyncadd.s32 $0xFFFFE000  }
0x40d: {  	[hbm4b:s30+s28] =	stream.linear.scatter [tilespmem:s18], [sflag:$0x1], $0x2000, $0x38;
	[tilespmem:$0x1FD80] =	vst v63  }
0x40e: {  	_ =	swait.ge [sflag:s22], $0x2000  }
0x40f: {  	[sflag:s22] =	ssyncset.done $0x0  }
0x410: {  	s15 =	rddreg [dreg:$0x14];
	[sflag:s22] =	ssyncadd.s32 $0xFFFFE000  }
0x411: {  	[tilespmem:s31], [sflag:$0xD] =	stream.linear.gather [spmem:s15], $0x2000, $0x38;
	[tilespmem:$0x1FD80] =	vst v63  }
0x412: {  	_ =	swait.ge [sflag:s7], $0x2000  }
0x413: {  	[sflag:s7] =	ssyncset.done $0x0  }
0x414: {  	s5 =	rddreg [dreg:$0x8];
	[sflag:s7] =	ssyncadd.s32 $0xFFFFE000  }
0x415: {  	[hbm4b:s5+s28] =	stream.linear.scatter [tilespmem:s31], [sflag:$0x2], $0x2000, $0x38;
	[tilespmem:$0x1FD80] =	vst v63  }
0x416: {  	_ =	swait.ge [sflag:s21], $0x2000  }
0x417: {  	[sflag:s21] =	ssyncset.done $0x0  }
0x418: {  	[sflag:s21] =	ssyncadd.s32 $0xFFFFE000  }
0x419: {  	[tilespmem:s18], [sflag:$0xD] =	stream.linear.gather [spmem:s3], $0x2000, $0x38;
	[tilespmem:$0x1FD80] =	vst v63  }
0x41a: {  	_ =	swait.ge [sflag:s7], $0x2000  }
0x41b: {  	[sflag:s7] =	ssyncset.done $0x0  }
0x41c: {  	s30 =	rddreg [dreg:$0x9];
	[sflag:s7] =	ssyncadd.s32 $0xFFFFE000  }
0x41d: {  	[hbm4b:s30+s28] =	stream.linear.scatter [tilespmem:s18], [sflag:$0x1], $0x2000, $0x38;
	[tilespmem:$0x1FD80] =	vst v63  }
0x41e: {  	_ =	swait.ge [sflag:s22], $0x2000  }
0x41f: {  	[sflag:s22] =	ssyncset.done $0x0  }
0x420: {  	[sflag:s22] =	ssyncadd.s32 $0xFFFFE000  }
0x421: {  	[tilespmem:s31], [sflag:$0xD] =	stream.linear.gather [spmem:s8], $0x2000, $0x38;
	[tilespmem:$0x1FD80] =	vst v63  }
0x422: {  	_ =	swait.ge [sflag:s7], $0x2000  }
0x423: {  	[sflag:s7] =	ssyncset.done $0x0  }
0x424: {  	s5 =	rddreg [dreg:$0xa];
	[sflag:s7] =	ssyncadd.s32 $0xFFFFE000  }
0x425: {  	[hbm4b:s5+s28] =	stream.linear.scatter [tilespmem:s31], [sflag:$0x2], $0x2000, $0x38;
	[tilespmem:$0x1FD80] =	vst v63  }
0x426: {  	_ =	swait.ge [sflag:s21], $0x2000  }
0x427: {  	[sflag:s21] =	ssyncset.done $0x0  }
0x428: {  	[sflag:s21] =	ssyncadd.s32 $0xFFFFE000  }
0x429: {  	[tilespmem:s18], [sflag:$0xD] =	stream.linear.gather [spmem:s9], $0x2000, $0x38;
	[tilespmem:$0x1FD80] =	vst v63  }
0x42a: {  	_ =	swait.ge [sflag:s7], $0x2000  }
0x42b: {  	[sflag:s7] =	ssyncset.done $0x0  }
0x42c: {  	s30 =	rddreg [dreg:$0xb];
	[sflag:s7] =	ssyncadd.s32 $0xFFFFE000  }
0x42d: {  	[hbm4b:s30+s28] =	stream.linear.scatter [tilespmem:s18], [sflag:$0x1], $0x2000, $0x38;
	[tilespmem:$0x1FD80] =	vst v63  }
0x42e: {  	_ =	swait.ge [sflag:s22], $0x2000  }
0x42f: {  	[sflag:s22] =	ssyncset.done $0x0  }
0x430: {  	[sflag:s22] =	ssyncadd.s32 $0xFFFFE000  }
0x431: {  	[tilespmem:s31], [sflag:$0xD] =	stream.linear.gather [spmem:s29], $0x2000, $0x38;
	[tilespmem:$0x1FD80] =	vst v63  }
0x432: {  	_ =	swait.ge [sflag:s7], $0x2000  }
0x433: {  	[sflag:s7] =	ssyncset.done $0x0  }
0x434: {  	s5 =	rddreg [dreg:$0xc];
	[sflag:s7] =	ssyncadd.s32 $0xFFFFE000  }
0x435: {  	[hbm4b:s5+s28] =	stream.linear.scatter [tilespmem:s31], [sflag:$0x2], $0x2000, $0x38;
	[tilespmem:$0x1FD80] =	vst v63  }
0x436: {  	_ =	swait.ge [sflag:s21], $0x2000  }
0x437: {  	[sflag:s21] =	ssyncset.done $0x0  }
0x438: {  	[sflag:s21] =	ssyncadd.s32 $0xFFFFE000  }
0x439: {  	[tilespmem:s18], [sflag:$0xD] =	stream.linear.gather [spmem:s10], $0x2000, $0x38;
	[tilespmem:$0x1FD80] =	vst v63  }
0x43a: {  	_ =	swait.ge [sflag:s7], $0x2000  }
0x43b: {  	[sflag:s7] =	ssyncset.done $0x0  }
0x43c: {  	s30 =	rddreg [dreg:$0xd];
	[sflag:s7] =	ssyncadd.s32 $0xFFFFE000  }
0x43d: {  	[hbm4b:s30+s28] =	stream.linear.scatter [tilespmem:s18], [sflag:$0x1], $0x2000, $0x38;
	[tilespmem:$0x1FD80] =	vst v63  }
0x43e: {  	_ =	swait.ge [sflag:s22], $0x2000  }
0x43f: {  	[sflag:s22] =	ssyncset.done $0x0  }
0x440: {  	[sflag:s22] =	ssyncadd.s32 $0xFFFFE000  }
0x441: {  	[tilespmem:s31], [sflag:$0xD] =	stream.linear.gather [spmem:s12], $0x1C00, $0x38;
	[tilespmem:$0x1FD80] =	vst v63  }
0x442: {  	_ =	swait.ge [sflag:s7], $0x1C00  }
0x443: {  	[sflag:s7] =	ssyncset.done $0x0  }
0x444: {  	s5 =	rddreg [dreg:$0xe];
	[sflag:s7] =	ssyncadd.s32 $0xFFFFE400  }
0x445: {  	[hbm4b:s5+s28] =	stream.linear.scatter [tilespmem:s31], [sflag:$0x2], $0x1C00, $0x38;
	[tilespmem:$0x1FD80] =	vst v63  }
0x446: {  	_ =	swait.ge [sflag:s21], $0x2000  }
0x447: {  	[sflag:s21] =	ssyncset.done $0x0  }
0x448: {  	[sflag:s21] =	ssyncadd.s32 $0xFFFFE000  }
0x449: {  	_ =	swait.ge [sflag:s22], $0x1C00  }
0x44a: {  	s7 =	rddreg [dreg:$0x1a]  }
0x44b: {  	s30 =	rddreg [dreg:$0x15];
	s5 =	sadd.s32 $0x1, s7  }
0x44c: {  	p0 =	sne.s32 s5, s30  }
.Ltmp13:
0x44d: {  	_ = 	snop;
	(pc) =	sbr.rel @p0 .LBB2_1-.Ltmp13, $3  }
0x44e: {  	_ =	sdelay $0x1  }
0x44f: {  	[sflag:s22] =	ssyncset.done $0x0  }
0x450: {  	[sflag:s22] =	ssyncadd.s32 $0xFFFFE400  }
0x451: {  	_ =	sfence.sel $0x180000  }
0x452: {  	[bflag:$0x0] =	sbarrier.arrive $0xFFFF  }
0x453: {  	_ =	strace $0x90000047  }
0x454: {  	s0 =	stileid.u32;
	[bflag:$0x2] =	sbarrier.arrive $0xFFFF  }
0x455: {  	p0 =	sne.s32 s0, $0x0;
	s0 =	rddreg [dreg:$0x4]  }
0x456: {  	s0 =	sadd.s32 @!p0 $0x100000, s0  }
0x457: {  	[sflag:s0] =	ssyncadd.tile.s32 @!p0 $0x1;
	_ =	shalt  }
.Lfunc_end2:
_tile_overlayer_lowered:
.L_overlay_start_2:
0x458: {  	(tag) =	ssettag $0x2  }
0x459: {  	s0 =	rddreg [dreg:$0x0];
	s2 =	stileid.u32  }
0x45a: {  	s1 =	rddreg [dreg:$0x1];
	p0 =	sne.s32 s2, $0x0  }
0x45b: {  	s3 =	rddreg [dreg:$0x2];
	[bflag:$0x3] =	sbarrier.arrive $0xFFFF;
	s2 =	simm.s32 @!p0 $0x1C0D  }
0x45c: {  	[timem:s3], [sflag:s2] =	dma.local @!p0 [hbm:s0], s1  }
0x45d: {  	s0 =	simm.s32 @!p0 $0xD  }
0x45e: {  	_ =	swait.ge @!p0 [sflag:s0], s1  }
0x45f: {  	s1 =	ssub.s32 @!p0 $0x0, s1;
	[sflag:s0] =	ssyncset.done @!p0 $0x0  }
0x460: {  	[sflag:s0] =	ssyncadd.s32 @!p0 s1  }
0x461: {  	[bflag:$0x3] =	sbarrier.arrive $0xFFFF  }
0x462: {  	_ =	shalt  }

</sc_bundles>
